<compile_context>
chip_gen: v7x
topology: tpu7x:2x2x1
jax: 0.10.2.dev20260603
libtpu: 0.0.44.dev20260713+nightly
codegen_flags: <defaults>
</compile_context>

<pallas_src>
import functools

import jax
import jax.numpy as jnp
from jax import lax
from jax.experimental import pallas as pl
from jax.experimental.pallas import tpu as pltpu
from jax.experimental.pallas import tpu_sc as plsc

N = 10000
D = 128
E = 320000
H1, C1 = 8, 8
C2 = 16

NC, NS, LANES = 2, 16, 16
NW = NC * NS

NP = 10240
ROWS_PER_TILE = NP // NS
WB_ROWS = 128
WB_CHUNKS = ROWS_PER_TILE // WB_ROWS
E_PAD = 327680
IDX_COLS = 128
EROWS = E_PAD // IDX_COLS
ROWS_PER_W = EROWS // NW
CH = 256
IDXR = CH // IDX_COLS
NCHUNK = ROWS_PER_W // IDXR
SUPERS = NCHUNK // 2


def _make_edge_kernel(row_w: int, gather_w: bool):
    parts = row_w // LANES
    mesh = plsc.VectorSubcoreMesh(core_axis_name="c", subcore_axis_name="s")

    per_set = [
        pltpu.VMEM((IDXR, IDX_COLS), jnp.int32),
        pltpu.VMEM((IDXR, IDX_COLS), jnp.int32),
        pltpu.VMEM((IDXR, IDX_COLS), jnp.int32),
        pltpu.VMEM((CH, 16), jnp.float32),
        pltpu.VMEM((CH, 16), jnp.float32),
        pltpu.VMEM((CH, 16), jnp.float32),
        pltpu.VMEM((CH, row_w), jnp.float32),
    ]
    nset = len(per_set)
    scratch = per_set + per_set + [
        pltpu.VMEM((WB_ROWS, row_w), jnp.float32),
        pltpu.VMEM((WB_ROWS, 16), jnp.float32),
        pltpu.VMEM_SHARED((NP, row_w), jnp.float32),
        pltpu.VMEM_SHARED((NP, 16), jnp.float32),
        pltpu.SemaphoreType.DMA,
        pltpu.SemaphoreType.DMA,
        pltpu.SemaphoreType.DMA,
        pltpu.SemaphoreType.DMA,
        pltpu.SemaphoreType.DMA,
        pltpu.SemaphoreType.DMA,
    ]

    @functools.partial(
        pl.kernel,
        out_type=(
            jax.ShapeDtypeStruct((NC, NP, row_w), jnp.float32),
            jax.ShapeDtypeStruct((NC, NP, 16), jnp.float32),
        ),
        mesh=mesh,
        scratch_types=scratch,
        compiler_params=pltpu.CompilerParams(
            needs_layout_passes=False, use_tc_tiling_on_sc=False),
    )
    def edge_kernel(src_hbm, dst_hbm, h_hbm, s_hbm, d_hbm, num_out, den_out,
                    *bufs):
        sets = [bufs[:nset], bufs[nset:2 * nset]]
        zb_v, zs_v, num_sh, den_sh = bufs[2 * nset:2 * nset + 4]
        gsem = bufs[2 * nset + 4:2 * nset + 6]
        isem = bufs[2 * nset + 6:2 * nset + 8]
        ssem = bufs[2 * nset + 8:2 * nset + 10]
        c = lax.axis_index("c")
        s = lax.axis_index("s")
        wid = c * NS + s
        zero16 = jnp.zeros((16,), jnp.float32)

        def zrow(r, _):
            for p in range(parts):
                zb_v[r, pl.ds(p * LANES, LANES)] = zero16
            zs_v[r, :] = zero16
            return 0

        lax.fori_loop(0, WB_ROWS, zrow, 0)
        r0 = s * ROWS_PER_TILE

        def zcp(k, _):
            rk = r0 + k * WB_ROWS
            pltpu.sync_copy(zb_v, num_sh.at[pl.ds(rk, WB_ROWS)])
            pltpu.sync_copy(zs_v, den_sh.at[pl.ds(rk, WB_ROWS)])
            return 0

        lane = lax.iota(jnp.int32, 16)
        head_pat = lane >> 3

        def idx_issue(chunk_i, st, sem):
            er0 = wid * ROWS_PER_W + chunk_i * IDXR
            pltpu.async_copy(src_hbm.at[pl.ds(er0, IDXR)], st[0], sem)
            pltpu.async_copy(dst_hbm.at[pl.ds(er0, IDXR)], st[1], sem)

        def idx_drain(st, sem):
            pltpu.make_async_copy(
                src_hbm.at[pl.ds(0, IDXR)], st[0], sem).wait()
            pltpu.make_async_copy(
                dst_hbm.at[pl.ds(0, IDXR)], st[1], sem).wait()

        def gat_issue(st, sem):
            for j in range(IDXR):
                sl = pl.ds(j * IDX_COLS, IDX_COLS)
                pltpu.async_copy(s_hbm.at[st[0].at[j]], st[3].at[sl], sem)
                pltpu.async_copy(d_hbm.at[st[1].at[j]], st[4].at[sl], sem)
                pltpu.async_copy(h_hbm.at[st[0].at[j]], st[6].at[sl], sem)

        def gat_drain(st, sem):
            for j in range(IDXR):
                sl = pl.ds(j * IDX_COLS, IDX_COLS)
                pltpu.make_async_copy(
                    s_hbm.at[st[0].at[j]], st[3].at[sl], sem).wait()
                pltpu.make_async_copy(
                    d_hbm.at[st[1].at[j]], st[4].at[sl], sem).wait()
                pltpu.make_async_copy(
                    h_hbm.at[st[0].at[j]], st[6].at[sl], sem).wait()

        def scat_issue(st, sem):
            for j in range(IDXR):
                sl = pl.ds(j * IDX_COLS, IDX_COLS)
                pltpu.async_copy(
                    st[6].at[sl], num_sh.at[st[2].at[j]], sem, add=True)
                pltpu.async_copy(
                    st[5].at[sl], den_sh.at[st[2].at[j]], sem, add=True)

        def scat_drain(st, sem):
            for j in range(IDXR):
                sl = pl.ds(j * IDX_COLS, IDX_COLS)
                pltpu.make_async_copy(
                    st[6].at[sl], num_sh.at[st[2].at[j]], sem).wait()
                pltpu.make_async_copy(
                    st[5].at[sl], den_sh.at[st[2].at[j]], sem).wait()

        def compute(st):
            s_v, d_v, w_v, m_v = st[3], st[4], st[5], st[6]
            if gather_w:
                def body(e2, _):
                    for u in range(2):
                        e = e2 * 2 + u
                        v = s_v[e, :] + d_v[e, :]
                        v = jnp.where(v > 0.0, v, 0.2 * v)
                        w = jnp.exp(v)
                        w_v[e, :] = w
                        for q in range(parts):
                            wv = w.at[head_pat + 2 * q].get(
                                mode="promise_in_bounds")
                            sl = pl.ds(q * LANES, LANES)
                            m_v[e, sl] = m_v[e, sl] * wv
                    return 0
            else:
                def body(e2, _):
                    for u in range(2):
                        e = e2 * 2 + u
                        v = s_v[e, :] + d_v[e, :]
                        v = jnp.where(v > 0.0, v, 0.2 * v)
                        w = jnp.exp(v)
                        w_v[e, :] = w
                        m_v[e, :] = m_v[e, :] * w
                    return 0

            lax.fori_loop(0, CH // 2, body, 0)

        idx_issue(0, sets[0], isem[0])
        idx_drain(sets[0], isem[0])
        idx_issue(1, sets[1], isem[1])
        gat_issue(sets[0], gsem[0])
        lax.fori_loop(0, WB_CHUNKS, zcp, 0)
        idx_drain(sets[1], isem[1])
        plsc.subcore_barrier()

        def super_body(s2, _):
            for b in range(2):
                i = s2 * 2 + b
                st = sets[b]
                ot = sets[1 - b]
                if b == 1:
                    scat_drain(ot, ssem[0])
                else:
                    @pl.when(s2 >= 1)
                    def _(ot=ot):
                        scat_drain(ot, ssem[1])
                if b == 1:
                    @pl.when(s2 < SUPERS - 1)
                    def _(ot=ot):
                        idx_drain(ot, isem[0])
                else:
                    @pl.when(s2 >= 1)
                    def _(ot=ot):
                        idx_drain(ot, isem[1])
                if b == 1:
                    @pl.when(s2 < SUPERS - 1)
                    def _(ot=ot):
                        gat_issue(ot, gsem[0])
                else:
                    gat_issue(ot, gsem[1])
                gat_drain(st, gsem[b])
                for j in range(IDXR):
                    for p in range(IDX_COLS // LANES):
                        sl = pl.ds(p * LANES, LANES)
                        st[2][j, sl] = st[1][j, sl]
                @pl.when(s2 < SUPERS - 1)
                def _(st=st, i=i, b=b):
                    idx_issue(i + 2, st, isem[b])
                compute(st)
                scat_issue(st, ssem[b])
            return 0

        lax.fori_loop(0, SUPERS, super_body, 0)
        scat_drain(sets[1], ssem[1])
        plsc.subcore_barrier()

        def wb(k, _):
            rk = r0 + k * WB_ROWS
            pltpu.sync_copy(num_sh.at[pl.ds(rk, WB_ROWS)], zb_v)
            pltpu.sync_copy(zb_v, num_out.at[c, pl.ds(rk, WB_ROWS)])
            pltpu.sync_copy(den_sh.at[pl.ds(rk, WB_ROWS)], zs_v)
            pltpu.sync_copy(zs_v, den_out.at[c, pl.ds(rk, WB_ROWS)])
            return 0

        lax.fori_loop(0, WB_CHUNKS, wb, 0)

    return edge_kernel


_edge1 = _make_edge_kernel(H1 * C1, True)
_edge2 = _make_edge_kernel(C2, False)


def _tc_layer1(x_pad, W1, As1, Ad1):
    def body(x_ref, w_ref, as_ref, ad_ref, h_ref, s_ref, d_ref):
        h = jnp.dot(x_ref[...], w_ref[...],
                    preferred_element_type=jnp.float32)
        h_ref[...] = h
        s_ref[...] = jnp.dot(h, as_ref[...],
                             preferred_element_type=jnp.float32)
        d_ref[...] = jnp.dot(h, ad_ref[...],
                             preferred_element_type=jnp.float32)

    return pl.pallas_call(
        body,
        out_shape=(
            jax.ShapeDtypeStruct((NP, H1 * C1), jnp.float32),
            jax.ShapeDtypeStruct((NP, 16), jnp.float32),
            jax.ShapeDtypeStruct((NP, 16), jnp.float32),
        ),
    )(x_pad, W1, As1, Ad1)


def _tc_mid(num1, den1, b1, W2, As2, Ad2, Kmat):
    def body(n_ref, d_ref, b_ref, w_ref, as_ref, ad_ref, k_ref,
             h_ref, s_ref, dd_ref):
        num = n_ref[0] + n_ref[1]
        den = d_ref[0] + d_ref[1]
        dexp = jnp.dot(den, k_ref[...],
                       preferred_element_type=jnp.float32) + 1e-16
        z = num / dexp + b_ref[...]
        z = jnp.where(z > 0.0, z, jnp.exp(z) - 1.0)
        h2 = jnp.dot(z, w_ref[...], preferred_element_type=jnp.float32)
        h_ref[...] = h2
        s_ref[...] = jnp.dot(h2, as_ref[...],
                             preferred_element_type=jnp.float32)
        dd_ref[...] = jnp.dot(h2, ad_ref[...],
                              preferred_element_type=jnp.float32)

    return pl.pallas_call(
        body,
        out_shape=(
            jax.ShapeDtypeStruct((NP, C2), jnp.float32),
            jax.ShapeDtypeStruct((NP, 16), jnp.float32),
            jax.ShapeDtypeStruct((NP, 16), jnp.float32),
        ),
    )(num1, den1, b1, W2, As2, Ad2, Kmat)


def _tc_final(num2, den2, b2):
    def body(n_ref, d_ref, b_ref, o_ref):
        o = (n_ref[0] + n_ref[1]) / (d_ref[0] + d_ref[1] + 1e-16)
        o = o + b_ref[...]
        m = jnp.max(o, axis=1, keepdims=True)
        lse = m + jnp.log(jnp.sum(jnp.exp(o - m), axis=1, keepdims=True))
        o_ref[...] = o - lse

    return pl.pallas_call(
        body,
        out_shape=jax.ShapeDtypeStruct((NP, C2), jnp.float32),
    )(num2, den2, b2)


def kernel(x, edge_index, W1, a_src1, a_dst1, b1, W2, a_src2, a_dst2, b2):
    x_pad = jnp.zeros((NP, D), jnp.float32).at[:N].set(x)
    src = jnp.concatenate(
        [edge_index[0], jnp.full((E_PAD - E,), N, edge_index.dtype)]
    ).reshape(EROWS, IDX_COLS).astype(jnp.int32)
    dst = jnp.concatenate(
        [edge_index[1], jnp.full((E_PAD - E,), N, edge_index.dtype)]
    ).reshape(EROWS, IDX_COLS).astype(jnp.int32)

    eye8 = jnp.eye(8, dtype=jnp.float32)
    Bs = (a_src1[:, :, None] * eye8[:, None, :]).reshape(H1 * C1, H1)
    Bd = (a_dst1[:, :, None] * eye8[:, None, :]).reshape(H1 * C1, H1)
    As1 = jnp.concatenate([Bs, Bs], axis=1)
    Ad1 = jnp.concatenate([Bd, Bd], axis=1)
    Kmat = jnp.concatenate(
        [jnp.repeat(eye8, 8, axis=1), jnp.zeros((8, 64), jnp.float32)],
        axis=0)
    As2 = jnp.tile(a_src2.reshape(C2, 1), (1, 16))
    Ad2 = jnp.tile(a_dst2.reshape(C2, 1), (1, 16))
    b1r = b1.reshape(1, H1 * C1)
    b2r = b2.reshape(1, C2)

    h1, s1, d1 = _tc_layer1(x_pad, W1, As1, Ad1)
    num1, den1 = _edge1(src, dst, h1, s1, d1)
    h2, s2, d2 = _tc_mid(num1, den1, b1r, W2, As2, Ad2, Kmat)
    num2, den2 = _edge2(src, dst, h2, s2, d2)
    out = _tc_final(num2, den2, b2r)
    return out[:N]

# --- scband reference (transcript-rebuilt; emitter-appended) ---
"""Pipeline reference for scband-gatnet-712964571878 (READ-ONLY COPY).

The authoritative reference and input builder live on the scoring server;
editing this copy changes nothing except your own understanding.
"""

import jax, jax.numpy as jnp
import numpy as np

N = 10000
E = 320000
D = 128
H1, C1 = 8, 8
C2 = 16


def setup_inputs(seed: int = 0) -> dict:
    key = jax.random.key(seed)
    ks = jax.random.split(key, 12)
    x = jax.random.normal(ks[0], (N, D), dtype=jnp.float32)
    edge_index = jax.random.randint(ks[1], (2, E), 0, N)
    s = lambda fan: 1.0 / np.sqrt(fan)
    W1 = jax.random.normal(ks[2], (D, H1 * C1), dtype=jnp.float32) * s(D)
    a_src1 = jax.random.normal(ks[3], (H1, C1), dtype=jnp.float32) * s(C1)
    a_dst1 = jax.random.normal(ks[4], (H1, C1), dtype=jnp.float32) * s(C1)
    b1 = jnp.zeros((H1 * C1,), dtype=jnp.float32)
    W2 = jax.random.normal(ks[5], (H1 * C1, C2), dtype=jnp.float32) * s(H1 * C1)
    a_src2 = jax.random.normal(ks[6], (1, C2), dtype=jnp.float32) * s(C2)
    a_dst2 = jax.random.normal(ks[7], (1, C2), dtype=jnp.float32) * s(C2)
    b2 = jnp.zeros((C2,), dtype=jnp.float32)
    return {"x": x, "edge_index": edge_index, "W1": W1, "a_src1": a_src1,
            "a_dst1": a_dst1, "b1": b1, "W2": W2, "a_src2": a_src2,
            "a_dst2": a_dst2, "b2": b2}


def _gat_conv(x, edge_index, W, a_src, a_dst, heads, out_ch):
    n = x.shape[0]
    h = (x @ W).reshape(n, heads, out_ch)
    alpha_s = (h * a_src[None, :, :]).sum(axis=-1)  # [N, H]
    alpha_d = (h * a_dst[None, :, :]).sum(axis=-1)  # [N, H]
    src = edge_index[0]
    dst = edge_index[1]
    e = jax.nn.leaky_relu(alpha_s[src] + alpha_d[dst], negative_slope=0.2)  # [E, H]
    e_max = jax.ops.segment_max(e, dst, num_segments=n)
    e_max = jnp.where(jnp.isfinite(e_max), e_max, 0.0)
    e_exp = jnp.exp(e - jax.lax.stop_gradient(e_max)[dst])
    denom = jax.ops.segment_sum(e_exp, dst, num_segments=n)
    alpha = e_exp / (denom[dst] + 1e-16)  # [E, H]
    msg = h[src] * alpha[:, :, None]  # [E, H, C]
    out = jax.ops.segment_sum(msg, dst, num_segments=n)  # [N, H, C]
    return out


def reference(x, edge_index, W1, a_src1, a_dst1, b1, W2, a_src2, a_dst2, b2):
    # dropout layers are no-ops in eval mode
    h = _gat_conv(x, edge_index, W1, a_src1, a_dst1, H1, C1)
    h = h.reshape(x.shape[0], H1 * C1) + b1  # concat heads
    h = jax.nn.elu(h)
    out = _gat_conv(h, edge_index, W2, a_src2, a_dst2, 1, C2)
    out = out.reshape(x.shape[0], C2) + b2
    return jax.nn.log_softmax(out, axis=1)

if __name__ == "__main__":
    import jax
    _d = setup_inputs()
    print(jax.jit(kernel)(*tuple(_d.values())))

</pallas_src>

<mosaic_0001>
#map = affine_map<(d0, d1) -> (0, 0)>
#map1 = affine_map<(d0, d1) -> (0, 0, 0)>
module attributes {stable_mosaic.version = 14 : i64} {
  func.func @edge_kernel(%arg0: i32, %arg1: i32, %arg2: memref<2560x128xi32, #tpu.memory_space<hbm>>, %arg3: memref<2560x128xi32, #tpu.memory_space<hbm>>, %arg4: memref<10240x16xf32, #tpu.memory_space<hbm>>, %arg5: memref<10240x16xf32, #tpu.memory_space<hbm>>, %arg6: memref<10240x16xf32, #tpu.memory_space<hbm>>, %arg7: memref<2x10240x16xf32, #tpu.memory_space<hbm>>, %arg8: memref<2x10240x16xf32, #tpu.memory_space<hbm>>, %arg9: memref<2x128xi32, #tpu.memory_space<vmem>>, %arg10: memref<2x128xi32, #tpu.memory_space<vmem>>, %arg11: memref<2x128xi32, #tpu.memory_space<vmem>>, %arg12: memref<256x16xf32, #tpu.memory_space<vmem>>, %arg13: memref<256x16xf32, #tpu.memory_space<vmem>>, %arg14: memref<256x16xf32, #tpu.memory_space<vmem>>, %arg15: memref<256x16xf32, #tpu.memory_space<vmem>>, %arg16: memref<2x128xi32, #tpu.memory_space<vmem>>, %arg17: memref<2x128xi32, #tpu.memory_space<vmem>>, %arg18: memref<2x128xi32, #tpu.memory_space<vmem>>, %arg19: memref<256x16xf32, #tpu.memory_space<vmem>>, %arg20: memref<256x16xf32, #tpu.memory_space<vmem>>, %arg21: memref<256x16xf32, #tpu.memory_space<vmem>>, %arg22: memref<256x16xf32, #tpu.memory_space<vmem>>, %arg23: memref<128x16xf32, #tpu.memory_space<vmem>>, %arg24: memref<128x16xf32, #tpu.memory_space<vmem>>, %arg25: memref<10240x16xf32, #tpu.memory_space<vmem_shared>>, %arg26: memref<10240x16xf32, #tpu.memory_space<vmem_shared>>, %arg27: memref<!tpu.dma_semaphore, #tpu.memory_space<semaphore_mem>>, %arg28: memref<!tpu.dma_semaphore, #tpu.memory_space<semaphore_mem>>, %arg29: memref<!tpu.dma_semaphore, #tpu.memory_space<semaphore_mem>>, %arg30: memref<!tpu.dma_semaphore, #tpu.memory_space<semaphore_mem>>, %arg31: memref<!tpu.dma_semaphore, #tpu.memory_space<semaphore_mem>>, %arg32: memref<!tpu.dma_semaphore, #tpu.memory_space<semaphore_mem>>) attributes {dimension_semantics = [#tpu.dimension_semantics<core_parallel>, #tpu.dimension_semantics<subcore_parallel>], iteration_bounds = array<i64: 2, 16>, scalar_prefetch = 0 : i64, scratch_operands = 24 : i64, tpu.core_type = #tpu.core_type<sc_vector_subcore>, window_params = [{transform_indices = #map}, {transform_indices = #map}, {transform_indices = #map}, {transform_indices = #map}, {transform_indices = #map}, {transform_indices = #map1}, {transform_indices = #map1}]} {
    %mul3A = arith.constant 16 : i32
    %mul3A_0 = arith.muli %arg0, %mul3A : i32
    %add3A = arith.addi %mul3A_0, %arg1 : i32
    %broadcast_in_dim3A = arith.constant 0.000000e+00 : f32
    %broadcast_in_dim3A_1 = vector.broadcast %broadcast_in_dim3A : f32 to vector<16xf32>
    %scan3A = arith.constant 0 : i32
    %scan3A_2 = arith.constant 0 : i32
    %scan3A_3 = arith.constant 128 : i32
    %scan3A_4 = arith.addi %scan3A_2, %scan3A_3 : i32
    %scan3A_5 = arith.constant 1 : i32
    %scan3A_6 = scf.for %scan3A_180 = %scan3A_2 to %scan3A_4 step %scan3A_5 iter_args(%scan3A_181 = %scan3A) -> (i32)  : i32 {
      %swap3A = arith.index_cast %scan3A_180 : i32 to index
      %swap3A_182 = arith.constant 0 : index
      %swap3A_183 = tpu.vector_load %arg23[%swap3A, %swap3A_182] {strides = array<i32>} : memref<128x16xf32, #tpu.memory_space<vmem>>, vector<16xf32>,
      tpu.vector_store %arg23[%swap3A, %swap3A_182], %broadcast_in_dim3A_1 {strides = array<i32>} : memref<128x16xf32, #tpu.memory_space<vmem>>, vector<16xf32>,
      %swap3A_184 = arith.index_cast %scan3A_180 : i32 to index
      %swap3A_185 = arith.constant 0 : index
      %swap3A_186 = tpu.vector_load %arg24[%swap3A_184, %swap3A_185] {strides = array<i32>} : memref<128x16xf32, #tpu.memory_space<vmem>>, vector<16xf32>,
      tpu.vector_store %arg24[%swap3A_184, %swap3A_185], %broadcast_in_dim3A_1 {strides = array<i32>} : memref<128x16xf32, #tpu.memory_space<vmem>>, vector<16xf32>,
      %scan3A_187 = arith.constant 0 : i32
      scf.yield %scan3A_187 : i32
    }
    %scan3A_7 = arith.constant 128 : i32
    %mul3A_8 = arith.constant 640 : i32
    %mul3A_9 = arith.muli %arg1, %mul3A_8 : i32
    %iota3A = tpu.iota {dimensions = array<i32: 0>} : vector<16xi32>
    %shift_right_arithmetic3A = arith.constant 3 : i32
    %shift_right_arithmetic3A_10 = vector.broadcast %shift_right_arithmetic3A : i32 to vector<16xi32>
    %shift_right_arithmetic3A_11 = arith.shrsi %iota3A, %shift_right_arithmetic3A_10 : vector<16xi32>
    %mul3A_12 = arith.constant 80 : i32
    %mul3A_13 = arith.muli %add3A, %mul3A_12 : i32
    %add3A_14 = arith.constant 0 : i32
    %add3A_15 = arith.addi %mul3A_13, %add3A_14 : i32
    %dma_start3A = arith.constant 0 : i32
    %dma_start3A_16 = tpu.memref_slice %arg2[%add3A_15, %dma_start3A] : memref<2560x128xi32, #tpu.memory_space<hbm>> -> memref<2x128xi32, #tpu.memory_space<hbm>>
    %dma_start3A_17 = arith.constant 0 : i32
    %dma_start3A_18 = tpu.memref_slice %arg2[%add3A_15, %dma_start3A_17] : memref<2560x128xi32, #tpu.memory_space<hbm>> -> memref<2x128xi32, #tpu.memory_space<hbm>>
    tpu.enqueue_dma source(%dma_start3A_18 : memref<2x128xi32, #tpu.memory_space<hbm>>) target(%arg9 : memref<2x128xi32, #tpu.memory_space<vmem>>) target_semaphore(%arg29 : memref<!tpu.dma_semaphore, #tpu.memory_space<semaphore_mem>>)
    %dma_start3A_19 = arith.constant 0 : i32
    %dma_start3A_20 = tpu.memref_slice %arg3[%add3A_15, %dma_start3A_19] : memref<2560x128xi32, #tpu.memory_space<hbm>> -> memref<2x128xi32, #tpu.memory_space<hbm>>
    %dma_start3A_21 = arith.constant 0 : i32
    %dma_start3A_22 = tpu.memref_slice %arg3[%add3A_15, %dma_start3A_21] : memref<2560x128xi32, #tpu.memory_space<hbm>> -> memref<2x128xi32, #tpu.memory_space<hbm>>
    tpu.enqueue_dma source(%dma_start3A_22 : memref<2x128xi32, #tpu.memory_space<hbm>>) target(%arg10 : memref<2x128xi32, #tpu.memory_space<vmem>>) target_semaphore(%arg29 : memref<!tpu.dma_semaphore, #tpu.memory_space<semaphore_mem>>)
    %dma_wait3A = arith.constant 0 : i32
    %dma_wait3A_23 = arith.constant 0 : i32
    %dma_wait3A_24 = tpu.memref_slice %arg2[%dma_wait3A, %dma_wait3A_23] : memref<2560x128xi32, #tpu.memory_space<hbm>> -> memref<2x128xi32, #tpu.memory_space<hbm>>
    %dma_wait3A_25 = arith.constant 0 : i32
    %dma_wait3A_26 = arith.constant 0 : i32
    %dma_wait3A_27 = tpu.memref_slice %arg2[%dma_wait3A_25, %dma_wait3A_26] : memref<2560x128xi32, #tpu.memory_space<hbm>> -> memref<2x128xi32, #tpu.memory_space<hbm>>
    tpu.wait_dma2 semaphore(%arg29 : memref<!tpu.dma_semaphore, #tpu.memory_space<semaphore_mem>>) src(%dma_wait3A_27 : memref<2x128xi32, #tpu.memory_space<hbm>>) dst(%arg9 : memref<2x128xi32, #tpu.memory_space<vmem>>)
    %dma_wait3A_28 = arith.constant 0 : i32
    %dma_wait3A_29 = arith.constant 0 : i32
    %dma_wait3A_30 = tpu.memref_slice %arg3[%dma_wait3A_28, %dma_wait3A_29] : memref<2560x128xi32, #tpu.memory_space<hbm>> -> memref<2x128xi32, #tpu.memory_space<hbm>>
    %dma_wait3A_31 = arith.constant 0 : i32
    %dma_wait3A_32 = arith.constant 0 : i32
    %dma_wait3A_33 = tpu.memref_slice %arg3[%dma_wait3A_31, %dma_wait3A_32] : memref<2560x128xi32, #tpu.memory_space<hbm>> -> memref<2x128xi32, #tpu.memory_space<hbm>>
    tpu.wait_dma2 semaphore(%arg29 : memref<!tpu.dma_semaphore, #tpu.memory_space<semaphore_mem>>) src(%dma_wait3A_33 : memref<2x128xi32, #tpu.memory_space<hbm>>) dst(%arg10 : memref<2x128xi32, #tpu.memory_space<vmem>>)
    %mul3A_34 = arith.constant 80 : i32
    %mul3A_35 = arith.muli %add3A, %mul3A_34 : i32
    %add3A_36 = arith.constant 2 : i32
    %add3A_37 = arith.addi %mul3A_35, %add3A_36 : i32
    %dma_start3A_38 = arith.constant 0 : i32
    %dma_start3A_39 = tpu.memref_slice %arg2[%add3A_37, %dma_start3A_38] : memref<2560x128xi32, #tpu.memory_space<hbm>> -> memref<2x128xi32, #tpu.memory_space<hbm>>
    %dma_start3A_40 = arith.constant 0 : i32
    %dma_start3A_41 = tpu.memref_slice %arg2[%add3A_37, %dma_start3A_40] : memref<2560x128xi32, #tpu.memory_space<hbm>> -> memref<2x128xi32, #tpu.memory_space<hbm>>
    tpu.enqueue_dma source(%dma_start3A_41 : memref<2x128xi32, #tpu.memory_space<hbm>>) target(%arg16 : memref<2x128xi32, #tpu.memory_space<vmem>>) target_semaphore(%arg30 : memref<!tpu.dma_semaphore, #tpu.memory_space<semaphore_mem>>)
    %dma_start3A_42 = arith.constant 0 : i32
    %dma_start3A_43 = tpu.memref_slice %arg3[%add3A_37, %dma_start3A_42] : memref<2560x128xi32, #tpu.memory_space<hbm>> -> memref<2x128xi32, #tpu.memory_space<hbm>>
    %dma_start3A_44 = arith.constant 0 : i32
    %dma_start3A_45 = tpu.memref_slice %arg3[%add3A_37, %dma_start3A_44] : memref<2560x128xi32, #tpu.memory_space<hbm>> -> memref<2x128xi32, #tpu.memory_space<hbm>>
    tpu.enqueue_dma source(%dma_start3A_45 : memref<2x128xi32, #tpu.memory_space<hbm>>) target(%arg17 : memref<2x128xi32, #tpu.memory_space<vmem>>) target_semaphore(%arg30 : memref<!tpu.dma_semaphore, #tpu.memory_space<semaphore_mem>>)
    %dma_start3A_46 = arith.constant 0 : i32
    %dma_start3A_47 = arith.constant 0 : i32
    %dma_start3A_48 = arith.constant 0 : i32
    %dma_start3A_49 = tpu.memref_slice %arg12[%dma_start3A_47, %dma_start3A_48] : memref<256x16xf32, #tpu.memory_space<vmem>> -> memref<128x16xf32, #tpu.memory_space<vmem>>
    %dma_start3A_50 = arith.constant 0 : i32
    %dma_start3A_51 = tpu.memref_slice %arg9[%dma_start3A_46, %dma_start3A_50] : memref<2x128xi32, #tpu.memory_space<vmem>> -> memref<1x128xi32, #tpu.memory_space<vmem>>
    %dma_start3A_52 = tpu.memref_squeeze %dma_start3A_51 : memref<1x128xi32, #tpu.memory_space<vmem>> -> memref<128xi32, #tpu.memory_space<vmem>>
    %dma_start3A_53 = arith.constant 0 : i32
    %dma_start3A_54 = arith.constant 0 : i32
    %dma_start3A_55 = tpu.memref_slice %arg5[%dma_start3A_53, %dma_start3A_54] : memref<10240x16xf32, #tpu.memory_space<hbm>> -> memref<10240x16xf32, #tpu.memory_space<hbm>>
    tpu.enqueue_indirect_dma source(%dma_start3A_55 : memref<10240x16xf32, #tpu.memory_space<hbm>>) target(%dma_start3A_49 : memref<128x16xf32, #tpu.memory_space<vmem>>) offsets(%dma_start3A_52 : memref<128xi32, #tpu.memory_space<vmem>>) semaphore(%arg27 : memref<!tpu.dma_semaphore, #tpu.memory_space<semaphore_mem>>)
    %dma_start3A_56 = arith.constant 0 : i32
    %dma_start3A_57 = arith.constant 0 : i32
    %dma_start3A_58 = arith.constant 0 : i32
    %dma_start3A_59 = tpu.memref_slice %arg13[%dma_start3A_57, %dma_start3A_58] : memref<256x16xf32, #tpu.memory_space<vmem>> -> memref<128x16xf32, #tpu.memory_space<vmem>>
    %dma_start3A_60 = arith.constant 0 : i32
    %dma_start3A_61 = tpu.memref_slice %arg10[%dma_start3A_56, %dma_start3A_60] : memref<2x128xi32, #tpu.memory_space<vmem>> -> memref<1x128xi32, #tpu.memory_space<vmem>>
    %dma_start3A_62 = tpu.memref_squeeze %dma_start3A_61 : memref<1x128xi32, #tpu.memory_space<vmem>> -> memref<128xi32, #tpu.memory_space<vmem>>
    %dma_start3A_63 = arith.constant 0 : i32
    %dma_start3A_64 = arith.constant 0 : i32
    %dma_start3A_65 = tpu.memref_slice %arg6[%dma_start3A_63, %dma_start3A_64] : memref<10240x16xf32, #tpu.memory_space<hbm>> -> memref<10240x16xf32, #tpu.memory_space<hbm>>
    tpu.enqueue_indirect_dma source(%dma_start3A_65 : memref<10240x16xf32, #tpu.memory_space<hbm>>) target(%dma_start3A_59 : memref<128x16xf32, #tpu.memory_space<vmem>>) offsets(%dma_start3A_62 : memref<128xi32, #tpu.memory_space<vmem>>) semaphore(%arg27 : memref<!tpu.dma_semaphore, #tpu.memory_space<semaphore_mem>>)
    %dma_start3A_66 = arith.constant 0 : i32
    %dma_start3A_67 = arith.constant 0 : i32
    %dma_start3A_68 = arith.constant 0 : i32
    %dma_start3A_69 = tpu.memref_slice %arg15[%dma_start3A_67, %dma_start3A_68] : memref<256x16xf32, #tpu.memory_space<vmem>> -> memref<128x16xf32, #tpu.memory_space<vmem>>
    %dma_start3A_70 = arith.constant 0 : i32
    %dma_start3A_71 = tpu.memref_slice %arg9[%dma_start3A_66, %dma_start3A_70] : memref<2x128xi32, #tpu.memory_space<vmem>> -> memref<1x128xi32, #tpu.memory_space<vmem>>
    %dma_start3A_72 = tpu.memref_squeeze %dma_start3A_71 : memref<1x128xi32, #tpu.memory_space<vmem>> -> memref<128xi32, #tpu.memory_space<vmem>>
    %dma_start3A_73 = arith.constant 0 : i32
    %dma_start3A_74 = arith.constant 0 : i32
    %dma_start3A_75 = tpu.memref_slice %arg4[%dma_start3A_73, %dma_start3A_74] : memref<10240x16xf32, #tpu.memory_space<hbm>> -> memref<10240x16xf32, #tpu.memory_space<hbm>>
    tpu.enqueue_indirect_dma source(%dma_start3A_75 : memref<10240x16xf32, #tpu.memory_space<hbm>>) target(%dma_start3A_69 : memref<128x16xf32, #tpu.memory_space<vmem>>) offsets(%dma_start3A_72 : memref<128xi32, #tpu.memory_space<vmem>>) semaphore(%arg27 : memref<!tpu.dma_semaphore, #tpu.memory_space<semaphore_mem>>)
    %dma_start3A_76 = arith.constant 1 : i32
    %dma_start3A_77 = arith.constant 128 : i32
    %dma_start3A_78 = arith.constant 0 : i32
    %dma_start3A_79 = tpu.memref_slice %arg12[%dma_start3A_77, %dma_start3A_78] : memref<256x16xf32, #tpu.memory_space<vmem>> -> memref<128x16xf32, #tpu.memory_space<vmem>>
    %dma_start3A_80 = arith.constant 0 : i32
    %dma_start3A_81 = tpu.memref_slice %arg9[%dma_start3A_76, %dma_start3A_80] : memref<2x128xi32, #tpu.memory_space<vmem>> -> memref<1x128xi32, #tpu.memory_space<vmem>>
    %dma_start3A_82 = tpu.memref_squeeze %dma_start3A_81 : memref<1x128xi32, #tpu.memory_space<vmem>> -> memref<128xi32, #tpu.memory_space<vmem>>
    %dma_start3A_83 = arith.constant 0 : i32
    %dma_start3A_84 = arith.constant 0 : i32
    %dma_start3A_85 = tpu.memref_slice %arg5[%dma_start3A_83, %dma_start3A_84] : memref<10240x16xf32, #tpu.memory_space<hbm>> -> memref<10240x16xf32, #tpu.memory_space<hbm>>
    tpu.enqueue_indirect_dma source(%dma_start3A_85 : memref<10240x16xf32, #tpu.memory_space<hbm>>) target(%dma_start3A_79 : memref<128x16xf32, #tpu.memory_space<vmem>>) offsets(%dma_start3A_82 : memref<128xi32, #tpu.memory_space<vmem>>) semaphore(%arg27 : memref<!tpu.dma_semaphore, #tpu.memory_space<semaphore_mem>>)
    %dma_start3A_86 = arith.constant 1 : i32
    %dma_start3A_87 = arith.constant 128 : i32
    %dma_start3A_88 = arith.constant 0 : i32
    %dma_start3A_89 = tpu.memref_slice %arg13[%dma_start3A_87, %dma_start3A_88] : memref<256x16xf32, #tpu.memory_space<vmem>> -> memref<128x16xf32, #tpu.memory_space<vmem>>
    %dma_start3A_90 = arith.constant 0 : i32
    %dma_start3A_91 = tpu.memref_slice %arg10[%dma_start3A_86, %dma_start3A_90] : memref<2x128xi32, #tpu.memory_space<vmem>> -> memref<1x128xi32, #tpu.memory_space<vmem>>
    %dma_start3A_92 = tpu.memref_squeeze %dma_start3A_91 : memref<1x128xi32, #tpu.memory_space<vmem>> -> memref<128xi32, #tpu.memory_space<vmem>>
    %dma_start3A_93 = arith.constant 0 : i32
    %dma_start3A_94 = arith.constant 0 : i32
    %dma_start3A_95 = tpu.memref_slice %arg6[%dma_start3A_93, %dma_start3A_94] : memref<10240x16xf32, #tpu.memory_space<hbm>> -> memref<10240x16xf32, #tpu.memory_space<hbm>>
    tpu.enqueue_indirect_dma source(%dma_start3A_95 : memref<10240x16xf32, #tpu.memory_space<hbm>>) target(%dma_start3A_89 : memref<128x16xf32, #tpu.memory_space<vmem>>) offsets(%dma_start3A_92 : memref<128xi32, #tpu.memory_space<vmem>>) semaphore(%arg27 : memref<!tpu.dma_semaphore, #tpu.memory_space<semaphore_mem>>)
    %dma_start3A_96 = arith.constant 1 : i32
    %dma_start3A_97 = arith.constant 128 : i32
    %dma_start3A_98 = arith.constant 0 : i32
    %dma_start3A_99 = tpu.memref_slice %arg15[%dma_start3A_97, %dma_start3A_98] : memref<256x16xf32, #tpu.memory_space<vmem>> -> memref<128x16xf32, #tpu.memory_space<vmem>>
    %dma_start3A_100 = arith.constant 0 : i32
    %dma_start3A_101 = tpu.memref_slice %arg9[%dma_start3A_96, %dma_start3A_100] : memref<2x128xi32, #tpu.memory_space<vmem>> -> memref<1x128xi32, #tpu.memory_space<vmem>>
    %dma_start3A_102 = tpu.memref_squeeze %dma_start3A_101 : memref<1x128xi32, #tpu.memory_space<vmem>> -> memref<128xi32, #tpu.memory_space<vmem>>
    %dma_start3A_103 = arith.constant 0 : i32
    %dma_start3A_104 = arith.constant 0 : i32
    %dma_start3A_105 = tpu.memref_slice %arg4[%dma_start3A_103, %dma_start3A_104] : memref<10240x16xf32, #tpu.memory_space<hbm>> -> memref<10240x16xf32, #tpu.memory_space<hbm>>
    tpu.enqueue_indirect_dma source(%dma_start3A_105 : memref<10240x16xf32, #tpu.memory_space<hbm>>) target(%dma_start3A_99 : memref<128x16xf32, #tpu.memory_space<vmem>>) offsets(%dma_start3A_102 : memref<128xi32, #tpu.memory_space<vmem>>) semaphore(%arg27 : memref<!tpu.dma_semaphore, #tpu.memory_space<semaphore_mem>>)
    %scan3A_106 = arith.constant 0 : i32
    %scan3A_107 = arith.constant 0 : i32
    %scan3A_108 = arith.constant 5 : i32
    %scan3A_109 = arith.addi %scan3A_107, %scan3A_108 : i32
    %scan3A_110 = arith.constant 1 : i32
    %scan3A_111 = scf.for %scan3A_180 = %scan3A_107 to %scan3A_109 step %scan3A_110 iter_args(%scan3A_181 = %scan3A_106) -> (i32)  : i32 {
      %mul3A_182 = arith.constant 128 : i32
      %mul3A_183 = arith.muli %scan3A_180, %mul3A_182 : i32
      %add3A_184 = arith.addi %mul3A_9, %mul3A_183 : i32
      "tpu.region"() ({
        %run_scoped3A = tpu.sem_alloc : memref<!tpu.dma_semaphore, #tpu.memory_space<semaphore_mem>>
        %dma_start3A_186 = arith.constant 0 : i32
        %dma_start3A_187 = tpu.memref_slice %arg25[%add3A_184, %dma_start3A_186] : memref<10240x16xf32, #tpu.memory_space<vmem_shared>> -> memref<128x16xf32, #tpu.memory_space<vmem_shared>>
        %dma_start3A_188 = arith.constant 0 : i32
        %dma_start3A_189 = tpu.memref_slice %arg25[%add3A_184, %dma_start3A_188] : memref<10240x16xf32, #tpu.memory_space<vmem_shared>> -> memref<128x16xf32, #tpu.memory_space<vmem_shared>>
        tpu.enqueue_dma source(%arg23 : memref<128x16xf32, #tpu.memory_space<vmem>>) target(%dma_start3A_189 : memref<128x16xf32, #tpu.memory_space<vmem_shared>>) target_semaphore(%run_scoped3A : memref<!tpu.dma_semaphore, #tpu.memory_space<semaphore_mem>>)
        %dma_wait3A_190 = arith.constant 0 : i32
        %dma_wait3A_191 = tpu.memref_slice %arg25[%add3A_184, %dma_wait3A_190] : memref<10240x16xf32, #tpu.memory_space<vmem_shared>> -> memref<128x16xf32, #tpu.memory_space<vmem_shared>>
        %dma_wait3A_192 = arith.constant 0 : i32
        %dma_wait3A_193 = tpu.memref_slice %arg25[%add3A_184, %dma_wait3A_192] : memref<10240x16xf32, #tpu.memory_space<vmem_shared>> -> memref<128x16xf32, #tpu.memory_space<vmem_shared>>
        tpu.wait_dma2 semaphore(%run_scoped3A : memref<!tpu.dma_semaphore, #tpu.memory_space<semaphore_mem>>) src(%arg23 : memref<128x16xf32, #tpu.memory_space<vmem>>) dst(%dma_wait3A_193 : memref<128x16xf32, #tpu.memory_space<vmem_shared>>)
        tpu.yield
      }) : () -> ()
      "tpu.region"() ({
        %run_scoped3A = tpu.sem_alloc : memref<!tpu.dma_semaphore, #tpu.memory_space<semaphore_mem>>
        %dma_start3A_186 = arith.constant 0 : i32
        %dma_start3A_187 = tpu.memref_slice %arg26[%add3A_184, %dma_start3A_186] : memref<10240x16xf32, #tpu.memory_space<vmem_shared>> -> memref<128x16xf32, #tpu.memory_space<vmem_shared>>
        %dma_start3A_188 = arith.constant 0 : i32
        %dma_start3A_189 = tpu.memref_slice %arg26[%add3A_184, %dma_start3A_188] : memref<10240x16xf32, #tpu.memory_space<vmem_shared>> -> memref<128x16xf32, #tpu.memory_space<vmem_shared>>
        tpu.enqueue_dma source(%arg24 : memref<128x16xf32, #tpu.memory_space<vmem>>) target(%dma_start3A_189 : memref<128x16xf32, #tpu.memory_space<vmem_shared>>) target_semaphore(%run_scoped3A : memref<!tpu.dma_semaphore, #tpu.memory_space<semaphore_mem>>)
        %dma_wait3A_190 = arith.constant 0 : i32
        %dma_wait3A_191 = tpu.memref_slice %arg26[%add3A_184, %dma_wait3A_190] : memref<10240x16xf32, #tpu.memory_space<vmem_shared>> -> memref<128x16xf32, #tpu.memory_space<vmem_shared>>
        %dma_wait3A_192 = arith.constant 0 : i32
        %dma_wait3A_193 = tpu.memref_slice %arg26[%add3A_184, %dma_wait3A_192] : memref<10240x16xf32, #tpu.memory_space<vmem_shared>> -> memref<128x16xf32, #tpu.memory_space<vmem_shared>>
        tpu.wait_dma2 semaphore(%run_scoped3A : memref<!tpu.dma_semaphore, #tpu.memory_space<semaphore_mem>>) src(%arg24 : memref<128x16xf32, #tpu.memory_space<vmem>>) dst(%dma_wait3A_193 : memref<128x16xf32, #tpu.memory_space<vmem_shared>>)
        tpu.yield
      }) : () -> ()
      %scan3A_185 = arith.constant 0 : i32
      scf.yield %scan3A_185 : i32
    }
    %scan3A_112 = arith.constant 5 : i32
    %dma_wait3A_113 = arith.constant 0 : i32
    %dma_wait3A_114 = arith.constant 0 : i32
    %dma_wait3A_115 = tpu.memref_slice %arg2[%dma_wait3A_113, %dma_wait3A_114] : memref<2560x128xi32, #tpu.memory_space<hbm>> -> memref<2x128xi32, #tpu.memory_space<hbm>>
    %dma_wait3A_116 = arith.constant 0 : i32
    %dma_wait3A_117 = arith.constant 0 : i32
    %dma_wait3A_118 = tpu.memref_slice %arg2[%dma_wait3A_116, %dma_wait3A_117] : memref<2560x128xi32, #tpu.memory_space<hbm>> -> memref<2x128xi32, #tpu.memory_space<hbm>>
    tpu.wait_dma2 semaphore(%arg30 : memref<!tpu.dma_semaphore, #tpu.memory_space<semaphore_mem>>) src(%dma_wait3A_118 : memref<2x128xi32, #tpu.memory_space<hbm>>) dst(%arg16 : memref<2x128xi32, #tpu.memory_space<vmem>>)
    %dma_wait3A_119 = arith.constant 0 : i32
    %dma_wait3A_120 = arith.constant 0 : i32
    %dma_wait3A_121 = tpu.memref_slice %arg3[%dma_wait3A_119, %dma_wait3A_120] : memref<2560x128xi32, #tpu.memory_space<hbm>> -> memref<2x128xi32, #tpu.memory_space<hbm>>
    %dma_wait3A_122 = arith.constant 0 : i32
    %dma_wait3A_123 = arith.constant 0 : i32
    %dma_wait3A_124 = tpu.memref_slice %arg3[%dma_wait3A_122, %dma_wait3A_123] : memref<2560x128xi32, #tpu.memory_space<hbm>> -> memref<2x128xi32, #tpu.memory_space<hbm>>
    tpu.wait_dma2 semaphore(%arg30 : memref<!tpu.dma_semaphore, #tpu.memory_space<semaphore_mem>>) src(%dma_wait3A_124 : memref<2x128xi32, #tpu.memory_space<hbm>>) dst(%arg17 : memref<2x128xi32, #tpu.memory_space<vmem>>)
    %barrier3A = arith.constant 0 : index
    tpu.barrier barrier_id(%barrier3A)
    %scan3A_125 = arith.constant 0 : i32
    %scan3A_126 = arith.constant 0 : i32
    %scan3A_127 = arith.constant 20 : i32
    %scan3A_128 = arith.addi %scan3A_126, %scan3A_127 : i32
    %scan3A_129 = arith.constant 1 : i32
    %scan3A_130 = scf.for %scan3A_180 = %scan3A_126 to %scan3A_128 step %scan3A_129 iter_args(%scan3A_181 = %scan3A_125) -> (i32)  : i32 {
      %mul3A_182 = arith.constant 2 : i32
      %mul3A_183 = arith.muli %scan3A_180, %mul3A_182 : i32
      %add3A_184 = arith.constant 0 : i32
      %add3A_185 = arith.addi %mul3A_183, %add3A_184 : i32
      %ge3A = arith.constant 1 : i32
      %ge3A_186 = arith.cmpi sge, %scan3A_180, %ge3A : i32
      %convert_element_type3A = arith.extui %ge3A_186 : i1 to i32
      %cond3A = arith.constant 0 : i32
      %cond3A_187 = arith.cmpi ne, %convert_element_type3A, %cond3A : i32
      scf.if %cond3A_187 {
        %dma_wait3A_785 = arith.constant 0 : i32
        %dma_wait3A_786 = arith.constant 0 : i32
        %dma_wait3A_787 = arith.constant 0 : i32
        %dma_wait3A_788 = tpu.memref_slice %arg22[%dma_wait3A_786, %dma_wait3A_787] : memref<256x16xf32, #tpu.memory_space<vmem>> -> memref<128x16xf32, #tpu.memory_space<vmem>>
        %dma_wait3A_789 = arith.constant 0 : i32
        %dma_wait3A_790 = tpu.memref_slice %arg18[%dma_wait3A_785, %dma_wait3A_789] : memref<2x128xi32, #tpu.memory_space<vmem>> -> memref<1x128xi32, #tpu.memory_space<vmem>>
        %dma_wait3A_791 = tpu.memref_squeeze %dma_wait3A_790 : memref<1x128xi32, #tpu.memory_space<vmem>> -> memref<128xi32, #tpu.memory_space<vmem>>
        %dma_wait3A_792 = arith.constant 0 : i32
        %dma_wait3A_793 = arith.constant 0 : i32
        %dma_wait3A_794 = tpu.memref_slice %arg25[%dma_wait3A_792, %dma_wait3A_793] : memref<10240x16xf32, #tpu.memory_space<vmem_shared>> -> memref<10240x16xf32, #tpu.memory_space<vmem_shared>>
        tpu.wait_indirect_dma semaphore(%arg32 : memref<!tpu.dma_semaphore, #tpu.memory_space<semaphore_mem>>) src(%dma_wait3A_788 : memref<128x16xf32, #tpu.memory_space<vmem>>) dst(%dma_wait3A_794 : memref<10240x16xf32, #tpu.memory_space<vmem_shared>>)
        %dma_wait3A_795 = arith.constant 0 : i32
        %dma_wait3A_796 = arith.constant 0 : i32
        %dma_wait3A_797 = arith.constant 0 : i32
        %dma_wait3A_798 = tpu.memref_slice %arg21[%dma_wait3A_796, %dma_wait3A_797] : memref<256x16xf32, #tpu.memory_space<vmem>> -> memref<128x16xf32, #tpu.memory_space<vmem>>
        %dma_wait3A_799 = arith.constant 0 : i32
        %dma_wait3A_800 = tpu.memref_slice %arg18[%dma_wait3A_795, %dma_wait3A_799] : memref<2x128xi32, #tpu.memory_space<vmem>> -> memref<1x128xi32, #tpu.memory_space<vmem>>
        %dma_wait3A_801 = tpu.memref_squeeze %dma_wait3A_800 : memref<1x128xi32, #tpu.memory_space<vmem>> -> memref<128xi32, #tpu.memory_space<vmem>>
        %dma_wait3A_802 = arith.constant 0 : i32
        %dma_wait3A_803 = arith.constant 0 : i32
        %dma_wait3A_804 = tpu.memref_slice %arg26[%dma_wait3A_802, %dma_wait3A_803] : memref<10240x16xf32, #tpu.memory_space<vmem_shared>> -> memref<10240x16xf32, #tpu.memory_space<vmem_shared>>
        tpu.wait_indirect_dma semaphore(%arg32 : memref<!tpu.dma_semaphore, #tpu.memory_space<semaphore_mem>>) src(%dma_wait3A_798 : memref<128x16xf32, #tpu.memory_space<vmem>>) dst(%dma_wait3A_804 : memref<10240x16xf32, #tpu.memory_space<vmem_shared>>)
        %dma_wait3A_805 = arith.constant 1 : i32
        %dma_wait3A_806 = arith.constant 128 : i32
        %dma_wait3A_807 = arith.constant 0 : i32
        %dma_wait3A_808 = tpu.memref_slice %arg22[%dma_wait3A_806, %dma_wait3A_807] : memref<256x16xf32, #tpu.memory_space<vmem>> -> memref<128x16xf32, #tpu.memory_space<vmem>>
        %dma_wait3A_809 = arith.constant 0 : i32
        %dma_wait3A_810 = tpu.memref_slice %arg18[%dma_wait3A_805, %dma_wait3A_809] : memref<2x128xi32, #tpu.memory_space<vmem>> -> memref<1x128xi32, #tpu.memory_space<vmem>>
        %dma_wait3A_811 = tpu.memref_squeeze %dma_wait3A_810 : memref<1x128xi32, #tpu.memory_space<vmem>> -> memref<128xi32, #tpu.memory_space<vmem>>
        %dma_wait3A_812 = arith.constant 0 : i32
        %dma_wait3A_813 = arith.constant 0 : i32
        %dma_wait3A_814 = tpu.memref_slice %arg25[%dma_wait3A_812, %dma_wait3A_813] : memref<10240x16xf32, #tpu.memory_space<vmem_shared>> -> memref<10240x16xf32, #tpu.memory_space<vmem_shared>>
        tpu.wait_indirect_dma semaphore(%arg32 : memref<!tpu.dma_semaphore, #tpu.memory_space<semaphore_mem>>) src(%dma_wait3A_808 : memref<128x16xf32, #tpu.memory_space<vmem>>) dst(%dma_wait3A_814 : memref<10240x16xf32, #tpu.memory_space<vmem_shared>>)
        %dma_wait3A_815 = arith.constant 1 : i32
        %dma_wait3A_816 = arith.constant 128 : i32
        %dma_wait3A_817 = arith.constant 0 : i32
        %dma_wait3A_818 = tpu.memref_slice %arg21[%dma_wait3A_816, %dma_wait3A_817] : memref<256x16xf32, #tpu.memory_space<vmem>> -> memref<128x16xf32, #tpu.memory_space<vmem>>
        %dma_wait3A_819 = arith.constant 0 : i32
        %dma_wait3A_820 = tpu.memref_slice %arg18[%dma_wait3A_815, %dma_wait3A_819] : memref<2x128xi32, #tpu.memory_space<vmem>> -> memref<1x128xi32, #tpu.memory_space<vmem>>
        %dma_wait3A_821 = tpu.memref_squeeze %dma_wait3A_820 : memref<1x128xi32, #tpu.memory_space<vmem>> -> memref<128xi32, #tpu.memory_space<vmem>>
        %dma_wait3A_822 = arith.constant 0 : i32
        %dma_wait3A_823 = arith.constant 0 : i32
        %dma_wait3A_824 = tpu.memref_slice %arg26[%dma_wait3A_822, %dma_wait3A_823] : memref<10240x16xf32, #tpu.memory_space<vmem_shared>> -> memref<10240x16xf32, #tpu.memory_space<vmem_shared>>
        tpu.wait_indirect_dma semaphore(%arg32 : memref<!tpu.dma_semaphore, #tpu.memory_space<semaphore_mem>>) src(%dma_wait3A_818 : memref<128x16xf32, #tpu.memory_space<vmem>>) dst(%dma_wait3A_824 : memref<10240x16xf32, #tpu.memory_space<vmem_shared>>)
      } else {
      }
      %ge3A_188 = arith.constant 1 : i32
      %ge3A_189 = arith.cmpi sge, %scan3A_180, %ge3A_188 : i32
      %convert_element_type3A_190 = arith.extui %ge3A_189 : i1 to i32
      %cond3A_191 = arith.constant 0 : i32
      %cond3A_192 = arith.cmpi ne, %convert_element_type3A_190, %cond3A_191 : i32
      scf.if %cond3A_192 {
        %dma_wait3A_785 = arith.constant 0 : i32
        %dma_wait3A_786 = arith.constant 0 : i32
        %dma_wait3A_787 = tpu.memref_slice %arg2[%dma_wait3A_785, %dma_wait3A_786] : memref<2560x128xi32, #tpu.memory_space<hbm>> -> memref<2x128xi32, #tpu.memory_space<hbm>>
        %dma_wait3A_788 = arith.constant 0 : i32
        %dma_wait3A_789 = arith.constant 0 : i32
        %dma_wait3A_790 = tpu.memref_slice %arg2[%dma_wait3A_788, %dma_wait3A_789] : memref<2560x128xi32, #tpu.memory_space<hbm>> -> memref<2x128xi32, #tpu.memory_space<hbm>>
        tpu.wait_dma2 semaphore(%arg30 : memref<!tpu.dma_semaphore, #tpu.memory_space<semaphore_mem>>) src(%dma_wait3A_790 : memref<2x128xi32, #tpu.memory_space<hbm>>) dst(%arg16 : memref<2x128xi32, #tpu.memory_space<vmem>>)
        %dma_wait3A_791 = arith.constant 0 : i32
        %dma_wait3A_792 = arith.constant 0 : i32
        %dma_wait3A_793 = tpu.memref_slice %arg3[%dma_wait3A_791, %dma_wait3A_792] : memref<2560x128xi32, #tpu.memory_space<hbm>> -> memref<2x128xi32, #tpu.memory_space<hbm>>
        %dma_wait3A_794 = arith.constant 0 : i32
        %dma_wait3A_795 = arith.constant 0 : i32
        %dma_wait3A_796 = tpu.memref_slice %arg3[%dma_wait3A_794, %dma_wait3A_795] : memref<2560x128xi32, #tpu.memory_space<hbm>> -> memref<2x128xi32, #tpu.memory_space<hbm>>
        tpu.wait_dma2 semaphore(%arg30 : memref<!tpu.dma_semaphore, #tpu.memory_space<semaphore_mem>>) src(%dma_wait3A_796 : memref<2x128xi32, #tpu.memory_space<hbm>>) dst(%arg17 : memref<2x128xi32, #tpu.memory_space<vmem>>)
      } else {
      }
      %dma_start3A_193 = arith.constant 0 : i32
      %dma_start3A_194 = arith.constant 0 : i32
      %dma_start3A_195 = arith.constant 0 : i32
      %dma_start3A_196 = tpu.memref_slice %arg19[%dma_start3A_194, %dma_start3A_195] : memref<256x16xf32, #tpu.memory_space<vmem>> -> memref<128x16xf32, #tpu.memory_space<vmem>>
      %dma_start3A_197 = arith.constant 0 : i32
      %dma_start3A_198 = tpu.memref_slice %arg16[%dma_start3A_193, %dma_start3A_197] : memref<2x128xi32, #tpu.memory_space<vmem>> -> memref<1x128xi32, #tpu.memory_space<vmem>>
      %dma_start3A_199 = tpu.memref_squeeze %dma_start3A_198 : memref<1x128xi32, #tpu.memory_space<vmem>> -> memref<128xi32, #tpu.memory_space<vmem>>
      %dma_start3A_200 = arith.constant 0 : i32
      %dma_start3A_201 = arith.constant 0 : i32
      %dma_start3A_202 = tpu.memref_slice %arg5[%dma_start3A_200, %dma_start3A_201] : memref<10240x16xf32, #tpu.memory_space<hbm>> -> memref<10240x16xf32, #tpu.memory_space<hbm>>
      tpu.enqueue_indirect_dma source(%dma_start3A_202 : memref<10240x16xf32, #tpu.memory_space<hbm>>) target(%dma_start3A_196 : memref<128x16xf32, #tpu.memory_space<vmem>>) offsets(%dma_start3A_199 : memref<128xi32, #tpu.memory_space<vmem>>) semaphore(%arg28 : memref<!tpu.dma_semaphore, #tpu.memory_space<semaphore_mem>>)
      %dma_start3A_203 = arith.constant 0 : i32
      %dma_start3A_204 = arith.constant 0 : i32
      %dma_start3A_205 = arith.constant 0 : i32
      %dma_start3A_206 = tpu.memref_slice %arg20[%dma_start3A_204, %dma_start3A_205] : memref<256x16xf32, #tpu.memory_space<vmem>> -> memref<128x16xf32, #tpu.memory_space<vmem>>
      %dma_start3A_207 = arith.constant 0 : i32
      %dma_start3A_208 = tpu.memref_slice %arg17[%dma_start3A_203, %dma_start3A_207] : memref<2x128xi32, #tpu.memory_space<vmem>> -> memref<1x128xi32, #tpu.memory_space<vmem>>
      %dma_start3A_209 = tpu.memref_squeeze %dma_start3A_208 : memref<1x128xi32, #tpu.memory_space<vmem>> -> memref<128xi32, #tpu.memory_space<vmem>>
      %dma_start3A_210 = arith.constant 0 : i32
      %dma_start3A_211 = arith.constant 0 : i32
      %dma_start3A_212 = tpu.memref_slice %arg6[%dma_start3A_210, %dma_start3A_211] : memref<10240x16xf32, #tpu.memory_space<hbm>> -> memref<10240x16xf32, #tpu.memory_space<hbm>>
      tpu.enqueue_indirect_dma source(%dma_start3A_212 : memref<10240x16xf32, #tpu.memory_space<hbm>>) target(%dma_start3A_206 : memref<128x16xf32, #tpu.memory_space<vmem>>) offsets(%dma_start3A_209 : memref<128xi32, #tpu.memory_space<vmem>>) semaphore(%arg28 : memref<!tpu.dma_semaphore, #tpu.memory_space<semaphore_mem>>)
      %dma_start3A_213 = arith.constant 0 : i32
      %dma_start3A_214 = arith.constant 0 : i32
      %dma_start3A_215 = arith.constant 0 : i32
      %dma_start3A_216 = tpu.memref_slice %arg22[%dma_start3A_214, %dma_start3A_215] : memref<256x16xf32, #tpu.memory_space<vmem>> -> memref<128x16xf32, #tpu.memory_space<vmem>>
      %dma_start3A_217 = arith.constant 0 : i32
      %dma_start3A_218 = tpu.memref_slice %arg16[%dma_start3A_213, %dma_start3A_217] : memref<2x128xi32, #tpu.memory_space<vmem>> -> memref<1x128xi32, #tpu.memory_space<vmem>>
      %dma_start3A_219 = tpu.memref_squeeze %dma_start3A_218 : memref<1x128xi32, #tpu.memory_space<vmem>> -> memref<128xi32, #tpu.memory_space<vmem>>
      %dma_start3A_220 = arith.constant 0 : i32
      %dma_start3A_221 = arith.constant 0 : i32
      %dma_start3A_222 = tpu.memref_slice %arg4[%dma_start3A_220, %dma_start3A_221] : memref<10240x16xf32, #tpu.memory_space<hbm>> -> memref<10240x16xf32, #tpu.memory_space<hbm>>
      tpu.enqueue_indirect_dma source(%dma_start3A_222 : memref<10240x16xf32, #tpu.memory_space<hbm>>) target(%dma_start3A_216 : memref<128x16xf32, #tpu.memory_space<vmem>>) offsets(%dma_start3A_219 : memref<128xi32, #tpu.memory_space<vmem>>) semaphore(%arg28 : memref<!tpu.dma_semaphore, #tpu.memory_space<semaphore_mem>>)
      %dma_start3A_223 = arith.constant 1 : i32
      %dma_start3A_224 = arith.constant 128 : i32
      %dma_start3A_225 = arith.constant 0 : i32
      %dma_start3A_226 = tpu.memref_slice %arg19[%dma_start3A_224, %dma_start3A_225] : memref<256x16xf32, #tpu.memory_space<vmem>> -> memref<128x16xf32, #tpu.memory_space<vmem>>
      %dma_start3A_227 = arith.constant 0 : i32
      %dma_start3A_228 = tpu.memref_slice %arg16[%dma_start3A_223, %dma_start3A_227] : memref<2x128xi32, #tpu.memory_space<vmem>> -> memref<1x128xi32, #tpu.memory_space<vmem>>
      %dma_start3A_229 = tpu.memref_squeeze %dma_start3A_228 : memref<1x128xi32, #tpu.memory_space<vmem>> -> memref<128xi32, #tpu.memory_space<vmem>>
      %dma_start3A_230 = arith.constant 0 : i32
      %dma_start3A_231 = arith.constant 0 : i32
      %dma_start3A_232 = tpu.memref_slice %arg5[%dma_start3A_230, %dma_start3A_231] : memref<10240x16xf32, #tpu.memory_space<hbm>> -> memref<10240x16xf32, #tpu.memory_space<hbm>>
      tpu.enqueue_indirect_dma source(%dma_start3A_232 : memref<10240x16xf32, #tpu.memory_space<hbm>>) target(%dma_start3A_226 : memref<128x16xf32, #tpu.memory_space<vmem>>) offsets(%dma_start3A_229 : memref<128xi32, #tpu.memory_space<vmem>>) semaphore(%arg28 : memref<!tpu.dma_semaphore, #tpu.memory_space<semaphore_mem>>)
      %dma_start3A_233 = arith.constant 1 : i32
      %dma_start3A_234 = arith.constant 128 : i32
      %dma_start3A_235 = arith.constant 0 : i32
      %dma_start3A_236 = tpu.memref_slice %arg20[%dma_start3A_234, %dma_start3A_235] : memref<256x16xf32, #tpu.memory_space<vmem>> -> memref<128x16xf32, #tpu.memory_space<vmem>>
      %dma_start3A_237 = arith.constant 0 : i32
      %dma_start3A_238 = tpu.memref_slice %arg17[%dma_start3A_233, %dma_start3A_237] : memref<2x128xi32, #tpu.memory_space<vmem>> -> memref<1x128xi32, #tpu.memory_space<vmem>>
      %dma_start3A_239 = tpu.memref_squeeze %dma_start3A_238 : memref<1x128xi32, #tpu.memory_space<vmem>> -> memref<128xi32, #tpu.memory_space<vmem>>
      %dma_start3A_240 = arith.constant 0 : i32
      %dma_start3A_241 = arith.constant 0 : i32
      %dma_start3A_242 = tpu.memref_slice %arg6[%dma_start3A_240, %dma_start3A_241] : memref<10240x16xf32, #tpu.memory_space<hbm>> -> memref<10240x16xf32, #tpu.memory_space<hbm>>
      tpu.enqueue_indirect_dma source(%dma_start3A_242 : memref<10240x16xf32, #tpu.memory_space<hbm>>) target(%dma_start3A_236 : memref<128x16xf32, #tpu.memory_space<vmem>>) offsets(%dma_start3A_239 : memref<128xi32, #tpu.memory_space<vmem>>) semaphore(%arg28 : memref<!tpu.dma_semaphore, #tpu.memory_space<semaphore_mem>>)
      %dma_start3A_243 = arith.constant 1 : i32
      %dma_start3A_244 = arith.constant 128 : i32
      %dma_start3A_245 = arith.constant 0 : i32
      %dma_start3A_246 = tpu.memref_slice %arg22[%dma_start3A_244, %dma_start3A_245] : memref<256x16xf32, #tpu.memory_space<vmem>> -> memref<128x16xf32, #tpu.memory_space<vmem>>
      %dma_start3A_247 = arith.constant 0 : i32
      %dma_start3A_248 = tpu.memref_slice %arg16[%dma_start3A_243, %dma_start3A_247] : memref<2x128xi32, #tpu.memory_space<vmem>> -> memref<1x128xi32, #tpu.memory_space<vmem>>
      %dma_start3A_249 = tpu.memref_squeeze %dma_start3A_248 : memref<1x128xi32, #tpu.memory_space<vmem>> -> memref<128xi32, #tpu.memory_space<vmem>>
      %dma_start3A_250 = arith.constant 0 : i32
      %dma_start3A_251 = arith.constant 0 : i32
      %dma_start3A_252 = tpu.memref_slice %arg4[%dma_start3A_250, %dma_start3A_251] : memref<10240x16xf32, #tpu.memory_space<hbm>> -> memref<10240x16xf32, #tpu.memory_space<hbm>>
      tpu.enqueue_indirect_dma source(%dma_start3A_252 : memref<10240x16xf32, #tpu.memory_space<hbm>>) target(%dma_start3A_246 : memref<128x16xf32, #tpu.memory_space<vmem>>) offsets(%dma_start3A_249 : memref<128xi32, #tpu.memory_space<vmem>>) semaphore(%arg28 : memref<!tpu.dma_semaphore, #tpu.memory_space<semaphore_mem>>)
      %dma_wait3A_253 = arith.constant 0 : i32
      %dma_wait3A_254 = arith.constant 0 : i32
      %dma_wait3A_255 = arith.constant 0 : i32
      %dma_wait3A_256 = tpu.memref_slice %arg12[%dma_wait3A_254, %dma_wait3A_255] : memref<256x16xf32, #tpu.memory_space<vmem>> -> memref<128x16xf32, #tpu.memory_space<vmem>>
      %dma_wait3A_257 = arith.constant 0 : i32
      %dma_wait3A_258 = tpu.memref_slice %arg9[%dma_wait3A_253, %dma_wait3A_257] : memref<2x128xi32, #tpu.memory_space<vmem>> -> memref<1x128xi32, #tpu.memory_space<vmem>>
      %dma_wait3A_259 = tpu.memref_squeeze %dma_wait3A_258 : memref<1x128xi32, #tpu.memory_space<vmem>> -> memref<128xi32, #tpu.memory_space<vmem>>
      %dma_wait3A_260 = arith.constant 0 : i32
      %dma_wait3A_261 = arith.constant 0 : i32
      %dma_wait3A_262 = tpu.memref_slice %arg5[%dma_wait3A_260, %dma_wait3A_261] : memref<10240x16xf32, #tpu.memory_space<hbm>> -> memref<10240x16xf32, #tpu.memory_space<hbm>>
      tpu.wait_indirect_dma semaphore(%arg27 : memref<!tpu.dma_semaphore, #tpu.memory_space<semaphore_mem>>) src(%dma_wait3A_262 : memref<10240x16xf32, #tpu.memory_space<hbm>>) dst(%dma_wait3A_256 : memref<128x16xf32, #tpu.memory_space<vmem>>)
      %dma_wait3A_263 = arith.constant 0 : i32
      %dma_wait3A_264 = arith.constant 0 : i32
      %dma_wait3A_265 = arith.constant 0 : i32
      %dma_wait3A_266 = tpu.memref_slice %arg13[%dma_wait3A_264, %dma_wait3A_265] : memref<256x16xf32, #tpu.memory_space<vmem>> -> memref<128x16xf32, #tpu.memory_space<vmem>>
      %dma_wait3A_267 = arith.constant 0 : i32
      %dma_wait3A_268 = tpu.memref_slice %arg10[%dma_wait3A_263, %dma_wait3A_267] : memref<2x128xi32, #tpu.memory_space<vmem>> -> memref<1x128xi32, #tpu.memory_space<vmem>>
      %dma_wait3A_269 = tpu.memref_squeeze %dma_wait3A_268 : memref<1x128xi32, #tpu.memory_space<vmem>> -> memref<128xi32, #tpu.memory_space<vmem>>
      %dma_wait3A_270 = arith.constant 0 : i32
      %dma_wait3A_271 = arith.constant 0 : i32
      %dma_wait3A_272 = tpu.memref_slice %arg6[%dma_wait3A_270, %dma_wait3A_271] : memref<10240x16xf32, #tpu.memory_space<hbm>> -> memref<10240x16xf32, #tpu.memory_space<hbm>>
      tpu.wait_indirect_dma semaphore(%arg27 : memref<!tpu.dma_semaphore, #tpu.memory_space<semaphore_mem>>) src(%dma_wait3A_272 : memref<10240x16xf32, #tpu.memory_space<hbm>>) dst(%dma_wait3A_266 : memref<128x16xf32, #tpu.memory_space<vmem>>)
      %dma_wait3A_273 = arith.constant 0 : i32
      %dma_wait3A_274 = arith.constant 0 : i32
      %dma_wait3A_275 = arith.constant 0 : i32
      %dma_wait3A_276 = tpu.memref_slice %arg15[%dma_wait3A_274, %dma_wait3A_275] : memref<256x16xf32, #tpu.memory_space<vmem>> -> memref<128x16xf32, #tpu.memory_space<vmem>>
      %dma_wait3A_277 = arith.constant 0 : i32
      %dma_wait3A_278 = tpu.memref_slice %arg9[%dma_wait3A_273, %dma_wait3A_277] : memref<2x128xi32, #tpu.memory_space<vmem>> -> memref<1x128xi32, #tpu.memory_space<vmem>>
      %dma_wait3A_279 = tpu.memref_squeeze %dma_wait3A_278 : memref<1x128xi32, #tpu.memory_space<vmem>> -> memref<128xi32, #tpu.memory_space<vmem>>
      %dma_wait3A_280 = arith.constant 0 : i32
      %dma_wait3A_281 = arith.constant 0 : i32
      %dma_wait3A_282 = tpu.memref_slice %arg4[%dma_wait3A_280, %dma_wait3A_281] : memref<10240x16xf32, #tpu.memory_space<hbm>> -> memref<10240x16xf32, #tpu.memory_space<hbm>>
      tpu.wait_indirect_dma semaphore(%arg27 : memref<!tpu.dma_semaphore, #tpu.memory_space<semaphore_mem>>) src(%dma_wait3A_282 : memref<10240x16xf32, #tpu.memory_space<hbm>>) dst(%dma_wait3A_276 : memref<128x16xf32, #tpu.memory_space<vmem>>)
      %dma_wait3A_283 = arith.constant 1 : i32
      %dma_wait3A_284 = arith.constant 128 : i32
      %dma_wait3A_285 = arith.constant 0 : i32
      %dma_wait3A_286 = tpu.memref_slice %arg12[%dma_wait3A_284, %dma_wait3A_285] : memref<256x16xf32, #tpu.memory_space<vmem>> -> memref<128x16xf32, #tpu.memory_space<vmem>>
      %dma_wait3A_287 = arith.constant 0 : i32
      %dma_wait3A_288 = tpu.memref_slice %arg9[%dma_wait3A_283, %dma_wait3A_287] : memref<2x128xi32, #tpu.memory_space<vmem>> -> memref<1x128xi32, #tpu.memory_space<vmem>>
      %dma_wait3A_289 = tpu.memref_squeeze %dma_wait3A_288 : memref<1x128xi32, #tpu.memory_space<vmem>> -> memref<128xi32, #tpu.memory_space<vmem>>
      %dma_wait3A_290 = arith.constant 0 : i32
      %dma_wait3A_291 = arith.constant 0 : i32
      %dma_wait3A_292 = tpu.memref_slice %arg5[%dma_wait3A_290, %dma_wait3A_291] : memref<10240x16xf32, #tpu.memory_space<hbm>> -> memref<10240x16xf32, #tpu.memory_space<hbm>>
      tpu.wait_indirect_dma semaphore(%arg27 : memref<!tpu.dma_semaphore, #tpu.memory_space<semaphore_mem>>) src(%dma_wait3A_292 : memref<10240x16xf32, #tpu.memory_space<hbm>>) dst(%dma_wait3A_286 : memref<128x16xf32, #tpu.memory_space<vmem>>)
      %dma_wait3A_293 = arith.constant 1 : i32
      %dma_wait3A_294 = arith.constant 128 : i32
      %dma_wait3A_295 = arith.constant 0 : i32
      %dma_wait3A_296 = tpu.memref_slice %arg13[%dma_wait3A_294, %dma_wait3A_295] : memref<256x16xf32, #tpu.memory_space<vmem>> -> memref<128x16xf32, #tpu.memory_space<vmem>>
      %dma_wait3A_297 = arith.constant 0 : i32
      %dma_wait3A_298 = tpu.memref_slice %arg10[%dma_wait3A_293, %dma_wait3A_297] : memref<2x128xi32, #tpu.memory_space<vmem>> -> memref<1x128xi32, #tpu.memory_space<vmem>>
      %dma_wait3A_299 = tpu.memref_squeeze %dma_wait3A_298 : memref<1x128xi32, #tpu.memory_space<vmem>> -> memref<128xi32, #tpu.memory_space<vmem>>
      %dma_wait3A_300 = arith.constant 0 : i32
      %dma_wait3A_301 = arith.constant 0 : i32
      %dma_wait3A_302 = tpu.memref_slice %arg6[%dma_wait3A_300, %dma_wait3A_301] : memref<10240x16xf32, #tpu.memory_space<hbm>> -> memref<10240x16xf32, #tpu.memory_space<hbm>>
      tpu.wait_indirect_dma semaphore(%arg27 : memref<!tpu.dma_semaphore, #tpu.memory_space<semaphore_mem>>) src(%dma_wait3A_302 : memref<10240x16xf32, #tpu.memory_space<hbm>>) dst(%dma_wait3A_296 : memref<128x16xf32, #tpu.memory_space<vmem>>)
      %dma_wait3A_303 = arith.constant 1 : i32
      %dma_wait3A_304 = arith.constant 128 : i32
      %dma_wait3A_305 = arith.constant 0 : i32
      %dma_wait3A_306 = tpu.memref_slice %arg15[%dma_wait3A_304, %dma_wait3A_305] : memref<256x16xf32, #tpu.memory_space<vmem>> -> memref<128x16xf32, #tpu.memory_space<vmem>>
      %dma_wait3A_307 = arith.constant 0 : i32
      %dma_wait3A_308 = tpu.memref_slice %arg9[%dma_wait3A_303, %dma_wait3A_307] : memref<2x128xi32, #tpu.memory_space<vmem>> -> memref<1x128xi32, #tpu.memory_space<vmem>>
      %dma_wait3A_309 = tpu.memref_squeeze %dma_wait3A_308 : memref<1x128xi32, #tpu.memory_space<vmem>> -> memref<128xi32, #tpu.memory_space<vmem>>
      %dma_wait3A_310 = arith.constant 0 : i32
      %dma_wait3A_311 = arith.constant 0 : i32
      %dma_wait3A_312 = tpu.memref_slice %arg4[%dma_wait3A_310, %dma_wait3A_311] : memref<10240x16xf32, #tpu.memory_space<hbm>> -> memref<10240x16xf32, #tpu.memory_space<hbm>>
      tpu.wait_indirect_dma semaphore(%arg27 : memref<!tpu.dma_semaphore, #tpu.memory_space<semaphore_mem>>) src(%dma_wait3A_312 : memref<10240x16xf32, #tpu.memory_space<hbm>>) dst(%dma_wait3A_306 : memref<128x16xf32, #tpu.memory_space<vmem>>)
      %get3A = arith.constant 0 : i32
      %get3A_313 = arith.index_cast %get3A : i32 to index
      %get3A_314 = arith.constant 0 : index
      %get3A_315 = tpu.vector_load %arg10[%get3A_313, %get3A_314] {strides = array<i32>} : memref<2x128xi32, #tpu.memory_space<vmem>>, vector<16xi32>,
      %swap3A = arith.constant 0 : i32
      %swap3A_316 = arith.index_cast %swap3A : i32 to index
      %swap3A_317 = arith.constant 0 : index
      %swap3A_318 = tpu.vector_load %arg11[%swap3A_316, %swap3A_317] {strides = array<i32>} : memref<2x128xi32, #tpu.memory_space<vmem>>, vector<16xi32>,
      tpu.vector_store %arg11[%swap3A_316, %swap3A_317], %get3A_315 {strides = array<i32>} : memref<2x128xi32, #tpu.memory_space<vmem>>, vector<16xi32>,
      %get3A_319 = arith.constant 0 : i32
      %get3A_320 = arith.index_cast %get3A_319 : i32 to index
      %get3A_321 = arith.constant 16 : index
      %get3A_322 = tpu.vector_load %arg10[%get3A_320, %get3A_321] {strides = array<i32>} : memref<2x128xi32, #tpu.memory_space<vmem>>, vector<16xi32>,
      %swap3A_323 = arith.constant 0 : i32
      %swap3A_324 = arith.index_cast %swap3A_323 : i32 to index
      %swap3A_325 = arith.constant 16 : index
      %swap3A_326 = tpu.vector_load %arg11[%swap3A_324, %swap3A_325] {strides = array<i32>} : memref<2x128xi32, #tpu.memory_space<vmem>>, vector<16xi32>,
      tpu.vector_store %arg11[%swap3A_324, %swap3A_325], %get3A_322 {strides = array<i32>} : memref<2x128xi32, #tpu.memory_space<vmem>>, vector<16xi32>,
      %get3A_327 = arith.constant 0 : i32
      %get3A_328 = arith.index_cast %get3A_327 : i32 to index
      %get3A_329 = arith.constant 32 : index
      %get3A_330 = tpu.vector_load %arg10[%get3A_328, %get3A_329] {strides = array<i32>} : memref<2x128xi32, #tpu.memory_space<vmem>>, vector<16xi32>,
      %swap3A_331 = arith.constant 0 : i32
      %swap3A_332 = arith.index_cast %swap3A_331 : i32 to index
      %swap3A_333 = arith.constant 32 : index
      %swap3A_334 = tpu.vector_load %arg11[%swap3A_332, %swap3A_333] {strides = array<i32>} : memref<2x128xi32, #tpu.memory_space<vmem>>, vector<16xi32>,
      tpu.vector_store %arg11[%swap3A_332, %swap3A_333], %get3A_330 {strides = array<i32>} : memref<2x128xi32, #tpu.memory_space<vmem>>, vector<16xi32>,
      %get3A_335 = arith.constant 0 : i32
      %get3A_336 = arith.index_cast %get3A_335 : i32 to index
      %get3A_337 = arith.constant 48 : index
      %get3A_338 = tpu.vector_load %arg10[%get3A_336, %get3A_337] {strides = array<i32>} : memref<2x128xi32, #tpu.memory_space<vmem>>, vector<16xi32>,
      %swap3A_339 = arith.constant 0 : i32
      %swap3A_340 = arith.index_cast %swap3A_339 : i32 to index
      %swap3A_341 = arith.constant 48 : index
      %swap3A_342 = tpu.vector_load %arg11[%swap3A_340, %swap3A_341] {strides = array<i32>} : memref<2x128xi32, #tpu.memory_space<vmem>>, vector<16xi32>,
      tpu.vector_store %arg11[%swap3A_340, %swap3A_341], %get3A_338 {strides = array<i32>} : memref<2x128xi32, #tpu.memory_space<vmem>>, vector<16xi32>,
      %get3A_343 = arith.constant 0 : i32
      %get3A_344 = arith.index_cast %get3A_343 : i32 to index
      %get3A_345 = arith.constant 64 : index
      %get3A_346 = tpu.vector_load %arg10[%get3A_344, %get3A_345] {strides = array<i32>} : memref<2x128xi32, #tpu.memory_space<vmem>>, vector<16xi32>,
      %swap3A_347 = arith.constant 0 : i32
      %swap3A_348 = arith.index_cast %swap3A_347 : i32 to index
      %swap3A_349 = arith.constant 64 : index
      %swap3A_350 = tpu.vector_load %arg11[%swap3A_348, %swap3A_349] {strides = array<i32>} : memref<2x128xi32, #tpu.memory_space<vmem>>, vector<16xi32>,
      tpu.vector_store %arg11[%swap3A_348, %swap3A_349], %get3A_346 {strides = array<i32>} : memref<2x128xi32, #tpu.memory_space<vmem>>, vector<16xi32>,
      %get3A_351 = arith.constant 0 : i32
      %get3A_352 = arith.index_cast %get3A_351 : i32 to index
      %get3A_353 = arith.constant 80 : index
      %get3A_354 = tpu.vector_load %arg10[%get3A_352, %get3A_353] {strides = array<i32>} : memref<2x128xi32, #tpu.memory_space<vmem>>, vector<16xi32>,
      %swap3A_355 = arith.constant 0 : i32
      %swap3A_356 = arith.index_cast %swap3A_355 : i32 to index
      %swap3A_357 = arith.constant 80 : index
      %swap3A_358 = tpu.vector_load %arg11[%swap3A_356, %swap3A_357] {strides = array<i32>} : memref<2x128xi32, #tpu.memory_space<vmem>>, vector<16xi32>,
      tpu.vector_store %arg11[%swap3A_356, %swap3A_357], %get3A_354 {strides = array<i32>} : memref<2x128xi32, #tpu.memory_space<vmem>>, vector<16xi32>,
      %get3A_359 = arith.constant 0 : i32
      %get3A_360 = arith.index_cast %get3A_359 : i32 to index
      %get3A_361 = arith.constant 96 : index
      %get3A_362 = tpu.vector_load %arg10[%get3A_360, %get3A_361] {strides = array<i32>} : memref<2x128xi32, #tpu.memory_space<vmem>>, vector<16xi32>,
      %swap3A_363 = arith.constant 0 : i32
      %swap3A_364 = arith.index_cast %swap3A_363 : i32 to index
      %swap3A_365 = arith.constant 96 : index
      %swap3A_366 = tpu.vector_load %arg11[%swap3A_364, %swap3A_365] {strides = array<i32>} : memref<2x128xi32, #tpu.memory_space<vmem>>, vector<16xi32>,
      tpu.vector_store %arg11[%swap3A_364, %swap3A_365], %get3A_362 {strides = array<i32>} : memref<2x128xi32, #tpu.memory_space<vmem>>, vector<16xi32>,
      %get3A_367 = arith.constant 0 : i32
      %get3A_368 = arith.index_cast %get3A_367 : i32 to index
      %get3A_369 = arith.constant 112 : index
      %get3A_370 = tpu.vector_load %arg10[%get3A_368, %get3A_369] {strides = array<i32>} : memref<2x128xi32, #tpu.memory_space<vmem>>, vector<16xi32>,
      %swap3A_371 = arith.constant 0 : i32
      %swap3A_372 = arith.index_cast %swap3A_371 : i32 to index
      %swap3A_373 = arith.constant 112 : index
      %swap3A_374 = tpu.vector_load %arg11[%swap3A_372, %swap3A_373] {strides = array<i32>} : memref<2x128xi32, #tpu.memory_space<vmem>>, vector<16xi32>,
      tpu.vector_store %arg11[%swap3A_372, %swap3A_373], %get3A_370 {strides = array<i32>} : memref<2x128xi32, #tpu.memory_space<vmem>>, vector<16xi32>,
      %get3A_375 = arith.constant 1 : i32
      %get3A_376 = arith.index_cast %get3A_375 : i32 to index
      %get3A_377 = arith.constant 0 : index
      %get3A_378 = tpu.vector_load %arg10[%get3A_376, %get3A_377] {strides = array<i32>} : memref<2x128xi32, #tpu.memory_space<vmem>>, vector<16xi32>,
      %swap3A_379 = arith.constant 1 : i32
      %swap3A_380 = arith.index_cast %swap3A_379 : i32 to index
      %swap3A_381 = arith.constant 0 : index
      %swap3A_382 = tpu.vector_load %arg11[%swap3A_380, %swap3A_381] {strides = array<i32>} : memref<2x128xi32, #tpu.memory_space<vmem>>, vector<16xi32>,
      tpu.vector_store %arg11[%swap3A_380, %swap3A_381], %get3A_378 {strides = array<i32>} : memref<2x128xi32, #tpu.memory_space<vmem>>, vector<16xi32>,
      %get3A_383 = arith.constant 1 : i32
      %get3A_384 = arith.index_cast %get3A_383 : i32 to index
      %get3A_385 = arith.constant 16 : index
      %get3A_386 = tpu.vector_load %arg10[%get3A_384, %get3A_385] {strides = array<i32>} : memref<2x128xi32, #tpu.memory_space<vmem>>, vector<16xi32>,
      %swap3A_387 = arith.constant 1 : i32
      %swap3A_388 = arith.index_cast %swap3A_387 : i32 to index
      %swap3A_389 = arith.constant 16 : index
      %swap3A_390 = tpu.vector_load %arg11[%swap3A_388, %swap3A_389] {strides = array<i32>} : memref<2x128xi32, #tpu.memory_space<vmem>>, vector<16xi32>,
      tpu.vector_store %arg11[%swap3A_388, %swap3A_389], %get3A_386 {strides = array<i32>} : memref<2x128xi32, #tpu.memory_space<vmem>>, vector<16xi32>,
      %get3A_391 = arith.constant 1 : i32
      %get3A_392 = arith.index_cast %get3A_391 : i32 to index
      %get3A_393 = arith.constant 32 : index
      %get3A_394 = tpu.vector_load %arg10[%get3A_392, %get3A_393] {strides = array<i32>} : memref<2x128xi32, #tpu.memory_space<vmem>>, vector<16xi32>,
      %swap3A_395 = arith.constant 1 : i32
      %swap3A_396 = arith.index_cast %swap3A_395 : i32 to index
      %swap3A_397 = arith.constant 32 : index
      %swap3A_398 = tpu.vector_load %arg11[%swap3A_396, %swap3A_397] {strides = array<i32>} : memref<2x128xi32, #tpu.memory_space<vmem>>, vector<16xi32>,
      tpu.vector_store %arg11[%swap3A_396, %swap3A_397], %get3A_394 {strides = array<i32>} : memref<2x128xi32, #tpu.memory_space<vmem>>, vector<16xi32>,
      %get3A_399 = arith.constant 1 : i32
      %get3A_400 = arith.index_cast %get3A_399 : i32 to index
      %get3A_401 = arith.constant 48 : index
      %get3A_402 = tpu.vector_load %arg10[%get3A_400, %get3A_401] {strides = array<i32>} : memref<2x128xi32, #tpu.memory_space<vmem>>, vector<16xi32>,
      %swap3A_403 = arith.constant 1 : i32
      %swap3A_404 = arith.index_cast %swap3A_403 : i32 to index
      %swap3A_405 = arith.constant 48 : index
      %swap3A_406 = tpu.vector_load %arg11[%swap3A_404, %swap3A_405] {strides = array<i32>} : memref<2x128xi32, #tpu.memory_space<vmem>>, vector<16xi32>,
      tpu.vector_store %arg11[%swap3A_404, %swap3A_405], %get3A_402 {strides = array<i32>} : memref<2x128xi32, #tpu.memory_space<vmem>>, vector<16xi32>,
      %get3A_407 = arith.constant 1 : i32
      %get3A_408 = arith.index_cast %get3A_407 : i32 to index
      %get3A_409 = arith.constant 64 : index
      %get3A_410 = tpu.vector_load %arg10[%get3A_408, %get3A_409] {strides = array<i32>} : memref<2x128xi32, #tpu.memory_space<vmem>>, vector<16xi32>,
      %swap3A_411 = arith.constant 1 : i32
      %swap3A_412 = arith.index_cast %swap3A_411 : i32 to index
      %swap3A_413 = arith.constant 64 : index
      %swap3A_414 = tpu.vector_load %arg11[%swap3A_412, %swap3A_413] {strides = array<i32>} : memref<2x128xi32, #tpu.memory_space<vmem>>, vector<16xi32>,
      tpu.vector_store %arg11[%swap3A_412, %swap3A_413], %get3A_410 {strides = array<i32>} : memref<2x128xi32, #tpu.memory_space<vmem>>, vector<16xi32>,
      %get3A_415 = arith.constant 1 : i32
      %get3A_416 = arith.index_cast %get3A_415 : i32 to index
      %get3A_417 = arith.constant 80 : index
      %get3A_418 = tpu.vector_load %arg10[%get3A_416, %get3A_417] {strides = array<i32>} : memref<2x128xi32, #tpu.memory_space<vmem>>, vector<16xi32>,
      %swap3A_419 = arith.constant 1 : i32
      %swap3A_420 = arith.index_cast %swap3A_419 : i32 to index
      %swap3A_421 = arith.constant 80 : index
      %swap3A_422 = tpu.vector_load %arg11[%swap3A_420, %swap3A_421] {strides = array<i32>} : memref<2x128xi32, #tpu.memory_space<vmem>>, vector<16xi32>,
      tpu.vector_store %arg11[%swap3A_420, %swap3A_421], %get3A_418 {strides = array<i32>} : memref<2x128xi32, #tpu.memory_space<vmem>>, vector<16xi32>,
      %get3A_423 = arith.constant 1 : i32
      %get3A_424 = arith.index_cast %get3A_423 : i32 to index
      %get3A_425 = arith.constant 96 : index
      %get3A_426 = tpu.vector_load %arg10[%get3A_424, %get3A_425] {strides = array<i32>} : memref<2x128xi32, #tpu.memory_space<vmem>>, vector<16xi32>,
      %swap3A_427 = arith.constant 1 : i32
      %swap3A_428 = arith.index_cast %swap3A_427 : i32 to index
      %swap3A_429 = arith.constant 96 : index
      %swap3A_430 = tpu.vector_load %arg11[%swap3A_428, %swap3A_429] {strides = array<i32>} : memref<2x128xi32, #tpu.memory_space<vmem>>, vector<16xi32>,
      tpu.vector_store %arg11[%swap3A_428, %swap3A_429], %get3A_426 {strides = array<i32>} : memref<2x128xi32, #tpu.memory_space<vmem>>, vector<16xi32>,
      %get3A_431 = arith.constant 1 : i32
      %get3A_432 = arith.index_cast %get3A_431 : i32 to index
      %get3A_433 = arith.constant 112 : index
      %get3A_434 = tpu.vector_load %arg10[%get3A_432, %get3A_433] {strides = array<i32>} : memref<2x128xi32, #tpu.memory_space<vmem>>, vector<16xi32>,
      %swap3A_435 = arith.constant 1 : i32
      %swap3A_436 = arith.index_cast %swap3A_435 : i32 to index
      %swap3A_437 = arith.constant 112 : index
      %swap3A_438 = tpu.vector_load %arg11[%swap3A_436, %swap3A_437] {strides = array<i32>} : memref<2x128xi32, #tpu.memory_space<vmem>>, vector<16xi32>,
      tpu.vector_store %arg11[%swap3A_436, %swap3A_437], %get3A_434 {strides = array<i32>} : memref<2x128xi32, #tpu.memory_space<vmem>>, vector<16xi32>,
      %lt3A = arith.constant 19 : i32
      %lt3A_439 = arith.cmpi slt, %scan3A_180, %lt3A : i32
      %convert_element_type3A_440 = arith.extui %lt3A_439 : i1 to i32
      %cond3A_441 = arith.constant 0 : i32
      %cond3A_442 = arith.cmpi ne, %convert_element_type3A_440, %cond3A_441 : i32
      scf.if %cond3A_442 {
        %add3A_785 = arith.constant 2 : i32
        %add3A_786 = arith.addi %add3A_185, %add3A_785 : i32
        %mul3A_787 = arith.constant 80 : i32
        %mul3A_788 = arith.muli %add3A, %mul3A_787 : i32
        %mul3A_789 = arith.constant 2 : i32
        %mul3A_790 = arith.muli %add3A_786, %mul3A_789 : i32
        %add3A_791 = arith.addi %mul3A_788, %mul3A_790 : i32
        %dma_start3A_792 = arith.constant 0 : i32
        %dma_start3A_793 = tpu.memref_slice %arg2[%add3A_791, %dma_start3A_792] : memref<2560x128xi32, #tpu.memory_space<hbm>> -> memref<2x128xi32, #tpu.memory_space<hbm>>
        %dma_start3A_794 = arith.constant 0 : i32
        %dma_start3A_795 = tpu.memref_slice %arg2[%add3A_791, %dma_start3A_794] : memref<2560x128xi32, #tpu.memory_space<hbm>> -> memref<2x128xi32, #tpu.memory_space<hbm>>
        tpu.enqueue_dma source(%dma_start3A_795 : memref<2x128xi32, #tpu.memory_space<hbm>>) target(%arg9 : memref<2x128xi32, #tpu.memory_space<vmem>>) target_semaphore(%arg29 : memref<!tpu.dma_semaphore, #tpu.memory_space<semaphore_mem>>)
        %dma_start3A_796 = arith.constant 0 : i32
        %dma_start3A_797 = tpu.memref_slice %arg3[%add3A_791, %dma_start3A_796] : memref<2560x128xi32, #tpu.memory_space<hbm>> -> memref<2x128xi32, #tpu.memory_space<hbm>>
        %dma_start3A_798 = arith.constant 0 : i32
        %dma_start3A_799 = tpu.memref_slice %arg3[%add3A_791, %dma_start3A_798] : memref<2560x128xi32, #tpu.memory_space<hbm>> -> memref<2x128xi32, #tpu.memory_space<hbm>>
        tpu.enqueue_dma source(%dma_start3A_799 : memref<2x128xi32, #tpu.memory_space<hbm>>) target(%arg10 : memref<2x128xi32, #tpu.memory_space<vmem>>) target_semaphore(%arg29 : memref<!tpu.dma_semaphore, #tpu.memory_space<semaphore_mem>>)
      } else {
      }
      %scan3A_443 = arith.constant 0 : i32
      %scan3A_444 = arith.constant 0 : i32
      %scan3A_445 = arith.constant 128 : i32
      %scan3A_446 = arith.addi %scan3A_444, %scan3A_445 : i32
      %scan3A_447 = arith.constant 1 : i32
      %scan3A_448 = scf.for %scan3A_785 = %scan3A_444 to %scan3A_446 step %scan3A_447 iter_args(%scan3A_786 = %scan3A_443) -> (i32)  : i32 {
        %mul3A_787 = arith.constant 2 : i32
        %mul3A_788 = arith.muli %scan3A_785, %mul3A_787 : i32
        %add3A_789 = arith.constant 0 : i32
        %add3A_790 = arith.addi %mul3A_788, %add3A_789 : i32
        %get3A_791 = arith.index_cast %add3A_790 : i32 to index
        %get3A_792 = arith.constant 0 : index
        %get3A_793 = tpu.vector_load %arg12[%get3A_791, %get3A_792] {strides = array<i32>} : memref<256x16xf32, #tpu.memory_space<vmem>>, vector<16xf32>,
        %get3A_794 = arith.index_cast %add3A_790 : i32 to index
        %get3A_795 = arith.constant 0 : index
        %get3A_796 = tpu.vector_load %arg13[%get3A_794, %get3A_795] {strides = array<i32>} : memref<256x16xf32, #tpu.memory_space<vmem>>, vector<16xf32>,
        %add3A_797 = arith.addf %get3A_793, %get3A_796 : vector<16xf32>
        %gt3A = arith.constant 0.000000e+00 : f32
        %gt3A_798 = vector.broadcast %gt3A : f32 to vector<16xf32>
        %gt3A_799 = arith.cmpf ogt, %add3A_797, %gt3A_798 : vector<16xf32>
        %mul3A_800 = arith.constant 2.000000e-01 : f32
        %mul3A_801 = vector.broadcast %mul3A_800 : f32 to vector<16xf32>
        %mul3A_802 = arith.mulf %mul3A_801, %add3A_797 : vector<16xf32>
        %select_n3A = arith.select %gt3A_799, %add3A_797, %mul3A_802 : vector<16xi1>, vector<16xf32>
        %exp3A = math.exp %select_n3A : vector<16xf32>
        %swap3A_803 = arith.index_cast %add3A_790 : i32 to index
        %swap3A_804 = arith.constant 0 : index
        %swap3A_805 = tpu.vector_load %arg14[%swap3A_803, %swap3A_804] {strides = array<i32>} : memref<256x16xf32, #tpu.memory_space<vmem>>, vector<16xf32>,
        tpu.vector_store %arg14[%swap3A_803, %swap3A_804], %exp3A {strides = array<i32>} : memref<256x16xf32, #tpu.memory_space<vmem>>, vector<16xf32>,
        %get3A_806 = arith.index_cast %add3A_790 : i32 to index
        %get3A_807 = arith.constant 0 : index
        %get3A_808 = tpu.vector_load %arg15[%get3A_806, %get3A_807] {strides = array<i32>} : memref<256x16xf32, #tpu.memory_space<vmem>>, vector<16xf32>,
        %mul3A_809 = arith.mulf %get3A_808, %exp3A : vector<16xf32>
        %swap3A_810 = arith.index_cast %add3A_790 : i32 to index
        %swap3A_811 = arith.constant 0 : index
        %swap3A_812 = tpu.vector_load %arg15[%swap3A_810, %swap3A_811] {strides = array<i32>} : memref<256x16xf32, #tpu.memory_space<vmem>>, vector<16xf32>,
        tpu.vector_store %arg15[%swap3A_810, %swap3A_811], %mul3A_809 {strides = array<i32>} : memref<256x16xf32, #tpu.memory_space<vmem>>, vector<16xf32>,
        %mul3A_813 = arith.constant 2 : i32
        %mul3A_814 = arith.muli %scan3A_785, %mul3A_813 : i32
        %add3A_815 = arith.constant 1 : i32
        %add3A_816 = arith.addi %mul3A_814, %add3A_815 : i32
        %get3A_817 = arith.index_cast %add3A_816 : i32 to index
        %get3A_818 = arith.constant 0 : index
        %get3A_819 = tpu.vector_load %arg12[%get3A_817, %get3A_818] {strides = array<i32>} : memref<256x16xf32, #tpu.memory_space<vmem>>, vector<16xf32>,
        %get3A_820 = arith.index_cast %add3A_816 : i32 to index
        %get3A_821 = arith.constant 0 : index
        %get3A_822 = tpu.vector_load %arg13[%get3A_820, %get3A_821] {strides = array<i32>} : memref<256x16xf32, #tpu.memory_space<vmem>>, vector<16xf32>,
        %add3A_823 = arith.addf %get3A_819, %get3A_822 : vector<16xf32>
        %gt3A_824 = arith.constant 0.000000e+00 : f32
        %gt3A_825 = vector.broadcast %gt3A_824 : f32 to vector<16xf32>
        %gt3A_826 = arith.cmpf ogt, %add3A_823, %gt3A_825 : vector<16xf32>
        %mul3A_827 = arith.constant 2.000000e-01 : f32
        %mul3A_828 = vector.broadcast %mul3A_827 : f32 to vector<16xf32>
        %mul3A_829 = arith.mulf %mul3A_828, %add3A_823 : vector<16xf32>
        %select_n3A_830 = arith.select %gt3A_826, %add3A_823, %mul3A_829 : vector<16xi1>, vector<16xf32>
        %exp3A_831 = math.exp %select_n3A_830 : vector<16xf32>
        %swap3A_832 = arith.index_cast %add3A_816 : i32 to index
        %swap3A_833 = arith.constant 0 : index
        %swap3A_834 = tpu.vector_load %arg14[%swap3A_832, %swap3A_833] {strides = array<i32>} : memref<256x16xf32, #tpu.memory_space<vmem>>, vector<16xf32>,
        tpu.vector_store %arg14[%swap3A_832, %swap3A_833], %exp3A_831 {strides = array<i32>} : memref<256x16xf32, #tpu.memory_space<vmem>>, vector<16xf32>,
        %get3A_835 = arith.index_cast %add3A_816 : i32 to index
        %get3A_836 = arith.constant 0 : index
        %get3A_837 = tpu.vector_load %arg15[%get3A_835, %get3A_836] {strides = array<i32>} : memref<256x16xf32, #tpu.memory_space<vmem>>, vector<16xf32>,
        %mul3A_838 = arith.mulf %get3A_837, %exp3A_831 : vector<16xf32>
        %swap3A_839 = arith.index_cast %add3A_816 : i32 to index
        %swap3A_840 = arith.constant 0 : index
        %swap3A_841 = tpu.vector_load %arg15[%swap3A_839, %swap3A_840] {strides = array<i32>} : memref<256x16xf32, #tpu.memory_space<vmem>>, vector<16xf32>,
        tpu.vector_store %arg15[%swap3A_839, %swap3A_840], %mul3A_838 {strides = array<i32>} : memref<256x16xf32, #tpu.memory_space<vmem>>, vector<16xf32>,
        %scan3A_842 = arith.constant 0 : i32
        scf.yield %scan3A_842 : i32
      }
      %scan3A_449 = arith.constant 128 : i32
      %dma_start3A_450 = arith.constant 0 : i32
      %dma_start3A_451 = arith.constant 0 : i32
      %dma_start3A_452 = arith.constant 0 : i32
      %dma_start3A_453 = tpu.memref_slice %arg15[%dma_start3A_451, %dma_start3A_452] : memref<256x16xf32, #tpu.memory_space<vmem>> -> memref<128x16xf32, #tpu.memory_space<vmem>>
      %dma_start3A_454 = arith.constant 0 : i32
      %dma_start3A_455 = tpu.memref_slice %arg11[%dma_start3A_450, %dma_start3A_454] : memref<2x128xi32, #tpu.memory_space<vmem>> -> memref<1x128xi32, #tpu.memory_space<vmem>>
      %dma_start3A_456 = tpu.memref_squeeze %dma_start3A_455 : memref<1x128xi32, #tpu.memory_space<vmem>> -> memref<128xi32, #tpu.memory_space<vmem>>
      %dma_start3A_457 = arith.constant 0 : i32
      %dma_start3A_458 = arith.constant 0 : i32
      %dma_start3A_459 = tpu.memref_slice %arg25[%dma_start3A_457, %dma_start3A_458] : memref<10240x16xf32, #tpu.memory_space<vmem_shared>> -> memref<10240x16xf32, #tpu.memory_space<vmem_shared>>
      tpu.enqueue_indirect_dma source(%dma_start3A_453 : memref<128x16xf32, #tpu.memory_space<vmem>>) target(%dma_start3A_459 : memref<10240x16xf32, #tpu.memory_space<vmem_shared>>) offsets(%dma_start3A_456 : memref<128xi32, #tpu.memory_space<vmem>>) semaphore(%arg31 : memref<!tpu.dma_semaphore, #tpu.memory_space<semaphore_mem>>) {add = true}
      %dma_start3A_460 = arith.constant 0 : i32
      %dma_start3A_461 = arith.constant 0 : i32
      %dma_start3A_462 = arith.constant 0 : i32
      %dma_start3A_463 = tpu.memref_slice %arg14[%dma_start3A_461, %dma_start3A_462] : memref<256x16xf32, #tpu.memory_space<vmem>> -> memref<128x16xf32, #tpu.memory_space<vmem>>
      %dma_start3A_464 = arith.constant 0 : i32
      %dma_start3A_465 = tpu.memref_slice %arg11[%dma_start3A_460, %dma_start3A_464] : memref<2x128xi32, #tpu.memory_space<vmem>> -> memref<1x128xi32, #tpu.memory_space<vmem>>
      %dma_start3A_466 = tpu.memref_squeeze %dma_start3A_465 : memref<1x128xi32, #tpu.memory_space<vmem>> -> memref<128xi32, #tpu.memory_space<vmem>>
      %dma_start3A_467 = arith.constant 0 : i32
      %dma_start3A_468 = arith.constant 0 : i32
      %dma_start3A_469 = tpu.memref_slice %arg26[%dma_start3A_467, %dma_start3A_468] : memref<10240x16xf32, #tpu.memory_space<vmem_shared>> -> memref<10240x16xf32, #tpu.memory_space<vmem_shared>>
      tpu.enqueue_indirect_dma source(%dma_start3A_463 : memref<128x16xf32, #tpu.memory_space<vmem>>) target(%dma_start3A_469 : memref<10240x16xf32, #tpu.memory_space<vmem_shared>>) offsets(%dma_start3A_466 : memref<128xi32, #tpu.memory_space<vmem>>) semaphore(%arg31 : memref<!tpu.dma_semaphore, #tpu.memory_space<semaphore_mem>>) {add = true}
      %dma_start3A_470 = arith.constant 1 : i32
      %dma_start3A_471 = arith.constant 128 : i32
      %dma_start3A_472 = arith.constant 0 : i32
      %dma_start3A_473 = tpu.memref_slice %arg15[%dma_start3A_471, %dma_start3A_472] : memref<256x16xf32, #tpu.memory_space<vmem>> -> memref<128x16xf32, #tpu.memory_space<vmem>>
      %dma_start3A_474 = arith.constant 0 : i32
      %dma_start3A_475 = tpu.memref_slice %arg11[%dma_start3A_470, %dma_start3A_474] : memref<2x128xi32, #tpu.memory_space<vmem>> -> memref<1x128xi32, #tpu.memory_space<vmem>>
      %dma_start3A_476 = tpu.memref_squeeze %dma_start3A_475 : memref<1x128xi32, #tpu.memory_space<vmem>> -> memref<128xi32, #tpu.memory_space<vmem>>
      %dma_start3A_477 = arith.constant 0 : i32
      %dma_start3A_478 = arith.constant 0 : i32
      %dma_start3A_479 = tpu.memref_slice %arg25[%dma_start3A_477, %dma_start3A_478] : memref<10240x16xf32, #tpu.memory_space<vmem_shared>> -> memref<10240x16xf32, #tpu.memory_space<vmem_shared>>
      tpu.enqueue_indirect_dma source(%dma_start3A_473 : memref<128x16xf32, #tpu.memory_space<vmem>>) target(%dma_start3A_479 : memref<10240x16xf32, #tpu.memory_space<vmem_shared>>) offsets(%dma_start3A_476 : memref<128xi32, #tpu.memory_space<vmem>>) semaphore(%arg31 : memref<!tpu.dma_semaphore, #tpu.memory_space<semaphore_mem>>) {add = true}
      %dma_start3A_480 = arith.constant 1 : i32
      %dma_start3A_481 = arith.constant 128 : i32
      %dma_start3A_482 = arith.constant 0 : i32
      %dma_start3A_483 = tpu.memref_slice %arg14[%dma_start3A_481, %dma_start3A_482] : memref<256x16xf32, #tpu.memory_space<vmem>> -> memref<128x16xf32, #tpu.memory_space<vmem>>
      %dma_start3A_484 = arith.constant 0 : i32
      %dma_start3A_485 = tpu.memref_slice %arg11[%dma_start3A_480, %dma_start3A_484] : memref<2x128xi32, #tpu.memory_space<vmem>> -> memref<1x128xi32, #tpu.memory_space<vmem>>
      %dma_start3A_486 = tpu.memref_squeeze %dma_start3A_485 : memref<1x128xi32, #tpu.memory_space<vmem>> -> memref<128xi32, #tpu.memory_space<vmem>>
      %dma_start3A_487 = arith.constant 0 : i32
      %dma_start3A_488 = arith.constant 0 : i32
      %dma_start3A_489 = tpu.memref_slice %arg26[%dma_start3A_487, %dma_start3A_488] : memref<10240x16xf32, #tpu.memory_space<vmem_shared>> -> memref<10240x16xf32, #tpu.memory_space<vmem_shared>>
      tpu.enqueue_indirect_dma source(%dma_start3A_483 : memref<128x16xf32, #tpu.memory_space<vmem>>) target(%dma_start3A_489 : memref<10240x16xf32, #tpu.memory_space<vmem_shared>>) offsets(%dma_start3A_486 : memref<128xi32, #tpu.memory_space<vmem>>) semaphore(%arg31 : memref<!tpu.dma_semaphore, #tpu.memory_space<semaphore_mem>>) {add = true}
      %mul3A_490 = arith.constant 2 : i32
      %mul3A_491 = arith.muli %scan3A_180, %mul3A_490 : i32
      %add3A_492 = arith.constant 1 : i32
      %add3A_493 = arith.addi %mul3A_491, %add3A_492 : i32
      %dma_wait3A_494 = arith.constant 0 : i32
      %dma_wait3A_495 = arith.constant 0 : i32
      %dma_wait3A_496 = arith.constant 0 : i32
      %dma_wait3A_497 = tpu.memref_slice %arg15[%dma_wait3A_495, %dma_wait3A_496] : memref<256x16xf32, #tpu.memory_space<vmem>> -> memref<128x16xf32, #tpu.memory_space<vmem>>
      %dma_wait3A_498 = arith.constant 0 : i32
      %dma_wait3A_499 = tpu.memref_slice %arg11[%dma_wait3A_494, %dma_wait3A_498] : memref<2x128xi32, #tpu.memory_space<vmem>> -> memref<1x128xi32, #tpu.memory_space<vmem>>
      %dma_wait3A_500 = tpu.memref_squeeze %dma_wait3A_499 : memref<1x128xi32, #tpu.memory_space<vmem>> -> memref<128xi32, #tpu.memory_space<vmem>>
      %dma_wait3A_501 = arith.constant 0 : i32
      %dma_wait3A_502 = arith.constant 0 : i32
      %dma_wait3A_503 = tpu.memref_slice %arg25[%dma_wait3A_501, %dma_wait3A_502] : memref<10240x16xf32, #tpu.memory_space<vmem_shared>> -> memref<10240x16xf32, #tpu.memory_space<vmem_shared>>
      tpu.wait_indirect_dma semaphore(%arg31 : memref<!tpu.dma_semaphore, #tpu.memory_space<semaphore_mem>>) src(%dma_wait3A_497 : memref<128x16xf32, #tpu.memory_space<vmem>>) dst(%dma_wait3A_503 : memref<10240x16xf32, #tpu.memory_space<vmem_shared>>)
      %dma_wait3A_504 = arith.constant 0 : i32
      %dma_wait3A_505 = arith.constant 0 : i32
      %dma_wait3A_506 = arith.constant 0 : i32
      %dma_wait3A_507 = tpu.memref_slice %arg14[%dma_wait3A_505, %dma_wait3A_506] : memref<256x16xf32, #tpu.memory_space<vmem>> -> memref<128x16xf32, #tpu.memory_space<vmem>>
      %dma_wait3A_508 = arith.constant 0 : i32
      %dma_wait3A_509 = tpu.memref_slice %arg11[%dma_wait3A_504, %dma_wait3A_508] : memref<2x128xi32, #tpu.memory_space<vmem>> -> memref<1x128xi32, #tpu.memory_space<vmem>>
      %dma_wait3A_510 = tpu.memref_squeeze %dma_wait3A_509 : memref<1x128xi32, #tpu.memory_space<vmem>> -> memref<128xi32, #tpu.memory_space<vmem>>
      %dma_wait3A_511 = arith.constant 0 : i32
      %dma_wait3A_512 = arith.constant 0 : i32
      %dma_wait3A_513 = tpu.memref_slice %arg26[%dma_wait3A_511, %dma_wait3A_512] : memref<10240x16xf32, #tpu.memory_space<vmem_shared>> -> memref<10240x16xf32, #tpu.memory_space<vmem_shared>>
      tpu.wait_indirect_dma semaphore(%arg31 : memref<!tpu.dma_semaphore, #tpu.memory_space<semaphore_mem>>) src(%dma_wait3A_507 : memref<128x16xf32, #tpu.memory_space<vmem>>) dst(%dma_wait3A_513 : memref<10240x16xf32, #tpu.memory_space<vmem_shared>>)
      %dma_wait3A_514 = arith.constant 1 : i32
      %dma_wait3A_515 = arith.constant 128 : i32
      %dma_wait3A_516 = arith.constant 0 : i32
      %dma_wait3A_517 = tpu.memref_slice %arg15[%dma_wait3A_515, %dma_wait3A_516] : memref<256x16xf32, #tpu.memory_space<vmem>> -> memref<128x16xf32, #tpu.memory_space<vmem>>
      %dma_wait3A_518 = arith.constant 0 : i32
      %dma_wait3A_519 = tpu.memref_slice %arg11[%dma_wait3A_514, %dma_wait3A_518] : memref<2x128xi32, #tpu.memory_space<vmem>> -> memref<1x128xi32, #tpu.memory_space<vmem>>
      %dma_wait3A_520 = tpu.memref_squeeze %dma_wait3A_519 : memref<1x128xi32, #tpu.memory_space<vmem>> -> memref<128xi32, #tpu.memory_space<vmem>>
      %dma_wait3A_521 = arith.constant 0 : i32
      %dma_wait3A_522 = arith.constant 0 : i32
      %dma_wait3A_523 = tpu.memref_slice %arg25[%dma_wait3A_521, %dma_wait3A_522] : memref<10240x16xf32, #tpu.memory_space<vmem_shared>> -> memref<10240x16xf32, #tpu.memory_space<vmem_shared>>
      tpu.wait_indirect_dma semaphore(%arg31 : memref<!tpu.dma_semaphore, #tpu.memory_space<semaphore_mem>>) src(%dma_wait3A_517 : memref<128x16xf32, #tpu.memory_space<vmem>>) dst(%dma_wait3A_523 : memref<10240x16xf32, #tpu.memory_space<vmem_shared>>)
      %dma_wait3A_524 = arith.constant 1 : i32
      %dma_wait3A_525 = arith.constant 128 : i32
      %dma_wait3A_526 = arith.constant 0 : i32
      %dma_wait3A_527 = tpu.memref_slice %arg14[%dma_wait3A_525, %dma_wait3A_526] : memref<256x16xf32, #tpu.memory_space<vmem>> -> memref<128x16xf32, #tpu.memory_space<vmem>>
      %dma_wait3A_528 = arith.constant 0 : i32
      %dma_wait3A_529 = tpu.memref_slice %arg11[%dma_wait3A_524, %dma_wait3A_528] : memref<2x128xi32, #tpu.memory_space<vmem>> -> memref<1x128xi32, #tpu.memory_space<vmem>>
      %dma_wait3A_530 = tpu.memref_squeeze %dma_wait3A_529 : memref<1x128xi32, #tpu.memory_space<vmem>> -> memref<128xi32, #tpu.memory_space<vmem>>
      %dma_wait3A_531 = arith.constant 0 : i32
      %dma_wait3A_532 = arith.constant 0 : i32
      %dma_wait3A_533 = tpu.memref_slice %arg26[%dma_wait3A_531, %dma_wait3A_532] : memref<10240x16xf32, #tpu.memory_space<vmem_shared>> -> memref<10240x16xf32, #tpu.memory_space<vmem_shared>>
      tpu.wait_indirect_dma semaphore(%arg31 : memref<!tpu.dma_semaphore, #tpu.memory_space<semaphore_mem>>) src(%dma_wait3A_527 : memref<128x16xf32, #tpu.memory_space<vmem>>) dst(%dma_wait3A_533 : memref<10240x16xf32, #tpu.memory_space<vmem_shared>>)
      %lt3A_534 = arith.constant 19 : i32
      %lt3A_535 = arith.cmpi slt, %scan3A_180, %lt3A_534 : i32
      %convert_element_type3A_536 = arith.extui %lt3A_535 : i1 to i32
      %cond3A_537 = arith.constant 0 : i32
      %cond3A_538 = arith.cmpi ne, %convert_element_type3A_536, %cond3A_537 : i32
      scf.if %cond3A_538 {
        %dma_wait3A_785 = arith.constant 0 : i32
        %dma_wait3A_786 = arith.constant 0 : i32
        %dma_wait3A_787 = tpu.memref_slice %arg2[%dma_wait3A_785, %dma_wait3A_786] : memref<2560x128xi32, #tpu.memory_space<hbm>> -> memref<2x128xi32, #tpu.memory_space<hbm>>
        %dma_wait3A_788 = arith.constant 0 : i32
        %dma_wait3A_789 = arith.constant 0 : i32
        %dma_wait3A_790 = tpu.memref_slice %arg2[%dma_wait3A_788, %dma_wait3A_789] : memref<2560x128xi32, #tpu.memory_space<hbm>> -> memref<2x128xi32, #tpu.memory_space<hbm>>
        tpu.wait_dma2 semaphore(%arg29 : memref<!tpu.dma_semaphore, #tpu.memory_space<semaphore_mem>>) src(%dma_wait3A_790 : memref<2x128xi32, #tpu.memory_space<hbm>>) dst(%arg9 : memref<2x128xi32, #tpu.memory_space<vmem>>)
        %dma_wait3A_791 = arith.constant 0 : i32
        %dma_wait3A_792 = arith.constant 0 : i32
        %dma_wait3A_793 = tpu.memref_slice %arg3[%dma_wait3A_791, %dma_wait3A_792] : memref<2560x128xi32, #tpu.memory_space<hbm>> -> memref<2x128xi32, #tpu.memory_space<hbm>>
        %dma_wait3A_794 = arith.constant 0 : i32
        %dma_wait3A_795 = arith.constant 0 : i32
        %dma_wait3A_796 = tpu.memref_slice %arg3[%dma_wait3A_794, %dma_wait3A_795] : memref<2560x128xi32, #tpu.memory_space<hbm>> -> memref<2x128xi32, #tpu.memory_space<hbm>>
        tpu.wait_dma2 semaphore(%arg29 : memref<!tpu.dma_semaphore, #tpu.memory_space<semaphore_mem>>) src(%dma_wait3A_796 : memref<2x128xi32, #tpu.memory_space<hbm>>) dst(%arg10 : memref<2x128xi32, #tpu.memory_space<vmem>>)
      } else {
      }
      %lt3A_539 = arith.constant 19 : i32
      %lt3A_540 = arith.cmpi slt, %scan3A_180, %lt3A_539 : i32
      %convert_element_type3A_541 = arith.extui %lt3A_540 : i1 to i32
      %cond3A_542 = arith.constant 0 : i32
      %cond3A_543 = arith.cmpi ne, %convert_element_type3A_541, %cond3A_542 : i32
      scf.if %cond3A_543 {
        %dma_start3A_785 = arith.constant 0 : i32
        %dma_start3A_786 = arith.constant 0 : i32
        %dma_start3A_787 = arith.constant 0 : i32
        %dma_start3A_788 = tpu.memref_slice %arg12[%dma_start3A_786, %dma_start3A_787] : memref<256x16xf32, #tpu.memory_space<vmem>> -> memref<128x16xf32, #tpu.memory_space<vmem>>
        %dma_start3A_789 = arith.constant 0 : i32
        %dma_start3A_790 = tpu.memref_slice %arg9[%dma_start3A_785, %dma_start3A_789] : memref<2x128xi32, #tpu.memory_space<vmem>> -> memref<1x128xi32, #tpu.memory_space<vmem>>
        %dma_start3A_791 = tpu.memref_squeeze %dma_start3A_790 : memref<1x128xi32, #tpu.memory_space<vmem>> -> memref<128xi32, #tpu.memory_space<vmem>>
        %dma_start3A_792 = arith.constant 0 : i32
        %dma_start3A_793 = arith.constant 0 : i32
        %dma_start3A_794 = tpu.memref_slice %arg5[%dma_start3A_792, %dma_start3A_793] : memref<10240x16xf32, #tpu.memory_space<hbm>> -> memref<10240x16xf32, #tpu.memory_space<hbm>>
        tpu.enqueue_indirect_dma source(%dma_start3A_794 : memref<10240x16xf32, #tpu.memory_space<hbm>>) target(%dma_start3A_788 : memref<128x16xf32, #tpu.memory_space<vmem>>) offsets(%dma_start3A_791 : memref<128xi32, #tpu.memory_space<vmem>>) semaphore(%arg27 : memref<!tpu.dma_semaphore, #tpu.memory_space<semaphore_mem>>)
        %dma_start3A_795 = arith.constant 0 : i32
        %dma_start3A_796 = arith.constant 0 : i32
        %dma_start3A_797 = arith.constant 0 : i32
        %dma_start3A_798 = tpu.memref_slice %arg13[%dma_start3A_796, %dma_start3A_797] : memref<256x16xf32, #tpu.memory_space<vmem>> -> memref<128x16xf32, #tpu.memory_space<vmem>>
        %dma_start3A_799 = arith.constant 0 : i32
        %dma_start3A_800 = tpu.memref_slice %arg10[%dma_start3A_795, %dma_start3A_799] : memref<2x128xi32, #tpu.memory_space<vmem>> -> memref<1x128xi32, #tpu.memory_space<vmem>>
        %dma_start3A_801 = tpu.memref_squeeze %dma_start3A_800 : memref<1x128xi32, #tpu.memory_space<vmem>> -> memref<128xi32, #tpu.memory_space<vmem>>
        %dma_start3A_802 = arith.constant 0 : i32
        %dma_start3A_803 = arith.constant 0 : i32
        %dma_start3A_804 = tpu.memref_slice %arg6[%dma_start3A_802, %dma_start3A_803] : memref<10240x16xf32, #tpu.memory_space<hbm>> -> memref<10240x16xf32, #tpu.memory_space<hbm>>
        tpu.enqueue_indirect_dma source(%dma_start3A_804 : memref<10240x16xf32, #tpu.memory_space<hbm>>) target(%dma_start3A_798 : memref<128x16xf32, #tpu.memory_space<vmem>>) offsets(%dma_start3A_801 : memref<128xi32, #tpu.memory_space<vmem>>) semaphore(%arg27 : memref<!tpu.dma_semaphore, #tpu.memory_space<semaphore_mem>>)
        %dma_start3A_805 = arith.constant 0 : i32
        %dma_start3A_806 = arith.constant 0 : i32
        %dma_start3A_807 = arith.constant 0 : i32
        %dma_start3A_808 = tpu.memref_slice %arg15[%dma_start3A_806, %dma_start3A_807] : memref<256x16xf32, #tpu.memory_space<vmem>> -> memref<128x16xf32, #tpu.memory_space<vmem>>
        %dma_start3A_809 = arith.constant 0 : i32
        %dma_start3A_810 = tpu.memref_slice %arg9[%dma_start3A_805, %dma_start3A_809] : memref<2x128xi32, #tpu.memory_space<vmem>> -> memref<1x128xi32, #tpu.memory_space<vmem>>
        %dma_start3A_811 = tpu.memref_squeeze %dma_start3A_810 : memref<1x128xi32, #tpu.memory_space<vmem>> -> memref<128xi32, #tpu.memory_space<vmem>>
        %dma_start3A_812 = arith.constant 0 : i32
        %dma_start3A_813 = arith.constant 0 : i32
        %dma_start3A_814 = tpu.memref_slice %arg4[%dma_start3A_812, %dma_start3A_813] : memref<10240x16xf32, #tpu.memory_space<hbm>> -> memref<10240x16xf32, #tpu.memory_space<hbm>>
        tpu.enqueue_indirect_dma source(%dma_start3A_814 : memref<10240x16xf32, #tpu.memory_space<hbm>>) target(%dma_start3A_808 : memref<128x16xf32, #tpu.memory_space<vmem>>) offsets(%dma_start3A_811 : memref<128xi32, #tpu.memory_space<vmem>>) semaphore(%arg27 : memref<!tpu.dma_semaphore, #tpu.memory_space<semaphore_mem>>)
        %dma_start3A_815 = arith.constant 1 : i32
        %dma_start3A_816 = arith.constant 128 : i32
        %dma_start3A_817 = arith.constant 0 : i32
        %dma_start3A_818 = tpu.memref_slice %arg12[%dma_start3A_816, %dma_start3A_817] : memref<256x16xf32, #tpu.memory_space<vmem>> -> memref<128x16xf32, #tpu.memory_space<vmem>>
        %dma_start3A_819 = arith.constant 0 : i32
        %dma_start3A_820 = tpu.memref_slice %arg9[%dma_start3A_815, %dma_start3A_819] : memref<2x128xi32, #tpu.memory_space<vmem>> -> memref<1x128xi32, #tpu.memory_space<vmem>>
        %dma_start3A_821 = tpu.memref_squeeze %dma_start3A_820 : memref<1x128xi32, #tpu.memory_space<vmem>> -> memref<128xi32, #tpu.memory_space<vmem>>
        %dma_start3A_822 = arith.constant 0 : i32
        %dma_start3A_823 = arith.constant 0 : i32
        %dma_start3A_824 = tpu.memref_slice %arg5[%dma_start3A_822, %dma_start3A_823] : memref<10240x16xf32, #tpu.memory_space<hbm>> -> memref<10240x16xf32, #tpu.memory_space<hbm>>
        tpu.enqueue_indirect_dma source(%dma_start3A_824 : memref<10240x16xf32, #tpu.memory_space<hbm>>) target(%dma_start3A_818 : memref<128x16xf32, #tpu.memory_space<vmem>>) offsets(%dma_start3A_821 : memref<128xi32, #tpu.memory_space<vmem>>) semaphore(%arg27 : memref<!tpu.dma_semaphore, #tpu.memory_space<semaphore_mem>>)
        %dma_start3A_825 = arith.constant 1 : i32
        %dma_start3A_826 = arith.constant 128 : i32
        %dma_start3A_827 = arith.constant 0 : i32
        %dma_start3A_828 = tpu.memref_slice %arg13[%dma_start3A_826, %dma_start3A_827] : memref<256x16xf32, #tpu.memory_space<vmem>> -> memref<128x16xf32, #tpu.memory_space<vmem>>
        %dma_start3A_829 = arith.constant 0 : i32
        %dma_start3A_830 = tpu.memref_slice %arg10[%dma_start3A_825, %dma_start3A_829] : memref<2x128xi32, #tpu.memory_space<vmem>> -> memref<1x128xi32, #tpu.memory_space<vmem>>
        %dma_start3A_831 = tpu.memref_squeeze %dma_start3A_830 : memref<1x128xi32, #tpu.memory_space<vmem>> -> memref<128xi32, #tpu.memory_space<vmem>>
        %dma_start3A_832 = arith.constant 0 : i32
        %dma_start3A_833 = arith.constant 0 : i32
        %dma_start3A_834 = tpu.memref_slice %arg6[%dma_start3A_832, %dma_start3A_833] : memref<10240x16xf32, #tpu.memory_space<hbm>> -> memref<10240x16xf32, #tpu.memory_space<hbm>>
        tpu.enqueue_indirect_dma source(%dma_start3A_834 : memref<10240x16xf32, #tpu.memory_space<hbm>>) target(%dma_start3A_828 : memref<128x16xf32, #tpu.memory_space<vmem>>) offsets(%dma_start3A_831 : memref<128xi32, #tpu.memory_space<vmem>>) semaphore(%arg27 : memref<!tpu.dma_semaphore, #tpu.memory_space<semaphore_mem>>)
        %dma_start3A_835 = arith.constant 1 : i32
        %dma_start3A_836 = arith.constant 128 : i32
        %dma_start3A_837 = arith.constant 0 : i32
        %dma_start3A_838 = tpu.memref_slice %arg15[%dma_start3A_836, %dma_start3A_837] : memref<256x16xf32, #tpu.memory_space<vmem>> -> memref<128x16xf32, #tpu.memory_space<vmem>>
        %dma_start3A_839 = arith.constant 0 : i32
        %dma_start3A_840 = tpu.memref_slice %arg9[%dma_start3A_835, %dma_start3A_839] : memref<2x128xi32, #tpu.memory_space<vmem>> -> memref<1x128xi32, #tpu.memory_space<vmem>>
        %dma_start3A_841 = tpu.memref_squeeze %dma_start3A_840 : memref<1x128xi32, #tpu.memory_space<vmem>> -> memref<128xi32, #tpu.memory_space<vmem>>
        %dma_start3A_842 = arith.constant 0 : i32
        %dma_start3A_843 = arith.constant 0 : i32
        %dma_start3A_844 = tpu.memref_slice %arg4[%dma_start3A_842, %dma_start3A_843] : memref<10240x16xf32, #tpu.memory_space<hbm>> -> memref<10240x16xf32, #tpu.memory_space<hbm>>
        tpu.enqueue_indirect_dma source(%dma_start3A_844 : memref<10240x16xf32, #tpu.memory_space<hbm>>) target(%dma_start3A_838 : memref<128x16xf32, #tpu.memory_space<vmem>>) offsets(%dma_start3A_841 : memref<128xi32, #tpu.memory_space<vmem>>) semaphore(%arg27 : memref<!tpu.dma_semaphore, #tpu.memory_space<semaphore_mem>>)
      } else {
      }
      %dma_wait3A_544 = arith.constant 0 : i32
      %dma_wait3A_545 = arith.constant 0 : i32
      %dma_wait3A_546 = arith.constant 0 : i32
      %dma_wait3A_547 = tpu.memref_slice %arg19[%dma_wait3A_545, %dma_wait3A_546] : memref<256x16xf32, #tpu.memory_space<vmem>> -> memref<128x16xf32, #tpu.memory_space<vmem>>
      %dma_wait3A_548 = arith.constant 0 : i32
      %dma_wait3A_549 = tpu.memref_slice %arg16[%dma_wait3A_544, %dma_wait3A_548] : memref<2x128xi32, #tpu.memory_space<vmem>> -> memref<1x128xi32, #tpu.memory_space<vmem>>
      %dma_wait3A_550 = tpu.memref_squeeze %dma_wait3A_549 : memref<1x128xi32, #tpu.memory_space<vmem>> -> memref<128xi32, #tpu.memory_space<vmem>>
      %dma_wait3A_551 = arith.constant 0 : i32
      %dma_wait3A_552 = arith.constant 0 : i32
      %dma_wait3A_553 = tpu.memref_slice %arg5[%dma_wait3A_551, %dma_wait3A_552] : memref<10240x16xf32, #tpu.memory_space<hbm>> -> memref<10240x16xf32, #tpu.memory_space<hbm>>
      tpu.wait_indirect_dma semaphore(%arg28 : memref<!tpu.dma_semaphore, #tpu.memory_space<semaphore_mem>>) src(%dma_wait3A_553 : memref<10240x16xf32, #tpu.memory_space<hbm>>) dst(%dma_wait3A_547 : memref<128x16xf32, #tpu.memory_space<vmem>>)
      %dma_wait3A_554 = arith.constant 0 : i32
      %dma_wait3A_555 = arith.constant 0 : i32
      %dma_wait3A_556 = arith.constant 0 : i32
      %dma_wait3A_557 = tpu.memref_slice %arg20[%dma_wait3A_555, %dma_wait3A_556] : memref<256x16xf32, #tpu.memory_space<vmem>> -> memref<128x16xf32, #tpu.memory_space<vmem>>
      %dma_wait3A_558 = arith.constant 0 : i32
      %dma_wait3A_559 = tpu.memref_slice %arg17[%dma_wait3A_554, %dma_wait3A_558] : memref<2x128xi32, #tpu.memory_space<vmem>> -> memref<1x128xi32, #tpu.memory_space<vmem>>
      %dma_wait3A_560 = tpu.memref_squeeze %dma_wait3A_559 : memref<1x128xi32, #tpu.memory_space<vmem>> -> memref<128xi32, #tpu.memory_space<vmem>>
      %dma_wait3A_561 = arith.constant 0 : i32
      %dma_wait3A_562 = arith.constant 0 : i32
      %dma_wait3A_563 = tpu.memref_slice %arg6[%dma_wait3A_561, %dma_wait3A_562] : memref<10240x16xf32, #tpu.memory_space<hbm>> -> memref<10240x16xf32, #tpu.memory_space<hbm>>
      tpu.wait_indirect_dma semaphore(%arg28 : memref<!tpu.dma_semaphore, #tpu.memory_space<semaphore_mem>>) src(%dma_wait3A_563 : memref<10240x16xf32, #tpu.memory_space<hbm>>) dst(%dma_wait3A_557 : memref<128x16xf32, #tpu.memory_space<vmem>>)
      %dma_wait3A_564 = arith.constant 0 : i32
      %dma_wait3A_565 = arith.constant 0 : i32
      %dma_wait3A_566 = arith.constant 0 : i32
      %dma_wait3A_567 = tpu.memref_slice %arg22[%dma_wait3A_565, %dma_wait3A_566] : memref<256x16xf32, #tpu.memory_space<vmem>> -> memref<128x16xf32, #tpu.memory_space<vmem>>
      %dma_wait3A_568 = arith.constant 0 : i32
      %dma_wait3A_569 = tpu.memref_slice %arg16[%dma_wait3A_564, %dma_wait3A_568] : memref<2x128xi32, #tpu.memory_space<vmem>> -> memref<1x128xi32, #tpu.memory_space<vmem>>
      %dma_wait3A_570 = tpu.memref_squeeze %dma_wait3A_569 : memref<1x128xi32, #tpu.memory_space<vmem>> -> memref<128xi32, #tpu.memory_space<vmem>>
      %dma_wait3A_571 = arith.constant 0 : i32
      %dma_wait3A_572 = arith.constant 0 : i32
      %dma_wait3A_573 = tpu.memref_slice %arg4[%dma_wait3A_571, %dma_wait3A_572] : memref<10240x16xf32, #tpu.memory_space<hbm>> -> memref<10240x16xf32, #tpu.memory_space<hbm>>
      tpu.wait_indirect_dma semaphore(%arg28 : memref<!tpu.dma_semaphore, #tpu.memory_space<semaphore_mem>>) src(%dma_wait3A_573 : memref<10240x16xf32, #tpu.memory_space<hbm>>) dst(%dma_wait3A_567 : memref<128x16xf32, #tpu.memory_space<vmem>>)
      %dma_wait3A_574 = arith.constant 1 : i32
      %dma_wait3A_575 = arith.constant 128 : i32
      %dma_wait3A_576 = arith.constant 0 : i32
      %dma_wait3A_577 = tpu.memref_slice %arg19[%dma_wait3A_575, %dma_wait3A_576] : memref<256x16xf32, #tpu.memory_space<vmem>> -> memref<128x16xf32, #tpu.memory_space<vmem>>
      %dma_wait3A_578 = arith.constant 0 : i32
      %dma_wait3A_579 = tpu.memref_slice %arg16[%dma_wait3A_574, %dma_wait3A_578] : memref<2x128xi32, #tpu.memory_space<vmem>> -> memref<1x128xi32, #tpu.memory_space<vmem>>
      %dma_wait3A_580 = tpu.memref_squeeze %dma_wait3A_579 : memref<1x128xi32, #tpu.memory_space<vmem>> -> memref<128xi32, #tpu.memory_space<vmem>>
      %dma_wait3A_581 = arith.constant 0 : i32
      %dma_wait3A_582 = arith.constant 0 : i32
      %dma_wait3A_583 = tpu.memref_slice %arg5[%dma_wait3A_581, %dma_wait3A_582] : memref<10240x16xf32, #tpu.memory_space<hbm>> -> memref<10240x16xf32, #tpu.memory_space<hbm>>
      tpu.wait_indirect_dma semaphore(%arg28 : memref<!tpu.dma_semaphore, #tpu.memory_space<semaphore_mem>>) src(%dma_wait3A_583 : memref<10240x16xf32, #tpu.memory_space<hbm>>) dst(%dma_wait3A_577 : memref<128x16xf32, #tpu.memory_space<vmem>>)
      %dma_wait3A_584 = arith.constant 1 : i32
      %dma_wait3A_585 = arith.constant 128 : i32
      %dma_wait3A_586 = arith.constant 0 : i32
      %dma_wait3A_587 = tpu.memref_slice %arg20[%dma_wait3A_585, %dma_wait3A_586] : memref<256x16xf32, #tpu.memory_space<vmem>> -> memref<128x16xf32, #tpu.memory_space<vmem>>
      %dma_wait3A_588 = arith.constant 0 : i32
      %dma_wait3A_589 = tpu.memref_slice %arg17[%dma_wait3A_584, %dma_wait3A_588] : memref<2x128xi32, #tpu.memory_space<vmem>> -> memref<1x128xi32, #tpu.memory_space<vmem>>
      %dma_wait3A_590 = tpu.memref_squeeze %dma_wait3A_589 : memref<1x128xi32, #tpu.memory_space<vmem>> -> memref<128xi32, #tpu.memory_space<vmem>>
      %dma_wait3A_591 = arith.constant 0 : i32
      %dma_wait3A_592 = arith.constant 0 : i32
      %dma_wait3A_593 = tpu.memref_slice %arg6[%dma_wait3A_591, %dma_wait3A_592] : memref<10240x16xf32, #tpu.memory_space<hbm>> -> memref<10240x16xf32, #tpu.memory_space<hbm>>
      tpu.wait_indirect_dma semaphore(%arg28 : memref<!tpu.dma_semaphore, #tpu.memory_space<semaphore_mem>>) src(%dma_wait3A_593 : memref<10240x16xf32, #tpu.memory_space<hbm>>) dst(%dma_wait3A_587 : memref<128x16xf32, #tpu.memory_space<vmem>>)
      %dma_wait3A_594 = arith.constant 1 : i32
      %dma_wait3A_595 = arith.constant 128 : i32
      %dma_wait3A_596 = arith.constant 0 : i32
      %dma_wait3A_597 = tpu.memref_slice %arg22[%dma_wait3A_595, %dma_wait3A_596] : memref<256x16xf32, #tpu.memory_space<vmem>> -> memref<128x16xf32, #tpu.memory_space<vmem>>
      %dma_wait3A_598 = arith.constant 0 : i32
      %dma_wait3A_599 = tpu.memref_slice %arg16[%dma_wait3A_594, %dma_wait3A_598] : memref<2x128xi32, #tpu.memory_space<vmem>> -> memref<1x128xi32, #tpu.memory_space<vmem>>
      %dma_wait3A_600 = tpu.memref_squeeze %dma_wait3A_599 : memref<1x128xi32, #tpu.memory_space<vmem>> -> memref<128xi32, #tpu.memory_space<vmem>>
      %dma_wait3A_601 = arith.constant 0 : i32
      %dma_wait3A_602 = arith.constant 0 : i32
      %dma_wait3A_603 = tpu.memref_slice %arg4[%dma_wait3A_601, %dma_wait3A_602] : memref<10240x16xf32, #tpu.memory_space<hbm>> -> memref<10240x16xf32, #tpu.memory_space<hbm>>
      tpu.wait_indirect_dma semaphore(%arg28 : memref<!tpu.dma_semaphore, #tpu.memory_space<semaphore_mem>>) src(%dma_wait3A_603 : memref<10240x16xf32, #tpu.memory_space<hbm>>) dst(%dma_wait3A_597 : memref<128x16xf32, #tpu.memory_space<vmem>>)
      %get3A_604 = arith.constant 0 : i32
      %get3A_605 = arith.index_cast %get3A_604 : i32 to index
      %get3A_606 = arith.constant 0 : index
      %get3A_607 = tpu.vector_load %arg17[%get3A_605, %get3A_606] {strides = array<i32>} : memref<2x128xi32, #tpu.memory_space<vmem>>, vector<16xi32>,
      %swap3A_608 = arith.constant 0 : i32
      %swap3A_609 = arith.index_cast %swap3A_608 : i32 to index
      %swap3A_610 = arith.constant 0 : index
      %swap3A_611 = tpu.vector_load %arg18[%swap3A_609, %swap3A_610] {strides = array<i32>} : memref<2x128xi32, #tpu.memory_space<vmem>>, vector<16xi32>,
      tpu.vector_store %arg18[%swap3A_609, %swap3A_610], %get3A_607 {strides = array<i32>} : memref<2x128xi32, #tpu.memory_space<vmem>>, vector<16xi32>,
      %get3A_612 = arith.constant 0 : i32
      %get3A_613 = arith.index_cast %get3A_612 : i32 to index
      %get3A_614 = arith.constant 16 : index
      %get3A_615 = tpu.vector_load %arg17[%get3A_613, %get3A_614] {strides = array<i32>} : memref<2x128xi32, #tpu.memory_space<vmem>>, vector<16xi32>,
      %swap3A_616 = arith.constant 0 : i32
      %swap3A_617 = arith.index_cast %swap3A_616 : i32 to index
      %swap3A_618 = arith.constant 16 : index
      %swap3A_619 = tpu.vector_load %arg18[%swap3A_617, %swap3A_618] {strides = array<i32>} : memref<2x128xi32, #tpu.memory_space<vmem>>, vector<16xi32>,
      tpu.vector_store %arg18[%swap3A_617, %swap3A_618], %get3A_615 {strides = array<i32>} : memref<2x128xi32, #tpu.memory_space<vmem>>, vector<16xi32>,
      %get3A_620 = arith.constant 0 : i32
      %get3A_621 = arith.index_cast %get3A_620 : i32 to index
      %get3A_622 = arith.constant 32 : index
      %get3A_623 = tpu.vector_load %arg17[%get3A_621, %get3A_622] {strides = array<i32>} : memref<2x128xi32, #tpu.memory_space<vmem>>, vector<16xi32>,
      %swap3A_624 = arith.constant 0 : i32
      %swap3A_625 = arith.index_cast %swap3A_624 : i32 to index
      %swap3A_626 = arith.constant 32 : index
      %swap3A_627 = tpu.vector_load %arg18[%swap3A_625, %swap3A_626] {strides = array<i32>} : memref<2x128xi32, #tpu.memory_space<vmem>>, vector<16xi32>,
      tpu.vector_store %arg18[%swap3A_625, %swap3A_626], %get3A_623 {strides = array<i32>} : memref<2x128xi32, #tpu.memory_space<vmem>>, vector<16xi32>,
      %get3A_628 = arith.constant 0 : i32
      %get3A_629 = arith.index_cast %get3A_628 : i32 to index
      %get3A_630 = arith.constant 48 : index
      %get3A_631 = tpu.vector_load %arg17[%get3A_629, %get3A_630] {strides = array<i32>} : memref<2x128xi32, #tpu.memory_space<vmem>>, vector<16xi32>,
      %swap3A_632 = arith.constant 0 : i32
      %swap3A_633 = arith.index_cast %swap3A_632 : i32 to index
      %swap3A_634 = arith.constant 48 : index
      %swap3A_635 = tpu.vector_load %arg18[%swap3A_633, %swap3A_634] {strides = array<i32>} : memref<2x128xi32, #tpu.memory_space<vmem>>, vector<16xi32>,
      tpu.vector_store %arg18[%swap3A_633, %swap3A_634], %get3A_631 {strides = array<i32>} : memref<2x128xi32, #tpu.memory_space<vmem>>, vector<16xi32>,
      %get3A_636 = arith.constant 0 : i32
      %get3A_637 = arith.index_cast %get3A_636 : i32 to index
      %get3A_638 = arith.constant 64 : index
      %get3A_639 = tpu.vector_load %arg17[%get3A_637, %get3A_638] {strides = array<i32>} : memref<2x128xi32, #tpu.memory_space<vmem>>, vector<16xi32>,
      %swap3A_640 = arith.constant 0 : i32
      %swap3A_641 = arith.index_cast %swap3A_640 : i32 to index
      %swap3A_642 = arith.constant 64 : index
      %swap3A_643 = tpu.vector_load %arg18[%swap3A_641, %swap3A_642] {strides = array<i32>} : memref<2x128xi32, #tpu.memory_space<vmem>>, vector<16xi32>,
      tpu.vector_store %arg18[%swap3A_641, %swap3A_642], %get3A_639 {strides = array<i32>} : memref<2x128xi32, #tpu.memory_space<vmem>>, vector<16xi32>,
      %get3A_644 = arith.constant 0 : i32
      %get3A_645 = arith.index_cast %get3A_644 : i32 to index
      %get3A_646 = arith.constant 80 : index
      %get3A_647 = tpu.vector_load %arg17[%get3A_645, %get3A_646] {strides = array<i32>} : memref<2x128xi32, #tpu.memory_space<vmem>>, vector<16xi32>,
      %swap3A_648 = arith.constant 0 : i32
      %swap3A_649 = arith.index_cast %swap3A_648 : i32 to index
      %swap3A_650 = arith.constant 80 : index
      %swap3A_651 = tpu.vector_load %arg18[%swap3A_649, %swap3A_650] {strides = array<i32>} : memref<2x128xi32, #tpu.memory_space<vmem>>, vector<16xi32>,
      tpu.vector_store %arg18[%swap3A_649, %swap3A_650], %get3A_647 {strides = array<i32>} : memref<2x128xi32, #tpu.memory_space<vmem>>, vector<16xi32>,
      %get3A_652 = arith.constant 0 : i32
      %get3A_653 = arith.index_cast %get3A_652 : i32 to index
      %get3A_654 = arith.constant 96 : index
      %get3A_655 = tpu.vector_load %arg17[%get3A_653, %get3A_654] {strides = array<i32>} : memref<2x128xi32, #tpu.memory_space<vmem>>, vector<16xi32>,
      %swap3A_656 = arith.constant 0 : i32
      %swap3A_657 = arith.index_cast %swap3A_656 : i32 to index
      %swap3A_658 = arith.constant 96 : index
      %swap3A_659 = tpu.vector_load %arg18[%swap3A_657, %swap3A_658] {strides = array<i32>} : memref<2x128xi32, #tpu.memory_space<vmem>>, vector<16xi32>,
      tpu.vector_store %arg18[%swap3A_657, %swap3A_658], %get3A_655 {strides = array<i32>} : memref<2x128xi32, #tpu.memory_space<vmem>>, vector<16xi32>,
      %get3A_660 = arith.constant 0 : i32
      %get3A_661 = arith.index_cast %get3A_660 : i32 to index
      %get3A_662 = arith.constant 112 : index
      %get3A_663 = tpu.vector_load %arg17[%get3A_661, %get3A_662] {strides = array<i32>} : memref<2x128xi32, #tpu.memory_space<vmem>>, vector<16xi32>,
      %swap3A_664 = arith.constant 0 : i32
      %swap3A_665 = arith.index_cast %swap3A_664 : i32 to index
      %swap3A_666 = arith.constant 112 : index
      %swap3A_667 = tpu.vector_load %arg18[%swap3A_665, %swap3A_666] {strides = array<i32>} : memref<2x128xi32, #tpu.memory_space<vmem>>, vector<16xi32>,
      tpu.vector_store %arg18[%swap3A_665, %swap3A_666], %get3A_663 {strides = array<i32>} : memref<2x128xi32, #tpu.memory_space<vmem>>, vector<16xi32>,
      %get3A_668 = arith.constant 1 : i32
      %get3A_669 = arith.index_cast %get3A_668 : i32 to index
      %get3A_670 = arith.constant 0 : index
      %get3A_671 = tpu.vector_load %arg17[%get3A_669, %get3A_670] {strides = array<i32>} : memref<2x128xi32, #tpu.memory_space<vmem>>, vector<16xi32>,
      %swap3A_672 = arith.constant 1 : i32
      %swap3A_673 = arith.index_cast %swap3A_672 : i32 to index
      %swap3A_674 = arith.constant 0 : index
      %swap3A_675 = tpu.vector_load %arg18[%swap3A_673, %swap3A_674] {strides = array<i32>} : memref<2x128xi32, #tpu.memory_space<vmem>>, vector<16xi32>,
      tpu.vector_store %arg18[%swap3A_673, %swap3A_674], %get3A_671 {strides = array<i32>} : memref<2x128xi32, #tpu.memory_space<vmem>>, vector<16xi32>,
      %get3A_676 = arith.constant 1 : i32
      %get3A_677 = arith.index_cast %get3A_676 : i32 to index
      %get3A_678 = arith.constant 16 : index
      %get3A_679 = tpu.vector_load %arg17[%get3A_677, %get3A_678] {strides = array<i32>} : memref<2x128xi32, #tpu.memory_space<vmem>>, vector<16xi32>,
      %swap3A_680 = arith.constant 1 : i32
      %swap3A_681 = arith.index_cast %swap3A_680 : i32 to index
      %swap3A_682 = arith.constant 16 : index
      %swap3A_683 = tpu.vector_load %arg18[%swap3A_681, %swap3A_682] {strides = array<i32>} : memref<2x128xi32, #tpu.memory_space<vmem>>, vector<16xi32>,
      tpu.vector_store %arg18[%swap3A_681, %swap3A_682], %get3A_679 {strides = array<i32>} : memref<2x128xi32, #tpu.memory_space<vmem>>, vector<16xi32>,
      %get3A_684 = arith.constant 1 : i32
      %get3A_685 = arith.index_cast %get3A_684 : i32 to index
      %get3A_686 = arith.constant 32 : index
      %get3A_687 = tpu.vector_load %arg17[%get3A_685, %get3A_686] {strides = array<i32>} : memref<2x128xi32, #tpu.memory_space<vmem>>, vector<16xi32>,
      %swap3A_688 = arith.constant 1 : i32
      %swap3A_689 = arith.index_cast %swap3A_688 : i32 to index
      %swap3A_690 = arith.constant 32 : index
      %swap3A_691 = tpu.vector_load %arg18[%swap3A_689, %swap3A_690] {strides = array<i32>} : memref<2x128xi32, #tpu.memory_space<vmem>>, vector<16xi32>,
      tpu.vector_store %arg18[%swap3A_689, %swap3A_690], %get3A_687 {strides = array<i32>} : memref<2x128xi32, #tpu.memory_space<vmem>>, vector<16xi32>,
      %get3A_692 = arith.constant 1 : i32
      %get3A_693 = arith.index_cast %get3A_692 : i32 to index
      %get3A_694 = arith.constant 48 : index
      %get3A_695 = tpu.vector_load %arg17[%get3A_693, %get3A_694] {strides = array<i32>} : memref<2x128xi32, #tpu.memory_space<vmem>>, vector<16xi32>,
      %swap3A_696 = arith.constant 1 : i32
      %swap3A_697 = arith.index_cast %swap3A_696 : i32 to index
      %swap3A_698 = arith.constant 48 : index
      %swap3A_699 = tpu.vector_load %arg18[%swap3A_697, %swap3A_698] {strides = array<i32>} : memref<2x128xi32, #tpu.memory_space<vmem>>, vector<16xi32>,
      tpu.vector_store %arg18[%swap3A_697, %swap3A_698], %get3A_695 {strides = array<i32>} : memref<2x128xi32, #tpu.memory_space<vmem>>, vector<16xi32>,
      %get3A_700 = arith.constant 1 : i32
      %get3A_701 = arith.index_cast %get3A_700 : i32 to index
      %get3A_702 = arith.constant 64 : index
      %get3A_703 = tpu.vector_load %arg17[%get3A_701, %get3A_702] {strides = array<i32>} : memref<2x128xi32, #tpu.memory_space<vmem>>, vector<16xi32>,
      %swap3A_704 = arith.constant 1 : i32
      %swap3A_705 = arith.index_cast %swap3A_704 : i32 to index
      %swap3A_706 = arith.constant 64 : index
      %swap3A_707 = tpu.vector_load %arg18[%swap3A_705, %swap3A_706] {strides = array<i32>} : memref<2x128xi32, #tpu.memory_space<vmem>>, vector<16xi32>,
      tpu.vector_store %arg18[%swap3A_705, %swap3A_706], %get3A_703 {strides = array<i32>} : memref<2x128xi32, #tpu.memory_space<vmem>>, vector<16xi32>,
      %get3A_708 = arith.constant 1 : i32
      %get3A_709 = arith.index_cast %get3A_708 : i32 to index
      %get3A_710 = arith.constant 80 : index
      %get3A_711 = tpu.vector_load %arg17[%get3A_709, %get3A_710] {strides = array<i32>} : memref<2x128xi32, #tpu.memory_space<vmem>>, vector<16xi32>,
      %swap3A_712 = arith.constant 1 : i32
      %swap3A_713 = arith.index_cast %swap3A_712 : i32 to index
      %swap3A_714 = arith.constant 80 : index
      %swap3A_715 = tpu.vector_load %arg18[%swap3A_713, %swap3A_714] {strides = array<i32>} : memref<2x128xi32, #tpu.memory_space<vmem>>, vector<16xi32>,
      tpu.vector_store %arg18[%swap3A_713, %swap3A_714], %get3A_711 {strides = array<i32>} : memref<2x128xi32, #tpu.memory_space<vmem>>, vector<16xi32>,
      %get3A_716 = arith.constant 1 : i32
      %get3A_717 = arith.index_cast %get3A_716 : i32 to index
      %get3A_718 = arith.constant 96 : index
      %get3A_719 = tpu.vector_load %arg17[%get3A_717, %get3A_718] {strides = array<i32>} : memref<2x128xi32, #tpu.memory_space<vmem>>, vector<16xi32>,
      %swap3A_720 = arith.constant 1 : i32
      %swap3A_721 = arith.index_cast %swap3A_720 : i32 to index
      %swap3A_722 = arith.constant 96 : index
      %swap3A_723 = tpu.vector_load %arg18[%swap3A_721, %swap3A_722] {strides = array<i32>} : memref<2x128xi32, #tpu.memory_space<vmem>>, vector<16xi32>,
      tpu.vector_store %arg18[%swap3A_721, %swap3A_722], %get3A_719 {strides = array<i32>} : memref<2x128xi32, #tpu.memory_space<vmem>>, vector<16xi32>,
      %get3A_724 = arith.constant 1 : i32
      %get3A_725 = arith.index_cast %get3A_724 : i32 to index
      %get3A_726 = arith.constant 112 : index
      %get3A_727 = tpu.vector_load %arg17[%get3A_725, %get3A_726] {strides = array<i32>} : memref<2x128xi32, #tpu.memory_space<vmem>>, vector<16xi32>,
      %swap3A_728 = arith.constant 1 : i32
      %swap3A_729 = arith.index_cast %swap3A_728 : i32 to index
      %swap3A_730 = arith.constant 112 : index
      %swap3A_731 = tpu.vector_load %arg18[%swap3A_729, %swap3A_730] {strides = array<i32>} : memref<2x128xi32, #tpu.memory_space<vmem>>, vector<16xi32>,
      tpu.vector_store %arg18[%swap3A_729, %swap3A_730], %get3A_727 {strides = array<i32>} : memref<2x128xi32, #tpu.memory_space<vmem>>, vector<16xi32>,
      %lt3A_732 = arith.constant 19 : i32
      %lt3A_733 = arith.cmpi slt, %scan3A_180, %lt3A_732 : i32
      %convert_element_type3A_734 = arith.extui %lt3A_733 : i1 to i32
      %cond3A_735 = arith.constant 0 : i32
      %cond3A_736 = arith.cmpi ne, %convert_element_type3A_734, %cond3A_735 : i32
      scf.if %cond3A_736 {
        %add3A_785 = arith.constant 2 : i32
        %add3A_786 = arith.addi %add3A_493, %add3A_785 : i32
        %mul3A_787 = arith.constant 80 : i32
        %mul3A_788 = arith.muli %add3A, %mul3A_787 : i32
        %mul3A_789 = arith.constant 2 : i32
        %mul3A_790 = arith.muli %add3A_786, %mul3A_789 : i32
        %add3A_791 = arith.addi %mul3A_788, %mul3A_790 : i32
        %dma_start3A_792 = arith.constant 0 : i32
        %dma_start3A_793 = tpu.memref_slice %arg2[%add3A_791, %dma_start3A_792] : memref<2560x128xi32, #tpu.memory_space<hbm>> -> memref<2x128xi32, #tpu.memory_space<hbm>>
        %dma_start3A_794 = arith.constant 0 : i32
        %dma_start3A_795 = tpu.memref_slice %arg2[%add3A_791, %dma_start3A_794] : memref<2560x128xi32, #tpu.memory_space<hbm>> -> memref<2x128xi32, #tpu.memory_space<hbm>>
        tpu.enqueue_dma source(%dma_start3A_795 : memref<2x128xi32, #tpu.memory_space<hbm>>) target(%arg16 : memref<2x128xi32, #tpu.memory_space<vmem>>) target_semaphore(%arg30 : memref<!tpu.dma_semaphore, #tpu.memory_space<semaphore_mem>>)
        %dma_start3A_796 = arith.constant 0 : i32
        %dma_start3A_797 = tpu.memref_slice %arg3[%add3A_791, %dma_start3A_796] : memref<2560x128xi32, #tpu.memory_space<hbm>> -> memref<2x128xi32, #tpu.memory_space<hbm>>
        %dma_start3A_798 = arith.constant 0 : i32
        %dma_start3A_799 = tpu.memref_slice %arg3[%add3A_791, %dma_start3A_798] : memref<2560x128xi32, #tpu.memory_space<hbm>> -> memref<2x128xi32, #tpu.memory_space<hbm>>
        tpu.enqueue_dma source(%dma_start3A_799 : memref<2x128xi32, #tpu.memory_space<hbm>>) target(%arg17 : memref<2x128xi32, #tpu.memory_space<vmem>>) target_semaphore(%arg30 : memref<!tpu.dma_semaphore, #tpu.memory_space<semaphore_mem>>)
      } else {
      }
      %scan3A_737 = arith.constant 0 : i32
      %scan3A_738 = arith.constant 0 : i32
      %scan3A_739 = arith.constant 128 : i32
      %scan3A_740 = arith.addi %scan3A_738, %scan3A_739 : i32
      %scan3A_741 = arith.constant 1 : i32
      %scan3A_742 = scf.for %scan3A_785 = %scan3A_738 to %scan3A_740 step %scan3A_741 iter_args(%scan3A_786 = %scan3A_737) -> (i32)  : i32 {
        %mul3A_787 = arith.constant 2 : i32
        %mul3A_788 = arith.muli %scan3A_785, %mul3A_787 : i32
        %add3A_789 = arith.constant 0 : i32
        %add3A_790 = arith.addi %mul3A_788, %add3A_789 : i32
        %get3A_791 = arith.index_cast %add3A_790 : i32 to index
        %get3A_792 = arith.constant 0 : index
        %get3A_793 = tpu.vector_load %arg19[%get3A_791, %get3A_792] {strides = array<i32>} : memref<256x16xf32, #tpu.memory_space<vmem>>, vector<16xf32>,
        %get3A_794 = arith.index_cast %add3A_790 : i32 to index
        %get3A_795 = arith.constant 0 : index
        %get3A_796 = tpu.vector_load %arg20[%get3A_794, %get3A_795] {strides = array<i32>} : memref<256x16xf32, #tpu.memory_space<vmem>>, vector<16xf32>,
        %add3A_797 = arith.addf %get3A_793, %get3A_796 : vector<16xf32>
        %gt3A = arith.constant 0.000000e+00 : f32
        %gt3A_798 = vector.broadcast %gt3A : f32 to vector<16xf32>
        %gt3A_799 = arith.cmpf ogt, %add3A_797, %gt3A_798 : vector<16xf32>
        %mul3A_800 = arith.constant 2.000000e-01 : f32
        %mul3A_801 = vector.broadcast %mul3A_800 : f32 to vector<16xf32>
        %mul3A_802 = arith.mulf %mul3A_801, %add3A_797 : vector<16xf32>
        %select_n3A = arith.select %gt3A_799, %add3A_797, %mul3A_802 : vector<16xi1>, vector<16xf32>
        %exp3A = math.exp %select_n3A : vector<16xf32>
        %swap3A_803 = arith.index_cast %add3A_790 : i32 to index
        %swap3A_804 = arith.constant 0 : index
        %swap3A_805 = tpu.vector_load %arg21[%swap3A_803, %swap3A_804] {strides = array<i32>} : memref<256x16xf32, #tpu.memory_space<vmem>>, vector<16xf32>,
        tpu.vector_store %arg21[%swap3A_803, %swap3A_804], %exp3A {strides = array<i32>} : memref<256x16xf32, #tpu.memory_space<vmem>>, vector<16xf32>,
        %get3A_806 = arith.index_cast %add3A_790 : i32 to index
        %get3A_807 = arith.constant 0 : index
        %get3A_808 = tpu.vector_load %arg22[%get3A_806, %get3A_807] {strides = array<i32>} : memref<256x16xf32, #tpu.memory_space<vmem>>, vector<16xf32>,
        %mul3A_809 = arith.mulf %get3A_808, %exp3A : vector<16xf32>
        %swap3A_810 = arith.index_cast %add3A_790 : i32 to index
        %swap3A_811 = arith.constant 0 : index
        %swap3A_812 = tpu.vector_load %arg22[%swap3A_810, %swap3A_811] {strides = array<i32>} : memref<256x16xf32, #tpu.memory_space<vmem>>, vector<16xf32>,
        tpu.vector_store %arg22[%swap3A_810, %swap3A_811], %mul3A_809 {strides = array<i32>} : memref<256x16xf32, #tpu.memory_space<vmem>>, vector<16xf32>,
        %mul3A_813 = arith.constant 2 : i32
        %mul3A_814 = arith.muli %scan3A_785, %mul3A_813 : i32
        %add3A_815 = arith.constant 1 : i32
        %add3A_816 = arith.addi %mul3A_814, %add3A_815 : i32
        %get3A_817 = arith.index_cast %add3A_816 : i32 to index
        %get3A_818 = arith.constant 0 : index
        %get3A_819 = tpu.vector_load %arg19[%get3A_817, %get3A_818] {strides = array<i32>} : memref<256x16xf32, #tpu.memory_space<vmem>>, vector<16xf32>,
        %get3A_820 = arith.index_cast %add3A_816 : i32 to index
        %get3A_821 = arith.constant 0 : index
        %get3A_822 = tpu.vector_load %arg20[%get3A_820, %get3A_821] {strides = array<i32>} : memref<256x16xf32, #tpu.memory_space<vmem>>, vector<16xf32>,
        %add3A_823 = arith.addf %get3A_819, %get3A_822 : vector<16xf32>
        %gt3A_824 = arith.constant 0.000000e+00 : f32
        %gt3A_825 = vector.broadcast %gt3A_824 : f32 to vector<16xf32>
        %gt3A_826 = arith.cmpf ogt, %add3A_823, %gt3A_825 : vector<16xf32>
        %mul3A_827 = arith.constant 2.000000e-01 : f32
        %mul3A_828 = vector.broadcast %mul3A_827 : f32 to vector<16xf32>
        %mul3A_829 = arith.mulf %mul3A_828, %add3A_823 : vector<16xf32>
        %select_n3A_830 = arith.select %gt3A_826, %add3A_823, %mul3A_829 : vector<16xi1>, vector<16xf32>
        %exp3A_831 = math.exp %select_n3A_830 : vector<16xf32>
        %swap3A_832 = arith.index_cast %add3A_816 : i32 to index
        %swap3A_833 = arith.constant 0 : index
        %swap3A_834 = tpu.vector_load %arg21[%swap3A_832, %swap3A_833] {strides = array<i32>} : memref<256x16xf32, #tpu.memory_space<vmem>>, vector<16xf32>,
        tpu.vector_store %arg21[%swap3A_832, %swap3A_833], %exp3A_831 {strides = array<i32>} : memref<256x16xf32, #tpu.memory_space<vmem>>, vector<16xf32>,
        %get3A_835 = arith.index_cast %add3A_816 : i32 to index
        %get3A_836 = arith.constant 0 : index
        %get3A_837 = tpu.vector_load %arg22[%get3A_835, %get3A_836] {strides = array<i32>} : memref<256x16xf32, #tpu.memory_space<vmem>>, vector<16xf32>,
        %mul3A_838 = arith.mulf %get3A_837, %exp3A_831 : vector<16xf32>
        %swap3A_839 = arith.index_cast %add3A_816 : i32 to index
        %swap3A_840 = arith.constant 0 : index
        %swap3A_841 = tpu.vector_load %arg22[%swap3A_839, %swap3A_840] {strides = array<i32>} : memref<256x16xf32, #tpu.memory_space<vmem>>, vector<16xf32>,
        tpu.vector_store %arg22[%swap3A_839, %swap3A_840], %mul3A_838 {strides = array<i32>} : memref<256x16xf32, #tpu.memory_space<vmem>>, vector<16xf32>,
        %scan3A_842 = arith.constant 0 : i32
        scf.yield %scan3A_842 : i32
      }
      %scan3A_743 = arith.constant 128 : i32
      %dma_start3A_744 = arith.constant 0 : i32
      %dma_start3A_745 = arith.constant 0 : i32
      %dma_start3A_746 = arith.constant 0 : i32
      %dma_start3A_747 = tpu.memref_slice %arg22[%dma_start3A_745, %dma_start3A_746] : memref<256x16xf32, #tpu.memory_space<vmem>> -> memref<128x16xf32, #tpu.memory_space<vmem>>
      %dma_start3A_748 = arith.constant 0 : i32
      %dma_start3A_749 = tpu.memref_slice %arg18[%dma_start3A_744, %dma_start3A_748] : memref<2x128xi32, #tpu.memory_space<vmem>> -> memref<1x128xi32, #tpu.memory_space<vmem>>
      %dma_start3A_750 = tpu.memref_squeeze %dma_start3A_749 : memref<1x128xi32, #tpu.memory_space<vmem>> -> memref<128xi32, #tpu.memory_space<vmem>>
      %dma_start3A_751 = arith.constant 0 : i32
      %dma_start3A_752 = arith.constant 0 : i32
      %dma_start3A_753 = tpu.memref_slice %arg25[%dma_start3A_751, %dma_start3A_752] : memref<10240x16xf32, #tpu.memory_space<vmem_shared>> -> memref<10240x16xf32, #tpu.memory_space<vmem_shared>>
      tpu.enqueue_indirect_dma source(%dma_start3A_747 : memref<128x16xf32, #tpu.memory_space<vmem>>) target(%dma_start3A_753 : memref<10240x16xf32, #tpu.memory_space<vmem_shared>>) offsets(%dma_start3A_750 : memref<128xi32, #tpu.memory_space<vmem>>) semaphore(%arg32 : memref<!tpu.dma_semaphore, #tpu.memory_space<semaphore_mem>>) {add = true}
      %dma_start3A_754 = arith.constant 0 : i32
      %dma_start3A_755 = arith.constant 0 : i32
      %dma_start3A_756 = arith.constant 0 : i32
      %dma_start3A_757 = tpu.memref_slice %arg21[%dma_start3A_755, %dma_start3A_756] : memref<256x16xf32, #tpu.memory_space<vmem>> -> memref<128x16xf32, #tpu.memory_space<vmem>>
      %dma_start3A_758 = arith.constant 0 : i32
      %dma_start3A_759 = tpu.memref_slice %arg18[%dma_start3A_754, %dma_start3A_758] : memref<2x128xi32, #tpu.memory_space<vmem>> -> memref<1x128xi32, #tpu.memory_space<vmem>>
      %dma_start3A_760 = tpu.memref_squeeze %dma_start3A_759 : memref<1x128xi32, #tpu.memory_space<vmem>> -> memref<128xi32, #tpu.memory_space<vmem>>
      %dma_start3A_761 = arith.constant 0 : i32
      %dma_start3A_762 = arith.constant 0 : i32
      %dma_start3A_763 = tpu.memref_slice %arg26[%dma_start3A_761, %dma_start3A_762] : memref<10240x16xf32, #tpu.memory_space<vmem_shared>> -> memref<10240x16xf32, #tpu.memory_space<vmem_shared>>
      tpu.enqueue_indirect_dma source(%dma_start3A_757 : memref<128x16xf32, #tpu.memory_space<vmem>>) target(%dma_start3A_763 : memref<10240x16xf32, #tpu.memory_space<vmem_shared>>) offsets(%dma_start3A_760 : memref<128xi32, #tpu.memory_space<vmem>>) semaphore(%arg32 : memref<!tpu.dma_semaphore, #tpu.memory_space<semaphore_mem>>) {add = true}
      %dma_start3A_764 = arith.constant 1 : i32
      %dma_start3A_765 = arith.constant 128 : i32
      %dma_start3A_766 = arith.constant 0 : i32
      %dma_start3A_767 = tpu.memref_slice %arg22[%dma_start3A_765, %dma_start3A_766] : memref<256x16xf32, #tpu.memory_space<vmem>> -> memref<128x16xf32, #tpu.memory_space<vmem>>
      %dma_start3A_768 = arith.constant 0 : i32
      %dma_start3A_769 = tpu.memref_slice %arg18[%dma_start3A_764, %dma_start3A_768] : memref<2x128xi32, #tpu.memory_space<vmem>> -> memref<1x128xi32, #tpu.memory_space<vmem>>
      %dma_start3A_770 = tpu.memref_squeeze %dma_start3A_769 : memref<1x128xi32, #tpu.memory_space<vmem>> -> memref<128xi32, #tpu.memory_space<vmem>>
      %dma_start3A_771 = arith.constant 0 : i32
      %dma_start3A_772 = arith.constant 0 : i32
      %dma_start3A_773 = tpu.memref_slice %arg25[%dma_start3A_771, %dma_start3A_772] : memref<10240x16xf32, #tpu.memory_space<vmem_shared>> -> memref<10240x16xf32, #tpu.memory_space<vmem_shared>>
      tpu.enqueue_indirect_dma source(%dma_start3A_767 : memref<128x16xf32, #tpu.memory_space<vmem>>) target(%dma_start3A_773 : memref<10240x16xf32, #tpu.memory_space<vmem_shared>>) offsets(%dma_start3A_770 : memref<128xi32, #tpu.memory_space<vmem>>) semaphore(%arg32 : memref<!tpu.dma_semaphore, #tpu.memory_space<semaphore_mem>>) {add = true}
      %dma_start3A_774 = arith.constant 1 : i32
      %dma_start3A_775 = arith.constant 128 : i32
      %dma_start3A_776 = arith.constant 0 : i32
      %dma_start3A_777 = tpu.memref_slice %arg21[%dma_start3A_775, %dma_start3A_776] : memref<256x16xf32, #tpu.memory_space<vmem>> -> memref<128x16xf32, #tpu.memory_space<vmem>>
      %dma_start3A_778 = arith.constant 0 : i32
      %dma_start3A_779 = tpu.memref_slice %arg18[%dma_start3A_774, %dma_start3A_778] : memref<2x128xi32, #tpu.memory_space<vmem>> -> memref<1x128xi32, #tpu.memory_space<vmem>>
      %dma_start3A_780 = tpu.memref_squeeze %dma_start3A_779 : memref<1x128xi32, #tpu.memory_space<vmem>> -> memref<128xi32, #tpu.memory_space<vmem>>
      %dma_start3A_781 = arith.constant 0 : i32
      %dma_start3A_782 = arith.constant 0 : i32
      %dma_start3A_783 = tpu.memref_slice %arg26[%dma_start3A_781, %dma_start3A_782] : memref<10240x16xf32, #tpu.memory_space<vmem_shared>> -> memref<10240x16xf32, #tpu.memory_space<vmem_shared>>
      tpu.enqueue_indirect_dma source(%dma_start3A_777 : memref<128x16xf32, #tpu.memory_space<vmem>>) target(%dma_start3A_783 : memref<10240x16xf32, #tpu.memory_space<vmem_shared>>) offsets(%dma_start3A_780 : memref<128xi32, #tpu.memory_space<vmem>>) semaphore(%arg32 : memref<!tpu.dma_semaphore, #tpu.memory_space<semaphore_mem>>) {add = true}
      %scan3A_784 = arith.constant 0 : i32
      scf.yield %scan3A_784 : i32
    }
    %scan3A_131 = arith.constant 20 : i32
    %dma_wait3A_132 = arith.constant 0 : i32
    %dma_wait3A_133 = arith.constant 0 : i32
    %dma_wait3A_134 = arith.constant 0 : i32
    %dma_wait3A_135 = tpu.memref_slice %arg22[%dma_wait3A_133, %dma_wait3A_134] : memref<256x16xf32, #tpu.memory_space<vmem>> -> memref<128x16xf32, #tpu.memory_space<vmem>>
    %dma_wait3A_136 = arith.constant 0 : i32
    %dma_wait3A_137 = tpu.memref_slice %arg18[%dma_wait3A_132, %dma_wait3A_136] : memref<2x128xi32, #tpu.memory_space<vmem>> -> memref<1x128xi32, #tpu.memory_space<vmem>>
    %dma_wait3A_138 = tpu.memref_squeeze %dma_wait3A_137 : memref<1x128xi32, #tpu.memory_space<vmem>> -> memref<128xi32, #tpu.memory_space<vmem>>
    %dma_wait3A_139 = arith.constant 0 : i32
    %dma_wait3A_140 = arith.constant 0 : i32
    %dma_wait3A_141 = tpu.memref_slice %arg25[%dma_wait3A_139, %dma_wait3A_140] : memref<10240x16xf32, #tpu.memory_space<vmem_shared>> -> memref<10240x16xf32, #tpu.memory_space<vmem_shared>>
    tpu.wait_indirect_dma semaphore(%arg32 : memref<!tpu.dma_semaphore, #tpu.memory_space<semaphore_mem>>) src(%dma_wait3A_135 : memref<128x16xf32, #tpu.memory_space<vmem>>) dst(%dma_wait3A_141 : memref<10240x16xf32, #tpu.memory_space<vmem_shared>>)
    %dma_wait3A_142 = arith.constant 0 : i32
    %dma_wait3A_143 = arith.constant 0 : i32
    %dma_wait3A_144 = arith.constant 0 : i32
    %dma_wait3A_145 = tpu.memref_slice %arg21[%dma_wait3A_143, %dma_wait3A_144] : memref<256x16xf32, #tpu.memory_space<vmem>> -> memref<128x16xf32, #tpu.memory_space<vmem>>
    %dma_wait3A_146 = arith.constant 0 : i32
    %dma_wait3A_147 = tpu.memref_slice %arg18[%dma_wait3A_142, %dma_wait3A_146] : memref<2x128xi32, #tpu.memory_space<vmem>> -> memref<1x128xi32, #tpu.memory_space<vmem>>
    %dma_wait3A_148 = tpu.memref_squeeze %dma_wait3A_147 : memref<1x128xi32, #tpu.memory_space<vmem>> -> memref<128xi32, #tpu.memory_space<vmem>>
    %dma_wait3A_149 = arith.constant 0 : i32
    %dma_wait3A_150 = arith.constant 0 : i32
    %dma_wait3A_151 = tpu.memref_slice %arg26[%dma_wait3A_149, %dma_wait3A_150] : memref<10240x16xf32, #tpu.memory_space<vmem_shared>> -> memref<10240x16xf32, #tpu.memory_space<vmem_shared>>
    tpu.wait_indirect_dma semaphore(%arg32 : memref<!tpu.dma_semaphore, #tpu.memory_space<semaphore_mem>>) src(%dma_wait3A_145 : memref<128x16xf32, #tpu.memory_space<vmem>>) dst(%dma_wait3A_151 : memref<10240x16xf32, #tpu.memory_space<vmem_shared>>)
    %dma_wait3A_152 = arith.constant 1 : i32
    %dma_wait3A_153 = arith.constant 128 : i32
    %dma_wait3A_154 = arith.constant 0 : i32
    %dma_wait3A_155 = tpu.memref_slice %arg22[%dma_wait3A_153, %dma_wait3A_154] : memref<256x16xf32, #tpu.memory_space<vmem>> -> memref<128x16xf32, #tpu.memory_space<vmem>>
    %dma_wait3A_156 = arith.constant 0 : i32
    %dma_wait3A_157 = tpu.memref_slice %arg18[%dma_wait3A_152, %dma_wait3A_156] : memref<2x128xi32, #tpu.memory_space<vmem>> -> memref<1x128xi32, #tpu.memory_space<vmem>>
    %dma_wait3A_158 = tpu.memref_squeeze %dma_wait3A_157 : memref<1x128xi32, #tpu.memory_space<vmem>> -> memref<128xi32, #tpu.memory_space<vmem>>
    %dma_wait3A_159 = arith.constant 0 : i32
    %dma_wait3A_160 = arith.constant 0 : i32
    %dma_wait3A_161 = tpu.memref_slice %arg25[%dma_wait3A_159, %dma_wait3A_160] : memref<10240x16xf32, #tpu.memory_space<vmem_shared>> -> memref<10240x16xf32, #tpu.memory_space<vmem_shared>>
    tpu.wait_indirect_dma semaphore(%arg32 : memref<!tpu.dma_semaphore, #tpu.memory_space<semaphore_mem>>) src(%dma_wait3A_155 : memref<128x16xf32, #tpu.memory_space<vmem>>) dst(%dma_wait3A_161 : memref<10240x16xf32, #tpu.memory_space<vmem_shared>>)
    %dma_wait3A_162 = arith.constant 1 : i32
    %dma_wait3A_163 = arith.constant 128 : i32
    %dma_wait3A_164 = arith.constant 0 : i32
    %dma_wait3A_165 = tpu.memref_slice %arg21[%dma_wait3A_163, %dma_wait3A_164] : memref<256x16xf32, #tpu.memory_space<vmem>> -> memref<128x16xf32, #tpu.memory_space<vmem>>
    %dma_wait3A_166 = arith.constant 0 : i32
    %dma_wait3A_167 = tpu.memref_slice %arg18[%dma_wait3A_162, %dma_wait3A_166] : memref<2x128xi32, #tpu.memory_space<vmem>> -> memref<1x128xi32, #tpu.memory_space<vmem>>
    %dma_wait3A_168 = tpu.memref_squeeze %dma_wait3A_167 : memref<1x128xi32, #tpu.memory_space<vmem>> -> memref<128xi32, #tpu.memory_space<vmem>>
    %dma_wait3A_169 = arith.constant 0 : i32
    %dma_wait3A_170 = arith.constant 0 : i32
    %dma_wait3A_171 = tpu.memref_slice %arg26[%dma_wait3A_169, %dma_wait3A_170] : memref<10240x16xf32, #tpu.memory_space<vmem_shared>> -> memref<10240x16xf32, #tpu.memory_space<vmem_shared>>
    tpu.wait_indirect_dma semaphore(%arg32 : memref<!tpu.dma_semaphore, #tpu.memory_space<semaphore_mem>>) src(%dma_wait3A_165 : memref<128x16xf32, #tpu.memory_space<vmem>>) dst(%dma_wait3A_171 : memref<10240x16xf32, #tpu.memory_space<vmem_shared>>)
    %barrier3A_172 = arith.constant 0 : index
    tpu.barrier barrier_id(%barrier3A_172)
    %scan3A_173 = arith.constant 0 : i32
    %scan3A_174 = arith.constant 0 : i32
    %scan3A_175 = arith.constant 5 : i32
    %scan3A_176 = arith.addi %scan3A_174, %scan3A_175 : i32
    %scan3A_177 = arith.constant 1 : i32
    %scan3A_178 = scf.for %scan3A_180 = %scan3A_174 to %scan3A_176 step %scan3A_177 iter_args(%scan3A_181 = %scan3A_173) -> (i32)  : i32 {
      %mul3A_182 = arith.constant 128 : i32
      %mul3A_183 = arith.muli %scan3A_180, %mul3A_182 : i32
      %add3A_184 = arith.addi %mul3A_9, %mul3A_183 : i32
      "tpu.region"() ({
        %run_scoped3A = tpu.sem_alloc : memref<!tpu.dma_semaphore, #tpu.memory_space<semaphore_mem>>
        %dma_start3A_186 = arith.constant 0 : i32
        %dma_start3A_187 = tpu.memref_slice %arg25[%add3A_184, %dma_start3A_186] : memref<10240x16xf32, #tpu.memory_space<vmem_shared>> -> memref<128x16xf32, #tpu.memory_space<vmem_shared>>
        %dma_start3A_188 = arith.constant 0 : i32
        %dma_start3A_189 = tpu.memref_slice %arg25[%add3A_184, %dma_start3A_188] : memref<10240x16xf32, #tpu.memory_space<vmem_shared>> -> memref<128x16xf32, #tpu.memory_space<vmem_shared>>
        tpu.enqueue_dma source(%dma_start3A_189 : memref<128x16xf32, #tpu.memory_space<vmem_shared>>) target(%arg23 : memref<128x16xf32, #tpu.memory_space<vmem>>) target_semaphore(%run_scoped3A : memref<!tpu.dma_semaphore, #tpu.memory_space<semaphore_mem>>)
        %dma_wait3A_190 = arith.constant 0 : i32
        %dma_wait3A_191 = tpu.memref_slice %arg25[%add3A_184, %dma_wait3A_190] : memref<10240x16xf32, #tpu.memory_space<vmem_shared>> -> memref<128x16xf32, #tpu.memory_space<vmem_shared>>
        %dma_wait3A_192 = arith.constant 0 : i32
        %dma_wait3A_193 = tpu.memref_slice %arg25[%add3A_184, %dma_wait3A_192] : memref<10240x16xf32, #tpu.memory_space<vmem_shared>> -> memref<128x16xf32, #tpu.memory_space<vmem_shared>>
        tpu.wait_dma2 semaphore(%run_scoped3A : memref<!tpu.dma_semaphore, #tpu.memory_space<semaphore_mem>>) src(%dma_wait3A_193 : memref<128x16xf32, #tpu.memory_space<vmem_shared>>) dst(%arg23 : memref<128x16xf32, #tpu.memory_space<vmem>>)
        tpu.yield
      }) : () -> ()
      "tpu.region"() ({
        %run_scoped3A = tpu.sem_alloc : memref<!tpu.dma_semaphore, #tpu.memory_space<semaphore_mem>>
        %dma_start3A_186 = arith.constant 0 : i32
        %dma_start3A_187 = tpu.memref_slice %arg7[%arg0, %add3A_184, %dma_start3A_186] : memref<2x10240x16xf32, #tpu.memory_space<hbm>> -> memref<1x128x16xf32, #tpu.memory_space<hbm>>
        %dma_start3A_188 = tpu.memref_squeeze %dma_start3A_187 : memref<1x128x16xf32, #tpu.memory_space<hbm>> -> memref<128x16xf32, #tpu.memory_space<hbm>>
        %dma_start3A_189 = arith.constant 0 : i32
        %dma_start3A_190 = tpu.memref_slice %arg7[%arg0, %add3A_184, %dma_start3A_189] : memref<2x10240x16xf32, #tpu.memory_space<hbm>> -> memref<1x128x16xf32, #tpu.memory_space<hbm>>
        %dma_start3A_191 = tpu.memref_squeeze %dma_start3A_190 : memref<1x128x16xf32, #tpu.memory_space<hbm>> -> memref<128x16xf32, #tpu.memory_space<hbm>>
        tpu.enqueue_dma source(%arg23 : memref<128x16xf32, #tpu.memory_space<vmem>>) target(%dma_start3A_191 : memref<128x16xf32, #tpu.memory_space<hbm>>) target_semaphore(%run_scoped3A : memref<!tpu.dma_semaphore, #tpu.memory_space<semaphore_mem>>)
        %dma_wait3A_192 = arith.constant 0 : i32
        %dma_wait3A_193 = tpu.memref_slice %arg7[%arg0, %add3A_184, %dma_wait3A_192] : memref<2x10240x16xf32, #tpu.memory_space<hbm>> -> memref<1x128x16xf32, #tpu.memory_space<hbm>>
        %dma_wait3A_194 = tpu.memref_squeeze %dma_wait3A_193 : memref<1x128x16xf32, #tpu.memory_space<hbm>> -> memref<128x16xf32, #tpu.memory_space<hbm>>
        %dma_wait3A_195 = arith.constant 0 : i32
        %dma_wait3A_196 = tpu.memref_slice %arg7[%arg0, %add3A_184, %dma_wait3A_195] : memref<2x10240x16xf32, #tpu.memory_space<hbm>> -> memref<1x128x16xf32, #tpu.memory_space<hbm>>
        %dma_wait3A_197 = tpu.memref_squeeze %dma_wait3A_196 : memref<1x128x16xf32, #tpu.memory_space<hbm>> -> memref<128x16xf32, #tpu.memory_space<hbm>>
        tpu.wait_dma2 semaphore(%run_scoped3A : memref<!tpu.dma_semaphore, #tpu.memory_space<semaphore_mem>>) src(%arg23 : memref<128x16xf32, #tpu.memory_space<vmem>>) dst(%dma_wait3A_197 : memref<128x16xf32, #tpu.memory_space<hbm>>)
        tpu.yield
      }) : () -> ()
      "tpu.region"() ({
        %run_scoped3A = tpu.sem_alloc : memref<!tpu.dma_semaphore, #tpu.memory_space<semaphore_mem>>
        %dma_start3A_186 = arith.constant 0 : i32
        %dma_start3A_187 = tpu.memref_slice %arg26[%add3A_184, %dma_start3A_186] : memref<10240x16xf32, #tpu.memory_space<vmem_shared>> -> memref<128x16xf32, #tpu.memory_space<vmem_shared>>
        %dma_start3A_188 = arith.constant 0 : i32
        %dma_start3A_189 = tpu.memref_slice %arg26[%add3A_184, %dma_start3A_188] : memref<10240x16xf32, #tpu.memory_space<vmem_shared>> -> memref<128x16xf32, #tpu.memory_space<vmem_shared>>
        tpu.enqueue_dma source(%dma_start3A_189 : memref<128x16xf32, #tpu.memory_space<vmem_shared>>) target(%arg24 : memref<128x16xf32, #tpu.memory_space<vmem>>) target_semaphore(%run_scoped3A : memref<!tpu.dma_semaphore, #tpu.memory_space<semaphore_mem>>)
        %dma_wait3A_190 = arith.constant 0 : i32
        %dma_wait3A_191 = tpu.memref_slice %arg26[%add3A_184, %dma_wait3A_190] : memref<10240x16xf32, #tpu.memory_space<vmem_shared>> -> memref<128x16xf32, #tpu.memory_space<vmem_shared>>
        %dma_wait3A_192 = arith.constant 0 : i32
        %dma_wait3A_193 = tpu.memref_slice %arg26[%add3A_184, %dma_wait3A_192] : memref<10240x16xf32, #tpu.memory_space<vmem_shared>> -> memref<128x16xf32, #tpu.memory_space<vmem_shared>>
        tpu.wait_dma2 semaphore(%run_scoped3A : memref<!tpu.dma_semaphore, #tpu.memory_space<semaphore_mem>>) src(%dma_wait3A_193 : memref<128x16xf32, #tpu.memory_space<vmem_shared>>) dst(%arg24 : memref<128x16xf32, #tpu.memory_space<vmem>>)
        tpu.yield
      }) : () -> ()
      "tpu.region"() ({
        %run_scoped3A = tpu.sem_alloc : memref<!tpu.dma_semaphore, #tpu.memory_space<semaphore_mem>>
        %dma_start3A_186 = arith.constant 0 : i32
        %dma_start3A_187 = tpu.memref_slice %arg8[%arg0, %add3A_184, %dma_start3A_186] : memref<2x10240x16xf32, #tpu.memory_space<hbm>> -> memref<1x128x16xf32, #tpu.memory_space<hbm>>
        %dma_start3A_188 = tpu.memref_squeeze %dma_start3A_187 : memref<1x128x16xf32, #tpu.memory_space<hbm>> -> memref<128x16xf32, #tpu.memory_space<hbm>>
        %dma_start3A_189 = arith.constant 0 : i32
        %dma_start3A_190 = tpu.memref_slice %arg8[%arg0, %add3A_184, %dma_start3A_189] : memref<2x10240x16xf32, #tpu.memory_space<hbm>> -> memref<1x128x16xf32, #tpu.memory_space<hbm>>
        %dma_start3A_191 = tpu.memref_squeeze %dma_start3A_190 : memref<1x128x16xf32, #tpu.memory_space<hbm>> -> memref<128x16xf32, #tpu.memory_space<hbm>>
        tpu.enqueue_dma source(%arg24 : memref<128x16xf32, #tpu.memory_space<vmem>>) target(%dma_start3A_191 : memref<128x16xf32, #tpu.memory_space<hbm>>) target_semaphore(%run_scoped3A : memref<!tpu.dma_semaphore, #tpu.memory_space<semaphore_mem>>)
        %dma_wait3A_192 = arith.constant 0 : i32
        %dma_wait3A_193 = tpu.memref_slice %arg8[%arg0, %add3A_184, %dma_wait3A_192] : memref<2x10240x16xf32, #tpu.memory_space<hbm>> -> memref<1x128x16xf32, #tpu.memory_space<hbm>>
        %dma_wait3A_194 = tpu.memref_squeeze %dma_wait3A_193 : memref<1x128x16xf32, #tpu.memory_space<hbm>> -> memref<128x16xf32, #tpu.memory_space<hbm>>
        %dma_wait3A_195 = arith.constant 0 : i32
        %dma_wait3A_196 = tpu.memref_slice %arg8[%arg0, %add3A_184, %dma_wait3A_195] : memref<2x10240x16xf32, #tpu.memory_space<hbm>> -> memref<1x128x16xf32, #tpu.memory_space<hbm>>
        %dma_wait3A_197 = tpu.memref_squeeze %dma_wait3A_196 : memref<1x128x16xf32, #tpu.memory_space<hbm>> -> memref<128x16xf32, #tpu.memory_space<hbm>>
        tpu.wait_dma2 semaphore(%run_scoped3A : memref<!tpu.dma_semaphore, #tpu.memory_space<semaphore_mem>>) src(%arg24 : memref<128x16xf32, #tpu.memory_space<vmem>>) dst(%dma_wait3A_197 : memref<128x16xf32, #tpu.memory_space<hbm>>)
        tpu.yield
      }) : () -> ()
      %scan3A_185 = arith.constant 0 : i32
      scf.yield %scan3A_185 : i32
    }
    %scan3A_179 = arith.constant 5 : i32
    return
  }
}

#map = affine_map<(d0, d1) -> (0, 0)>
#map1 = affine_map<(d0, d1) -> (0, 0, 0)>
module attributes {stable_mosaic.version = 14 : i64} {
  func.func @edge_kernel(%arg0: i32, %arg1: i32, %arg2: memref<2560x128xi32, #tpu.memory_space<hbm>>, %arg3: memref<2560x128xi32, #tpu.memory_space<hbm>>, %arg4: memref<10240x64xf32, #tpu.memory_space<hbm>>, %arg5: memref<10240x16xf32, #tpu.memory_space<hbm>>, %arg6: memref<10240x16xf32, #tpu.memory_space<hbm>>, %arg7: memref<2x10240x64xf32, #tpu.memory_space<hbm>>, %arg8: memref<2x10240x16xf32, #tpu.memory_space<hbm>>, %arg9: memref<2x128xi32, #tpu.memory_space<vmem>>, %arg10: memref<2x128xi32, #tpu.memory_space<vmem>>, %arg11: memref<2x128xi32, #tpu.memory_space<vmem>>, %arg12: memref<256x16xf32, #tpu.memory_space<vmem>>, %arg13: memref<256x16xf32, #tpu.memory_space<vmem>>, %arg14: memref<256x16xf32, #tpu.memory_space<vmem>>, %arg15: memref<256x64xf32, #tpu.memory_space<vmem>>, %arg16: memref<2x128xi32, #tpu.memory_space<vmem>>, %arg17: memref<2x128xi32, #tpu.memory_space<vmem>>, %arg18: memref<2x128xi32, #tpu.memory_space<vmem>>, %arg19: memref<256x16xf32, #tpu.memory_space<vmem>>, %arg20: memref<256x16xf32, #tpu.memory_space<vmem>>, %arg21: memref<256x16xf32, #tpu.memory_space<vmem>>, %arg22: memref<256x64xf32, #tpu.memory_space<vmem>>, %arg23: memref<128x64xf32, #tpu.memory_space<vmem>>, %arg24: memref<128x16xf32, #tpu.memory_space<vmem>>, %arg25: memref<10240x64xf32, #tpu.memory_space<vmem_shared>>, %arg26: memref<10240x16xf32, #tpu.memory_space<vmem_shared>>, %arg27: memref<!tpu.dma_semaphore, #tpu.memory_space<semaphore_mem>>, %arg28: memref<!tpu.dma_semaphore, #tpu.memory_space<semaphore_mem>>, %arg29: memref<!tpu.dma_semaphore, #tpu.memory_space<semaphore_mem>>, %arg30: memref<!tpu.dma_semaphore, #tpu.memory_space<semaphore_mem>>, %arg31: memref<!tpu.dma_semaphore, #tpu.memory_space<semaphore_mem>>, %arg32: memref<!tpu.dma_semaphore, #tpu.memory_space<semaphore_mem>>) attributes {dimension_semantics = [#tpu.dimension_semantics<core_parallel>, #tpu.dimension_semantics<subcore_parallel>], iteration_bounds = array<i64: 2, 16>, scalar_prefetch = 0 : i64, scratch_operands = 24 : i64, tpu.core_type = #tpu.core_type<sc_vector_subcore>, window_params = [{transform_indices = #map}, {transform_indices = #map}, {transform_indices = #map}, {transform_indices = #map}, {transform_indices = #map}, {transform_indices = #map1}, {transform_indices = #map1}]} {
    %mul3A = arith.constant 16 : i32
    %mul3A_0 = arith.muli %arg0, %mul3A : i32
    %add3A = arith.addi %mul3A_0, %arg1 : i32
    %broadcast_in_dim3A = arith.constant 0.000000e+00 : f32
    %broadcast_in_dim3A_1 = vector.broadcast %broadcast_in_dim3A : f32 to vector<16xf32>
    %scan3A = arith.constant 0 : i32
    %scan3A_2 = arith.constant 0 : i32
    %scan3A_3 = arith.constant 128 : i32
    %scan3A_4 = arith.addi %scan3A_2, %scan3A_3 : i32
    %scan3A_5 = arith.constant 1 : i32
    %scan3A_6 = scf.for %scan3A_180 = %scan3A_2 to %scan3A_4 step %scan3A_5 iter_args(%scan3A_181 = %scan3A) -> (i32)  : i32 {
      %swap3A = arith.index_cast %scan3A_180 : i32 to index
      %swap3A_182 = arith.constant 0 : index
      %swap3A_183 = tpu.vector_load %arg23[%swap3A, %swap3A_182] {strides = array<i32>} : memref<128x64xf32, #tpu.memory_space<vmem>>, vector<16xf32>,
      tpu.vector_store %arg23[%swap3A, %swap3A_182], %broadcast_in_dim3A_1 {strides = array<i32>} : memref<128x64xf32, #tpu.memory_space<vmem>>, vector<16xf32>,
      %swap3A_184 = arith.index_cast %scan3A_180 : i32 to index
      %swap3A_185 = arith.constant 16 : index
      %swap3A_186 = tpu.vector_load %arg23[%swap3A_184, %swap3A_185] {strides = array<i32>} : memref<128x64xf32, #tpu.memory_space<vmem>>, vector<16xf32>,
      tpu.vector_store %arg23[%swap3A_184, %swap3A_185], %broadcast_in_dim3A_1 {strides = array<i32>} : memref<128x64xf32, #tpu.memory_space<vmem>>, vector<16xf32>,
      %swap3A_187 = arith.index_cast %scan3A_180 : i32 to index
      %swap3A_188 = arith.constant 32 : index
      %swap3A_189 = tpu.vector_load %arg23[%swap3A_187, %swap3A_188] {strides = array<i32>} : memref<128x64xf32, #tpu.memory_space<vmem>>, vector<16xf32>,
      tpu.vector_store %arg23[%swap3A_187, %swap3A_188], %broadcast_in_dim3A_1 {strides = array<i32>} : memref<128x64xf32, #tpu.memory_space<vmem>>, vector<16xf32>,
      %swap3A_190 = arith.index_cast %scan3A_180 : i32 to index
      %swap3A_191 = arith.constant 48 : index
      %swap3A_192 = tpu.vector_load %arg23[%swap3A_190, %swap3A_191] {strides = array<i32>} : memref<128x64xf32, #tpu.memory_space<vmem>>, vector<16xf32>,
      tpu.vector_store %arg23[%swap3A_190, %swap3A_191], %broadcast_in_dim3A_1 {strides = array<i32>} : memref<128x64xf32, #tpu.memory_space<vmem>>, vector<16xf32>,
      %swap3A_193 = arith.index_cast %scan3A_180 : i32 to index
      %swap3A_194 = arith.constant 0 : index
      %swap3A_195 = tpu.vector_load %arg24[%swap3A_193, %swap3A_194] {strides = array<i32>} : memref<128x16xf32, #tpu.memory_space<vmem>>, vector<16xf32>,
      tpu.vector_store %arg24[%swap3A_193, %swap3A_194], %broadcast_in_dim3A_1 {strides = array<i32>} : memref<128x16xf32, #tpu.memory_space<vmem>>, vector<16xf32>,
      %scan3A_196 = arith.constant 0 : i32
      scf.yield %scan3A_196 : i32
    }
    %scan3A_7 = arith.constant 128 : i32
    %mul3A_8 = arith.constant 640 : i32
    %mul3A_9 = arith.muli %arg1, %mul3A_8 : i32
    %iota3A = tpu.iota {dimensions = array<i32: 0>} : vector<16xi32>
    %shift_right_arithmetic3A = arith.constant 3 : i32
    %shift_right_arithmetic3A_10 = vector.broadcast %shift_right_arithmetic3A : i32 to vector<16xi32>
    %shift_right_arithmetic3A_11 = arith.shrsi %iota3A, %shift_right_arithmetic3A_10 : vector<16xi32>
    %mul3A_12 = arith.constant 80 : i32
    %mul3A_13 = arith.muli %add3A, %mul3A_12 : i32
    %add3A_14 = arith.constant 0 : i32
    %add3A_15 = arith.addi %mul3A_13, %add3A_14 : i32
    %dma_start3A = arith.constant 0 : i32
    %dma_start3A_16 = tpu.memref_slice %arg2[%add3A_15, %dma_start3A] : memref<2560x128xi32, #tpu.memory_space<hbm>> -> memref<2x128xi32, #tpu.memory_space<hbm>>
    %dma_start3A_17 = arith.constant 0 : i32
    %dma_start3A_18 = tpu.memref_slice %arg2[%add3A_15, %dma_start3A_17] : memref<2560x128xi32, #tpu.memory_space<hbm>> -> memref<2x128xi32, #tpu.memory_space<hbm>>
    tpu.enqueue_dma source(%dma_start3A_18 : memref<2x128xi32, #tpu.memory_space<hbm>>) target(%arg9 : memref<2x128xi32, #tpu.memory_space<vmem>>) target_semaphore(%arg29 : memref<!tpu.dma_semaphore, #tpu.memory_space<semaphore_mem>>)
    %dma_start3A_19 = arith.constant 0 : i32
    %dma_start3A_20 = tpu.memref_slice %arg3[%add3A_15, %dma_start3A_19] : memref<2560x128xi32, #tpu.memory_space<hbm>> -> memref<2x128xi32, #tpu.memory_space<hbm>>
    %dma_start3A_21 = arith.constant 0 : i32
    %dma_start3A_22 = tpu.memref_slice %arg3[%add3A_15, %dma_start3A_21] : memref<2560x128xi32, #tpu.memory_space<hbm>> -> memref<2x128xi32, #tpu.memory_space<hbm>>
    tpu.enqueue_dma source(%dma_start3A_22 : memref<2x128xi32, #tpu.memory_space<hbm>>) target(%arg10 : memref<2x128xi32, #tpu.memory_space<vmem>>) target_semaphore(%arg29 : memref<!tpu.dma_semaphore, #tpu.memory_space<semaphore_mem>>)
    %dma_wait3A = arith.constant 0 : i32
    %dma_wait3A_23 = arith.constant 0 : i32
    %dma_wait3A_24 = tpu.memref_slice %arg2[%dma_wait3A, %dma_wait3A_23] : memref<2560x128xi32, #tpu.memory_space<hbm>> -> memref<2x128xi32, #tpu.memory_space<hbm>>
    %dma_wait3A_25 = arith.constant 0 : i32
    %dma_wait3A_26 = arith.constant 0 : i32
    %dma_wait3A_27 = tpu.memref_slice %arg2[%dma_wait3A_25, %dma_wait3A_26] : memref<2560x128xi32, #tpu.memory_space<hbm>> -> memref<2x128xi32, #tpu.memory_space<hbm>>
    tpu.wait_dma2 semaphore(%arg29 : memref<!tpu.dma_semaphore, #tpu.memory_space<semaphore_mem>>) src(%dma_wait3A_27 : memref<2x128xi32, #tpu.memory_space<hbm>>) dst(%arg9 : memref<2x128xi32, #tpu.memory_space<vmem>>)
    %dma_wait3A_28 = arith.constant 0 : i32
    %dma_wait3A_29 = arith.constant 0 : i32
    %dma_wait3A_30 = tpu.memref_slice %arg3[%dma_wait3A_28, %dma_wait3A_29] : memref<2560x128xi32, #tpu.memory_space<hbm>> -> memref<2x128xi32, #tpu.memory_space<hbm>>
    %dma_wait3A_31 = arith.constant 0 : i32
    %dma_wait3A_32 = arith.constant 0 : i32
    %dma_wait3A_33 = tpu.memref_slice %arg3[%dma_wait3A_31, %dma_wait3A_32] : memref<2560x128xi32, #tpu.memory_space<hbm>> -> memref<2x128xi32, #tpu.memory_space<hbm>>
    tpu.wait_dma2 semaphore(%arg29 : memref<!tpu.dma_semaphore, #tpu.memory_space<semaphore_mem>>) src(%dma_wait3A_33 : memref<2x128xi32, #tpu.memory_space<hbm>>) dst(%arg10 : memref<2x128xi32, #tpu.memory_space<vmem>>)
    %mul3A_34 = arith.constant 80 : i32
    %mul3A_35 = arith.muli %add3A, %mul3A_34 : i32
    %add3A_36 = arith.constant 2 : i32
    %add3A_37 = arith.addi %mul3A_35, %add3A_36 : i32
    %dma_start3A_38 = arith.constant 0 : i32
    %dma_start3A_39 = tpu.memref_slice %arg2[%add3A_37, %dma_start3A_38] : memref<2560x128xi32, #tpu.memory_space<hbm>> -> memref<2x128xi32, #tpu.memory_space<hbm>>
    %dma_start3A_40 = arith.constant 0 : i32
    %dma_start3A_41 = tpu.memref_slice %arg2[%add3A_37, %dma_start3A_40] : memref<2560x128xi32, #tpu.memory_space<hbm>> -> memref<2x128xi32, #tpu.memory_space<hbm>>
    tpu.enqueue_dma source(%dma_start3A_41 : memref<2x128xi32, #tpu.memory_space<hbm>>) target(%arg16 : memref<2x128xi32, #tpu.memory_space<vmem>>) target_semaphore(%arg30 : memref<!tpu.dma_semaphore, #tpu.memory_space<semaphore_mem>>)
    %dma_start3A_42 = arith.constant 0 : i32
    %dma_start3A_43 = tpu.memref_slice %arg3[%add3A_37, %dma_start3A_42] : memref<2560x128xi32, #tpu.memory_space<hbm>> -> memref<2x128xi32, #tpu.memory_space<hbm>>
    %dma_start3A_44 = arith.constant 0 : i32
    %dma_start3A_45 = tpu.memref_slice %arg3[%add3A_37, %dma_start3A_44] : memref<2560x128xi32, #tpu.memory_space<hbm>> -> memref<2x128xi32, #tpu.memory_space<hbm>>
    tpu.enqueue_dma source(%dma_start3A_45 : memref<2x128xi32, #tpu.memory_space<hbm>>) target(%arg17 : memref<2x128xi32, #tpu.memory_space<vmem>>) target_semaphore(%arg30 : memref<!tpu.dma_semaphore, #tpu.memory_space<semaphore_mem>>)
    %dma_start3A_46 = arith.constant 0 : i32
    %dma_start3A_47 = arith.constant 0 : i32
    %dma_start3A_48 = arith.constant 0 : i32
    %dma_start3A_49 = tpu.memref_slice %arg12[%dma_start3A_47, %dma_start3A_48] : memref<256x16xf32, #tpu.memory_space<vmem>> -> memref<128x16xf32, #tpu.memory_space<vmem>>
    %dma_start3A_50 = arith.constant 0 : i32
    %dma_start3A_51 = tpu.memref_slice %arg9[%dma_start3A_46, %dma_start3A_50] : memref<2x128xi32, #tpu.memory_space<vmem>> -> memref<1x128xi32, #tpu.memory_space<vmem>>
    %dma_start3A_52 = tpu.memref_squeeze %dma_start3A_51 : memref<1x128xi32, #tpu.memory_space<vmem>> -> memref<128xi32, #tpu.memory_space<vmem>>
    %dma_start3A_53 = arith.constant 0 : i32
    %dma_start3A_54 = arith.constant 0 : i32
    %dma_start3A_55 = tpu.memref_slice %arg5[%dma_start3A_53, %dma_start3A_54] : memref<10240x16xf32, #tpu.memory_space<hbm>> -> memref<10240x16xf32, #tpu.memory_space<hbm>>
    tpu.enqueue_indirect_dma source(%dma_start3A_55 : memref<10240x16xf32, #tpu.memory_space<hbm>>) target(%dma_start3A_49 : memref<128x16xf32, #tpu.memory_space<vmem>>) offsets(%dma_start3A_52 : memref<128xi32, #tpu.memory_space<vmem>>) semaphore(%arg27 : memref<!tpu.dma_semaphore, #tpu.memory_space<semaphore_mem>>)
    %dma_start3A_56 = arith.constant 0 : i32
    %dma_start3A_57 = arith.constant 0 : i32
    %dma_start3A_58 = arith.constant 0 : i32
    %dma_start3A_59 = tpu.memref_slice %arg13[%dma_start3A_57, %dma_start3A_58] : memref<256x16xf32, #tpu.memory_space<vmem>> -> memref<128x16xf32, #tpu.memory_space<vmem>>
    %dma_start3A_60 = arith.constant 0 : i32
    %dma_start3A_61 = tpu.memref_slice %arg10[%dma_start3A_56, %dma_start3A_60] : memref<2x128xi32, #tpu.memory_space<vmem>> -> memref<1x128xi32, #tpu.memory_space<vmem>>
    %dma_start3A_62 = tpu.memref_squeeze %dma_start3A_61 : memref<1x128xi32, #tpu.memory_space<vmem>> -> memref<128xi32, #tpu.memory_space<vmem>>
    %dma_start3A_63 = arith.constant 0 : i32
    %dma_start3A_64 = arith.constant 0 : i32
    %dma_start3A_65 = tpu.memref_slice %arg6[%dma_start3A_63, %dma_start3A_64] : memref<10240x16xf32, #tpu.memory_space<hbm>> -> memref<10240x16xf32, #tpu.memory_space<hbm>>
    tpu.enqueue_indirect_dma source(%dma_start3A_65 : memref<10240x16xf32, #tpu.memory_space<hbm>>) target(%dma_start3A_59 : memref<128x16xf32, #tpu.memory_space<vmem>>) offsets(%dma_start3A_62 : memref<128xi32, #tpu.memory_space<vmem>>) semaphore(%arg27 : memref<!tpu.dma_semaphore, #tpu.memory_space<semaphore_mem>>)
    %dma_start3A_66 = arith.constant 0 : i32
    %dma_start3A_67 = arith.constant 0 : i32
    %dma_start3A_68 = arith.constant 0 : i32
    %dma_start3A_69 = tpu.memref_slice %arg15[%dma_start3A_67, %dma_start3A_68] : memref<256x64xf32, #tpu.memory_space<vmem>> -> memref<128x64xf32, #tpu.memory_space<vmem>>
    %dma_start3A_70 = arith.constant 0 : i32
    %dma_start3A_71 = tpu.memref_slice %arg9[%dma_start3A_66, %dma_start3A_70] : memref<2x128xi32, #tpu.memory_space<vmem>> -> memref<1x128xi32, #tpu.memory_space<vmem>>
    %dma_start3A_72 = tpu.memref_squeeze %dma_start3A_71 : memref<1x128xi32, #tpu.memory_space<vmem>> -> memref<128xi32, #tpu.memory_space<vmem>>
    %dma_start3A_73 = arith.constant 0 : i32
    %dma_start3A_74 = arith.constant 0 : i32
    %dma_start3A_75 = tpu.memref_slice %arg4[%dma_start3A_73, %dma_start3A_74] : memref<10240x64xf32, #tpu.memory_space<hbm>> -> memref<10240x64xf32, #tpu.memory_space<hbm>>
    tpu.enqueue_indirect_dma source(%dma_start3A_75 : memref<10240x64xf32, #tpu.memory_space<hbm>>) target(%dma_start3A_69 : memref<128x64xf32, #tpu.memory_space<vmem>>) offsets(%dma_start3A_72 : memref<128xi32, #tpu.memory_space<vmem>>) semaphore(%arg27 : memref<!tpu.dma_semaphore, #tpu.memory_space<semaphore_mem>>)
    %dma_start3A_76 = arith.constant 1 : i32
    %dma_start3A_77 = arith.constant 128 : i32
    %dma_start3A_78 = arith.constant 0 : i32
    %dma_start3A_79 = tpu.memref_slice %arg12[%dma_start3A_77, %dma_start3A_78] : memref<256x16xf32, #tpu.memory_space<vmem>> -> memref<128x16xf32, #tpu.memory_space<vmem>>
    %dma_start3A_80 = arith.constant 0 : i32
    %dma_start3A_81 = tpu.memref_slice %arg9[%dma_start3A_76, %dma_start3A_80] : memref<2x128xi32, #tpu.memory_space<vmem>> -> memref<1x128xi32, #tpu.memory_space<vmem>>
    %dma_start3A_82 = tpu.memref_squeeze %dma_start3A_81 : memref<1x128xi32, #tpu.memory_space<vmem>> -> memref<128xi32, #tpu.memory_space<vmem>>
    %dma_start3A_83 = arith.constant 0 : i32
    %dma_start3A_84 = arith.constant 0 : i32
    %dma_start3A_85 = tpu.memref_slice %arg5[%dma_start3A_83, %dma_start3A_84] : memref<10240x16xf32, #tpu.memory_space<hbm>> -> memref<10240x16xf32, #tpu.memory_space<hbm>>
    tpu.enqueue_indirect_dma source(%dma_start3A_85 : memref<10240x16xf32, #tpu.memory_space<hbm>>) target(%dma_start3A_79 : memref<128x16xf32, #tpu.memory_space<vmem>>) offsets(%dma_start3A_82 : memref<128xi32, #tpu.memory_space<vmem>>) semaphore(%arg27 : memref<!tpu.dma_semaphore, #tpu.memory_space<semaphore_mem>>)
    %dma_start3A_86 = arith.constant 1 : i32
    %dma_start3A_87 = arith.constant 128 : i32
    %dma_start3A_88 = arith.constant 0 : i32
    %dma_start3A_89 = tpu.memref_slice %arg13[%dma_start3A_87, %dma_start3A_88] : memref<256x16xf32, #tpu.memory_space<vmem>> -> memref<128x16xf32, #tpu.memory_space<vmem>>
    %dma_start3A_90 = arith.constant 0 : i32
    %dma_start3A_91 = tpu.memref_slice %arg10[%dma_start3A_86, %dma_start3A_90] : memref<2x128xi32, #tpu.memory_space<vmem>> -> memref<1x128xi32, #tpu.memory_space<vmem>>
    %dma_start3A_92 = tpu.memref_squeeze %dma_start3A_91 : memref<1x128xi32, #tpu.memory_space<vmem>> -> memref<128xi32, #tpu.memory_space<vmem>>
    %dma_start3A_93 = arith.constant 0 : i32
    %dma_start3A_94 = arith.constant 0 : i32
    %dma_start3A_95 = tpu.memref_slice %arg6[%dma_start3A_93, %dma_start3A_94] : memref<10240x16xf32, #tpu.memory_space<hbm>> -> memref<10240x16xf32, #tpu.memory_space<hbm>>
    tpu.enqueue_indirect_dma source(%dma_start3A_95 : memref<10240x16xf32, #tpu.memory_space<hbm>>) target(%dma_start3A_89 : memref<128x16xf32, #tpu.memory_space<vmem>>) offsets(%dma_start3A_92 : memref<128xi32, #tpu.memory_space<vmem>>) semaphore(%arg27 : memref<!tpu.dma_semaphore, #tpu.memory_space<semaphore_mem>>)
    %dma_start3A_96 = arith.constant 1 : i32
    %dma_start3A_97 = arith.constant 128 : i32
    %dma_start3A_98 = arith.constant 0 : i32
    %dma_start3A_99 = tpu.memref_slice %arg15[%dma_start3A_97, %dma_start3A_98] : memref<256x64xf32, #tpu.memory_space<vmem>> -> memref<128x64xf32, #tpu.memory_space<vmem>>
    %dma_start3A_100 = arith.constant 0 : i32
    %dma_start3A_101 = tpu.memref_slice %arg9[%dma_start3A_96, %dma_start3A_100] : memref<2x128xi32, #tpu.memory_space<vmem>> -> memref<1x128xi32, #tpu.memory_space<vmem>>
    %dma_start3A_102 = tpu.memref_squeeze %dma_start3A_101 : memref<1x128xi32, #tpu.memory_space<vmem>> -> memref<128xi32, #tpu.memory_space<vmem>>
    %dma_start3A_103 = arith.constant 0 : i32
    %dma_start3A_104 = arith.constant 0 : i32
    %dma_start3A_105 = tpu.memref_slice %arg4[%dma_start3A_103, %dma_start3A_104] : memref<10240x64xf32, #tpu.memory_space<hbm>> -> memref<10240x64xf32, #tpu.memory_space<hbm>>
    tpu.enqueue_indirect_dma source(%dma_start3A_105 : memref<10240x64xf32, #tpu.memory_space<hbm>>) target(%dma_start3A_99 : memref<128x64xf32, #tpu.memory_space<vmem>>) offsets(%dma_start3A_102 : memref<128xi32, #tpu.memory_space<vmem>>) semaphore(%arg27 : memref<!tpu.dma_semaphore, #tpu.memory_space<semaphore_mem>>)
    %scan3A_106 = arith.constant 0 : i32
    %scan3A_107 = arith.constant 0 : i32
    %scan3A_108 = arith.constant 5 : i32
    %scan3A_109 = arith.addi %scan3A_107, %scan3A_108 : i32
    %scan3A_110 = arith.constant 1 : i32
    %scan3A_111 = scf.for %scan3A_180 = %scan3A_107 to %scan3A_109 step %scan3A_110 iter_args(%scan3A_181 = %scan3A_106) -> (i32)  : i32 {
      %mul3A_182 = arith.constant 128 : i32
      %mul3A_183 = arith.muli %scan3A_180, %mul3A_182 : i32
      %add3A_184 = arith.addi %mul3A_9, %mul3A_183 : i32
      "tpu.region"() ({
        %run_scoped3A = tpu.sem_alloc : memref<!tpu.dma_semaphore, #tpu.memory_space<semaphore_mem>>
        %dma_start3A_186 = arith.constant 0 : i32
        %dma_start3A_187 = tpu.memref_slice %arg25[%add3A_184, %dma_start3A_186] : memref<10240x64xf32, #tpu.memory_space<vmem_shared>> -> memref<128x64xf32, #tpu.memory_space<vmem_shared>>
        %dma_start3A_188 = arith.constant 0 : i32
        %dma_start3A_189 = tpu.memref_slice %arg25[%add3A_184, %dma_start3A_188] : memref<10240x64xf32, #tpu.memory_space<vmem_shared>> -> memref<128x64xf32, #tpu.memory_space<vmem_shared>>
        tpu.enqueue_dma source(%arg23 : memref<128x64xf32, #tpu.memory_space<vmem>>) target(%dma_start3A_189 : memref<128x64xf32, #tpu.memory_space<vmem_shared>>) target_semaphore(%run_scoped3A : memref<!tpu.dma_semaphore, #tpu.memory_space<semaphore_mem>>)
        %dma_wait3A_190 = arith.constant 0 : i32
        %dma_wait3A_191 = tpu.memref_slice %arg25[%add3A_184, %dma_wait3A_190] : memref<10240x64xf32, #tpu.memory_space<vmem_shared>> -> memref<128x64xf32, #tpu.memory_space<vmem_shared>>
        %dma_wait3A_192 = arith.constant 0 : i32
        %dma_wait3A_193 = tpu.memref_slice %arg25[%add3A_184, %dma_wait3A_192] : memref<10240x64xf32, #tpu.memory_space<vmem_shared>> -> memref<128x64xf32, #tpu.memory_space<vmem_shared>>
        tpu.wait_dma2 semaphore(%run_scoped3A : memref<!tpu.dma_semaphore, #tpu.memory_space<semaphore_mem>>) src(%arg23 : memref<128x64xf32, #tpu.memory_space<vmem>>) dst(%dma_wait3A_193 : memref<128x64xf32, #tpu.memory_space<vmem_shared>>)
        tpu.yield
      }) : () -> ()
      "tpu.region"() ({
        %run_scoped3A = tpu.sem_alloc : memref<!tpu.dma_semaphore, #tpu.memory_space<semaphore_mem>>
        %dma_start3A_186 = arith.constant 0 : i32
        %dma_start3A_187 = tpu.memref_slice %arg26[%add3A_184, %dma_start3A_186] : memref<10240x16xf32, #tpu.memory_space<vmem_shared>> -> memref<128x16xf32, #tpu.memory_space<vmem_shared>>
        %dma_start3A_188 = arith.constant 0 : i32
        %dma_start3A_189 = tpu.memref_slice %arg26[%add3A_184, %dma_start3A_188] : memref<10240x16xf32, #tpu.memory_space<vmem_shared>> -> memref<128x16xf32, #tpu.memory_space<vmem_shared>>
        tpu.enqueue_dma source(%arg24 : memref<128x16xf32, #tpu.memory_space<vmem>>) target(%dma_start3A_189 : memref<128x16xf32, #tpu.memory_space<vmem_shared>>) target_semaphore(%run_scoped3A : memref<!tpu.dma_semaphore, #tpu.memory_space<semaphore_mem>>)
        %dma_wait3A_190 = arith.constant 0 : i32
        %dma_wait3A_191 = tpu.memref_slice %arg26[%add3A_184, %dma_wait3A_190] : memref<10240x16xf32, #tpu.memory_space<vmem_shared>> -> memref<128x16xf32, #tpu.memory_space<vmem_shared>>
        %dma_wait3A_192 = arith.constant 0 : i32
        %dma_wait3A_193 = tpu.memref_slice %arg26[%add3A_184, %dma_wait3A_192] : memref<10240x16xf32, #tpu.memory_space<vmem_shared>> -> memref<128x16xf32, #tpu.memory_space<vmem_shared>>
        tpu.wait_dma2 semaphore(%run_scoped3A : memref<!tpu.dma_semaphore, #tpu.memory_space<semaphore_mem>>) src(%arg24 : memref<128x16xf32, #tpu.memory_space<vmem>>) dst(%dma_wait3A_193 : memref<128x16xf32, #tpu.memory_space<vmem_shared>>)
        tpu.yield
      }) : () -> ()
      %scan3A_185 = arith.constant 0 : i32
      scf.yield %scan3A_185 : i32
    }
    %scan3A_112 = arith.constant 5 : i32
    %dma_wait3A_113 = arith.constant 0 : i32
    %dma_wait3A_114 = arith.constant 0 : i32
    %dma_wait3A_115 = tpu.memref_slice %arg2[%dma_wait3A_113, %dma_wait3A_114] : memref<2560x128xi32, #tpu.memory_space<hbm>> -> memref<2x128xi32, #tpu.memory_space<hbm>>
    %dma_wait3A_116 = arith.constant 0 : i32
    %dma_wait3A_117 = arith.constant 0 : i32
    %dma_wait3A_118 = tpu.memref_slice %arg2[%dma_wait3A_116, %dma_wait3A_117] : memref<2560x128xi32, #tpu.memory_space<hbm>> -> memref<2x128xi32, #tpu.memory_space<hbm>>
    tpu.wait_dma2 semaphore(%arg30 : memref<!tpu.dma_semaphore, #tpu.memory_space<semaphore_mem>>) src(%dma_wait3A_118 : memref<2x128xi32, #tpu.memory_space<hbm>>) dst(%arg16 : memref<2x128xi32, #tpu.memory_space<vmem>>)
    %dma_wait3A_119 = arith.constant 0 : i32
    %dma_wait3A_120 = arith.constant 0 : i32
    %dma_wait3A_121 = tpu.memref_slice %arg3[%dma_wait3A_119, %dma_wait3A_120] : memref<2560x128xi32, #tpu.memory_space<hbm>> -> memref<2x128xi32, #tpu.memory_space<hbm>>
    %dma_wait3A_122 = arith.constant 0 : i32
    %dma_wait3A_123 = arith.constant 0 : i32
    %dma_wait3A_124 = tpu.memref_slice %arg3[%dma_wait3A_122, %dma_wait3A_123] : memref<2560x128xi32, #tpu.memory_space<hbm>> -> memref<2x128xi32, #tpu.memory_space<hbm>>
    tpu.wait_dma2 semaphore(%arg30 : memref<!tpu.dma_semaphore, #tpu.memory_space<semaphore_mem>>) src(%dma_wait3A_124 : memref<2x128xi32, #tpu.memory_space<hbm>>) dst(%arg17 : memref<2x128xi32, #tpu.memory_space<vmem>>)
    %barrier3A = arith.constant 0 : index
    tpu.barrier barrier_id(%barrier3A)
    %scan3A_125 = arith.constant 0 : i32
    %scan3A_126 = arith.constant 0 : i32
    %scan3A_127 = arith.constant 20 : i32
    %scan3A_128 = arith.addi %scan3A_126, %scan3A_127 : i32
    %scan3A_129 = arith.constant 1 : i32
    %scan3A_130 = scf.for %scan3A_180 = %scan3A_126 to %scan3A_128 step %scan3A_129 iter_args(%scan3A_181 = %scan3A_125) -> (i32)  : i32 {
      %mul3A_182 = arith.constant 2 : i32
      %mul3A_183 = arith.muli %scan3A_180, %mul3A_182 : i32
      %add3A_184 = arith.constant 0 : i32
      %add3A_185 = arith.addi %mul3A_183, %add3A_184 : i32
      %ge3A = arith.constant 1 : i32
      %ge3A_186 = arith.cmpi sge, %scan3A_180, %ge3A : i32
      %convert_element_type3A = arith.extui %ge3A_186 : i1 to i32
      %cond3A = arith.constant 0 : i32
      %cond3A_187 = arith.cmpi ne, %convert_element_type3A, %cond3A : i32
      scf.if %cond3A_187 {
        %dma_wait3A_785 = arith.constant 0 : i32
        %dma_wait3A_786 = arith.constant 0 : i32
        %dma_wait3A_787 = arith.constant 0 : i32
        %dma_wait3A_788 = tpu.memref_slice %arg22[%dma_wait3A_786, %dma_wait3A_787] : memref<256x64xf32, #tpu.memory_space<vmem>> -> memref<128x64xf32, #tpu.memory_space<vmem>>
        %dma_wait3A_789 = arith.constant 0 : i32
        %dma_wait3A_790 = tpu.memref_slice %arg18[%dma_wait3A_785, %dma_wait3A_789] : memref<2x128xi32, #tpu.memory_space<vmem>> -> memref<1x128xi32, #tpu.memory_space<vmem>>
        %dma_wait3A_791 = tpu.memref_squeeze %dma_wait3A_790 : memref<1x128xi32, #tpu.memory_space<vmem>> -> memref<128xi32, #tpu.memory_space<vmem>>
        %dma_wait3A_792 = arith.constant 0 : i32
        %dma_wait3A_793 = arith.constant 0 : i32
        %dma_wait3A_794 = tpu.memref_slice %arg25[%dma_wait3A_792, %dma_wait3A_793] : memref<10240x64xf32, #tpu.memory_space<vmem_shared>> -> memref<10240x64xf32, #tpu.memory_space<vmem_shared>>
        tpu.wait_indirect_dma semaphore(%arg32 : memref<!tpu.dma_semaphore, #tpu.memory_space<semaphore_mem>>) src(%dma_wait3A_788 : memref<128x64xf32, #tpu.memory_space<vmem>>) dst(%dma_wait3A_794 : memref<10240x64xf32, #tpu.memory_space<vmem_shared>>)
        %dma_wait3A_795 = arith.constant 0 : i32
        %dma_wait3A_796 = arith.constant 0 : i32
        %dma_wait3A_797 = arith.constant 0 : i32
        %dma_wait3A_798 = tpu.memref_slice %arg21[%dma_wait3A_796, %dma_wait3A_797] : memref<256x16xf32, #tpu.memory_space<vmem>> -> memref<128x16xf32, #tpu.memory_space<vmem>>
        %dma_wait3A_799 = arith.constant 0 : i32
        %dma_wait3A_800 = tpu.memref_slice %arg18[%dma_wait3A_795, %dma_wait3A_799] : memref<2x128xi32, #tpu.memory_space<vmem>> -> memref<1x128xi32, #tpu.memory_space<vmem>>
        %dma_wait3A_801 = tpu.memref_squeeze %dma_wait3A_800 : memref<1x128xi32, #tpu.memory_space<vmem>> -> memref<128xi32, #tpu.memory_space<vmem>>
        %dma_wait3A_802 = arith.constant 0 : i32
        %dma_wait3A_803 = arith.constant 0 : i32
        %dma_wait3A_804 = tpu.memref_slice %arg26[%dma_wait3A_802, %dma_wait3A_803] : memref<10240x16xf32, #tpu.memory_space<vmem_shared>> -> memref<10240x16xf32, #tpu.memory_space<vmem_shared>>
        tpu.wait_indirect_dma semaphore(%arg32 : memref<!tpu.dma_semaphore, #tpu.memory_space<semaphore_mem>>) src(%dma_wait3A_798 : memref<128x16xf32, #tpu.memory_space<vmem>>) dst(%dma_wait3A_804 : memref<10240x16xf32, #tpu.memory_space<vmem_shared>>)
        %dma_wait3A_805 = arith.constant 1 : i32
        %dma_wait3A_806 = arith.constant 128 : i32
        %dma_wait3A_807 = arith.constant 0 : i32
        %dma_wait3A_808 = tpu.memref_slice %arg22[%dma_wait3A_806, %dma_wait3A_807] : memref<256x64xf32, #tpu.memory_space<vmem>> -> memref<128x64xf32, #tpu.memory_space<vmem>>
        %dma_wait3A_809 = arith.constant 0 : i32
        %dma_wait3A_810 = tpu.memref_slice %arg18[%dma_wait3A_805, %dma_wait3A_809] : memref<2x128xi32, #tpu.memory_space<vmem>> -> memref<1x128xi32, #tpu.memory_space<vmem>>
        %dma_wait3A_811 = tpu.memref_squeeze %dma_wait3A_810 : memref<1x128xi32, #tpu.memory_space<vmem>> -> memref<128xi32, #tpu.memory_space<vmem>>
        %dma_wait3A_812 = arith.constant 0 : i32
        %dma_wait3A_813 = arith.constant 0 : i32
        %dma_wait3A_814 = tpu.memref_slice %arg25[%dma_wait3A_812, %dma_wait3A_813] : memref<10240x64xf32, #tpu.memory_space<vmem_shared>> -> memref<10240x64xf32, #tpu.memory_space<vmem_shared>>
        tpu.wait_indirect_dma semaphore(%arg32 : memref<!tpu.dma_semaphore, #tpu.memory_space<semaphore_mem>>) src(%dma_wait3A_808 : memref<128x64xf32, #tpu.memory_space<vmem>>) dst(%dma_wait3A_814 : memref<10240x64xf32, #tpu.memory_space<vmem_shared>>)
        %dma_wait3A_815 = arith.constant 1 : i32
        %dma_wait3A_816 = arith.constant 128 : i32
        %dma_wait3A_817 = arith.constant 0 : i32
        %dma_wait3A_818 = tpu.memref_slice %arg21[%dma_wait3A_816, %dma_wait3A_817] : memref<256x16xf32, #tpu.memory_space<vmem>> -> memref<128x16xf32, #tpu.memory_space<vmem>>
        %dma_wait3A_819 = arith.constant 0 : i32
        %dma_wait3A_820 = tpu.memref_slice %arg18[%dma_wait3A_815, %dma_wait3A_819] : memref<2x128xi32, #tpu.memory_space<vmem>> -> memref<1x128xi32, #tpu.memory_space<vmem>>
        %dma_wait3A_821 = tpu.memref_squeeze %dma_wait3A_820 : memref<1x128xi32, #tpu.memory_space<vmem>> -> memref<128xi32, #tpu.memory_space<vmem>>
        %dma_wait3A_822 = arith.constant 0 : i32
        %dma_wait3A_823 = arith.constant 0 : i32
        %dma_wait3A_824 = tpu.memref_slice %arg26[%dma_wait3A_822, %dma_wait3A_823] : memref<10240x16xf32, #tpu.memory_space<vmem_shared>> -> memref<10240x16xf32, #tpu.memory_space<vmem_shared>>
        tpu.wait_indirect_dma semaphore(%arg32 : memref<!tpu.dma_semaphore, #tpu.memory_space<semaphore_mem>>) src(%dma_wait3A_818 : memref<128x16xf32, #tpu.memory_space<vmem>>) dst(%dma_wait3A_824 : memref<10240x16xf32, #tpu.memory_space<vmem_shared>>)
      } else {
      }
      %ge3A_188 = arith.constant 1 : i32
      %ge3A_189 = arith.cmpi sge, %scan3A_180, %ge3A_188 : i32
      %convert_element_type3A_190 = arith.extui %ge3A_189 : i1 to i32
      %cond3A_191 = arith.constant 0 : i32
      %cond3A_192 = arith.cmpi ne, %convert_element_type3A_190, %cond3A_191 : i32
      scf.if %cond3A_192 {
        %dma_wait3A_785 = arith.constant 0 : i32
        %dma_wait3A_786 = arith.constant 0 : i32
        %dma_wait3A_787 = tpu.memref_slice %arg2[%dma_wait3A_785, %dma_wait3A_786] : memref<2560x128xi32, #tpu.memory_space<hbm>> -> memref<2x128xi32, #tpu.memory_space<hbm>>
        %dma_wait3A_788 = arith.constant 0 : i32
        %dma_wait3A_789 = arith.constant 0 : i32
        %dma_wait3A_790 = tpu.memref_slice %arg2[%dma_wait3A_788, %dma_wait3A_789] : memref<2560x128xi32, #tpu.memory_space<hbm>> -> memref<2x128xi32, #tpu.memory_space<hbm>>
        tpu.wait_dma2 semaphore(%arg30 : memref<!tpu.dma_semaphore, #tpu.memory_space<semaphore_mem>>) src(%dma_wait3A_790 : memref<2x128xi32, #tpu.memory_space<hbm>>) dst(%arg16 : memref<2x128xi32, #tpu.memory_space<vmem>>)
        %dma_wait3A_791 = arith.constant 0 : i32
        %dma_wait3A_792 = arith.constant 0 : i32
        %dma_wait3A_793 = tpu.memref_slice %arg3[%dma_wait3A_791, %dma_wait3A_792] : memref<2560x128xi32, #tpu.memory_space<hbm>> -> memref<2x128xi32, #tpu.memory_space<hbm>>
        %dma_wait3A_794 = arith.constant 0 : i32
        %dma_wait3A_795 = arith.constant 0 : i32
        %dma_wait3A_796 = tpu.memref_slice %arg3[%dma_wait3A_794, %dma_wait3A_795] : memref<2560x128xi32, #tpu.memory_space<hbm>> -> memref<2x128xi32, #tpu.memory_space<hbm>>
        tpu.wait_dma2 semaphore(%arg30 : memref<!tpu.dma_semaphore, #tpu.memory_space<semaphore_mem>>) src(%dma_wait3A_796 : memref<2x128xi32, #tpu.memory_space<hbm>>) dst(%arg17 : memref<2x128xi32, #tpu.memory_space<vmem>>)
      } else {
      }
      %dma_start3A_193 = arith.constant 0 : i32
      %dma_start3A_194 = arith.constant 0 : i32
      %dma_start3A_195 = arith.constant 0 : i32
      %dma_start3A_196 = tpu.memref_slice %arg19[%dma_start3A_194, %dma_start3A_195] : memref<256x16xf32, #tpu.memory_space<vmem>> -> memref<128x16xf32, #tpu.memory_space<vmem>>
      %dma_start3A_197 = arith.constant 0 : i32
      %dma_start3A_198 = tpu.memref_slice %arg16[%dma_start3A_193, %dma_start3A_197] : memref<2x128xi32, #tpu.memory_space<vmem>> -> memref<1x128xi32, #tpu.memory_space<vmem>>
      %dma_start3A_199 = tpu.memref_squeeze %dma_start3A_198 : memref<1x128xi32, #tpu.memory_space<vmem>> -> memref<128xi32, #tpu.memory_space<vmem>>
      %dma_start3A_200 = arith.constant 0 : i32
      %dma_start3A_201 = arith.constant 0 : i32
      %dma_start3A_202 = tpu.memref_slice %arg5[%dma_start3A_200, %dma_start3A_201] : memref<10240x16xf32, #tpu.memory_space<hbm>> -> memref<10240x16xf32, #tpu.memory_space<hbm>>
      tpu.enqueue_indirect_dma source(%dma_start3A_202 : memref<10240x16xf32, #tpu.memory_space<hbm>>) target(%dma_start3A_196 : memref<128x16xf32, #tpu.memory_space<vmem>>) offsets(%dma_start3A_199 : memref<128xi32, #tpu.memory_space<vmem>>) semaphore(%arg28 : memref<!tpu.dma_semaphore, #tpu.memory_space<semaphore_mem>>)
      %dma_start3A_203 = arith.constant 0 : i32
      %dma_start3A_204 = arith.constant 0 : i32
      %dma_start3A_205 = arith.constant 0 : i32
      %dma_start3A_206 = tpu.memref_slice %arg20[%dma_start3A_204, %dma_start3A_205] : memref<256x16xf32, #tpu.memory_space<vmem>> -> memref<128x16xf32, #tpu.memory_space<vmem>>
      %dma_start3A_207 = arith.constant 0 : i32
      %dma_start3A_208 = tpu.memref_slice %arg17[%dma_start3A_203, %dma_start3A_207] : memref<2x128xi32, #tpu.memory_space<vmem>> -> memref<1x128xi32, #tpu.memory_space<vmem>>
      %dma_start3A_209 = tpu.memref_squeeze %dma_start3A_208 : memref<1x128xi32, #tpu.memory_space<vmem>> -> memref<128xi32, #tpu.memory_space<vmem>>
      %dma_start3A_210 = arith.constant 0 : i32
      %dma_start3A_211 = arith.constant 0 : i32
      %dma_start3A_212 = tpu.memref_slice %arg6[%dma_start3A_210, %dma_start3A_211] : memref<10240x16xf32, #tpu.memory_space<hbm>> -> memref<10240x16xf32, #tpu.memory_space<hbm>>
      tpu.enqueue_indirect_dma source(%dma_start3A_212 : memref<10240x16xf32, #tpu.memory_space<hbm>>) target(%dma_start3A_206 : memref<128x16xf32, #tpu.memory_space<vmem>>) offsets(%dma_start3A_209 : memref<128xi32, #tpu.memory_space<vmem>>) semaphore(%arg28 : memref<!tpu.dma_semaphore, #tpu.memory_space<semaphore_mem>>)
      %dma_start3A_213 = arith.constant 0 : i32
      %dma_start3A_214 = arith.constant 0 : i32
      %dma_start3A_215 = arith.constant 0 : i32
      %dma_start3A_216 = tpu.memref_slice %arg22[%dma_start3A_214, %dma_start3A_215] : memref<256x64xf32, #tpu.memory_space<vmem>> -> memref<128x64xf32, #tpu.memory_space<vmem>>
      %dma_start3A_217 = arith.constant 0 : i32
      %dma_start3A_218 = tpu.memref_slice %arg16[%dma_start3A_213, %dma_start3A_217] : memref<2x128xi32, #tpu.memory_space<vmem>> -> memref<1x128xi32, #tpu.memory_space<vmem>>
      %dma_start3A_219 = tpu.memref_squeeze %dma_start3A_218 : memref<1x128xi32, #tpu.memory_space<vmem>> -> memref<128xi32, #tpu.memory_space<vmem>>
      %dma_start3A_220 = arith.constant 0 : i32
      %dma_start3A_221 = arith.constant 0 : i32
      %dma_start3A_222 = tpu.memref_slice %arg4[%dma_start3A_220, %dma_start3A_221] : memref<10240x64xf32, #tpu.memory_space<hbm>> -> memref<10240x64xf32, #tpu.memory_space<hbm>>
      tpu.enqueue_indirect_dma source(%dma_start3A_222 : memref<10240x64xf32, #tpu.memory_space<hbm>>) target(%dma_start3A_216 : memref<128x64xf32, #tpu.memory_space<vmem>>) offsets(%dma_start3A_219 : memref<128xi32, #tpu.memory_space<vmem>>) semaphore(%arg28 : memref<!tpu.dma_semaphore, #tpu.memory_space<semaphore_mem>>)
      %dma_start3A_223 = arith.constant 1 : i32
      %dma_start3A_224 = arith.constant 128 : i32
      %dma_start3A_225 = arith.constant 0 : i32
      %dma_start3A_226 = tpu.memref_slice %arg19[%dma_start3A_224, %dma_start3A_225] : memref<256x16xf32, #tpu.memory_space<vmem>> -> memref<128x16xf32, #tpu.memory_space<vmem>>
      %dma_start3A_227 = arith.constant 0 : i32
      %dma_start3A_228 = tpu.memref_slice %arg16[%dma_start3A_223, %dma_start3A_227] : memref<2x128xi32, #tpu.memory_space<vmem>> -> memref<1x128xi32, #tpu.memory_space<vmem>>
      %dma_start3A_229 = tpu.memref_squeeze %dma_start3A_228 : memref<1x128xi32, #tpu.memory_space<vmem>> -> memref<128xi32, #tpu.memory_space<vmem>>
      %dma_start3A_230 = arith.constant 0 : i32
      %dma_start3A_231 = arith.constant 0 : i32
      %dma_start3A_232 = tpu.memref_slice %arg5[%dma_start3A_230, %dma_start3A_231] : memref<10240x16xf32, #tpu.memory_space<hbm>> -> memref<10240x16xf32, #tpu.memory_space<hbm>>
      tpu.enqueue_indirect_dma source(%dma_start3A_232 : memref<10240x16xf32, #tpu.memory_space<hbm>>) target(%dma_start3A_226 : memref<128x16xf32, #tpu.memory_space<vmem>>) offsets(%dma_start3A_229 : memref<128xi32, #tpu.memory_space<vmem>>) semaphore(%arg28 : memref<!tpu.dma_semaphore, #tpu.memory_space<semaphore_mem>>)
      %dma_start3A_233 = arith.constant 1 : i32
      %dma_start3A_234 = arith.constant 128 : i32
      %dma_start3A_235 = arith.constant 0 : i32
      %dma_start3A_236 = tpu.memref_slice %arg20[%dma_start3A_234, %dma_start3A_235] : memref<256x16xf32, #tpu.memory_space<vmem>> -> memref<128x16xf32, #tpu.memory_space<vmem>>
      %dma_start3A_237 = arith.constant 0 : i32
      %dma_start3A_238 = tpu.memref_slice %arg17[%dma_start3A_233, %dma_start3A_237] : memref<2x128xi32, #tpu.memory_space<vmem>> -> memref<1x128xi32, #tpu.memory_space<vmem>>
      %dma_start3A_239 = tpu.memref_squeeze %dma_start3A_238 : memref<1x128xi32, #tpu.memory_space<vmem>> -> memref<128xi32, #tpu.memory_space<vmem>>
      %dma_start3A_240 = arith.constant 0 : i32
      %dma_start3A_241 = arith.constant 0 : i32
      %dma_start3A_242 = tpu.memref_slice %arg6[%dma_start3A_240, %dma_start3A_241] : memref<10240x16xf32, #tpu.memory_space<hbm>> -> memref<10240x16xf32, #tpu.memory_space<hbm>>
      tpu.enqueue_indirect_dma source(%dma_start3A_242 : memref<10240x16xf32, #tpu.memory_space<hbm>>) target(%dma_start3A_236 : memref<128x16xf32, #tpu.memory_space<vmem>>) offsets(%dma_start3A_239 : memref<128xi32, #tpu.memory_space<vmem>>) semaphore(%arg28 : memref<!tpu.dma_semaphore, #tpu.memory_space<semaphore_mem>>)
      %dma_start3A_243 = arith.constant 1 : i32
      %dma_start3A_244 = arith.constant 128 : i32
      %dma_start3A_245 = arith.constant 0 : i32
      %dma_start3A_246 = tpu.memref_slice %arg22[%dma_start3A_244, %dma_start3A_245] : memref<256x64xf32, #tpu.memory_space<vmem>> -> memref<128x64xf32, #tpu.memory_space<vmem>>
      %dma_start3A_247 = arith.constant 0 : i32
      %dma_start3A_248 = tpu.memref_slice %arg16[%dma_start3A_243, %dma_start3A_247] : memref<2x128xi32, #tpu.memory_space<vmem>> -> memref<1x128xi32, #tpu.memory_space<vmem>>
      %dma_start3A_249 = tpu.memref_squeeze %dma_start3A_248 : memref<1x128xi32, #tpu.memory_space<vmem>> -> memref<128xi32, #tpu.memory_space<vmem>>
      %dma_start3A_250 = arith.constant 0 : i32
      %dma_start3A_251 = arith.constant 0 : i32
      %dma_start3A_252 = tpu.memref_slice %arg4[%dma_start3A_250, %dma_start3A_251] : memref<10240x64xf32, #tpu.memory_space<hbm>> -> memref<10240x64xf32, #tpu.memory_space<hbm>>
      tpu.enqueue_indirect_dma source(%dma_start3A_252 : memref<10240x64xf32, #tpu.memory_space<hbm>>) target(%dma_start3A_246 : memref<128x64xf32, #tpu.memory_space<vmem>>) offsets(%dma_start3A_249 : memref<128xi32, #tpu.memory_space<vmem>>) semaphore(%arg28 : memref<!tpu.dma_semaphore, #tpu.memory_space<semaphore_mem>>)
      %dma_wait3A_253 = arith.constant 0 : i32
      %dma_wait3A_254 = arith.constant 0 : i32
      %dma_wait3A_255 = arith.constant 0 : i32
      %dma_wait3A_256 = tpu.memref_slice %arg12[%dma_wait3A_254, %dma_wait3A_255] : memref<256x16xf32, #tpu.memory_space<vmem>> -> memref<128x16xf32, #tpu.memory_space<vmem>>
      %dma_wait3A_257 = arith.constant 0 : i32
      %dma_wait3A_258 = tpu.memref_slice %arg9[%dma_wait3A_253, %dma_wait3A_257] : memref<2x128xi32, #tpu.memory_space<vmem>> -> memref<1x128xi32, #tpu.memory_space<vmem>>
      %dma_wait3A_259 = tpu.memref_squeeze %dma_wait3A_258 : memref<1x128xi32, #tpu.memory_space<vmem>> -> memref<128xi32, #tpu.memory_space<vmem>>
      %dma_wait3A_260 = arith.constant 0 : i32
      %dma_wait3A_261 = arith.constant 0 : i32
      %dma_wait3A_262 = tpu.memref_slice %arg5[%dma_wait3A_260, %dma_wait3A_261] : memref<10240x16xf32, #tpu.memory_space<hbm>> -> memref<10240x16xf32, #tpu.memory_space<hbm>>
      tpu.wait_indirect_dma semaphore(%arg27 : memref<!tpu.dma_semaphore, #tpu.memory_space<semaphore_mem>>) src(%dma_wait3A_262 : memref<10240x16xf32, #tpu.memory_space<hbm>>) dst(%dma_wait3A_256 : memref<128x16xf32, #tpu.memory_space<vmem>>)
      %dma_wait3A_263 = arith.constant 0 : i32
      %dma_wait3A_264 = arith.constant 0 : i32
      %dma_wait3A_265 = arith.constant 0 : i32
      %dma_wait3A_266 = tpu.memref_slice %arg13[%dma_wait3A_264, %dma_wait3A_265] : memref<256x16xf32, #tpu.memory_space<vmem>> -> memref<128x16xf32, #tpu.memory_space<vmem>>
      %dma_wait3A_267 = arith.constant 0 : i32
      %dma_wait3A_268 = tpu.memref_slice %arg10[%dma_wait3A_263, %dma_wait3A_267] : memref<2x128xi32, #tpu.memory_space<vmem>> -> memref<1x128xi32, #tpu.memory_space<vmem>>
      %dma_wait3A_269 = tpu.memref_squeeze %dma_wait3A_268 : memref<1x128xi32, #tpu.memory_space<vmem>> -> memref<128xi32, #tpu.memory_space<vmem>>
      %dma_wait3A_270 = arith.constant 0 : i32
      %dma_wait3A_271 = arith.constant 0 : i32
      %dma_wait3A_272 = tpu.memref_slice %arg6[%dma_wait3A_270, %dma_wait3A_271] : memref<10240x16xf32, #tpu.memory_space<hbm>> -> memref<10240x16xf32, #tpu.memory_space<hbm>>
      tpu.wait_indirect_dma semaphore(%arg27 : memref<!tpu.dma_semaphore, #tpu.memory_space<semaphore_mem>>) src(%dma_wait3A_272 : memref<10240x16xf32, #tpu.memory_space<hbm>>) dst(%dma_wait3A_266 : memref<128x16xf32, #tpu.memory_space<vmem>>)
      %dma_wait3A_273 = arith.constant 0 : i32
      %dma_wait3A_274 = arith.constant 0 : i32
      %dma_wait3A_275 = arith.constant 0 : i32
      %dma_wait3A_276 = tpu.memref_slice %arg15[%dma_wait3A_274, %dma_wait3A_275] : memref<256x64xf32, #tpu.memory_space<vmem>> -> memref<128x64xf32, #tpu.memory_space<vmem>>
      %dma_wait3A_277 = arith.constant 0 : i32
      %dma_wait3A_278 = tpu.memref_slice %arg9[%dma_wait3A_273, %dma_wait3A_277] : memref<2x128xi32, #tpu.memory_space<vmem>> -> memref<1x128xi32, #tpu.memory_space<vmem>>
      %dma_wait3A_279 = tpu.memref_squeeze %dma_wait3A_278 : memref<1x128xi32, #tpu.memory_space<vmem>> -> memref<128xi32, #tpu.memory_space<vmem>>
      %dma_wait3A_280 = arith.constant 0 : i32
      %dma_wait3A_281 = arith.constant 0 : i32
      %dma_wait3A_282 = tpu.memref_slice %arg4[%dma_wait3A_280, %dma_wait3A_281] : memref<10240x64xf32, #tpu.memory_space<hbm>> -> memref<10240x64xf32, #tpu.memory_space<hbm>>
      tpu.wait_indirect_dma semaphore(%arg27 : memref<!tpu.dma_semaphore, #tpu.memory_space<semaphore_mem>>) src(%dma_wait3A_282 : memref<10240x64xf32, #tpu.memory_space<hbm>>) dst(%dma_wait3A_276 : memref<128x64xf32, #tpu.memory_space<vmem>>)
      %dma_wait3A_283 = arith.constant 1 : i32
      %dma_wait3A_284 = arith.constant 128 : i32
      %dma_wait3A_285 = arith.constant 0 : i32
      %dma_wait3A_286 = tpu.memref_slice %arg12[%dma_wait3A_284, %dma_wait3A_285] : memref<256x16xf32, #tpu.memory_space<vmem>> -> memref<128x16xf32, #tpu.memory_space<vmem>>
      %dma_wait3A_287 = arith.constant 0 : i32
      %dma_wait3A_288 = tpu.memref_slice %arg9[%dma_wait3A_283, %dma_wait3A_287] : memref<2x128xi32, #tpu.memory_space<vmem>> -> memref<1x128xi32, #tpu.memory_space<vmem>>
      %dma_wait3A_289 = tpu.memref_squeeze %dma_wait3A_288 : memref<1x128xi32, #tpu.memory_space<vmem>> -> memref<128xi32, #tpu.memory_space<vmem>>
      %dma_wait3A_290 = arith.constant 0 : i32
      %dma_wait3A_291 = arith.constant 0 : i32
      %dma_wait3A_292 = tpu.memref_slice %arg5[%dma_wait3A_290, %dma_wait3A_291] : memref<10240x16xf32, #tpu.memory_space<hbm>> -> memref<10240x16xf32, #tpu.memory_space<hbm>>
      tpu.wait_indirect_dma semaphore(%arg27 : memref<!tpu.dma_semaphore, #tpu.memory_space<semaphore_mem>>) src(%dma_wait3A_292 : memref<10240x16xf32, #tpu.memory_space<hbm>>) dst(%dma_wait3A_286 : memref<128x16xf32, #tpu.memory_space<vmem>>)
      %dma_wait3A_293 = arith.constant 1 : i32
      %dma_wait3A_294 = arith.constant 128 : i32
      %dma_wait3A_295 = arith.constant 0 : i32
      %dma_wait3A_296 = tpu.memref_slice %arg13[%dma_wait3A_294, %dma_wait3A_295] : memref<256x16xf32, #tpu.memory_space<vmem>> -> memref<128x16xf32, #tpu.memory_space<vmem>>
      %dma_wait3A_297 = arith.constant 0 : i32
      %dma_wait3A_298 = tpu.memref_slice %arg10[%dma_wait3A_293, %dma_wait3A_297] : memref<2x128xi32, #tpu.memory_space<vmem>> -> memref<1x128xi32, #tpu.memory_space<vmem>>
      %dma_wait3A_299 = tpu.memref_squeeze %dma_wait3A_298 : memref<1x128xi32, #tpu.memory_space<vmem>> -> memref<128xi32, #tpu.memory_space<vmem>>
      %dma_wait3A_300 = arith.constant 0 : i32
      %dma_wait3A_301 = arith.constant 0 : i32
      %dma_wait3A_302 = tpu.memref_slice %arg6[%dma_wait3A_300, %dma_wait3A_301] : memref<10240x16xf32, #tpu.memory_space<hbm>> -> memref<10240x16xf32, #tpu.memory_space<hbm>>
      tpu.wait_indirect_dma semaphore(%arg27 : memref<!tpu.dma_semaphore, #tpu.memory_space<semaphore_mem>>) src(%dma_wait3A_302 : memref<10240x16xf32, #tpu.memory_space<hbm>>) dst(%dma_wait3A_296 : memref<128x16xf32, #tpu.memory_space<vmem>>)
      %dma_wait3A_303 = arith.constant 1 : i32
      %dma_wait3A_304 = arith.constant 128 : i32
      %dma_wait3A_305 = arith.constant 0 : i32
      %dma_wait3A_306 = tpu.memref_slice %arg15[%dma_wait3A_304, %dma_wait3A_305] : memref<256x64xf32, #tpu.memory_space<vmem>> -> memref<128x64xf32, #tpu.memory_space<vmem>>
      %dma_wait3A_307 = arith.constant 0 : i32
      %dma_wait3A_308 = tpu.memref_slice %arg9[%dma_wait3A_303, %dma_wait3A_307] : memref<2x128xi32, #tpu.memory_space<vmem>> -> memref<1x128xi32, #tpu.memory_space<vmem>>
      %dma_wait3A_309 = tpu.memref_squeeze %dma_wait3A_308 : memref<1x128xi32, #tpu.memory_space<vmem>> -> memref<128xi32, #tpu.memory_space<vmem>>
      %dma_wait3A_310 = arith.constant 0 : i32
      %dma_wait3A_311 = arith.constant 0 : i32
      %dma_wait3A_312 = tpu.memref_slice %arg4[%dma_wait3A_310, %dma_wait3A_311] : memref<10240x64xf32, #tpu.memory_space<hbm>> -> memref<10240x64xf32, #tpu.memory_space<hbm>>
      tpu.wait_indirect_dma semaphore(%arg27 : memref<!tpu.dma_semaphore, #tpu.memory_space<semaphore_mem>>) src(%dma_wait3A_312 : memref<10240x64xf32, #tpu.memory_space<hbm>>) dst(%dma_wait3A_306 : memref<128x64xf32, #tpu.memory_space<vmem>>)
      %get3A = arith.constant 0 : i32
      %get3A_313 = arith.index_cast %get3A : i32 to index
      %get3A_314 = arith.constant 0 : index
      %get3A_315 = tpu.vector_load %arg10[%get3A_313, %get3A_314] {strides = array<i32>} : memref<2x128xi32, #tpu.memory_space<vmem>>, vector<16xi32>,
      %swap3A = arith.constant 0 : i32
      %swap3A_316 = arith.index_cast %swap3A : i32 to index
      %swap3A_317 = arith.constant 0 : index
      %swap3A_318 = tpu.vector_load %arg11[%swap3A_316, %swap3A_317] {strides = array<i32>} : memref<2x128xi32, #tpu.memory_space<vmem>>, vector<16xi32>,
      tpu.vector_store %arg11[%swap3A_316, %swap3A_317], %get3A_315 {strides = array<i32>} : memref<2x128xi32, #tpu.memory_space<vmem>>, vector<16xi32>,
      %get3A_319 = arith.constant 0 : i32
      %get3A_320 = arith.index_cast %get3A_319 : i32 to index
      %get3A_321 = arith.constant 16 : index
      %get3A_322 = tpu.vector_load %arg10[%get3A_320, %get3A_321] {strides = array<i32>} : memref<2x128xi32, #tpu.memory_space<vmem>>, vector<16xi32>,
      %swap3A_323 = arith.constant 0 : i32
      %swap3A_324 = arith.index_cast %swap3A_323 : i32 to index
      %swap3A_325 = arith.constant 16 : index
      %swap3A_326 = tpu.vector_load %arg11[%swap3A_324, %swap3A_325] {strides = array<i32>} : memref<2x128xi32, #tpu.memory_space<vmem>>, vector<16xi32>,
      tpu.vector_store %arg11[%swap3A_324, %swap3A_325], %get3A_322 {strides = array<i32>} : memref<2x128xi32, #tpu.memory_space<vmem>>, vector<16xi32>,
      %get3A_327 = arith.constant 0 : i32
      %get3A_328 = arith.index_cast %get3A_327 : i32 to index
      %get3A_329 = arith.constant 32 : index
      %get3A_330 = tpu.vector_load %arg10[%get3A_328, %get3A_329] {strides = array<i32>} : memref<2x128xi32, #tpu.memory_space<vmem>>, vector<16xi32>,
      %swap3A_331 = arith.constant 0 : i32
      %swap3A_332 = arith.index_cast %swap3A_331 : i32 to index
      %swap3A_333 = arith.constant 32 : index
      %swap3A_334 = tpu.vector_load %arg11[%swap3A_332, %swap3A_333] {strides = array<i32>} : memref<2x128xi32, #tpu.memory_space<vmem>>, vector<16xi32>,
      tpu.vector_store %arg11[%swap3A_332, %swap3A_333], %get3A_330 {strides = array<i32>} : memref<2x128xi32, #tpu.memory_space<vmem>>, vector<16xi32>,
      %get3A_335 = arith.constant 0 : i32
      %get3A_336 = arith.index_cast %get3A_335 : i32 to index
      %get3A_337 = arith.constant 48 : index
      %get3A_338 = tpu.vector_load %arg10[%get3A_336, %get3A_337] {strides = array<i32>} : memref<2x128xi32, #tpu.memory_space<vmem>>, vector<16xi32>,
      %swap3A_339 = arith.constant 0 : i32
      %swap3A_340 = arith.index_cast %swap3A_339 : i32 to index
      %swap3A_341 = arith.constant 48 : index
      %swap3A_342 = tpu.vector_load %arg11[%swap3A_340, %swap3A_341] {strides = array<i32>} : memref<2x128xi32, #tpu.memory_space<vmem>>, vector<16xi32>,
      tpu.vector_store %arg11[%swap3A_340, %swap3A_341], %get3A_338 {strides = array<i32>} : memref<2x128xi32, #tpu.memory_space<vmem>>, vector<16xi32>,
      %get3A_343 = arith.constant 0 : i32
      %get3A_344 = arith.index_cast %get3A_343 : i32 to index
      %get3A_345 = arith.constant 64 : index
      %get3A_346 = tpu.vector_load %arg10[%get3A_344, %get3A_345] {strides = array<i32>} : memref<2x128xi32, #tpu.memory_space<vmem>>, vector<16xi32>,
      %swap3A_347 = arith.constant 0 : i32
      %swap3A_348 = arith.index_cast %swap3A_347 : i32 to index
      %swap3A_349 = arith.constant 64 : index
      %swap3A_350 = tpu.vector_load %arg11[%swap3A_348, %swap3A_349] {strides = array<i32>} : memref<2x128xi32, #tpu.memory_space<vmem>>, vector<16xi32>,
      tpu.vector_store %arg11[%swap3A_348, %swap3A_349], %get3A_346 {strides = array<i32>} : memref<2x128xi32, #tpu.memory_space<vmem>>, vector<16xi32>,
      %get3A_351 = arith.constant 0 : i32
      %get3A_352 = arith.index_cast %get3A_351 : i32 to index
      %get3A_353 = arith.constant 80 : index
      %get3A_354 = tpu.vector_load %arg10[%get3A_352, %get3A_353] {strides = array<i32>} : memref<2x128xi32, #tpu.memory_space<vmem>>, vector<16xi32>,
      %swap3A_355 = arith.constant 0 : i32
      %swap3A_356 = arith.index_cast %swap3A_355 : i32 to index
      %swap3A_357 = arith.constant 80 : index
      %swap3A_358 = tpu.vector_load %arg11[%swap3A_356, %swap3A_357] {strides = array<i32>} : memref<2x128xi32, #tpu.memory_space<vmem>>, vector<16xi32>,
      tpu.vector_store %arg11[%swap3A_356, %swap3A_357], %get3A_354 {strides = array<i32>} : memref<2x128xi32, #tpu.memory_space<vmem>>, vector<16xi32>,
      %get3A_359 = arith.constant 0 : i32
      %get3A_360 = arith.index_cast %get3A_359 : i32 to index
      %get3A_361 = arith.constant 96 : index
      %get3A_362 = tpu.vector_load %arg10[%get3A_360, %get3A_361] {strides = array<i32>} : memref<2x128xi32, #tpu.memory_space<vmem>>, vector<16xi32>,
      %swap3A_363 = arith.constant 0 : i32
      %swap3A_364 = arith.index_cast %swap3A_363 : i32 to index
      %swap3A_365 = arith.constant 96 : index
      %swap3A_366 = tpu.vector_load %arg11[%swap3A_364, %swap3A_365] {strides = array<i32>} : memref<2x128xi32, #tpu.memory_space<vmem>>, vector<16xi32>,
      tpu.vector_store %arg11[%swap3A_364, %swap3A_365], %get3A_362 {strides = array<i32>} : memref<2x128xi32, #tpu.memory_space<vmem>>, vector<16xi32>,
      %get3A_367 = arith.constant 0 : i32
      %get3A_368 = arith.index_cast %get3A_367 : i32 to index
      %get3A_369 = arith.constant 112 : index
      %get3A_370 = tpu.vector_load %arg10[%get3A_368, %get3A_369] {strides = array<i32>} : memref<2x128xi32, #tpu.memory_space<vmem>>, vector<16xi32>,
      %swap3A_371 = arith.constant 0 : i32
      %swap3A_372 = arith.index_cast %swap3A_371 : i32 to index
      %swap3A_373 = arith.constant 112 : index
      %swap3A_374 = tpu.vector_load %arg11[%swap3A_372, %swap3A_373] {strides = array<i32>} : memref<2x128xi32, #tpu.memory_space<vmem>>, vector<16xi32>,
      tpu.vector_store %arg11[%swap3A_372, %swap3A_373], %get3A_370 {strides = array<i32>} : memref<2x128xi32, #tpu.memory_space<vmem>>, vector<16xi32>,
      %get3A_375 = arith.constant 1 : i32
      %get3A_376 = arith.index_cast %get3A_375 : i32 to index
      %get3A_377 = arith.constant 0 : index
      %get3A_378 = tpu.vector_load %arg10[%get3A_376, %get3A_377] {strides = array<i32>} : memref<2x128xi32, #tpu.memory_space<vmem>>, vector<16xi32>,
      %swap3A_379 = arith.constant 1 : i32
      %swap3A_380 = arith.index_cast %swap3A_379 : i32 to index
      %swap3A_381 = arith.constant 0 : index
      %swap3A_382 = tpu.vector_load %arg11[%swap3A_380, %swap3A_381] {strides = array<i32>} : memref<2x128xi32, #tpu.memory_space<vmem>>, vector<16xi32>,
      tpu.vector_store %arg11[%swap3A_380, %swap3A_381], %get3A_378 {strides = array<i32>} : memref<2x128xi32, #tpu.memory_space<vmem>>, vector<16xi32>,
      %get3A_383 = arith.constant 1 : i32
      %get3A_384 = arith.index_cast %get3A_383 : i32 to index
      %get3A_385 = arith.constant 16 : index
      %get3A_386 = tpu.vector_load %arg10[%get3A_384, %get3A_385] {strides = array<i32>} : memref<2x128xi32, #tpu.memory_space<vmem>>, vector<16xi32>,
      %swap3A_387 = arith.constant 1 : i32
      %swap3A_388 = arith.index_cast %swap3A_387 : i32 to index
      %swap3A_389 = arith.constant 16 : index
      %swap3A_390 = tpu.vector_load %arg11[%swap3A_388, %swap3A_389] {strides = array<i32>} : memref<2x128xi32, #tpu.memory_space<vmem>>, vector<16xi32>,
      tpu.vector_store %arg11[%swap3A_388, %swap3A_389], %get3A_386 {strides = array<i32>} : memref<2x128xi32, #tpu.memory_space<vmem>>, vector<16xi32>,
      %get3A_391 = arith.constant 1 : i32
      %get3A_392 = arith.index_cast %get3A_391 : i32 to index
      %get3A_393 = arith.constant 32 : index
      %get3A_394 = tpu.vector_load %arg10[%get3A_392, %get3A_393] {strides = array<i32>} : memref<2x128xi32, #tpu.memory_space<vmem>>, vector<16xi32>,
      %swap3A_395 = arith.constant 1 : i32
      %swap3A_396 = arith.index_cast %swap3A_395 : i32 to index
      %swap3A_397 = arith.constant 32 : index
      %swap3A_398 = tpu.vector_load %arg11[%swap3A_396, %swap3A_397] {strides = array<i32>} : memref<2x128xi32, #tpu.memory_space<vmem>>, vector<16xi32>,
      tpu.vector_store %arg11[%swap3A_396, %swap3A_397], %get3A_394 {strides = array<i32>} : memref<2x128xi32, #tpu.memory_space<vmem>>, vector<16xi32>,
      %get3A_399 = arith.constant 1 : i32
      %get3A_400 = arith.index_cast %get3A_399 : i32 to index
      %get3A_401 = arith.constant 48 : index
      %get3A_402 = tpu.vector_load %arg10[%get3A_400, %get3A_401] {strides = array<i32>} : memref<2x128xi32, #tpu.memory_space<vmem>>, vector<16xi32>,
      %swap3A_403 = arith.constant 1 : i32
      %swap3A_404 = arith.index_cast %swap3A_403 : i32 to index
      %swap3A_405 = arith.constant 48 : index
      %swap3A_406 = tpu.vector_load %arg11[%swap3A_404, %swap3A_405] {strides = array<i32>} : memref<2x128xi32, #tpu.memory_space<vmem>>, vector<16xi32>,
      tpu.vector_store %arg11[%swap3A_404, %swap3A_405], %get3A_402 {strides = array<i32>} : memref<2x128xi32, #tpu.memory_space<vmem>>, vector<16xi32>,
      %get3A_407 = arith.constant 1 : i32
      %get3A_408 = arith.index_cast %get3A_407 : i32 to index
      %get3A_409 = arith.constant 64 : index
      %get3A_410 = tpu.vector_load %arg10[%get3A_408, %get3A_409] {strides = array<i32>} : memref<2x128xi32, #tpu.memory_space<vmem>>, vector<16xi32>,
      %swap3A_411 = arith.constant 1 : i32
      %swap3A_412 = arith.index_cast %swap3A_411 : i32 to index
      %swap3A_413 = arith.constant 64 : index
      %swap3A_414 = tpu.vector_load %arg11[%swap3A_412, %swap3A_413] {strides = array<i32>} : memref<2x128xi32, #tpu.memory_space<vmem>>, vector<16xi32>,
      tpu.vector_store %arg11[%swap3A_412, %swap3A_413], %get3A_410 {strides = array<i32>} : memref<2x128xi32, #tpu.memory_space<vmem>>, vector<16xi32>,
      %get3A_415 = arith.constant 1 : i32
      %get3A_416 = arith.index_cast %get3A_415 : i32 to index
      %get3A_417 = arith.constant 80 : index
      %get3A_418 = tpu.vector_load %arg10[%get3A_416, %get3A_417] {strides = array<i32>} : memref<2x128xi32, #tpu.memory_space<vmem>>, vector<16xi32>,
      %swap3A_419 = arith.constant 1 : i32
      %swap3A_420 = arith.index_cast %swap3A_419 : i32 to index
      %swap3A_421 = arith.constant 80 : index
      %swap3A_422 = tpu.vector_load %arg11[%swap3A_420, %swap3A_421] {strides = array<i32>} : memref<2x128xi32, #tpu.memory_space<vmem>>, vector<16xi32>,
      tpu.vector_store %arg11[%swap3A_420, %swap3A_421], %get3A_418 {strides = array<i32>} : memref<2x128xi32, #tpu.memory_space<vmem>>, vector<16xi32>,
      %get3A_423 = arith.constant 1 : i32
      %get3A_424 = arith.index_cast %get3A_423 : i32 to index
      %get3A_425 = arith.constant 96 : index
      %get3A_426 = tpu.vector_load %arg10[%get3A_424, %get3A_425] {strides = array<i32>} : memref<2x128xi32, #tpu.memory_space<vmem>>, vector<16xi32>,
      %swap3A_427 = arith.constant 1 : i32
      %swap3A_428 = arith.index_cast %swap3A_427 : i32 to index
      %swap3A_429 = arith.constant 96 : index
      %swap3A_430 = tpu.vector_load %arg11[%swap3A_428, %swap3A_429] {strides = array<i32>} : memref<2x128xi32, #tpu.memory_space<vmem>>, vector<16xi32>,
      tpu.vector_store %arg11[%swap3A_428, %swap3A_429], %get3A_426 {strides = array<i32>} : memref<2x128xi32, #tpu.memory_space<vmem>>, vector<16xi32>,
      %get3A_431 = arith.constant 1 : i32
      %get3A_432 = arith.index_cast %get3A_431 : i32 to index
      %get3A_433 = arith.constant 112 : index
      %get3A_434 = tpu.vector_load %arg10[%get3A_432, %get3A_433] {strides = array<i32>} : memref<2x128xi32, #tpu.memory_space<vmem>>, vector<16xi32>,
      %swap3A_435 = arith.constant 1 : i32
      %swap3A_436 = arith.index_cast %swap3A_435 : i32 to index
      %swap3A_437 = arith.constant 112 : index
      %swap3A_438 = tpu.vector_load %arg11[%swap3A_436, %swap3A_437] {strides = array<i32>} : memref<2x128xi32, #tpu.memory_space<vmem>>, vector<16xi32>,
      tpu.vector_store %arg11[%swap3A_436, %swap3A_437], %get3A_434 {strides = array<i32>} : memref<2x128xi32, #tpu.memory_space<vmem>>, vector<16xi32>,
      %lt3A = arith.constant 19 : i32
      %lt3A_439 = arith.cmpi slt, %scan3A_180, %lt3A : i32
      %convert_element_type3A_440 = arith.extui %lt3A_439 : i1 to i32
      %cond3A_441 = arith.constant 0 : i32
      %cond3A_442 = arith.cmpi ne, %convert_element_type3A_440, %cond3A_441 : i32
      scf.if %cond3A_442 {
        %add3A_785 = arith.constant 2 : i32
        %add3A_786 = arith.addi %add3A_185, %add3A_785 : i32
        %mul3A_787 = arith.constant 80 : i32
        %mul3A_788 = arith.muli %add3A, %mul3A_787 : i32
        %mul3A_789 = arith.constant 2 : i32
        %mul3A_790 = arith.muli %add3A_786, %mul3A_789 : i32
        %add3A_791 = arith.addi %mul3A_788, %mul3A_790 : i32
        %dma_start3A_792 = arith.constant 0 : i32
        %dma_start3A_793 = tpu.memref_slice %arg2[%add3A_791, %dma_start3A_792] : memref<2560x128xi32, #tpu.memory_space<hbm>> -> memref<2x128xi32, #tpu.memory_space<hbm>>
        %dma_start3A_794 = arith.constant 0 : i32
        %dma_start3A_795 = tpu.memref_slice %arg2[%add3A_791, %dma_start3A_794] : memref<2560x128xi32, #tpu.memory_space<hbm>> -> memref<2x128xi32, #tpu.memory_space<hbm>>
        tpu.enqueue_dma source(%dma_start3A_795 : memref<2x128xi32, #tpu.memory_space<hbm>>) target(%arg9 : memref<2x128xi32, #tpu.memory_space<vmem>>) target_semaphore(%arg29 : memref<!tpu.dma_semaphore, #tpu.memory_space<semaphore_mem>>)
        %dma_start3A_796 = arith.constant 0 : i32
        %dma_start3A_797 = tpu.memref_slice %arg3[%add3A_791, %dma_start3A_796] : memref<2560x128xi32, #tpu.memory_space<hbm>> -> memref<2x128xi32, #tpu.memory_space<hbm>>
        %dma_start3A_798 = arith.constant 0 : i32
        %dma_start3A_799 = tpu.memref_slice %arg3[%add3A_791, %dma_start3A_798] : memref<2560x128xi32, #tpu.memory_space<hbm>> -> memref<2x128xi32, #tpu.memory_space<hbm>>
        tpu.enqueue_dma source(%dma_start3A_799 : memref<2x128xi32, #tpu.memory_space<hbm>>) target(%arg10 : memref<2x128xi32, #tpu.memory_space<vmem>>) target_semaphore(%arg29 : memref<!tpu.dma_semaphore, #tpu.memory_space<semaphore_mem>>)
      } else {
      }
      %scan3A_443 = arith.constant 0 : i32
      %scan3A_444 = arith.constant 0 : i32
      %scan3A_445 = arith.constant 128 : i32
      %scan3A_446 = arith.addi %scan3A_444, %scan3A_445 : i32
      %scan3A_447 = arith.constant 1 : i32
      %scan3A_448 = scf.for %scan3A_785 = %scan3A_444 to %scan3A_446 step %scan3A_447 iter_args(%scan3A_786 = %scan3A_443) -> (i32)  : i32 {
        %mul3A_787 = arith.constant 2 : i32
        %mul3A_788 = arith.muli %scan3A_785, %mul3A_787 : i32
        %add3A_789 = arith.constant 0 : i32
        %add3A_790 = arith.addi %mul3A_788, %add3A_789 : i32
        %get3A_791 = arith.index_cast %add3A_790 : i32 to index
        %get3A_792 = arith.constant 0 : index
        %get3A_793 = tpu.vector_load %arg12[%get3A_791, %get3A_792] {strides = array<i32>} : memref<256x16xf32, #tpu.memory_space<vmem>>, vector<16xf32>,
        %get3A_794 = arith.index_cast %add3A_790 : i32 to index
        %get3A_795 = arith.constant 0 : index
        %get3A_796 = tpu.vector_load %arg13[%get3A_794, %get3A_795] {strides = array<i32>} : memref<256x16xf32, #tpu.memory_space<vmem>>, vector<16xf32>,
        %add3A_797 = arith.addf %get3A_793, %get3A_796 : vector<16xf32>
        %gt3A = arith.constant 0.000000e+00 : f32
        %gt3A_798 = vector.broadcast %gt3A : f32 to vector<16xf32>
        %gt3A_799 = arith.cmpf ogt, %add3A_797, %gt3A_798 : vector<16xf32>
        %mul3A_800 = arith.constant 2.000000e-01 : f32
        %mul3A_801 = vector.broadcast %mul3A_800 : f32 to vector<16xf32>
        %mul3A_802 = arith.mulf %mul3A_801, %add3A_797 : vector<16xf32>
        %select_n3A = arith.select %gt3A_799, %add3A_797, %mul3A_802 : vector<16xi1>, vector<16xf32>
        %exp3A = math.exp %select_n3A : vector<16xf32>
        %swap3A_803 = arith.index_cast %add3A_790 : i32 to index
        %swap3A_804 = arith.constant 0 : index
        %swap3A_805 = tpu.vector_load %arg14[%swap3A_803, %swap3A_804] {strides = array<i32>} : memref<256x16xf32, #tpu.memory_space<vmem>>, vector<16xf32>,
        tpu.vector_store %arg14[%swap3A_803, %swap3A_804], %exp3A {strides = array<i32>} : memref<256x16xf32, #tpu.memory_space<vmem>>, vector<16xf32>,
        %add3A_806 = arith.constant 0 : i32
        %add3A_807 = vector.broadcast %add3A_806 : i32 to vector<16xi32>
        %add3A_808 = arith.addi %shift_right_arithmetic3A_11, %add3A_807 : vector<16xi32>
        %lt3A_809 = arith.constant 0 : i32
        %lt3A_810 = vector.broadcast %lt3A_809 : i32 to vector<16xi32>
        %lt3A_811 = arith.cmpi slt, %add3A_808, %lt3A_810 : vector<16xi32>
        %add3A_812 = arith.constant 16 : i32
        %add3A_813 = vector.broadcast %add3A_812 : i32 to vector<16xi32>
        %add3A_814 = arith.addi %add3A_808, %add3A_813 : vector<16xi32>
        %select_n3A_815 = arith.select %lt3A_811, %add3A_814, %add3A_808 : vector<16xi1>, vector<16xi32>
        %broadcast_in_dim3A_816 = vector.shape_cast %select_n3A_815 : vector<16xi32> to vector<16x1xi32>
        %gather3A = vector.shape_cast %broadcast_in_dim3A_816 : vector<16x1xi32> to vector<16xi32>
        %gather3A_817 = tpu.dynamic_gather %exp3A[%gather3A] in [0] : vector<16xf32>, vector<16xi32> -> vector<16xf32>
        %get3A_818 = arith.index_cast %add3A_790 : i32 to index
        %get3A_819 = arith.constant 0 : index
        %get3A_820 = tpu.vector_load %arg15[%get3A_818, %get3A_819] {strides = array<i32>} : memref<256x64xf32, #tpu.memory_space<vmem>>, vector<16xf32>,
        %mul3A_821 = arith.mulf %get3A_820, %gather3A_817 : vector<16xf32>
        %swap3A_822 = arith.index_cast %add3A_790 : i32 to index
        %swap3A_823 = arith.constant 0 : index
        %swap3A_824 = tpu.vector_load %arg15[%swap3A_822, %swap3A_823] {strides = array<i32>} : memref<256x64xf32, #tpu.memory_space<vmem>>, vector<16xf32>,
        tpu.vector_store %arg15[%swap3A_822, %swap3A_823], %mul3A_821 {strides = array<i32>} : memref<256x64xf32, #tpu.memory_space<vmem>>, vector<16xf32>,
        %add3A_825 = arith.constant 2 : i32
        %add3A_826 = vector.broadcast %add3A_825 : i32 to vector<16xi32>
        %add3A_827 = arith.addi %shift_right_arithmetic3A_11, %add3A_826 : vector<16xi32>
        %lt3A_828 = arith.constant 0 : i32
        %lt3A_829 = vector.broadcast %lt3A_828 : i32 to vector<16xi32>
        %lt3A_830 = arith.cmpi slt, %add3A_827, %lt3A_829 : vector<16xi32>
        %add3A_831 = arith.constant 16 : i32
        %add3A_832 = vector.broadcast %add3A_831 : i32 to vector<16xi32>
        %add3A_833 = arith.addi %add3A_827, %add3A_832 : vector<16xi32>
        %select_n3A_834 = arith.select %lt3A_830, %add3A_833, %add3A_827 : vector<16xi1>, vector<16xi32>
        %broadcast_in_dim3A_835 = vector.shape_cast %select_n3A_834 : vector<16xi32> to vector<16x1xi32>
        %gather3A_836 = vector.shape_cast %broadcast_in_dim3A_835 : vector<16x1xi32> to vector<16xi32>
        %gather3A_837 = tpu.dynamic_gather %exp3A[%gather3A_836] in [0] : vector<16xf32>, vector<16xi32> -> vector<16xf32>
        %get3A_838 = arith.index_cast %add3A_790 : i32 to index
        %get3A_839 = arith.constant 16 : index
        %get3A_840 = tpu.vector_load %arg15[%get3A_838, %get3A_839] {strides = array<i32>} : memref<256x64xf32, #tpu.memory_space<vmem>>, vector<16xf32>,
        %mul3A_841 = arith.mulf %get3A_840, %gather3A_837 : vector<16xf32>
        %swap3A_842 = arith.index_cast %add3A_790 : i32 to index
        %swap3A_843 = arith.constant 16 : index
        %swap3A_844 = tpu.vector_load %arg15[%swap3A_842, %swap3A_843] {strides = array<i32>} : memref<256x64xf32, #tpu.memory_space<vmem>>, vector<16xf32>,
        tpu.vector_store %arg15[%swap3A_842, %swap3A_843], %mul3A_841 {strides = array<i32>} : memref<256x64xf32, #tpu.memory_space<vmem>>, vector<16xf32>,
        %add3A_845 = arith.constant 4 : i32
        %add3A_846 = vector.broadcast %add3A_845 : i32 to vector<16xi32>
        %add3A_847 = arith.addi %shift_right_arithmetic3A_11, %add3A_846 : vector<16xi32>
        %lt3A_848 = arith.constant 0 : i32
        %lt3A_849 = vector.broadcast %lt3A_848 : i32 to vector<16xi32>
        %lt3A_850 = arith.cmpi slt, %add3A_847, %lt3A_849 : vector<16xi32>
        %add3A_851 = arith.constant 16 : i32
        %add3A_852 = vector.broadcast %add3A_851 : i32 to vector<16xi32>
        %add3A_853 = arith.addi %add3A_847, %add3A_852 : vector<16xi32>
        %select_n3A_854 = arith.select %lt3A_850, %add3A_853, %add3A_847 : vector<16xi1>, vector<16xi32>
        %broadcast_in_dim3A_855 = vector.shape_cast %select_n3A_854 : vector<16xi32> to vector<16x1xi32>
        %gather3A_856 = vector.shape_cast %broadcast_in_dim3A_855 : vector<16x1xi32> to vector<16xi32>
        %gather3A_857 = tpu.dynamic_gather %exp3A[%gather3A_856] in [0] : vector<16xf32>, vector<16xi32> -> vector<16xf32>
        %get3A_858 = arith.index_cast %add3A_790 : i32 to index
        %get3A_859 = arith.constant 32 : index
        %get3A_860 = tpu.vector_load %arg15[%get3A_858, %get3A_859] {strides = array<i32>} : memref<256x64xf32, #tpu.memory_space<vmem>>, vector<16xf32>,
        %mul3A_861 = arith.mulf %get3A_860, %gather3A_857 : vector<16xf32>
        %swap3A_862 = arith.index_cast %add3A_790 : i32 to index
        %swap3A_863 = arith.constant 32 : index
        %swap3A_864 = tpu.vector_load %arg15[%swap3A_862, %swap3A_863] {strides = array<i32>} : memref<256x64xf32, #tpu.memory_space<vmem>>, vector<16xf32>,
        tpu.vector_store %arg15[%swap3A_862, %swap3A_863], %mul3A_861 {strides = array<i32>} : memref<256x64xf32, #tpu.memory_space<vmem>>, vector<16xf32>,
        %add3A_865 = arith.constant 6 : i32
        %add3A_866 = vector.broadcast %add3A_865 : i32 to vector<16xi32>
        %add3A_867 = arith.addi %shift_right_arithmetic3A_11, %add3A_866 : vector<16xi32>
        %lt3A_868 = arith.constant 0 : i32
        %lt3A_869 = vector.broadcast %lt3A_868 : i32 to vector<16xi32>
        %lt3A_870 = arith.cmpi slt, %add3A_867, %lt3A_869 : vector<16xi32>
        %add3A_871 = arith.constant 16 : i32
        %add3A_872 = vector.broadcast %add3A_871 : i32 to vector<16xi32>
        %add3A_873 = arith.addi %add3A_867, %add3A_872 : vector<16xi32>
        %select_n3A_874 = arith.select %lt3A_870, %add3A_873, %add3A_867 : vector<16xi1>, vector<16xi32>
        %broadcast_in_dim3A_875 = vector.shape_cast %select_n3A_874 : vector<16xi32> to vector<16x1xi32>
        %gather3A_876 = vector.shape_cast %broadcast_in_dim3A_875 : vector<16x1xi32> to vector<16xi32>
        %gather3A_877 = tpu.dynamic_gather %exp3A[%gather3A_876] in [0] : vector<16xf32>, vector<16xi32> -> vector<16xf32>
        %get3A_878 = arith.index_cast %add3A_790 : i32 to index
        %get3A_879 = arith.constant 48 : index
        %get3A_880 = tpu.vector_load %arg15[%get3A_878, %get3A_879] {strides = array<i32>} : memref<256x64xf32, #tpu.memory_space<vmem>>, vector<16xf32>,
        %mul3A_881 = arith.mulf %get3A_880, %gather3A_877 : vector<16xf32>
        %swap3A_882 = arith.index_cast %add3A_790 : i32 to index
        %swap3A_883 = arith.constant 48 : index
        %swap3A_884 = tpu.vector_load %arg15[%swap3A_882, %swap3A_883] {strides = array<i32>} : memref<256x64xf32, #tpu.memory_space<vmem>>, vector<16xf32>,
        tpu.vector_store %arg15[%swap3A_882, %swap3A_883], %mul3A_881 {strides = array<i32>} : memref<256x64xf32, #tpu.memory_space<vmem>>, vector<16xf32>,
        %mul3A_885 = arith.constant 2 : i32
        %mul3A_886 = arith.muli %scan3A_785, %mul3A_885 : i32
        %add3A_887 = arith.constant 1 : i32
        %add3A_888 = arith.addi %mul3A_886, %add3A_887 : i32
        %get3A_889 = arith.index_cast %add3A_888 : i32 to index
        %get3A_890 = arith.constant 0 : index
        %get3A_891 = tpu.vector_load %arg12[%get3A_889, %get3A_890] {strides = array<i32>} : memref<256x16xf32, #tpu.memory_space<vmem>>, vector<16xf32>,
        %get3A_892 = arith.index_cast %add3A_888 : i32 to index
        %get3A_893 = arith.constant 0 : index
        %get3A_894 = tpu.vector_load %arg13[%get3A_892, %get3A_893] {strides = array<i32>} : memref<256x16xf32, #tpu.memory_space<vmem>>, vector<16xf32>,
        %add3A_895 = arith.addf %get3A_891, %get3A_894 : vector<16xf32>
        %gt3A_896 = arith.constant 0.000000e+00 : f32
        %gt3A_897 = vector.broadcast %gt3A_896 : f32 to vector<16xf32>
        %gt3A_898 = arith.cmpf ogt, %add3A_895, %gt3A_897 : vector<16xf32>
        %mul3A_899 = arith.constant 2.000000e-01 : f32
        %mul3A_900 = vector.broadcast %mul3A_899 : f32 to vector<16xf32>
        %mul3A_901 = arith.mulf %mul3A_900, %add3A_895 : vector<16xf32>
        %select_n3A_902 = arith.select %gt3A_898, %add3A_895, %mul3A_901 : vector<16xi1>, vector<16xf32>
        %exp3A_903 = math.exp %select_n3A_902 : vector<16xf32>
        %swap3A_904 = arith.index_cast %add3A_888 : i32 to index
        %swap3A_905 = arith.constant 0 : index
        %swap3A_906 = tpu.vector_load %arg14[%swap3A_904, %swap3A_905] {strides = array<i32>} : memref<256x16xf32, #tpu.memory_space<vmem>>, vector<16xf32>,
        tpu.vector_store %arg14[%swap3A_904, %swap3A_905], %exp3A_903 {strides = array<i32>} : memref<256x16xf32, #tpu.memory_space<vmem>>, vector<16xf32>,
        %add3A_907 = arith.constant 0 : i32
        %add3A_908 = vector.broadcast %add3A_907 : i32 to vector<16xi32>
        %add3A_909 = arith.addi %shift_right_arithmetic3A_11, %add3A_908 : vector<16xi32>
        %lt3A_910 = arith.constant 0 : i32
        %lt3A_911 = vector.broadcast %lt3A_910 : i32 to vector<16xi32>
        %lt3A_912 = arith.cmpi slt, %add3A_909, %lt3A_911 : vector<16xi32>
        %add3A_913 = arith.constant 16 : i32
        %add3A_914 = vector.broadcast %add3A_913 : i32 to vector<16xi32>
        %add3A_915 = arith.addi %add3A_909, %add3A_914 : vector<16xi32>
        %select_n3A_916 = arith.select %lt3A_912, %add3A_915, %add3A_909 : vector<16xi1>, vector<16xi32>
        %broadcast_in_dim3A_917 = vector.shape_cast %select_n3A_916 : vector<16xi32> to vector<16x1xi32>
        %gather3A_918 = vector.shape_cast %broadcast_in_dim3A_917 : vector<16x1xi32> to vector<16xi32>
        %gather3A_919 = tpu.dynamic_gather %exp3A_903[%gather3A_918] in [0] : vector<16xf32>, vector<16xi32> -> vector<16xf32>
        %get3A_920 = arith.index_cast %add3A_888 : i32 to index
        %get3A_921 = arith.constant 0 : index
        %get3A_922 = tpu.vector_load %arg15[%get3A_920, %get3A_921] {strides = array<i32>} : memref<256x64xf32, #tpu.memory_space<vmem>>, vector<16xf32>,
        %mul3A_923 = arith.mulf %get3A_922, %gather3A_919 : vector<16xf32>
        %swap3A_924 = arith.index_cast %add3A_888 : i32 to index
        %swap3A_925 = arith.constant 0 : index
        %swap3A_926 = tpu.vector_load %arg15[%swap3A_924, %swap3A_925] {strides = array<i32>} : memref<256x64xf32, #tpu.memory_space<vmem>>, vector<16xf32>,
        tpu.vector_store %arg15[%swap3A_924, %swap3A_925], %mul3A_923 {strides = array<i32>} : memref<256x64xf32, #tpu.memory_space<vmem>>, vector<16xf32>,
        %add3A_927 = arith.constant 2 : i32
        %add3A_928 = vector.broadcast %add3A_927 : i32 to vector<16xi32>
        %add3A_929 = arith.addi %shift_right_arithmetic3A_11, %add3A_928 : vector<16xi32>
        %lt3A_930 = arith.constant 0 : i32
        %lt3A_931 = vector.broadcast %lt3A_930 : i32 to vector<16xi32>
        %lt3A_932 = arith.cmpi slt, %add3A_929, %lt3A_931 : vector<16xi32>
        %add3A_933 = arith.constant 16 : i32
        %add3A_934 = vector.broadcast %add3A_933 : i32 to vector<16xi32>
        %add3A_935 = arith.addi %add3A_929, %add3A_934 : vector<16xi32>
        %select_n3A_936 = arith.select %lt3A_932, %add3A_935, %add3A_929 : vector<16xi1>, vector<16xi32>
        %broadcast_in_dim3A_937 = vector.shape_cast %select_n3A_936 : vector<16xi32> to vector<16x1xi32>
        %gather3A_938 = vector.shape_cast %broadcast_in_dim3A_937 : vector<16x1xi32> to vector<16xi32>
        %gather3A_939 = tpu.dynamic_gather %exp3A_903[%gather3A_938] in [0] : vector<16xf32>, vector<16xi32> -> vector<16xf32>
        %get3A_940 = arith.index_cast %add3A_888 : i32 to index
        %get3A_941 = arith.constant 16 : index
        %get3A_942 = tpu.vector_load %arg15[%get3A_940, %get3A_941] {strides = array<i32>} : memref<256x64xf32, #tpu.memory_space<vmem>>, vector<16xf32>,
        %mul3A_943 = arith.mulf %get3A_942, %gather3A_939 : vector<16xf32>
        %swap3A_944 = arith.index_cast %add3A_888 : i32 to index
        %swap3A_945 = arith.constant 16 : index
        %swap3A_946 = tpu.vector_load %arg15[%swap3A_944, %swap3A_945] {strides = array<i32>} : memref<256x64xf32, #tpu.memory_space<vmem>>, vector<16xf32>,
        tpu.vector_store %arg15[%swap3A_944, %swap3A_945], %mul3A_943 {strides = array<i32>} : memref<256x64xf32, #tpu.memory_space<vmem>>, vector<16xf32>,
        %add3A_947 = arith.constant 4 : i32
        %add3A_948 = vector.broadcast %add3A_947 : i32 to vector<16xi32>
        %add3A_949 = arith.addi %shift_right_arithmetic3A_11, %add3A_948 : vector<16xi32>
        %lt3A_950 = arith.constant 0 : i32
        %lt3A_951 = vector.broadcast %lt3A_950 : i32 to vector<16xi32>
        %lt3A_952 = arith.cmpi slt, %add3A_949, %lt3A_951 : vector<16xi32>
        %add3A_953 = arith.constant 16 : i32
        %add3A_954 = vector.broadcast %add3A_953 : i32 to vector<16xi32>
        %add3A_955 = arith.addi %add3A_949, %add3A_954 : vector<16xi32>
        %select_n3A_956 = arith.select %lt3A_952, %add3A_955, %add3A_949 : vector<16xi1>, vector<16xi32>
        %broadcast_in_dim3A_957 = vector.shape_cast %select_n3A_956 : vector<16xi32> to vector<16x1xi32>
        %gather3A_958 = vector.shape_cast %broadcast_in_dim3A_957 : vector<16x1xi32> to vector<16xi32>
        %gather3A_959 = tpu.dynamic_gather %exp3A_903[%gather3A_958] in [0] : vector<16xf32>, vector<16xi32> -> vector<16xf32>
        %get3A_960 = arith.index_cast %add3A_888 : i32 to index
        %get3A_961 = arith.constant 32 : index
        %get3A_962 = tpu.vector_load %arg15[%get3A_960, %get3A_961] {strides = array<i32>} : memref<256x64xf32, #tpu.memory_space<vmem>>, vector<16xf32>,
        %mul3A_963 = arith.mulf %get3A_962, %gather3A_959 : vector<16xf32>
        %swap3A_964 = arith.index_cast %add3A_888 : i32 to index
        %swap3A_965 = arith.constant 32 : index
        %swap3A_966 = tpu.vector_load %arg15[%swap3A_964, %swap3A_965] {strides = array<i32>} : memref<256x64xf32, #tpu.memory_space<vmem>>, vector<16xf32>,
        tpu.vector_store %arg15[%swap3A_964, %swap3A_965], %mul3A_963 {strides = array<i32>} : memref<256x64xf32, #tpu.memory_space<vmem>>, vector<16xf32>,
        %add3A_967 = arith.constant 6 : i32
        %add3A_968 = vector.broadcast %add3A_967 : i32 to vector<16xi32>
        %add3A_969 = arith.addi %shift_right_arithmetic3A_11, %add3A_968 : vector<16xi32>
        %lt3A_970 = arith.constant 0 : i32
        %lt3A_971 = vector.broadcast %lt3A_970 : i32 to vector<16xi32>
        %lt3A_972 = arith.cmpi slt, %add3A_969, %lt3A_971 : vector<16xi32>
        %add3A_973 = arith.constant 16 : i32
        %add3A_974 = vector.broadcast %add3A_973 : i32 to vector<16xi32>
        %add3A_975 = arith.addi %add3A_969, %add3A_974 : vector<16xi32>
        %select_n3A_976 = arith.select %lt3A_972, %add3A_975, %add3A_969 : vector<16xi1>, vector<16xi32>
        %broadcast_in_dim3A_977 = vector.shape_cast %select_n3A_976 : vector<16xi32> to vector<16x1xi32>
        %gather3A_978 = vector.shape_cast %broadcast_in_dim3A_977 : vector<16x1xi32> to vector<16xi32>
        %gather3A_979 = tpu.dynamic_gather %exp3A_903[%gather3A_978] in [0] : vector<16xf32>, vector<16xi32> -> vector<16xf32>
        %get3A_980 = arith.index_cast %add3A_888 : i32 to index
        %get3A_981 = arith.constant 48 : index
        %get3A_982 = tpu.vector_load %arg15[%get3A_980, %get3A_981] {strides = array<i32>} : memref<256x64xf32, #tpu.memory_space<vmem>>, vector<16xf32>,
        %mul3A_983 = arith.mulf %get3A_982, %gather3A_979 : vector<16xf32>
        %swap3A_984 = arith.index_cast %add3A_888 : i32 to index
        %swap3A_985 = arith.constant 48 : index
        %swap3A_986 = tpu.vector_load %arg15[%swap3A_984, %swap3A_985] {strides = array<i32>} : memref<256x64xf32, #tpu.memory_space<vmem>>, vector<16xf32>,
        tpu.vector_store %arg15[%swap3A_984, %swap3A_985], %mul3A_983 {strides = array<i32>} : memref<256x64xf32, #tpu.memory_space<vmem>>, vector<16xf32>,
        %scan3A_987 = arith.constant 0 : i32
        scf.yield %scan3A_987 : i32
      }
      %scan3A_449 = arith.constant 128 : i32
      %dma_start3A_450 = arith.constant 0 : i32
      %dma_start3A_451 = arith.constant 0 : i32
      %dma_start3A_452 = arith.constant 0 : i32
      %dma_start3A_453 = tpu.memref_slice %arg15[%dma_start3A_451, %dma_start3A_452] : memref<256x64xf32, #tpu.memory_space<vmem>> -> memref<128x64xf32, #tpu.memory_space<vmem>>
      %dma_start3A_454 = arith.constant 0 : i32
      %dma_start3A_455 = tpu.memref_slice %arg11[%dma_start3A_450, %dma_start3A_454] : memref<2x128xi32, #tpu.memory_space<vmem>> -> memref<1x128xi32, #tpu.memory_space<vmem>>
      %dma_start3A_456 = tpu.memref_squeeze %dma_start3A_455 : memref<1x128xi32, #tpu.memory_space<vmem>> -> memref<128xi32, #tpu.memory_space<vmem>>
      %dma_start3A_457 = arith.constant 0 : i32
      %dma_start3A_458 = arith.constant 0 : i32
      %dma_start3A_459 = tpu.memref_slice %arg25[%dma_start3A_457, %dma_start3A_458] : memref<10240x64xf32, #tpu.memory_space<vmem_shared>> -> memref<10240x64xf32, #tpu.memory_space<vmem_shared>>
      tpu.enqueue_indirect_dma source(%dma_start3A_453 : memref<128x64xf32, #tpu.memory_space<vmem>>) target(%dma_start3A_459 : memref<10240x64xf32, #tpu.memory_space<vmem_shared>>) offsets(%dma_start3A_456 : memref<128xi32, #tpu.memory_space<vmem>>) semaphore(%arg31 : memref<!tpu.dma_semaphore, #tpu.memory_space<semaphore_mem>>) {add = true}
      %dma_start3A_460 = arith.constant 0 : i32
      %dma_start3A_461 = arith.constant 0 : i32
      %dma_start3A_462 = arith.constant 0 : i32
      %dma_start3A_463 = tpu.memref_slice %arg14[%dma_start3A_461, %dma_start3A_462] : memref<256x16xf32, #tpu.memory_space<vmem>> -> memref<128x16xf32, #tpu.memory_space<vmem>>
      %dma_start3A_464 = arith.constant 0 : i32
      %dma_start3A_465 = tpu.memref_slice %arg11[%dma_start3A_460, %dma_start3A_464] : memref<2x128xi32, #tpu.memory_space<vmem>> -> memref<1x128xi32, #tpu.memory_space<vmem>>
      %dma_start3A_466 = tpu.memref_squeeze %dma_start3A_465 : memref<1x128xi32, #tpu.memory_space<vmem>> -> memref<128xi32, #tpu.memory_space<vmem>>
      %dma_start3A_467 = arith.constant 0 : i32
      %dma_start3A_468 = arith.constant 0 : i32
      %dma_start3A_469 = tpu.memref_slice %arg26[%dma_start3A_467, %dma_start3A_468] : memref<10240x16xf32, #tpu.memory_space<vmem_shared>> -> memref<10240x16xf32, #tpu.memory_space<vmem_shared>>
      tpu.enqueue_indirect_dma source(%dma_start3A_463 : memref<128x16xf32, #tpu.memory_space<vmem>>) target(%dma_start3A_469 : memref<10240x16xf32, #tpu.memory_space<vmem_shared>>) offsets(%dma_start3A_466 : memref<128xi32, #tpu.memory_space<vmem>>) semaphore(%arg31 : memref<!tpu.dma_semaphore, #tpu.memory_space<semaphore_mem>>) {add = true}
      %dma_start3A_470 = arith.constant 1 : i32
      %dma_start3A_471 = arith.constant 128 : i32
      %dma_start3A_472 = arith.constant 0 : i32
      %dma_start3A_473 = tpu.memref_slice %arg15[%dma_start3A_471, %dma_start3A_472] : memref<256x64xf32, #tpu.memory_space<vmem>> -> memref<128x64xf32, #tpu.memory_space<vmem>>
      %dma_start3A_474 = arith.constant 0 : i32
      %dma_start3A_475 = tpu.memref_slice %arg11[%dma_start3A_470, %dma_start3A_474] : memref<2x128xi32, #tpu.memory_space<vmem>> -> memref<1x128xi32, #tpu.memory_space<vmem>>
      %dma_start3A_476 = tpu.memref_squeeze %dma_start3A_475 : memref<1x128xi32, #tpu.memory_space<vmem>> -> memref<128xi32, #tpu.memory_space<vmem>>
      %dma_start3A_477 = arith.constant 0 : i32
      %dma_start3A_478 = arith.constant 0 : i32
      %dma_start3A_479 = tpu.memref_slice %arg25[%dma_start3A_477, %dma_start3A_478] : memref<10240x64xf32, #tpu.memory_space<vmem_shared>> -> memref<10240x64xf32, #tpu.memory_space<vmem_shared>>
      tpu.enqueue_indirect_dma source(%dma_start3A_473 : memref<128x64xf32, #tpu.memory_space<vmem>>) target(%dma_start3A_479 : memref<10240x64xf32, #tpu.memory_space<vmem_shared>>) offsets(%dma_start3A_476 : memref<128xi32, #tpu.memory_space<vmem>>) semaphore(%arg31 : memref<!tpu.dma_semaphore, #tpu.memory_space<semaphore_mem>>) {add = true}
      %dma_start3A_480 = arith.constant 1 : i32
      %dma_start3A_481 = arith.constant 128 : i32
      %dma_start3A_482 = arith.constant 0 : i32
      %dma_start3A_483 = tpu.memref_slice %arg14[%dma_start3A_481, %dma_start3A_482] : memref<256x16xf32, #tpu.memory_space<vmem>> -> memref<128x16xf32, #tpu.memory_space<vmem>>
      %dma_start3A_484 = arith.constant 0 : i32
      %dma_start3A_485 = tpu.memref_slice %arg11[%dma_start3A_480, %dma_start3A_484] : memref<2x128xi32, #tpu.memory_space<vmem>> -> memref<1x128xi32, #tpu.memory_space<vmem>>
      %dma_start3A_486 = tpu.memref_squeeze %dma_start3A_485 : memref<1x128xi32, #tpu.memory_space<vmem>> -> memref<128xi32, #tpu.memory_space<vmem>>
      %dma_start3A_487 = arith.constant 0 : i32
      %dma_start3A_488 = arith.constant 0 : i32
      %dma_start3A_489 = tpu.memref_slice %arg26[%dma_start3A_487, %dma_start3A_488] : memref<10240x16xf32, #tpu.memory_space<vmem_shared>> -> memref<10240x16xf32, #tpu.memory_space<vmem_shared>>
      tpu.enqueue_indirect_dma source(%dma_start3A_483 : memref<128x16xf32, #tpu.memory_space<vmem>>) target(%dma_start3A_489 : memref<10240x16xf32, #tpu.memory_space<vmem_shared>>) offsets(%dma_start3A_486 : memref<128xi32, #tpu.memory_space<vmem>>) semaphore(%arg31 : memref<!tpu.dma_semaphore, #tpu.memory_space<semaphore_mem>>) {add = true}
      %mul3A_490 = arith.constant 2 : i32
      %mul3A_491 = arith.muli %scan3A_180, %mul3A_490 : i32
      %add3A_492 = arith.constant 1 : i32
      %add3A_493 = arith.addi %mul3A_491, %add3A_492 : i32
      %dma_wait3A_494 = arith.constant 0 : i32
      %dma_wait3A_495 = arith.constant 0 : i32
      %dma_wait3A_496 = arith.constant 0 : i32
      %dma_wait3A_497 = tpu.memref_slice %arg15[%dma_wait3A_495, %dma_wait3A_496] : memref<256x64xf32, #tpu.memory_space<vmem>> -> memref<128x64xf32, #tpu.memory_space<vmem>>
      %dma_wait3A_498 = arith.constant 0 : i32
      %dma_wait3A_499 = tpu.memref_slice %arg11[%dma_wait3A_494, %dma_wait3A_498] : memref<2x128xi32, #tpu.memory_space<vmem>> -> memref<1x128xi32, #tpu.memory_space<vmem>>
      %dma_wait3A_500 = tpu.memref_squeeze %dma_wait3A_499 : memref<1x128xi32, #tpu.memory_space<vmem>> -> memref<128xi32, #tpu.memory_space<vmem>>
      %dma_wait3A_501 = arith.constant 0 : i32
      %dma_wait3A_502 = arith.constant 0 : i32
      %dma_wait3A_503 = tpu.memref_slice %arg25[%dma_wait3A_501, %dma_wait3A_502] : memref<10240x64xf32, #tpu.memory_space<vmem_shared>> -> memref<10240x64xf32, #tpu.memory_space<vmem_shared>>
      tpu.wait_indirect_dma semaphore(%arg31 : memref<!tpu.dma_semaphore, #tpu.memory_space<semaphore_mem>>) src(%dma_wait3A_497 : memref<128x64xf32, #tpu.memory_space<vmem>>) dst(%dma_wait3A_503 : memref<10240x64xf32, #tpu.memory_space<vmem_shared>>)
      %dma_wait3A_504 = arith.constant 0 : i32
      %dma_wait3A_505 = arith.constant 0 : i32
      %dma_wait3A_506 = arith.constant 0 : i32
      %dma_wait3A_507 = tpu.memref_slice %arg14[%dma_wait3A_505, %dma_wait3A_506] : memref<256x16xf32, #tpu.memory_space<vmem>> -> memref<128x16xf32, #tpu.memory_space<vmem>>
      %dma_wait3A_508 = arith.constant 0 : i32
      %dma_wait3A_509 = tpu.memref_slice %arg11[%dma_wait3A_504, %dma_wait3A_508] : memref<2x128xi32, #tpu.memory_space<vmem>> -> memref<1x128xi32, #tpu.memory_space<vmem>>
      %dma_wait3A_510 = tpu.memref_squeeze %dma_wait3A_509 : memref<1x128xi32, #tpu.memory_space<vmem>> -> memref<128xi32, #tpu.memory_space<vmem>>
      %dma_wait3A_511 = arith.constant 0 : i32
      %dma_wait3A_512 = arith.constant 0 : i32
      %dma_wait3A_513 = tpu.memref_slice %arg26[%dma_wait3A_511, %dma_wait3A_512] : memref<10240x16xf32, #tpu.memory_space<vmem_shared>> -> memref<10240x16xf32, #tpu.memory_space<vmem_shared>>
      tpu.wait_indirect_dma semaphore(%arg31 : memref<!tpu.dma_semaphore, #tpu.memory_space<semaphore_mem>>) src(%dma_wait3A_507 : memref<128x16xf32, #tpu.memory_space<vmem>>) dst(%dma_wait3A_513 : memref<10240x16xf32, #tpu.memory_space<vmem_shared>>)
      %dma_wait3A_514 = arith.constant 1 : i32
      %dma_wait3A_515 = arith.constant 128 : i32
      %dma_wait3A_516 = arith.constant 0 : i32
      %dma_wait3A_517 = tpu.memref_slice %arg15[%dma_wait3A_515, %dma_wait3A_516] : memref<256x64xf32, #tpu.memory_space<vmem>> -> memref<128x64xf32, #tpu.memory_space<vmem>>
      %dma_wait3A_518 = arith.constant 0 : i32
      %dma_wait3A_519 = tpu.memref_slice %arg11[%dma_wait3A_514, %dma_wait3A_518] : memref<2x128xi32, #tpu.memory_space<vmem>> -> memref<1x128xi32, #tpu.memory_space<vmem>>
      %dma_wait3A_520 = tpu.memref_squeeze %dma_wait3A_519 : memref<1x128xi32, #tpu.memory_space<vmem>> -> memref<128xi32, #tpu.memory_space<vmem>>
      %dma_wait3A_521 = arith.constant 0 : i32
      %dma_wait3A_522 = arith.constant 0 : i32
      %dma_wait3A_523 = tpu.memref_slice %arg25[%dma_wait3A_521, %dma_wait3A_522] : memref<10240x64xf32, #tpu.memory_space<vmem_shared>> -> memref<10240x64xf32, #tpu.memory_space<vmem_shared>>
      tpu.wait_indirect_dma semaphore(%arg31 : memref<!tpu.dma_semaphore, #tpu.memory_space<semaphore_mem>>) src(%dma_wait3A_517 : memref<128x64xf32, #tpu.memory_space<vmem>>) dst(%dma_wait3A_523 : memref<10240x64xf32, #tpu.memory_space<vmem_shared>>)
      %dma_wait3A_524 = arith.constant 1 : i32
      %dma_wait3A_525 = arith.constant 128 : i32
      %dma_wait3A_526 = arith.constant 0 : i32
      %dma_wait3A_527 = tpu.memref_slice %arg14[%dma_wait3A_525, %dma_wait3A_526] : memref<256x16xf32, #tpu.memory_space<vmem>> -> memref<128x16xf32, #tpu.memory_space<vmem>>
      %dma_wait3A_528 = arith.constant 0 : i32
      %dma_wait3A_529 = tpu.memref_slice %arg11[%dma_wait3A_524, %dma_wait3A_528] : memref<2x128xi32, #tpu.memory_space<vmem>> -> memref<1x128xi32, #tpu.memory_space<vmem>>
      %dma_wait3A_530 = tpu.memref_squeeze %dma_wait3A_529 : memref<1x128xi32, #tpu.memory_space<vmem>> -> memref<128xi32, #tpu.memory_space<vmem>>
      %dma_wait3A_531 = arith.constant 0 : i32
      %dma_wait3A_532 = arith.constant 0 : i32
      %dma_wait3A_533 = tpu.memref_slice %arg26[%dma_wait3A_531, %dma_wait3A_532] : memref<10240x16xf32, #tpu.memory_space<vmem_shared>> -> memref<10240x16xf32, #tpu.memory_space<vmem_shared>>
      tpu.wait_indirect_dma semaphore(%arg31 : memref<!tpu.dma_semaphore, #tpu.memory_space<semaphore_mem>>) src(%dma_wait3A_527 : memref<128x16xf32, #tpu.memory_space<vmem>>) dst(%dma_wait3A_533 : memref<10240x16xf32, #tpu.memory_space<vmem_shared>>)
      %lt3A_534 = arith.constant 19 : i32
      %lt3A_535 = arith.cmpi slt, %scan3A_180, %lt3A_534 : i32
      %convert_element_type3A_536 = arith.extui %lt3A_535 : i1 to i32
      %cond3A_537 = arith.constant 0 : i32
      %cond3A_538 = arith.cmpi ne, %convert_element_type3A_536, %cond3A_537 : i32
      scf.if %cond3A_538 {
        %dma_wait3A_785 = arith.constant 0 : i32
        %dma_wait3A_786 = arith.constant 0 : i32
        %dma_wait3A_787 = tpu.memref_slice %arg2[%dma_wait3A_785, %dma_wait3A_786] : memref<2560x128xi32, #tpu.memory_space<hbm>> -> memref<2x128xi32, #tpu.memory_space<hbm>>
        %dma_wait3A_788 = arith.constant 0 : i32
        %dma_wait3A_789 = arith.constant 0 : i32
        %dma_wait3A_790 = tpu.memref_slice %arg2[%dma_wait3A_788, %dma_wait3A_789] : memref<2560x128xi32, #tpu.memory_space<hbm>> -> memref<2x128xi32, #tpu.memory_space<hbm>>
        tpu.wait_dma2 semaphore(%arg29 : memref<!tpu.dma_semaphore, #tpu.memory_space<semaphore_mem>>) src(%dma_wait3A_790 : memref<2x128xi32, #tpu.memory_space<hbm>>) dst(%arg9 : memref<2x128xi32, #tpu.memory_space<vmem>>)
        %dma_wait3A_791 = arith.constant 0 : i32
        %dma_wait3A_792 = arith.constant 0 : i32
        %dma_wait3A_793 = tpu.memref_slice %arg3[%dma_wait3A_791, %dma_wait3A_792] : memref<2560x128xi32, #tpu.memory_space<hbm>> -> memref<2x128xi32, #tpu.memory_space<hbm>>
        %dma_wait3A_794 = arith.constant 0 : i32
        %dma_wait3A_795 = arith.constant 0 : i32
        %dma_wait3A_796 = tpu.memref_slice %arg3[%dma_wait3A_794, %dma_wait3A_795] : memref<2560x128xi32, #tpu.memory_space<hbm>> -> memref<2x128xi32, #tpu.memory_space<hbm>>
        tpu.wait_dma2 semaphore(%arg29 : memref<!tpu.dma_semaphore, #tpu.memory_space<semaphore_mem>>) src(%dma_wait3A_796 : memref<2x128xi32, #tpu.memory_space<hbm>>) dst(%arg10 : memref<2x128xi32, #tpu.memory_space<vmem>>)
      } else {
      }
      %lt3A_539 = arith.constant 19 : i32
      %lt3A_540 = arith.cmpi slt, %scan3A_180, %lt3A_539 : i32
      %convert_element_type3A_541 = arith.extui %lt3A_540 : i1 to i32
      %cond3A_542 = arith.constant 0 : i32
      %cond3A_543 = arith.cmpi ne, %convert_element_type3A_541, %cond3A_542 : i32
      scf.if %cond3A_543 {
        %dma_start3A_785 = arith.constant 0 : i32
        %dma_start3A_786 = arith.constant 0 : i32
        %dma_start3A_787 = arith.constant 0 : i32
        %dma_start3A_788 = tpu.memref_slice %arg12[%dma_start3A_786, %dma_start3A_787] : memref<256x16xf32, #tpu.memory_space<vmem>> -> memref<128x16xf32, #tpu.memory_space<vmem>>
        %dma_start3A_789 = arith.constant 0 : i32
        %dma_start3A_790 = tpu.memref_slice %arg9[%dma_start3A_785, %dma_start3A_789] : memref<2x128xi32, #tpu.memory_space<vmem>> -> memref<1x128xi32, #tpu.memory_space<vmem>>
        %dma_start3A_791 = tpu.memref_squeeze %dma_start3A_790 : memref<1x128xi32, #tpu.memory_space<vmem>> -> memref<128xi32, #tpu.memory_space<vmem>>
        %dma_start3A_792 = arith.constant 0 : i32
        %dma_start3A_793 = arith.constant 0 : i32
        %dma_start3A_794 = tpu.memref_slice %arg5[%dma_start3A_792, %dma_start3A_793] : memref<10240x16xf32, #tpu.memory_space<hbm>> -> memref<10240x16xf32, #tpu.memory_space<hbm>>
        tpu.enqueue_indirect_dma source(%dma_start3A_794 : memref<10240x16xf32, #tpu.memory_space<hbm>>) target(%dma_start3A_788 : memref<128x16xf32, #tpu.memory_space<vmem>>) offsets(%dma_start3A_791 : memref<128xi32, #tpu.memory_space<vmem>>) semaphore(%arg27 : memref<!tpu.dma_semaphore, #tpu.memory_space<semaphore_mem>>)
        %dma_start3A_795 = arith.constant 0 : i32
        %dma_start3A_796 = arith.constant 0 : i32
        %dma_start3A_797 = arith.constant 0 : i32
        %dma_start3A_798 = tpu.memref_slice %arg13[%dma_start3A_796, %dma_start3A_797] : memref<256x16xf32, #tpu.memory_space<vmem>> -> memref<128x16xf32, #tpu.memory_space<vmem>>
        %dma_start3A_799 = arith.constant 0 : i32
        %dma_start3A_800 = tpu.memref_slice %arg10[%dma_start3A_795, %dma_start3A_799] : memref<2x128xi32, #tpu.memory_space<vmem>> -> memref<1x128xi32, #tpu.memory_space<vmem>>
        %dma_start3A_801 = tpu.memref_squeeze %dma_start3A_800 : memref<1x128xi32, #tpu.memory_space<vmem>> -> memref<128xi32, #tpu.memory_space<vmem>>
        %dma_start3A_802 = arith.constant 0 : i32
        %dma_start3A_803 = arith.constant 0 : i32
        %dma_start3A_804 = tpu.memref_slice %arg6[%dma_start3A_802, %dma_start3A_803] : memref<10240x16xf32, #tpu.memory_space<hbm>> -> memref<10240x16xf32, #tpu.memory_space<hbm>>
        tpu.enqueue_indirect_dma source(%dma_start3A_804 : memref<10240x16xf32, #tpu.memory_space<hbm>>) target(%dma_start3A_798 : memref<128x16xf32, #tpu.memory_space<vmem>>) offsets(%dma_start3A_801 : memref<128xi32, #tpu.memory_space<vmem>>) semaphore(%arg27 : memref<!tpu.dma_semaphore, #tpu.memory_space<semaphore_mem>>)
        %dma_start3A_805 = arith.constant 0 : i32
        %dma_start3A_806 = arith.constant 0 : i32
        %dma_start3A_807 = arith.constant 0 : i32
        %dma_start3A_808 = tpu.memref_slice %arg15[%dma_start3A_806, %dma_start3A_807] : memref<256x64xf32, #tpu.memory_space<vmem>> -> memref<128x64xf32, #tpu.memory_space<vmem>>
        %dma_start3A_809 = arith.constant 0 : i32
        %dma_start3A_810 = tpu.memref_slice %arg9[%dma_start3A_805, %dma_start3A_809] : memref<2x128xi32, #tpu.memory_space<vmem>> -> memref<1x128xi32, #tpu.memory_space<vmem>>
        %dma_start3A_811 = tpu.memref_squeeze %dma_start3A_810 : memref<1x128xi32, #tpu.memory_space<vmem>> -> memref<128xi32, #tpu.memory_space<vmem>>
        %dma_start3A_812 = arith.constant 0 : i32
        %dma_start3A_813 = arith.constant 0 : i32
        %dma_start3A_814 = tpu.memref_slice %arg4[%dma_start3A_812, %dma_start3A_813] : memref<10240x64xf32, #tpu.memory_space<hbm>> -> memref<10240x64xf32, #tpu.memory_space<hbm>>
        tpu.enqueue_indirect_dma source(%dma_start3A_814 : memref<10240x64xf32, #tpu.memory_space<hbm>>) target(%dma_start3A_808 : memref<128x64xf32, #tpu.memory_space<vmem>>) offsets(%dma_start3A_811 : memref<128xi32, #tpu.memory_space<vmem>>) semaphore(%arg27 : memref<!tpu.dma_semaphore, #tpu.memory_space<semaphore_mem>>)
        %dma_start3A_815 = arith.constant 1 : i32
        %dma_start3A_816 = arith.constant 128 : i32
        %dma_start3A_817 = arith.constant 0 : i32
        %dma_start3A_818 = tpu.memref_slice %arg12[%dma_start3A_816, %dma_start3A_817] : memref<256x16xf32, #tpu.memory_space<vmem>> -> memref<128x16xf32, #tpu.memory_space<vmem>>
        %dma_start3A_819 = arith.constant 0 : i32
        %dma_start3A_820 = tpu.memref_slice %arg9[%dma_start3A_815, %dma_start3A_819] : memref<2x128xi32, #tpu.memory_space<vmem>> -> memref<1x128xi32, #tpu.memory_space<vmem>>
        %dma_start3A_821 = tpu.memref_squeeze %dma_start3A_820 : memref<1x128xi32, #tpu.memory_space<vmem>> -> memref<128xi32, #tpu.memory_space<vmem>>
        %dma_start3A_822 = arith.constant 0 : i32
        %dma_start3A_823 = arith.constant 0 : i32
        %dma_start3A_824 = tpu.memref_slice %arg5[%dma_start3A_822, %dma_start3A_823] : memref<10240x16xf32, #tpu.memory_space<hbm>> -> memref<10240x16xf32, #tpu.memory_space<hbm>>
        tpu.enqueue_indirect_dma source(%dma_start3A_824 : memref<10240x16xf32, #tpu.memory_space<hbm>>) target(%dma_start3A_818 : memref<128x16xf32, #tpu.memory_space<vmem>>) offsets(%dma_start3A_821 : memref<128xi32, #tpu.memory_space<vmem>>) semaphore(%arg27 : memref<!tpu.dma_semaphore, #tpu.memory_space<semaphore_mem>>)
        %dma_start3A_825 = arith.constant 1 : i32
        %dma_start3A_826 = arith.constant 128 : i32
        %dma_start3A_827 = arith.constant 0 : i32
        %dma_start3A_828 = tpu.memref_slice %arg13[%dma_start3A_826, %dma_start3A_827] : memref<256x16xf32, #tpu.memory_space<vmem>> -> memref<128x16xf32, #tpu.memory_space<vmem>>
        %dma_start3A_829 = arith.constant 0 : i32
        %dma_start3A_830 = tpu.memref_slice %arg10[%dma_start3A_825, %dma_start3A_829] : memref<2x128xi32, #tpu.memory_space<vmem>> -> memref<1x128xi32, #tpu.memory_space<vmem>>
        %dma_start3A_831 = tpu.memref_squeeze %dma_start3A_830 : memref<1x128xi32, #tpu.memory_space<vmem>> -> memref<128xi32, #tpu.memory_space<vmem>>
        %dma_start3A_832 = arith.constant 0 : i32
        %dma_start3A_833 = arith.constant 0 : i32
        %dma_start3A_834 = tpu.memref_slice %arg6[%dma_start3A_832, %dma_start3A_833] : memref<10240x16xf32, #tpu.memory_space<hbm>> -> memref<10240x16xf32, #tpu.memory_space<hbm>>
        tpu.enqueue_indirect_dma source(%dma_start3A_834 : memref<10240x16xf32, #tpu.memory_space<hbm>>) target(%dma_start3A_828 : memref<128x16xf32, #tpu.memory_space<vmem>>) offsets(%dma_start3A_831 : memref<128xi32, #tpu.memory_space<vmem>>) semaphore(%arg27 : memref<!tpu.dma_semaphore, #tpu.memory_space<semaphore_mem>>)
        %dma_start3A_835 = arith.constant 1 : i32
        %dma_start3A_836 = arith.constant 128 : i32
        %dma_start3A_837 = arith.constant 0 : i32
        %dma_start3A_838 = tpu.memref_slice %arg15[%dma_start3A_836, %dma_start3A_837] : memref<256x64xf32, #tpu.memory_space<vmem>> -> memref<128x64xf32, #tpu.memory_space<vmem>>
        %dma_start3A_839 = arith.constant 0 : i32
        %dma_start3A_840 = tpu.memref_slice %arg9[%dma_start3A_835, %dma_start3A_839] : memref<2x128xi32, #tpu.memory_space<vmem>> -> memref<1x128xi32, #tpu.memory_space<vmem>>
        %dma_start3A_841 = tpu.memref_squeeze %dma_start3A_840 : memref<1x128xi32, #tpu.memory_space<vmem>> -> memref<128xi32, #tpu.memory_space<vmem>>
        %dma_start3A_842 = arith.constant 0 : i32
        %dma_start3A_843 = arith.constant 0 : i32
        %dma_start3A_844 = tpu.memref_slice %arg4[%dma_start3A_842, %dma_start3A_843] : memref<10240x64xf32, #tpu.memory_space<hbm>> -> memref<10240x64xf32, #tpu.memory_space<hbm>>
        tpu.enqueue_indirect_dma source(%dma_start3A_844 : memref<10240x64xf32, #tpu.memory_space<hbm>>) target(%dma_start3A_838 : memref<128x64xf32, #tpu.memory_space<vmem>>) offsets(%dma_start3A_841 : memref<128xi32, #tpu.memory_space<vmem>>) semaphore(%arg27 : memref<!tpu.dma_semaphore, #tpu.memory_space<semaphore_mem>>)
      } else {
      }
      %dma_wait3A_544 = arith.constant 0 : i32
      %dma_wait3A_545 = arith.constant 0 : i32
      %dma_wait3A_546 = arith.constant 0 : i32
      %dma_wait3A_547 = tpu.memref_slice %arg19[%dma_wait3A_545, %dma_wait3A_546] : memref<256x16xf32, #tpu.memory_space<vmem>> -> memref<128x16xf32, #tpu.memory_space<vmem>>
      %dma_wait3A_548 = arith.constant 0 : i32
      %dma_wait3A_549 = tpu.memref_slice %arg16[%dma_wait3A_544, %dma_wait3A_548] : memref<2x128xi32, #tpu.memory_space<vmem>> -> memref<1x128xi32, #tpu.memory_space<vmem>>
      %dma_wait3A_550 = tpu.memref_squeeze %dma_wait3A_549 : memref<1x128xi32, #tpu.memory_space<vmem>> -> memref<128xi32, #tpu.memory_space<vmem>>
      %dma_wait3A_551 = arith.constant 0 : i32
      %dma_wait3A_552 = arith.constant 0 : i32
      %dma_wait3A_553 = tpu.memref_slice %arg5[%dma_wait3A_551, %dma_wait3A_552] : memref<10240x16xf32, #tpu.memory_space<hbm>> -> memref<10240x16xf32, #tpu.memory_space<hbm>>
      tpu.wait_indirect_dma semaphore(%arg28 : memref<!tpu.dma_semaphore, #tpu.memory_space<semaphore_mem>>) src(%dma_wait3A_553 : memref<10240x16xf32, #tpu.memory_space<hbm>>) dst(%dma_wait3A_547 : memref<128x16xf32, #tpu.memory_space<vmem>>)
      %dma_wait3A_554 = arith.constant 0 : i32
      %dma_wait3A_555 = arith.constant 0 : i32
      %dma_wait3A_556 = arith.constant 0 : i32
      %dma_wait3A_557 = tpu.memref_slice %arg20[%dma_wait3A_555, %dma_wait3A_556] : memref<256x16xf32, #tpu.memory_space<vmem>> -> memref<128x16xf32, #tpu.memory_space<vmem>>
      %dma_wait3A_558 = arith.constant 0 : i32
      %dma_wait3A_559 = tpu.memref_slice %arg17[%dma_wait3A_554, %dma_wait3A_558] : memref<2x128xi32, #tpu.memory_space<vmem>> -> memref<1x128xi32, #tpu.memory_space<vmem>>
      %dma_wait3A_560 = tpu.memref_squeeze %dma_wait3A_559 : memref<1x128xi32, #tpu.memory_space<vmem>> -> memref<128xi32, #tpu.memory_space<vmem>>
      %dma_wait3A_561 = arith.constant 0 : i32
      %dma_wait3A_562 = arith.constant 0 : i32
      %dma_wait3A_563 = tpu.memref_slice %arg6[%dma_wait3A_561, %dma_wait3A_562] : memref<10240x16xf32, #tpu.memory_space<hbm>> -> memref<10240x16xf32, #tpu.memory_space<hbm>>
      tpu.wait_indirect_dma semaphore(%arg28 : memref<!tpu.dma_semaphore, #tpu.memory_space<semaphore_mem>>) src(%dma_wait3A_563 : memref<10240x16xf32, #tpu.memory_space<hbm>>) dst(%dma_wait3A_557 : memref<128x16xf32, #tpu.memory_space<vmem>>)
      %dma_wait3A_564 = arith.constant 0 : i32
      %dma_wait3A_565 = arith.constant 0 : i32
      %dma_wait3A_566 = arith.constant 0 : i32
      %dma_wait3A_567 = tpu.memref_slice %arg22[%dma_wait3A_565, %dma_wait3A_566] : memref<256x64xf32, #tpu.memory_space<vmem>> -> memref<128x64xf32, #tpu.memory_space<vmem>>
      %dma_wait3A_568 = arith.constant 0 : i32
      %dma_wait3A_569 = tpu.memref_slice %arg16[%dma_wait3A_564, %dma_wait3A_568] : memref<2x128xi32, #tpu.memory_space<vmem>> -> memref<1x128xi32, #tpu.memory_space<vmem>>
      %dma_wait3A_570 = tpu.memref_squeeze %dma_wait3A_569 : memref<1x128xi32, #tpu.memory_space<vmem>> -> memref<128xi32, #tpu.memory_space<vmem>>
      %dma_wait3A_571 = arith.constant 0 : i32
      %dma_wait3A_572 = arith.constant 0 : i32
      %dma_wait3A_573 = tpu.memref_slice %arg4[%dma_wait3A_571, %dma_wait3A_572] : memref<10240x64xf32, #tpu.memory_space<hbm>> -> memref<10240x64xf32, #tpu.memory_space<hbm>>
      tpu.wait_indirect_dma semaphore(%arg28 : memref<!tpu.dma_semaphore, #tpu.memory_space<semaphore_mem>>) src(%dma_wait3A_573 : memref<10240x64xf32, #tpu.memory_space<hbm>>) dst(%dma_wait3A_567 : memref<128x64xf32, #tpu.memory_space<vmem>>)
      %dma_wait3A_574 = arith.constant 1 : i32
      %dma_wait3A_575 = arith.constant 128 : i32
      %dma_wait3A_576 = arith.constant 0 : i32
      %dma_wait3A_577 = tpu.memref_slice %arg19[%dma_wait3A_575, %dma_wait3A_576] : memref<256x16xf32, #tpu.memory_space<vmem>> -> memref<128x16xf32, #tpu.memory_space<vmem>>
      %dma_wait3A_578 = arith.constant 0 : i32
      %dma_wait3A_579 = tpu.memref_slice %arg16[%dma_wait3A_574, %dma_wait3A_578] : memref<2x128xi32, #tpu.memory_space<vmem>> -> memref<1x128xi32, #tpu.memory_space<vmem>>
      %dma_wait3A_580 = tpu.memref_squeeze %dma_wait3A_579 : memref<1x128xi32, #tpu.memory_space<vmem>> -> memref<128xi32, #tpu.memory_space<vmem>>
      %dma_wait3A_581 = arith.constant 0 : i32
      %dma_wait3A_582 = arith.constant 0 : i32
      %dma_wait3A_583 = tpu.memref_slice %arg5[%dma_wait3A_581, %dma_wait3A_582] : memref<10240x16xf32, #tpu.memory_space<hbm>> -> memref<10240x16xf32, #tpu.memory_space<hbm>>
      tpu.wait_indirect_dma semaphore(%arg28 : memref<!tpu.dma_semaphore, #tpu.memory_space<semaphore_mem>>) src(%dma_wait3A_583 : memref<10240x16xf32, #tpu.memory_space<hbm>>) dst(%dma_wait3A_577 : memref<128x16xf32, #tpu.memory_space<vmem>>)
      %dma_wait3A_584 = arith.constant 1 : i32
      %dma_wait3A_585 = arith.constant 128 : i32
      %dma_wait3A_586 = arith.constant 0 : i32
      %dma_wait3A_587 = tpu.memref_slice %arg20[%dma_wait3A_585, %dma_wait3A_586] : memref<256x16xf32, #tpu.memory_space<vmem>> -> memref<128x16xf32, #tpu.memory_space<vmem>>
      %dma_wait3A_588 = arith.constant 0 : i32
      %dma_wait3A_589 = tpu.memref_slice %arg17[%dma_wait3A_584, %dma_wait3A_588] : memref<2x128xi32, #tpu.memory_space<vmem>> -> memref<1x128xi32, #tpu.memory_space<vmem>>
      %dma_wait3A_590 = tpu.memref_squeeze %dma_wait3A_589 : memref<1x128xi32, #tpu.memory_space<vmem>> -> memref<128xi32, #tpu.memory_space<vmem>>
      %dma_wait3A_591 = arith.constant 0 : i32
      %dma_wait3A_592 = arith.constant 0 : i32
      %dma_wait3A_593 = tpu.memref_slice %arg6[%dma_wait3A_591, %dma_wait3A_592] : memref<10240x16xf32, #tpu.memory_space<hbm>> -> memref<10240x16xf32, #tpu.memory_space<hbm>>
      tpu.wait_indirect_dma semaphore(%arg28 : memref<!tpu.dma_semaphore, #tpu.memory_space<semaphore_mem>>) src(%dma_wait3A_593 : memref<10240x16xf32, #tpu.memory_space<hbm>>) dst(%dma_wait3A_587 : memref<128x16xf32, #tpu.memory_space<vmem>>)
      %dma_wait3A_594 = arith.constant 1 : i32
      %dma_wait3A_595 = arith.constant 128 : i32
      %dma_wait3A_596 = arith.constant 0 : i32
      %dma_wait3A_597 = tpu.memref_slice %arg22[%dma_wait3A_595, %dma_wait3A_596] : memref<256x64xf32, #tpu.memory_space<vmem>> -> memref<128x64xf32, #tpu.memory_space<vmem>>
      %dma_wait3A_598 = arith.constant 0 : i32
      %dma_wait3A_599 = tpu.memref_slice %arg16[%dma_wait3A_594, %dma_wait3A_598] : memref<2x128xi32, #tpu.memory_space<vmem>> -> memref<1x128xi32, #tpu.memory_space<vmem>>
      %dma_wait3A_600 = tpu.memref_squeeze %dma_wait3A_599 : memref<1x128xi32, #tpu.memory_space<vmem>> -> memref<128xi32, #tpu.memory_space<vmem>>
      %dma_wait3A_601 = arith.constant 0 : i32
      %dma_wait3A_602 = arith.constant 0 : i32
      %dma_wait3A_603 = tpu.memref_slice %arg4[%dma_wait3A_601, %dma_wait3A_602] : memref<10240x64xf32, #tpu.memory_space<hbm>> -> memref<10240x64xf32, #tpu.memory_space<hbm>>
      tpu.wait_indirect_dma semaphore(%arg28 : memref<!tpu.dma_semaphore, #tpu.memory_space<semaphore_mem>>) src(%dma_wait3A_603 : memref<10240x64xf32, #tpu.memory_space<hbm>>) dst(%dma_wait3A_597 : memref<128x64xf32, #tpu.memory_space<vmem>>)
      %get3A_604 = arith.constant 0 : i32
      %get3A_605 = arith.index_cast %get3A_604 : i32 to index
      %get3A_606 = arith.constant 0 : index
      %get3A_607 = tpu.vector_load %arg17[%get3A_605, %get3A_606] {strides = array<i32>} : memref<2x128xi32, #tpu.memory_space<vmem>>, vector<16xi32>,
      %swap3A_608 = arith.constant 0 : i32
      %swap3A_609 = arith.index_cast %swap3A_608 : i32 to index
      %swap3A_610 = arith.constant 0 : index
      %swap3A_611 = tpu.vector_load %arg18[%swap3A_609, %swap3A_610] {strides = array<i32>} : memref<2x128xi32, #tpu.memory_space<vmem>>, vector<16xi32>,
      tpu.vector_store %arg18[%swap3A_609, %swap3A_610], %get3A_607 {strides = array<i32>} : memref<2x128xi32, #tpu.memory_space<vmem>>, vector<16xi32>,
      %get3A_612 = arith.constant 0 : i32
      %get3A_613 = arith.index_cast %get3A_612 : i32 to index
      %get3A_614 = arith.constant 16 : index
      %get3A_615 = tpu.vector_load %arg17[%get3A_613, %get3A_614] {strides = array<i32>} : memref<2x128xi32, #tpu.memory_space<vmem>>, vector<16xi32>,
      %swap3A_616 = arith.constant 0 : i32
      %swap3A_617 = arith.index_cast %swap3A_616 : i32 to index
      %swap3A_618 = arith.constant 16 : index
      %swap3A_619 = tpu.vector_load %arg18[%swap3A_617, %swap3A_618] {strides = array<i32>} : memref<2x128xi32, #tpu.memory_space<vmem>>, vector<16xi32>,
      tpu.vector_store %arg18[%swap3A_617, %swap3A_618], %get3A_615 {strides = array<i32>} : memref<2x128xi32, #tpu.memory_space<vmem>>, vector<16xi32>,
      %get3A_620 = arith.constant 0 : i32
      %get3A_621 = arith.index_cast %get3A_620 : i32 to index
      %get3A_622 = arith.constant 32 : index
      %get3A_623 = tpu.vector_load %arg17[%get3A_621, %get3A_622] {strides = array<i32>} : memref<2x128xi32, #tpu.memory_space<vmem>>, vector<16xi32>,
      %swap3A_624 = arith.constant 0 : i32
      %swap3A_625 = arith.index_cast %swap3A_624 : i32 to index
      %swap3A_626 = arith.constant 32 : index
      %swap3A_627 = tpu.vector_load %arg18[%swap3A_625, %swap3A_626] {strides = array<i32>} : memref<2x128xi32, #tpu.memory_space<vmem>>, vector<16xi32>,
      tpu.vector_store %arg18[%swap3A_625, %swap3A_626], %get3A_623 {strides = array<i32>} : memref<2x128xi32, #tpu.memory_space<vmem>>, vector<16xi32>,
      %get3A_628 = arith.constant 0 : i32
      %get3A_629 = arith.index_cast %get3A_628 : i32 to index
      %get3A_630 = arith.constant 48 : index
      %get3A_631 = tpu.vector_load %arg17[%get3A_629, %get3A_630] {strides = array<i32>} : memref<2x128xi32, #tpu.memory_space<vmem>>, vector<16xi32>,
      %swap3A_632 = arith.constant 0 : i32
      %swap3A_633 = arith.index_cast %swap3A_632 : i32 to index
      %swap3A_634 = arith.constant 48 : index
      %swap3A_635 = tpu.vector_load %arg18[%swap3A_633, %swap3A_634] {strides = array<i32>} : memref<2x128xi32, #tpu.memory_space<vmem>>, vector<16xi32>,
      tpu.vector_store %arg18[%swap3A_633, %swap3A_634], %get3A_631 {strides = array<i32>} : memref<2x128xi32, #tpu.memory_space<vmem>>, vector<16xi32>,
      %get3A_636 = arith.constant 0 : i32
      %get3A_637 = arith.index_cast %get3A_636 : i32 to index
      %get3A_638 = arith.constant 64 : index
      %get3A_639 = tpu.vector_load %arg17[%get3A_637, %get3A_638] {strides = array<i32>} : memref<2x128xi32, #tpu.memory_space<vmem>>, vector<16xi32>,
      %swap3A_640 = arith.constant 0 : i32
      %swap3A_641 = arith.index_cast %swap3A_640 : i32 to index
      %swap3A_642 = arith.constant 64 : index
      %swap3A_643 = tpu.vector_load %arg18[%swap3A_641, %swap3A_642] {strides = array<i32>} : memref<2x128xi32, #tpu.memory_space<vmem>>, vector<16xi32>,
      tpu.vector_store %arg18[%swap3A_641, %swap3A_642], %get3A_639 {strides = array<i32>} : memref<2x128xi32, #tpu.memory_space<vmem>>, vector<16xi32>,
      %get3A_644 = arith.constant 0 : i32
      %get3A_645 = arith.index_cast %get3A_644 : i32 to index
      %get3A_646 = arith.constant 80 : index
      %get3A_647 = tpu.vector_load %arg17[%get3A_645, %get3A_646] {strides = array<i32>} : memref<2x128xi32, #tpu.memory_space<vmem>>, vector<16xi32>,
      %swap3A_648 = arith.constant 0 : i32
      %swap3A_649 = arith.index_cast %swap3A_648 : i32 to index
      %swap3A_650 = arith.constant 80 : index
      %swap3A_651 = tpu.vector_load %arg18[%swap3A_649, %swap3A_650] {strides = array<i32>} : memref<2x128xi32, #tpu.memory_space<vmem>>, vector<16xi32>,
      tpu.vector_store %arg18[%swap3A_649, %swap3A_650], %get3A_647 {strides = array<i32>} : memref<2x128xi32, #tpu.memory_space<vmem>>, vector<16xi32>,
      %get3A_652 = arith.constant 0 : i32
      %get3A_653 = arith.index_cast %get3A_652 : i32 to index
      %get3A_654 = arith.constant 96 : index
      %get3A_655 = tpu.vector_load %arg17[%get3A_653, %get3A_654] {strides = array<i32>} : memref<2x128xi32, #tpu.memory_space<vmem>>, vector<16xi32>,
      %swap3A_656 = arith.constant 0 : i32
      %swap3A_657 = arith.index_cast %swap3A_656 : i32 to index
      %swap3A_658 = arith.constant 96 : index
      %swap3A_659 = tpu.vector_load %arg18[%swap3A_657, %swap3A_658] {strides = array<i32>} : memref<2x128xi32, #tpu.memory_space<vmem>>, vector<16xi32>,
      tpu.vector_store %arg18[%swap3A_657, %swap3A_658], %get3A_655 {strides = array<i32>} : memref<2x128xi32, #tpu.memory_space<vmem>>, vector<16xi32>,
      %get3A_660 = arith.constant 0 : i32
      %get3A_661 = arith.index_cast %get3A_660 : i32 to index
      %get3A_662 = arith.constant 112 : index
      %get3A_663 = tpu.vector_load %arg17[%get3A_661, %get3A_662] {strides = array<i32>} : memref<2x128xi32, #tpu.memory_space<vmem>>, vector<16xi32>,
      %swap3A_664 = arith.constant 0 : i32
      %swap3A_665 = arith.index_cast %swap3A_664 : i32 to index
      %swap3A_666 = arith.constant 112 : index
      %swap3A_667 = tpu.vector_load %arg18[%swap3A_665, %swap3A_666] {strides = array<i32>} : memref<2x128xi32, #tpu.memory_space<vmem>>, vector<16xi32>,
      tpu.vector_store %arg18[%swap3A_665, %swap3A_666], %get3A_663 {strides = array<i32>} : memref<2x128xi32, #tpu.memory_space<vmem>>, vector<16xi32>,
      %get3A_668 = arith.constant 1 : i32
      %get3A_669 = arith.index_cast %get3A_668 : i32 to index
      %get3A_670 = arith.constant 0 : index
      %get3A_671 = tpu.vector_load %arg17[%get3A_669, %get3A_670] {strides = array<i32>} : memref<2x128xi32, #tpu.memory_space<vmem>>, vector<16xi32>,
      %swap3A_672 = arith.constant 1 : i32
      %swap3A_673 = arith.index_cast %swap3A_672 : i32 to index
      %swap3A_674 = arith.constant 0 : index
      %swap3A_675 = tpu.vector_load %arg18[%swap3A_673, %swap3A_674] {strides = array<i32>} : memref<2x128xi32, #tpu.memory_space<vmem>>, vector<16xi32>,
      tpu.vector_store %arg18[%swap3A_673, %swap3A_674], %get3A_671 {strides = array<i32>} : memref<2x128xi32, #tpu.memory_space<vmem>>, vector<16xi32>,
      %get3A_676 = arith.constant 1 : i32
      %get3A_677 = arith.index_cast %get3A_676 : i32 to index
      %get3A_678 = arith.constant 16 : index
      %get3A_679 = tpu.vector_load %arg17[%get3A_677, %get3A_678] {strides = array<i32>} : memref<2x128xi32, #tpu.memory_space<vmem>>, vector<16xi32>,
      %swap3A_680 = arith.constant 1 : i32
      %swap3A_681 = arith.index_cast %swap3A_680 : i32 to index
      %swap3A_682 = arith.constant 16 : index
      %swap3A_683 = tpu.vector_load %arg18[%swap3A_681, %swap3A_682] {strides = array<i32>} : memref<2x128xi32, #tpu.memory_space<vmem>>, vector<16xi32>,
      tpu.vector_store %arg18[%swap3A_681, %swap3A_682], %get3A_679 {strides = array<i32>} : memref<2x128xi32, #tpu.memory_space<vmem>>, vector<16xi32>,
      %get3A_684 = arith.constant 1 : i32
      %get3A_685 = arith.index_cast %get3A_684 : i32 to index
      %get3A_686 = arith.constant 32 : index
      %get3A_687 = tpu.vector_load %arg17[%get3A_685, %get3A_686] {strides = array<i32>} : memref<2x128xi32, #tpu.memory_space<vmem>>, vector<16xi32>,
      %swap3A_688 = arith.constant 1 : i32
      %swap3A_689 = arith.index_cast %swap3A_688 : i32 to index
      %swap3A_690 = arith.constant 32 : index
      %swap3A_691 = tpu.vector_load %arg18[%swap3A_689, %swap3A_690] {strides = array<i32>} : memref<2x128xi32, #tpu.memory_space<vmem>>, vector<16xi32>,
      tpu.vector_store %arg18[%swap3A_689, %swap3A_690], %get3A_687 {strides = array<i32>} : memref<2x128xi32, #tpu.memory_space<vmem>>, vector<16xi32>,
      %get3A_692 = arith.constant 1 : i32
      %get3A_693 = arith.index_cast %get3A_692 : i32 to index
      %get3A_694 = arith.constant 48 : index
      %get3A_695 = tpu.vector_load %arg17[%get3A_693, %get3A_694] {strides = array<i32>} : memref<2x128xi32, #tpu.memory_space<vmem>>, vector<16xi32>,
      %swap3A_696 = arith.constant 1 : i32
      %swap3A_697 = arith.index_cast %swap3A_696 : i32 to index
      %swap3A_698 = arith.constant 48 : index
      %swap3A_699 = tpu.vector_load %arg18[%swap3A_697, %swap3A_698] {strides = array<i32>} : memref<2x128xi32, #tpu.memory_space<vmem>>, vector<16xi32>,
      tpu.vector_store %arg18[%swap3A_697, %swap3A_698], %get3A_695 {strides = array<i32>} : memref<2x128xi32, #tpu.memory_space<vmem>>, vector<16xi32>,
      %get3A_700 = arith.constant 1 : i32
      %get3A_701 = arith.index_cast %get3A_700 : i32 to index
      %get3A_702 = arith.constant 64 : index
      %get3A_703 = tpu.vector_load %arg17[%get3A_701, %get3A_702] {strides = array<i32>} : memref<2x128xi32, #tpu.memory_space<vmem>>, vector<16xi32>,
      %swap3A_704 = arith.constant 1 : i32
      %swap3A_705 = arith.index_cast %swap3A_704 : i32 to index
      %swap3A_706 = arith.constant 64 : index
      %swap3A_707 = tpu.vector_load %arg18[%swap3A_705, %swap3A_706] {strides = array<i32>} : memref<2x128xi32, #tpu.memory_space<vmem>>, vector<16xi32>,
      tpu.vector_store %arg18[%swap3A_705, %swap3A_706], %get3A_703 {strides = array<i32>} : memref<2x128xi32, #tpu.memory_space<vmem>>, vector<16xi32>,
      %get3A_708 = arith.constant 1 : i32
      %get3A_709 = arith.index_cast %get3A_708 : i32 to index
      %get3A_710 = arith.constant 80 : index
      %get3A_711 = tpu.vector_load %arg17[%get3A_709, %get3A_710] {strides = array<i32>} : memref<2x128xi32, #tpu.memory_space<vmem>>, vector<16xi32>,
      %swap3A_712 = arith.constant 1 : i32
      %swap3A_713 = arith.index_cast %swap3A_712 : i32 to index
      %swap3A_714 = arith.constant 80 : index
      %swap3A_715 = tpu.vector_load %arg18[%swap3A_713, %swap3A_714] {strides = array<i32>} : memref<2x128xi32, #tpu.memory_space<vmem>>, vector<16xi32>,
      tpu.vector_store %arg18[%swap3A_713, %swap3A_714], %get3A_711 {strides = array<i32>} : memref<2x128xi32, #tpu.memory_space<vmem>>, vector<16xi32>,
      %get3A_716 = arith.constant 1 : i32
      %get3A_717 = arith.index_cast %get3A_716 : i32 to index
      %get3A_718 = arith.constant 96 : index
      %get3A_719 = tpu.vector_load %arg17[%get3A_717, %get3A_718] {strides = array<i32>} : memref<2x128xi32, #tpu.memory_space<vmem>>, vector<16xi32>,
      %swap3A_720 = arith.constant 1 : i32
      %swap3A_721 = arith.index_cast %swap3A_720 : i32 to index
      %swap3A_722 = arith.constant 96 : index
      %swap3A_723 = tpu.vector_load %arg18[%swap3A_721, %swap3A_722] {strides = array<i32>} : memref<2x128xi32, #tpu.memory_space<vmem>>, vector<16xi32>,
      tpu.vector_store %arg18[%swap3A_721, %swap3A_722], %get3A_719 {strides = array<i32>} : memref<2x128xi32, #tpu.memory_space<vmem>>, vector<16xi32>,
      %get3A_724 = arith.constant 1 : i32
      %get3A_725 = arith.index_cast %get3A_724 : i32 to index
      %get3A_726 = arith.constant 112 : index
      %get3A_727 = tpu.vector_load %arg17[%get3A_725, %get3A_726] {strides = array<i32>} : memref<2x128xi32, #tpu.memory_space<vmem>>, vector<16xi32>,
      %swap3A_728 = arith.constant 1 : i32
      %swap3A_729 = arith.index_cast %swap3A_728 : i32 to index
      %swap3A_730 = arith.constant 112 : index
      %swap3A_731 = tpu.vector_load %arg18[%swap3A_729, %swap3A_730] {strides = array<i32>} : memref<2x128xi32, #tpu.memory_space<vmem>>, vector<16xi32>,
      tpu.vector_store %arg18[%swap3A_729, %swap3A_730], %get3A_727 {strides = array<i32>} : memref<2x128xi32, #tpu.memory_space<vmem>>, vector<16xi32>,
      %lt3A_732 = arith.constant 19 : i32
      %lt3A_733 = arith.cmpi slt, %scan3A_180, %lt3A_732 : i32
      %convert_element_type3A_734 = arith.extui %lt3A_733 : i1 to i32
      %cond3A_735 = arith.constant 0 : i32
      %cond3A_736 = arith.cmpi ne, %convert_element_type3A_734, %cond3A_735 : i32
      scf.if %cond3A_736 {
        %add3A_785 = arith.constant 2 : i32
        %add3A_786 = arith.addi %add3A_493, %add3A_785 : i32
        %mul3A_787 = arith.constant 80 : i32
        %mul3A_788 = arith.muli %add3A, %mul3A_787 : i32
        %mul3A_789 = arith.constant 2 : i32
        %mul3A_790 = arith.muli %add3A_786, %mul3A_789 : i32
        %add3A_791 = arith.addi %mul3A_788, %mul3A_790 : i32
        %dma_start3A_792 = arith.constant 0 : i32
        %dma_start3A_793 = tpu.memref_slice %arg2[%add3A_791, %dma_start3A_792] : memref<2560x128xi32, #tpu.memory_space<hbm>> -> memref<2x128xi32, #tpu.memory_space<hbm>>
        %dma_start3A_794 = arith.constant 0 : i32
        %dma_start3A_795 = tpu.memref_slice %arg2[%add3A_791, %dma_start3A_794] : memref<2560x128xi32, #tpu.memory_space<hbm>> -> memref<2x128xi32, #tpu.memory_space<hbm>>
        tpu.enqueue_dma source(%dma_start3A_795 : memref<2x128xi32, #tpu.memory_space<hbm>>) target(%arg16 : memref<2x128xi32, #tpu.memory_space<vmem>>) target_semaphore(%arg30 : memref<!tpu.dma_semaphore, #tpu.memory_space<semaphore_mem>>)
        %dma_start3A_796 = arith.constant 0 : i32
        %dma_start3A_797 = tpu.memref_slice %arg3[%add3A_791, %dma_start3A_796] : memref<2560x128xi32, #tpu.memory_space<hbm>> -> memref<2x128xi32, #tpu.memory_space<hbm>>
        %dma_start3A_798 = arith.constant 0 : i32
        %dma_start3A_799 = tpu.memref_slice %arg3[%add3A_791, %dma_start3A_798] : memref<2560x128xi32, #tpu.memory_space<hbm>> -> memref<2x128xi32, #tpu.memory_space<hbm>>
        tpu.enqueue_dma source(%dma_start3A_799 : memref<2x128xi32, #tpu.memory_space<hbm>>) target(%arg17 : memref<2x128xi32, #tpu.memory_space<vmem>>) target_semaphore(%arg30 : memref<!tpu.dma_semaphore, #tpu.memory_space<semaphore_mem>>)
      } else {
      }
      %scan3A_737 = arith.constant 0 : i32
      %scan3A_738 = arith.constant 0 : i32
      %scan3A_739 = arith.constant 128 : i32
      %scan3A_740 = arith.addi %scan3A_738, %scan3A_739 : i32
      %scan3A_741 = arith.constant 1 : i32
      %scan3A_742 = scf.for %scan3A_785 = %scan3A_738 to %scan3A_740 step %scan3A_741 iter_args(%scan3A_786 = %scan3A_737) -> (i32)  : i32 {
        %mul3A_787 = arith.constant 2 : i32
        %mul3A_788 = arith.muli %scan3A_785, %mul3A_787 : i32
        %add3A_789 = arith.constant 0 : i32
        %add3A_790 = arith.addi %mul3A_788, %add3A_789 : i32
        %get3A_791 = arith.index_cast %add3A_790 : i32 to index
        %get3A_792 = arith.constant 0 : index
        %get3A_793 = tpu.vector_load %arg19[%get3A_791, %get3A_792] {strides = array<i32>} : memref<256x16xf32, #tpu.memory_space<vmem>>, vector<16xf32>,
        %get3A_794 = arith.index_cast %add3A_790 : i32 to index
        %get3A_795 = arith.constant 0 : index
        %get3A_796 = tpu.vector_load %arg20[%get3A_794, %get3A_795] {strides = array<i32>} : memref<256x16xf32, #tpu.memory_space<vmem>>, vector<16xf32>,
        %add3A_797 = arith.addf %get3A_793, %get3A_796 : vector<16xf32>
        %gt3A = arith.constant 0.000000e+00 : f32
        %gt3A_798 = vector.broadcast %gt3A : f32 to vector<16xf32>
        %gt3A_799 = arith.cmpf ogt, %add3A_797, %gt3A_798 : vector<16xf32>
        %mul3A_800 = arith.constant 2.000000e-01 : f32
        %mul3A_801 = vector.broadcast %mul3A_800 : f32 to vector<16xf32>
        %mul3A_802 = arith.mulf %mul3A_801, %add3A_797 : vector<16xf32>
        %select_n3A = arith.select %gt3A_799, %add3A_797, %mul3A_802 : vector<16xi1>, vector<16xf32>
        %exp3A = math.exp %select_n3A : vector<16xf32>
        %swap3A_803 = arith.index_cast %add3A_790 : i32 to index
        %swap3A_804 = arith.constant 0 : index
        %swap3A_805 = tpu.vector_load %arg21[%swap3A_803, %swap3A_804] {strides = array<i32>} : memref<256x16xf32, #tpu.memory_space<vmem>>, vector<16xf32>,
        tpu.vector_store %arg21[%swap3A_803, %swap3A_804], %exp3A {strides = array<i32>} : memref<256x16xf32, #tpu.memory_space<vmem>>, vector<16xf32>,
        %add3A_806 = arith.constant 0 : i32
        %add3A_807 = vector.broadcast %add3A_806 : i32 to vector<16xi32>
        %add3A_808 = arith.addi %shift_right_arithmetic3A_11, %add3A_807 : vector<16xi32>
        %lt3A_809 = arith.constant 0 : i32
        %lt3A_810 = vector.broadcast %lt3A_809 : i32 to vector<16xi32>
        %lt3A_811 = arith.cmpi slt, %add3A_808, %lt3A_810 : vector<16xi32>
        %add3A_812 = arith.constant 16 : i32
        %add3A_813 = vector.broadcast %add3A_812 : i32 to vector<16xi32>
        %add3A_814 = arith.addi %add3A_808, %add3A_813 : vector<16xi32>
        %select_n3A_815 = arith.select %lt3A_811, %add3A_814, %add3A_808 : vector<16xi1>, vector<16xi32>
        %broadcast_in_dim3A_816 = vector.shape_cast %select_n3A_815 : vector<16xi32> to vector<16x1xi32>
        %gather3A = vector.shape_cast %broadcast_in_dim3A_816 : vector<16x1xi32> to vector<16xi32>
        %gather3A_817 = tpu.dynamic_gather %exp3A[%gather3A] in [0] : vector<16xf32>, vector<16xi32> -> vector<16xf32>
        %get3A_818 = arith.index_cast %add3A_790 : i32 to index
        %get3A_819 = arith.constant 0 : index
        %get3A_820 = tpu.vector_load %arg22[%get3A_818, %get3A_819] {strides = array<i32>} : memref<256x64xf32, #tpu.memory_space<vmem>>, vector<16xf32>,
        %mul3A_821 = arith.mulf %get3A_820, %gather3A_817 : vector<16xf32>
        %swap3A_822 = arith.index_cast %add3A_790 : i32 to index
        %swap3A_823 = arith.constant 0 : index
        %swap3A_824 = tpu.vector_load %arg22[%swap3A_822, %swap3A_823] {strides = array<i32>} : memref<256x64xf32, #tpu.memory_space<vmem>>, vector<16xf32>,
        tpu.vector_store %arg22[%swap3A_822, %swap3A_823], %mul3A_821 {strides = array<i32>} : memref<256x64xf32, #tpu.memory_space<vmem>>, vector<16xf32>,
        %add3A_825 = arith.constant 2 : i32
        %add3A_826 = vector.broadcast %add3A_825 : i32 to vector<16xi32>
        %add3A_827 = arith.addi %shift_right_arithmetic3A_11, %add3A_826 : vector<16xi32>
        %lt3A_828 = arith.constant 0 : i32
        %lt3A_829 = vector.broadcast %lt3A_828 : i32 to vector<16xi32>
        %lt3A_830 = arith.cmpi slt, %add3A_827, %lt3A_829 : vector<16xi32>
        %add3A_831 = arith.constant 16 : i32
        %add3A_832 = vector.broadcast %add3A_831 : i32 to vector<16xi32>
        %add3A_833 = arith.addi %add3A_827, %add3A_832 : vector<16xi32>
        %select_n3A_834 = arith.select %lt3A_830, %add3A_833, %add3A_827 : vector<16xi1>, vector<16xi32>
        %broadcast_in_dim3A_835 = vector.shape_cast %select_n3A_834 : vector<16xi32> to vector<16x1xi32>
        %gather3A_836 = vector.shape_cast %broadcast_in_dim3A_835 : vector<16x1xi32> to vector<16xi32>
        %gather3A_837 = tpu.dynamic_gather %exp3A[%gather3A_836] in [0] : vector<16xf32>, vector<16xi32> -> vector<16xf32>
        %get3A_838 = arith.index_cast %add3A_790 : i32 to index
        %get3A_839 = arith.constant 16 : index
        %get3A_840 = tpu.vector_load %arg22[%get3A_838, %get3A_839] {strides = array<i32>} : memref<256x64xf32, #tpu.memory_space<vmem>>, vector<16xf32>,
        %mul3A_841 = arith.mulf %get3A_840, %gather3A_837 : vector<16xf32>
        %swap3A_842 = arith.index_cast %add3A_790 : i32 to index
        %swap3A_843 = arith.constant 16 : index
        %swap3A_844 = tpu.vector_load %arg22[%swap3A_842, %swap3A_843] {strides = array<i32>} : memref<256x64xf32, #tpu.memory_space<vmem>>, vector<16xf32>,
        tpu.vector_store %arg22[%swap3A_842, %swap3A_843], %mul3A_841 {strides = array<i32>} : memref<256x64xf32, #tpu.memory_space<vmem>>, vector<16xf32>,
        %add3A_845 = arith.constant 4 : i32
        %add3A_846 = vector.broadcast %add3A_845 : i32 to vector<16xi32>
        %add3A_847 = arith.addi %shift_right_arithmetic3A_11, %add3A_846 : vector<16xi32>
        %lt3A_848 = arith.constant 0 : i32
        %lt3A_849 = vector.broadcast %lt3A_848 : i32 to vector<16xi32>
        %lt3A_850 = arith.cmpi slt, %add3A_847, %lt3A_849 : vector<16xi32>
        %add3A_851 = arith.constant 16 : i32
        %add3A_852 = vector.broadcast %add3A_851 : i32 to vector<16xi32>
        %add3A_853 = arith.addi %add3A_847, %add3A_852 : vector<16xi32>
        %select_n3A_854 = arith.select %lt3A_850, %add3A_853, %add3A_847 : vector<16xi1>, vector<16xi32>
        %broadcast_in_dim3A_855 = vector.shape_cast %select_n3A_854 : vector<16xi32> to vector<16x1xi32>
        %gather3A_856 = vector.shape_cast %broadcast_in_dim3A_855 : vector<16x1xi32> to vector<16xi32>
        %gather3A_857 = tpu.dynamic_gather %exp3A[%gather3A_856] in [0] : vector<16xf32>, vector<16xi32> -> vector<16xf32>
        %get3A_858 = arith.index_cast %add3A_790 : i32 to index
        %get3A_859 = arith.constant 32 : index
        %get3A_860 = tpu.vector_load %arg22[%get3A_858, %get3A_859] {strides = array<i32>} : memref<256x64xf32, #tpu.memory_space<vmem>>, vector<16xf32>,
        %mul3A_861 = arith.mulf %get3A_860, %gather3A_857 : vector<16xf32>
        %swap3A_862 = arith.index_cast %add3A_790 : i32 to index
        %swap3A_863 = arith.constant 32 : index
        %swap3A_864 = tpu.vector_load %arg22[%swap3A_862, %swap3A_863] {strides = array<i32>} : memref<256x64xf32, #tpu.memory_space<vmem>>, vector<16xf32>,
        tpu.vector_store %arg22[%swap3A_862, %swap3A_863], %mul3A_861 {strides = array<i32>} : memref<256x64xf32, #tpu.memory_space<vmem>>, vector<16xf32>,
        %add3A_865 = arith.constant 6 : i32
        %add3A_866 = vector.broadcast %add3A_865 : i32 to vector<16xi32>
        %add3A_867 = arith.addi %shift_right_arithmetic3A_11, %add3A_866 : vector<16xi32>
        %lt3A_868 = arith.constant 0 : i32
        %lt3A_869 = vector.broadcast %lt3A_868 : i32 to vector<16xi32>
        %lt3A_870 = arith.cmpi slt, %add3A_867, %lt3A_869 : vector<16xi32>
        %add3A_871 = arith.constant 16 : i32
        %add3A_872 = vector.broadcast %add3A_871 : i32 to vector<16xi32>
        %add3A_873 = arith.addi %add3A_867, %add3A_872 : vector<16xi32>
        %select_n3A_874 = arith.select %lt3A_870, %add3A_873, %add3A_867 : vector<16xi1>, vector<16xi32>
        %broadcast_in_dim3A_875 = vector.shape_cast %select_n3A_874 : vector<16xi32> to vector<16x1xi32>
        %gather3A_876 = vector.shape_cast %broadcast_in_dim3A_875 : vector<16x1xi32> to vector<16xi32>
        %gather3A_877 = tpu.dynamic_gather %exp3A[%gather3A_876] in [0] : vector<16xf32>, vector<16xi32> -> vector<16xf32>
        %get3A_878 = arith.index_cast %add3A_790 : i32 to index
        %get3A_879 = arith.constant 48 : index
        %get3A_880 = tpu.vector_load %arg22[%get3A_878, %get3A_879] {strides = array<i32>} : memref<256x64xf32, #tpu.memory_space<vmem>>, vector<16xf32>,
        %mul3A_881 = arith.mulf %get3A_880, %gather3A_877 : vector<16xf32>
        %swap3A_882 = arith.index_cast %add3A_790 : i32 to index
        %swap3A_883 = arith.constant 48 : index
        %swap3A_884 = tpu.vector_load %arg22[%swap3A_882, %swap3A_883] {strides = array<i32>} : memref<256x64xf32, #tpu.memory_space<vmem>>, vector<16xf32>,
        tpu.vector_store %arg22[%swap3A_882, %swap3A_883], %mul3A_881 {strides = array<i32>} : memref<256x64xf32, #tpu.memory_space<vmem>>, vector<16xf32>,
        %mul3A_885 = arith.constant 2 : i32
        %mul3A_886 = arith.muli %scan3A_785, %mul3A_885 : i32
        %add3A_887 = arith.constant 1 : i32
        %add3A_888 = arith.addi %mul3A_886, %add3A_887 : i32
        %get3A_889 = arith.index_cast %add3A_888 : i32 to index
        %get3A_890 = arith.constant 0 : index
        %get3A_891 = tpu.vector_load %arg19[%get3A_889, %get3A_890] {strides = array<i32>} : memref<256x16xf32, #tpu.memory_space<vmem>>, vector<16xf32>,
        %get3A_892 = arith.index_cast %add3A_888 : i32 to index
        %get3A_893 = arith.constant 0 : index
        %get3A_894 = tpu.vector_load %arg20[%get3A_892, %get3A_893] {strides = array<i32>} : memref<256x16xf32, #tpu.memory_space<vmem>>, vector<16xf32>,
        %add3A_895 = arith.addf %get3A_891, %get3A_894 : vector<16xf32>
        %gt3A_896 = arith.constant 0.000000e+00 : f32
        %gt3A_897 = vector.broadcast %gt3A_896 : f32 to vector<16xf32>
        %gt3A_898 = arith.cmpf ogt, %add3A_895, %gt3A_897 : vector<16xf32>
        %mul3A_899 = arith.constant 2.000000e-01 : f32
        %mul3A_900 = vector.broadcast %mul3A_899 : f32 to vector<16xf32>
        %mul3A_901 = arith.mulf %mul3A_900, %add3A_895 : vector<16xf32>
        %select_n3A_902 = arith.select %gt3A_898, %add3A_895, %mul3A_901 : vector<16xi1>, vector<16xf32>
        %exp3A_903 = math.exp %select_n3A_902 : vector<16xf32>
        %swap3A_904 = arith.index_cast %add3A_888 : i32 to index
        %swap3A_905 = arith.constant 0 : index
        %swap3A_906 = tpu.vector_load %arg21[%swap3A_904, %swap3A_905] {strides = array<i32>} : memref<256x16xf32, #tpu.memory_space<vmem>>, vector<16xf32>,
        tpu.vector_store %arg21[%swap3A_904, %swap3A_905], %exp3A_903 {strides = array<i32>} : memref<256x16xf32, #tpu.memory_space<vmem>>, vector<16xf32>,
        %add3A_907 = arith.constant 0 : i32
        %add3A_908 = vector.broadcast %add3A_907 : i32 to vector<16xi32>
        %add3A_909 = arith.addi %shift_right_arithmetic3A_11, %add3A_908 : vector<16xi32>
        %lt3A_910 = arith.constant 0 : i32
        %lt3A_911 = vector.broadcast %lt3A_910 : i32 to vector<16xi32>
        %lt3A_912 = arith.cmpi slt, %add3A_909, %lt3A_911 : vector<16xi32>
        %add3A_913 = arith.constant 16 : i32
        %add3A_914 = vector.broadcast %add3A_913 : i32 to vector<16xi32>
        %add3A_915 = arith.addi %add3A_909, %add3A_914 : vector<16xi32>
        %select_n3A_916 = arith.select %lt3A_912, %add3A_915, %add3A_909 : vector<16xi1>, vector<16xi32>
        %broadcast_in_dim3A_917 = vector.shape_cast %select_n3A_916 : vector<16xi32> to vector<16x1xi32>
        %gather3A_918 = vector.shape_cast %broadcast_in_dim3A_917 : vector<16x1xi32> to vector<16xi32>
        %gather3A_919 = tpu.dynamic_gather %exp3A_903[%gather3A_918] in [0] : vector<16xf32>, vector<16xi32> -> vector<16xf32>
        %get3A_920 = arith.index_cast %add3A_888 : i32 to index
        %get3A_921 = arith.constant 0 : index
        %get3A_922 = tpu.vector_load %arg22[%get3A_920, %get3A_921] {strides = array<i32>} : memref<256x64xf32, #tpu.memory_space<vmem>>, vector<16xf32>,
        %mul3A_923 = arith.mulf %get3A_922, %gather3A_919 : vector<16xf32>
        %swap3A_924 = arith.index_cast %add3A_888 : i32 to index
        %swap3A_925 = arith.constant 0 : index
        %swap3A_926 = tpu.vector_load %arg22[%swap3A_924, %swap3A_925] {strides = array<i32>} : memref<256x64xf32, #tpu.memory_space<vmem>>, vector<16xf32>,
        tpu.vector_store %arg22[%swap3A_924, %swap3A_925], %mul3A_923 {strides = array<i32>} : memref<256x64xf32, #tpu.memory_space<vmem>>, vector<16xf32>,
        %add3A_927 = arith.constant 2 : i32
        %add3A_928 = vector.broadcast %add3A_927 : i32 to vector<16xi32>
        %add3A_929 = arith.addi %shift_right_arithmetic3A_11, %add3A_928 : vector<16xi32>
        %lt3A_930 = arith.constant 0 : i32
        %lt3A_931 = vector.broadcast %lt3A_930 : i32 to vector<16xi32>
        %lt3A_932 = arith.cmpi slt, %add3A_929, %lt3A_931 : vector<16xi32>
        %add3A_933 = arith.constant 16 : i32
        %add3A_934 = vector.broadcast %add3A_933 : i32 to vector<16xi32>
        %add3A_935 = arith.addi %add3A_929, %add3A_934 : vector<16xi32>
        %select_n3A_936 = arith.select %lt3A_932, %add3A_935, %add3A_929 : vector<16xi1>, vector<16xi32>
        %broadcast_in_dim3A_937 = vector.shape_cast %select_n3A_936 : vector<16xi32> to vector<16x1xi32>
        %gather3A_938 = vector.shape_cast %broadcast_in_dim3A_937 : vector<16x1xi32> to vector<16xi32>
        %gather3A_939 = tpu.dynamic_gather %exp3A_903[%gather3A_938] in [0] : vector<16xf32>, vector<16xi32> -> vector<16xf32>
        %get3A_940 = arith.index_cast %add3A_888 : i32 to index
        %get3A_941 = arith.constant 16 : index
        %get3A_942 = tpu.vector_load %arg22[%get3A_940, %get3A_941] {strides = array<i32>} : memref<256x64xf32, #tpu.memory_space<vmem>>, vector<16xf32>,
        %mul3A_943 = arith.mulf %get3A_942, %gather3A_939 : vector<16xf32>
        %swap3A_944 = arith.index_cast %add3A_888 : i32 to index
        %swap3A_945 = arith.constant 16 : index
        %swap3A_946 = tpu.vector_load %arg22[%swap3A_944, %swap3A_945] {strides = array<i32>} : memref<256x64xf32, #tpu.memory_space<vmem>>, vector<16xf32>,
        tpu.vector_store %arg22[%swap3A_944, %swap3A_945], %mul3A_943 {strides = array<i32>} : memref<256x64xf32, #tpu.memory_space<vmem>>, vector<16xf32>,
        %add3A_947 = arith.constant 4 : i32
        %add3A_948 = vector.broadcast %add3A_947 : i32 to vector<16xi32>
        %add3A_949 = arith.addi %shift_right_arithmetic3A_11, %add3A_948 : vector<16xi32>
        %lt3A_950 = arith.constant 0 : i32
        %lt3A_951 = vector.broadcast %lt3A_950 : i32 to vector<16xi32>
        %lt3A_952 = arith.cmpi slt, %add3A_949, %lt3A_951 : vector<16xi32>
        %add3A_953 = arith.constant 16 : i32
        %add3A_954 = vector.broadcast %add3A_953 : i32 to vector<16xi32>
        %add3A_955 = arith.addi %add3A_949, %add3A_954 : vector<16xi32>
        %select_n3A_956 = arith.select %lt3A_952, %add3A_955, %add3A_949 : vector<16xi1>, vector<16xi32>
        %broadcast_in_dim3A_957 = vector.shape_cast %select_n3A_956 : vector<16xi32> to vector<16x1xi32>
        %gather3A_958 = vector.shape_cast %broadcast_in_dim3A_957 : vector<16x1xi32> to vector<16xi32>
        %gather3A_959 = tpu.dynamic_gather %exp3A_903[%gather3A_958] in [0] : vector<16xf32>, vector<16xi32> -> vector<16xf32>
        %get3A_960 = arith.index_cast %add3A_888 : i32 to index
        %get3A_961 = arith.constant 32 : index
        %get3A_962 = tpu.vector_load %arg22[%get3A_960, %get3A_961] {strides = array<i32>} : memref<256x64xf32, #tpu.memory_space<vmem>>, vector<16xf32>,
        %mul3A_963 = arith.mulf %get3A_962, %gather3A_959 : vector<16xf32>
        %swap3A_964 = arith.index_cast %add3A_888 : i32 to index
        %swap3A_965 = arith.constant 32 : index
        %swap3A_966 = tpu.vector_load %arg22[%swap3A_964, %swap3A_965] {strides = array<i32>} : memref<256x64xf32, #tpu.memory_space<vmem>>, vector<16xf32>,
        tpu.vector_store %arg22[%swap3A_964, %swap3A_965], %mul3A_963 {strides = array<i32>} : memref<256x64xf32, #tpu.memory_space<vmem>>, vector<16xf32>,
        %add3A_967 = arith.constant 6 : i32
        %add3A_968 = vector.broadcast %add3A_967 : i32 to vector<16xi32>
        %add3A_969 = arith.addi %shift_right_arithmetic3A_11, %add3A_968 : vector<16xi32>
        %lt3A_970 = arith.constant 0 : i32
        %lt3A_971 = vector.broadcast %lt3A_970 : i32 to vector<16xi32>
        %lt3A_972 = arith.cmpi slt, %add3A_969, %lt3A_971 : vector<16xi32>
        %add3A_973 = arith.constant 16 : i32
        %add3A_974 = vector.broadcast %add3A_973 : i32 to vector<16xi32>
        %add3A_975 = arith.addi %add3A_969, %add3A_974 : vector<16xi32>
        %select_n3A_976 = arith.select %lt3A_972, %add3A_975, %add3A_969 : vector<16xi1>, vector<16xi32>
        %broadcast_in_dim3A_977 = vector.shape_cast %select_n3A_976 : vector<16xi32> to vector<16x1xi32>
        %gather3A_978 = vector.shape_cast %broadcast_in_dim3A_977 : vector<16x1xi32> to vector<16xi32>
        %gather3A_979 = tpu.dynamic_gather %exp3A_903[%gather3A_978] in [0] : vector<16xf32>, vector<16xi32> -> vector<16xf32>
        %get3A_980 = arith.index_cast %add3A_888 : i32 to index
        %get3A_981 = arith.constant 48 : index
        %get3A_982 = tpu.vector_load %arg22[%get3A_980, %get3A_981] {strides = array<i32>} : memref<256x64xf32, #tpu.memory_space<vmem>>, vector<16xf32>,
        %mul3A_983 = arith.mulf %get3A_982, %gather3A_979 : vector<16xf32>
        %swap3A_984 = arith.index_cast %add3A_888 : i32 to index
        %swap3A_985 = arith.constant 48 : index
        %swap3A_986 = tpu.vector_load %arg22[%swap3A_984, %swap3A_985] {strides = array<i32>} : memref<256x64xf32, #tpu.memory_space<vmem>>, vector<16xf32>,
        tpu.vector_store %arg22[%swap3A_984, %swap3A_985], %mul3A_983 {strides = array<i32>} : memref<256x64xf32, #tpu.memory_space<vmem>>, vector<16xf32>,
        %scan3A_987 = arith.constant 0 : i32
        scf.yield %scan3A_987 : i32
      }
      %scan3A_743 = arith.constant 128 : i32
      %dma_start3A_744 = arith.constant 0 : i32
      %dma_start3A_745 = arith.constant 0 : i32
      %dma_start3A_746 = arith.constant 0 : i32
      %dma_start3A_747 = tpu.memref_slice %arg22[%dma_start3A_745, %dma_start3A_746] : memref<256x64xf32, #tpu.memory_space<vmem>> -> memref<128x64xf32, #tpu.memory_space<vmem>>
      %dma_start3A_748 = arith.constant 0 : i32
      %dma_start3A_749 = tpu.memref_slice %arg18[%dma_start3A_744, %dma_start3A_748] : memref<2x128xi32, #tpu.memory_space<vmem>> -> memref<1x128xi32, #tpu.memory_space<vmem>>
      %dma_start3A_750 = tpu.memref_squeeze %dma_start3A_749 : memref<1x128xi32, #tpu.memory_space<vmem>> -> memref<128xi32, #tpu.memory_space<vmem>>
      %dma_start3A_751 = arith.constant 0 : i32
      %dma_start3A_752 = arith.constant 0 : i32
      %dma_start3A_753 = tpu.memref_slice %arg25[%dma_start3A_751, %dma_start3A_752] : memref<10240x64xf32, #tpu.memory_space<vmem_shared>> -> memref<10240x64xf32, #tpu.memory_space<vmem_shared>>
      tpu.enqueue_indirect_dma source(%dma_start3A_747 : memref<128x64xf32, #tpu.memory_space<vmem>>) target(%dma_start3A_753 : memref<10240x64xf32, #tpu.memory_space<vmem_shared>>) offsets(%dma_start3A_750 : memref<128xi32, #tpu.memory_space<vmem>>) semaphore(%arg32 : memref<!tpu.dma_semaphore, #tpu.memory_space<semaphore_mem>>) {add = true}
      %dma_start3A_754 = arith.constant 0 : i32
      %dma_start3A_755 = arith.constant 0 : i32
      %dma_start3A_756 = arith.constant 0 : i32
      %dma_start3A_757 = tpu.memref_slice %arg21[%dma_start3A_755, %dma_start3A_756] : memref<256x16xf32, #tpu.memory_space<vmem>> -> memref<128x16xf32, #tpu.memory_space<vmem>>
      %dma_start3A_758 = arith.constant 0 : i32
      %dma_start3A_759 = tpu.memref_slice %arg18[%dma_start3A_754, %dma_start3A_758] : memref<2x128xi32, #tpu.memory_space<vmem>> -> memref<1x128xi32, #tpu.memory_space<vmem>>
      %dma_start3A_760 = tpu.memref_squeeze %dma_start3A_759 : memref<1x128xi32, #tpu.memory_space<vmem>> -> memref<128xi32, #tpu.memory_space<vmem>>
      %dma_start3A_761 = arith.constant 0 : i32
      %dma_start3A_762 = arith.constant 0 : i32
      %dma_start3A_763 = tpu.memref_slice %arg26[%dma_start3A_761, %dma_start3A_762] : memref<10240x16xf32, #tpu.memory_space<vmem_shared>> -> memref<10240x16xf32, #tpu.memory_space<vmem_shared>>
      tpu.enqueue_indirect_dma source(%dma_start3A_757 : memref<128x16xf32, #tpu.memory_space<vmem>>) target(%dma_start3A_763 : memref<10240x16xf32, #tpu.memory_space<vmem_shared>>) offsets(%dma_start3A_760 : memref<128xi32, #tpu.memory_space<vmem>>) semaphore(%arg32 : memref<!tpu.dma_semaphore, #tpu.memory_space<semaphore_mem>>) {add = true}
      %dma_start3A_764 = arith.constant 1 : i32
      %dma_start3A_765 = arith.constant 128 : i32
      %dma_start3A_766 = arith.constant 0 : i32
      %dma_start3A_767 = tpu.memref_slice %arg22[%dma_start3A_765, %dma_start3A_766] : memref<256x64xf32, #tpu.memory_space<vmem>> -> memref<128x64xf32, #tpu.memory_space<vmem>>
      %dma_start3A_768 = arith.constant 0 : i32
      %dma_start3A_769 = tpu.memref_slice %arg18[%dma_start3A_764, %dma_start3A_768] : memref<2x128xi32, #tpu.memory_space<vmem>> -> memref<1x128xi32, #tpu.memory_space<vmem>>
      %dma_start3A_770 = tpu.memref_squeeze %dma_start3A_769 : memref<1x128xi32, #tpu.memory_space<vmem>> -> memref<128xi32, #tpu.memory_space<vmem>>
      %dma_start3A_771 = arith.constant 0 : i32
      %dma_start3A_772 = arith.constant 0 : i32
      %dma_start3A_773 = tpu.memref_slice %arg25[%dma_start3A_771, %dma_start3A_772] : memref<10240x64xf32, #tpu.memory_space<vmem_shared>> -> memref<10240x64xf32, #tpu.memory_space<vmem_shared>>
      tpu.enqueue_indirect_dma source(%dma_start3A_767 : memref<128x64xf32, #tpu.memory_space<vmem>>) target(%dma_start3A_773 : memref<10240x64xf32, #tpu.memory_space<vmem_shared>>) offsets(%dma_start3A_770 : memref<128xi32, #tpu.memory_space<vmem>>) semaphore(%arg32 : memref<!tpu.dma_semaphore, #tpu.memory_space<semaphore_mem>>) {add = true}
      %dma_start3A_774 = arith.constant 1 : i32
      %dma_start3A_775 = arith.constant 128 : i32
      %dma_start3A_776 = arith.constant 0 : i32
      %dma_start3A_777 = tpu.memref_slice %arg21[%dma_start3A_775, %dma_start3A_776] : memref<256x16xf32, #tpu.memory_space<vmem>> -> memref<128x16xf32, #tpu.memory_space<vmem>>
      %dma_start3A_778 = arith.constant 0 : i32
      %dma_start3A_779 = tpu.memref_slice %arg18[%dma_start3A_774, %dma_start3A_778] : memref<2x128xi32, #tpu.memory_space<vmem>> -> memref<1x128xi32, #tpu.memory_space<vmem>>
      %dma_start3A_780 = tpu.memref_squeeze %dma_start3A_779 : memref<1x128xi32, #tpu.memory_space<vmem>> -> memref<128xi32, #tpu.memory_space<vmem>>
      %dma_start3A_781 = arith.constant 0 : i32
      %dma_start3A_782 = arith.constant 0 : i32
      %dma_start3A_783 = tpu.memref_slice %arg26[%dma_start3A_781, %dma_start3A_782] : memref<10240x16xf32, #tpu.memory_space<vmem_shared>> -> memref<10240x16xf32, #tpu.memory_space<vmem_shared>>
      tpu.enqueue_indirect_dma source(%dma_start3A_777 : memref<128x16xf32, #tpu.memory_space<vmem>>) target(%dma_start3A_783 : memref<10240x16xf32, #tpu.memory_space<vmem_shared>>) offsets(%dma_start3A_780 : memref<128xi32, #tpu.memory_space<vmem>>) semaphore(%arg32 : memref<!tpu.dma_semaphore, #tpu.memory_space<semaphore_mem>>) {add = true}
      %scan3A_784 = arith.constant 0 : i32
      scf.yield %scan3A_784 : i32
    }
    %scan3A_131 = arith.constant 20 : i32
    %dma_wait3A_132 = arith.constant 0 : i32
    %dma_wait3A_133 = arith.constant 0 : i32
    %dma_wait3A_134 = arith.constant 0 : i32
    %dma_wait3A_135 = tpu.memref_slice %arg22[%dma_wait3A_133, %dma_wait3A_134] : memref<256x64xf32, #tpu.memory_space<vmem>> -> memref<128x64xf32, #tpu.memory_space<vmem>>
    %dma_wait3A_136 = arith.constant 0 : i32
    %dma_wait3A_137 = tpu.memref_slice %arg18[%dma_wait3A_132, %dma_wait3A_136] : memref<2x128xi32, #tpu.memory_space<vmem>> -> memref<1x128xi32, #tpu.memory_space<vmem>>
    %dma_wait3A_138 = tpu.memref_squeeze %dma_wait3A_137 : memref<1x128xi32, #tpu.memory_space<vmem>> -> memref<128xi32, #tpu.memory_space<vmem>>
    %dma_wait3A_139 = arith.constant 0 : i32
    %dma_wait3A_140 = arith.constant 0 : i32
    %dma_wait3A_141 = tpu.memref_slice %arg25[%dma_wait3A_139, %dma_wait3A_140] : memref<10240x64xf32, #tpu.memory_space<vmem_shared>> -> memref<10240x64xf32, #tpu.memory_space<vmem_shared>>
    tpu.wait_indirect_dma semaphore(%arg32 : memref<!tpu.dma_semaphore, #tpu.memory_space<semaphore_mem>>) src(%dma_wait3A_135 : memref<128x64xf32, #tpu.memory_space<vmem>>) dst(%dma_wait3A_141 : memref<10240x64xf32, #tpu.memory_space<vmem_shared>>)
    %dma_wait3A_142 = arith.constant 0 : i32
    %dma_wait3A_143 = arith.constant 0 : i32
    %dma_wait3A_144 = arith.constant 0 : i32
    %dma_wait3A_145 = tpu.memref_slice %arg21[%dma_wait3A_143, %dma_wait3A_144] : memref<256x16xf32, #tpu.memory_space<vmem>> -> memref<128x16xf32, #tpu.memory_space<vmem>>
    %dma_wait3A_146 = arith.constant 0 : i32
    %dma_wait3A_147 = tpu.memref_slice %arg18[%dma_wait3A_142, %dma_wait3A_146] : memref<2x128xi32, #tpu.memory_space<vmem>> -> memref<1x128xi32, #tpu.memory_space<vmem>>
    %dma_wait3A_148 = tpu.memref_squeeze %dma_wait3A_147 : memref<1x128xi32, #tpu.memory_space<vmem>> -> memref<128xi32, #tpu.memory_space<vmem>>
    %dma_wait3A_149 = arith.constant 0 : i32
    %dma_wait3A_150 = arith.constant 0 : i32
    %dma_wait3A_151 = tpu.memref_slice %arg26[%dma_wait3A_149, %dma_wait3A_150] : memref<10240x16xf32, #tpu.memory_space<vmem_shared>> -> memref<10240x16xf32, #tpu.memory_space<vmem_shared>>
    tpu.wait_indirect_dma semaphore(%arg32 : memref<!tpu.dma_semaphore, #tpu.memory_space<semaphore_mem>>) src(%dma_wait3A_145 : memref<128x16xf32, #tpu.memory_space<vmem>>) dst(%dma_wait3A_151 : memref<10240x16xf32, #tpu.memory_space<vmem_shared>>)
    %dma_wait3A_152 = arith.constant 1 : i32
    %dma_wait3A_153 = arith.constant 128 : i32
    %dma_wait3A_154 = arith.constant 0 : i32
    %dma_wait3A_155 = tpu.memref_slice %arg22[%dma_wait3A_153, %dma_wait3A_154] : memref<256x64xf32, #tpu.memory_space<vmem>> -> memref<128x64xf32, #tpu.memory_space<vmem>>
    %dma_wait3A_156 = arith.constant 0 : i32
    %dma_wait3A_157 = tpu.memref_slice %arg18[%dma_wait3A_152, %dma_wait3A_156] : memref<2x128xi32, #tpu.memory_space<vmem>> -> memref<1x128xi32, #tpu.memory_space<vmem>>
    %dma_wait3A_158 = tpu.memref_squeeze %dma_wait3A_157 : memref<1x128xi32, #tpu.memory_space<vmem>> -> memref<128xi32, #tpu.memory_space<vmem>>
    %dma_wait3A_159 = arith.constant 0 : i32
    %dma_wait3A_160 = arith.constant 0 : i32
    %dma_wait3A_161 = tpu.memref_slice %arg25[%dma_wait3A_159, %dma_wait3A_160] : memref<10240x64xf32, #tpu.memory_space<vmem_shared>> -> memref<10240x64xf32, #tpu.memory_space<vmem_shared>>
    tpu.wait_indirect_dma semaphore(%arg32 : memref<!tpu.dma_semaphore, #tpu.memory_space<semaphore_mem>>) src(%dma_wait3A_155 : memref<128x64xf32, #tpu.memory_space<vmem>>) dst(%dma_wait3A_161 : memref<10240x64xf32, #tpu.memory_space<vmem_shared>>)
    %dma_wait3A_162 = arith.constant 1 : i32
    %dma_wait3A_163 = arith.constant 128 : i32
    %dma_wait3A_164 = arith.constant 0 : i32
    %dma_wait3A_165 = tpu.memref_slice %arg21[%dma_wait3A_163, %dma_wait3A_164] : memref<256x16xf32, #tpu.memory_space<vmem>> -> memref<128x16xf32, #tpu.memory_space<vmem>>
    %dma_wait3A_166 = arith.constant 0 : i32
    %dma_wait3A_167 = tpu.memref_slice %arg18[%dma_wait3A_162, %dma_wait3A_166] : memref<2x128xi32, #tpu.memory_space<vmem>> -> memref<1x128xi32, #tpu.memory_space<vmem>>
    %dma_wait3A_168 = tpu.memref_squeeze %dma_wait3A_167 : memref<1x128xi32, #tpu.memory_space<vmem>> -> memref<128xi32, #tpu.memory_space<vmem>>
    %dma_wait3A_169 = arith.constant 0 : i32
    %dma_wait3A_170 = arith.constant 0 : i32
    %dma_wait3A_171 = tpu.memref_slice %arg26[%dma_wait3A_169, %dma_wait3A_170] : memref<10240x16xf32, #tpu.memory_space<vmem_shared>> -> memref<10240x16xf32, #tpu.memory_space<vmem_shared>>
    tpu.wait_indirect_dma semaphore(%arg32 : memref<!tpu.dma_semaphore, #tpu.memory_space<semaphore_mem>>) src(%dma_wait3A_165 : memref<128x16xf32, #tpu.memory_space<vmem>>) dst(%dma_wait3A_171 : memref<10240x16xf32, #tpu.memory_space<vmem_shared>>)
    %barrier3A_172 = arith.constant 0 : index
    tpu.barrier barrier_id(%barrier3A_172)
    %scan3A_173 = arith.constant 0 : i32
    %scan3A_174 = arith.constant 0 : i32
    %scan3A_175 = arith.constant 5 : i32
    %scan3A_176 = arith.addi %scan3A_174, %scan3A_175 : i32
    %scan3A_177 = arith.constant 1 : i32
    %scan3A_178 = scf.for %scan3A_180 = %scan3A_174 to %scan3A_176 step %scan3A_177 iter_args(%scan3A_181 = %scan3A_173) -> (i32)  : i32 {
      %mul3A_182 = arith.constant 128 : i32
      %mul3A_183 = arith.muli %scan3A_180, %mul3A_182 : i32
      %add3A_184 = arith.addi %mul3A_9, %mul3A_183 : i32
      "tpu.region"() ({
        %run_scoped3A = tpu.sem_alloc : memref<!tpu.dma_semaphore, #tpu.memory_space<semaphore_mem>>
        %dma_start3A_186 = arith.constant 0 : i32
        %dma_start3A_187 = tpu.memref_slice %arg25[%add3A_184, %dma_start3A_186] : memref<10240x64xf32, #tpu.memory_space<vmem_shared>> -> memref<128x64xf32, #tpu.memory_space<vmem_shared>>
        %dma_start3A_188 = arith.constant 0 : i32
        %dma_start3A_189 = tpu.memref_slice %arg25[%add3A_184, %dma_start3A_188] : memref<10240x64xf32, #tpu.memory_space<vmem_shared>> -> memref<128x64xf32, #tpu.memory_space<vmem_shared>>
        tpu.enqueue_dma source(%dma_start3A_189 : memref<128x64xf32, #tpu.memory_space<vmem_shared>>) target(%arg23 : memref<128x64xf32, #tpu.memory_space<vmem>>) target_semaphore(%run_scoped3A : memref<!tpu.dma_semaphore, #tpu.memory_space<semaphore_mem>>)
        %dma_wait3A_190 = arith.constant 0 : i32
        %dma_wait3A_191 = tpu.memref_slice %arg25[%add3A_184, %dma_wait3A_190] : memref<10240x64xf32, #tpu.memory_space<vmem_shared>> -> memref<128x64xf32, #tpu.memory_space<vmem_shared>>
        %dma_wait3A_192 = arith.constant 0 : i32
        %dma_wait3A_193 = tpu.memref_slice %arg25[%add3A_184, %dma_wait3A_192] : memref<10240x64xf32, #tpu.memory_space<vmem_shared>> -> memref<128x64xf32, #tpu.memory_space<vmem_shared>>
        tpu.wait_dma2 semaphore(%run_scoped3A : memref<!tpu.dma_semaphore, #tpu.memory_space<semaphore_mem>>) src(%dma_wait3A_193 : memref<128x64xf32, #tpu.memory_space<vmem_shared>>) dst(%arg23 : memref<128x64xf32, #tpu.memory_space<vmem>>)
        tpu.yield
      }) : () -> ()
      "tpu.region"() ({
        %run_scoped3A = tpu.sem_alloc : memref<!tpu.dma_semaphore, #tpu.memory_space<semaphore_mem>>
        %dma_start3A_186 = arith.constant 0 : i32
        %dma_start3A_187 = tpu.memref_slice %arg7[%arg0, %add3A_184, %dma_start3A_186] : memref<2x10240x64xf32, #tpu.memory_space<hbm>> -> memref<1x128x64xf32, #tpu.memory_space<hbm>>
        %dma_start3A_188 = tpu.memref_squeeze %dma_start3A_187 : memref<1x128x64xf32, #tpu.memory_space<hbm>> -> memref<128x64xf32, #tpu.memory_space<hbm>>
        %dma_start3A_189 = arith.constant 0 : i32
        %dma_start3A_190 = tpu.memref_slice %arg7[%arg0, %add3A_184, %dma_start3A_189] : memref<2x10240x64xf32, #tpu.memory_space<hbm>> -> memref<1x128x64xf32, #tpu.memory_space<hbm>>
        %dma_start3A_191 = tpu.memref_squeeze %dma_start3A_190 : memref<1x128x64xf32, #tpu.memory_space<hbm>> -> memref<128x64xf32, #tpu.memory_space<hbm>>
        tpu.enqueue_dma source(%arg23 : memref<128x64xf32, #tpu.memory_space<vmem>>) target(%dma_start3A_191 : memref<128x64xf32, #tpu.memory_space<hbm>>) target_semaphore(%run_scoped3A : memref<!tpu.dma_semaphore, #tpu.memory_space<semaphore_mem>>)
        %dma_wait3A_192 = arith.constant 0 : i32
        %dma_wait3A_193 = tpu.memref_slice %arg7[%arg0, %add3A_184, %dma_wait3A_192] : memref<2x10240x64xf32, #tpu.memory_space<hbm>> -> memref<1x128x64xf32, #tpu.memory_space<hbm>>
        %dma_wait3A_194 = tpu.memref_squeeze %dma_wait3A_193 : memref<1x128x64xf32, #tpu.memory_space<hbm>> -> memref<128x64xf32, #tpu.memory_space<hbm>>
        %dma_wait3A_195 = arith.constant 0 : i32
        %dma_wait3A_196 = tpu.memref_slice %arg7[%arg0, %add3A_184, %dma_wait3A_195] : memref<2x10240x64xf32, #tpu.memory_space<hbm>> -> memref<1x128x64xf32, #tpu.memory_space<hbm>>
        %dma_wait3A_197 = tpu.memref_squeeze %dma_wait3A_196 : memref<1x128x64xf32, #tpu.memory_space<hbm>> -> memref<128x64xf32, #tpu.memory_space<hbm>>
        tpu.wait_dma2 semaphore(%run_scoped3A : memref<!tpu.dma_semaphore, #tpu.memory_space<semaphore_mem>>) src(%arg23 : memref<128x64xf32, #tpu.memory_space<vmem>>) dst(%dma_wait3A_197 : memref<128x64xf32, #tpu.memory_space<hbm>>)
        tpu.yield
      }) : () -> ()
      "tpu.region"() ({
        %run_scoped3A = tpu.sem_alloc : memref<!tpu.dma_semaphore, #tpu.memory_space<semaphore_mem>>
        %dma_start3A_186 = arith.constant 0 : i32
        %dma_start3A_187 = tpu.memref_slice %arg26[%add3A_184, %dma_start3A_186] : memref<10240x16xf32, #tpu.memory_space<vmem_shared>> -> memref<128x16xf32, #tpu.memory_space<vmem_shared>>
        %dma_start3A_188 = arith.constant 0 : i32
        %dma_start3A_189 = tpu.memref_slice %arg26[%add3A_184, %dma_start3A_188] : memref<10240x16xf32, #tpu.memory_space<vmem_shared>> -> memref<128x16xf32, #tpu.memory_space<vmem_shared>>
        tpu.enqueue_dma source(%dma_start3A_189 : memref<128x16xf32, #tpu.memory_space<vmem_shared>>) target(%arg24 : memref<128x16xf32, #tpu.memory_space<vmem>>) target_semaphore(%run_scoped3A : memref<!tpu.dma_semaphore, #tpu.memory_space<semaphore_mem>>)
        %dma_wait3A_190 = arith.constant 0 : i32
        %dma_wait3A_191 = tpu.memref_slice %arg26[%add3A_184, %dma_wait3A_190] : memref<10240x16xf32, #tpu.memory_space<vmem_shared>> -> memref<128x16xf32, #tpu.memory_space<vmem_shared>>
        %dma_wait3A_192 = arith.constant 0 : i32
        %dma_wait3A_193 = tpu.memref_slice %arg26[%add3A_184, %dma_wait3A_192] : memref<10240x16xf32, #tpu.memory_space<vmem_shared>> -> memref<128x16xf32, #tpu.memory_space<vmem_shared>>
        tpu.wait_dma2 semaphore(%run_scoped3A : memref<!tpu.dma_semaphore, #tpu.memory_space<semaphore_mem>>) src(%dma_wait3A_193 : memref<128x16xf32, #tpu.memory_space<vmem_shared>>) dst(%arg24 : memref<128x16xf32, #tpu.memory_space<vmem>>)
        tpu.yield
      }) : () -> ()
      "tpu.region"() ({
        %run_scoped3A = tpu.sem_alloc : memref<!tpu.dma_semaphore, #tpu.memory_space<semaphore_mem>>
        %dma_start3A_186 = arith.constant 0 : i32
        %dma_start3A_187 = tpu.memref_slice %arg8[%arg0, %add3A_184, %dma_start3A_186] : memref<2x10240x16xf32, #tpu.memory_space<hbm>> -> memref<1x128x16xf32, #tpu.memory_space<hbm>>
        %dma_start3A_188 = tpu.memref_squeeze %dma_start3A_187 : memref<1x128x16xf32, #tpu.memory_space<hbm>> -> memref<128x16xf32, #tpu.memory_space<hbm>>
        %dma_start3A_189 = arith.constant 0 : i32
        %dma_start3A_190 = tpu.memref_slice %arg8[%arg0, %add3A_184, %dma_start3A_189] : memref<2x10240x16xf32, #tpu.memory_space<hbm>> -> memref<1x128x16xf32, #tpu.memory_space<hbm>>
        %dma_start3A_191 = tpu.memref_squeeze %dma_start3A_190 : memref<1x128x16xf32, #tpu.memory_space<hbm>> -> memref<128x16xf32, #tpu.memory_space<hbm>>
        tpu.enqueue_dma source(%arg24 : memref<128x16xf32, #tpu.memory_space<vmem>>) target(%dma_start3A_191 : memref<128x16xf32, #tpu.memory_space<hbm>>) target_semaphore(%run_scoped3A : memref<!tpu.dma_semaphore, #tpu.memory_space<semaphore_mem>>)
        %dma_wait3A_192 = arith.constant 0 : i32
        %dma_wait3A_193 = tpu.memref_slice %arg8[%arg0, %add3A_184, %dma_wait3A_192] : memref<2x10240x16xf32, #tpu.memory_space<hbm>> -> memref<1x128x16xf32, #tpu.memory_space<hbm>>
        %dma_wait3A_194 = tpu.memref_squeeze %dma_wait3A_193 : memref<1x128x16xf32, #tpu.memory_space<hbm>> -> memref<128x16xf32, #tpu.memory_space<hbm>>
        %dma_wait3A_195 = arith.constant 0 : i32
        %dma_wait3A_196 = tpu.memref_slice %arg8[%arg0, %add3A_184, %dma_wait3A_195] : memref<2x10240x16xf32, #tpu.memory_space<hbm>> -> memref<1x128x16xf32, #tpu.memory_space<hbm>>
        %dma_wait3A_197 = tpu.memref_squeeze %dma_wait3A_196 : memref<1x128x16xf32, #tpu.memory_space<hbm>> -> memref<128x16xf32, #tpu.memory_space<hbm>>
        tpu.wait_dma2 semaphore(%run_scoped3A : memref<!tpu.dma_semaphore, #tpu.memory_space<semaphore_mem>>) src(%arg24 : memref<128x16xf32, #tpu.memory_space<vmem>>) dst(%dma_wait3A_197 : memref<128x16xf32, #tpu.memory_space<hbm>>)
        tpu.yield
      }) : () -> ()
      %scan3A_185 = arith.constant 0 : i32
      scf.yield %scan3A_185 : i32
    }
    %scan3A_179 = arith.constant 5 : i32
    return
  }
}

module attributes {stable_mosaic.version = 14 : i64} {
  func.func @body(%arg0: memref<10240x128xf32, #tpu.memory_space<vmem>>, %arg1: memref<128x64xf32, #tpu.memory_space<vmem>>, %arg2: memref<64x16xf32, #tpu.memory_space<vmem>>, %arg3: memref<64x16xf32, #tpu.memory_space<vmem>>, %arg4: memref<10240x64xf32, #tpu.memory_space<vmem>>, %arg5: memref<10240x16xf32, #tpu.memory_space<vmem>>, %arg6: memref<10240x16xf32, #tpu.memory_space<vmem>>) attributes {dimension_semantics = [], scalar_prefetch = 0 : i64, scratch_operands = 0 : i64, tpu.core_type = #tpu.core_type<tc>} {
    %get3A = arith.constant 0 : index
    %get3A_0 = arith.constant 0 : index
    %get3A_1 = vector.load %arg0[%get3A, %get3A_0] : memref<10240x128xf32, #tpu.memory_space<vmem>>, vector<10240x128xf32>
    %get3A_2 = arith.constant 0 : index
    %get3A_3 = arith.constant 0 : index
    %get3A_4 = vector.load %arg1[%get3A_2, %get3A_3] : memref<128x64xf32, #tpu.memory_space<vmem>>, vector<128x64xf32>
    %dot_general3A = arith.constant dense<0.000000e+00> : vector<10240x64xf32>
    %dot_general3A_5 = tpu.matmul %get3A_1, %get3A_4, %dot_general3A {dimension_numbers = #tpu.dot_dimension_numbers<[1], [0], [0], [1], [0, 0, 1, 1], [], []>, transpose_lhs_hint = false} : vector<10240x128xf32>, vector<128x64xf32>, vector<10240x64xf32> -> vector<10240x64xf32>
    %swap3A = arith.constant 0 : index
    %swap3A_6 = arith.constant 0 : index
    %swap3A_7 = vector.load %arg4[%swap3A, %swap3A_6] : memref<10240x64xf32, #tpu.memory_space<vmem>>, vector<10240x64xf32>
    tpu.vector_store %arg4[%swap3A, %swap3A_6], %dot_general3A_5 {strides = array<i32>} : memref<10240x64xf32, #tpu.memory_space<vmem>>, vector<10240x64xf32>,
    %get3A_8 = arith.constant 0 : index
    %get3A_9 = arith.constant 0 : index
    %get3A_10 = vector.load %arg2[%get3A_8, %get3A_9] : memref<64x16xf32, #tpu.memory_space<vmem>>, vector<64x16xf32>
    %dot_general3A_11 = arith.constant dense<0.000000e+00> : vector<10240x16xf32>
    %dot_general3A_12 = tpu.matmul %dot_general3A_5, %get3A_10, %dot_general3A_11 {dimension_numbers = #tpu.dot_dimension_numbers<[1], [0], [0], [1], [0, 0, 1, 1], [], []>, transpose_lhs_hint = false} : vector<10240x64xf32>, vector<64x16xf32>, vector<10240x16xf32> -> vector<10240x16xf32>
    %swap3A_13 = arith.constant 0 : index
    %swap3A_14 = arith.constant 0 : index
    %swap3A_15 = vector.load %arg5[%swap3A_13, %swap3A_14] : memref<10240x16xf32, #tpu.memory_space<vmem>>, vector<10240x16xf32>
    tpu.vector_store %arg5[%swap3A_13, %swap3A_14], %dot_general3A_12 {strides = array<i32>} : memref<10240x16xf32, #tpu.memory_space<vmem>>, vector<10240x16xf32>,
    %get3A_16 = arith.constant 0 : index
    %get3A_17 = arith.constant 0 : index
    %get3A_18 = vector.load %arg3[%get3A_16, %get3A_17] : memref<64x16xf32, #tpu.memory_space<vmem>>, vector<64x16xf32>
    %dot_general3A_19 = arith.constant dense<0.000000e+00> : vector<10240x16xf32>
    %dot_general3A_20 = tpu.matmul %dot_general3A_5, %get3A_18, %dot_general3A_19 {dimension_numbers = #tpu.dot_dimension_numbers<[1], [0], [0], [1], [0, 0, 1, 1], [], []>, transpose_lhs_hint = false} : vector<10240x64xf32>, vector<64x16xf32>, vector<10240x16xf32> -> vector<10240x16xf32>
    %swap3A_21 = arith.constant 0 : index
    %swap3A_22 = arith.constant 0 : index
    %swap3A_23 = vector.load %arg6[%swap3A_21, %swap3A_22] : memref<10240x16xf32, #tpu.memory_space<vmem>>, vector<10240x16xf32>
    tpu.vector_store %arg6[%swap3A_21, %swap3A_22], %dot_general3A_20 {strides = array<i32>} : memref<10240x16xf32, #tpu.memory_space<vmem>>, vector<10240x16xf32>,
    return
  }
}

module attributes {stable_mosaic.version = 14 : i64} {
  func.func @body(%arg0: memref<2x10240x64xf32, #tpu.memory_space<vmem>>, %arg1: memref<2x10240x16xf32, #tpu.memory_space<vmem>>, %arg2: memref<1x64xf32, #tpu.memory_space<vmem>>, %arg3: memref<64x16xf32, #tpu.memory_space<vmem>>, %arg4: memref<16x16xf32, #tpu.memory_space<vmem>>, %arg5: memref<16x16xf32, #tpu.memory_space<vmem>>, %arg6: memref<16x64xf32, #tpu.memory_space<vmem>>, %arg7: memref<10240x16xf32, #tpu.memory_space<vmem>>, %arg8: memref<10240x16xf32, #tpu.memory_space<vmem>>, %arg9: memref<10240x16xf32, #tpu.memory_space<vmem>>) attributes {dimension_semantics = [], scalar_prefetch = 0 : i64, scratch_operands = 0 : i64, tpu.core_type = #tpu.core_type<tc>} {
    %get3A = arith.constant 0 : index
    %get3A_0 = arith.constant 0 : index
    %get3A_1 = arith.constant 0 : index
    %get3A_2 = vector.load %arg0[%get3A, %get3A_0, %get3A_1] : memref<2x10240x64xf32, #tpu.memory_space<vmem>>, vector<1x10240x64xf32>
    %get3A_3 = vector.shape_cast %get3A_2 : vector<1x10240x64xf32> to vector<10240x64xf32>
    %get3A_4 = arith.constant 1 : index
    %get3A_5 = arith.constant 0 : index
    %get3A_6 = arith.constant 0 : index
    %get3A_7 = vector.load %arg0[%get3A_4, %get3A_5, %get3A_6] : memref<2x10240x64xf32, #tpu.memory_space<vmem>>, vector<1x10240x64xf32>
    %get3A_8 = vector.shape_cast %get3A_7 : vector<1x10240x64xf32> to vector<10240x64xf32>
    %add3A = arith.addf %get3A_3, %get3A_8 : vector<10240x64xf32>
    %get3A_9 = arith.constant 0 : index
    %get3A_10 = arith.constant 0 : index
    %get3A_11 = arith.constant 0 : index
    %get3A_12 = vector.load %arg1[%get3A_9, %get3A_10, %get3A_11] : memref<2x10240x16xf32, #tpu.memory_space<vmem>>, vector<1x10240x16xf32>
    %get3A_13 = vector.shape_cast %get3A_12 : vector<1x10240x16xf32> to vector<10240x16xf32>
    %get3A_14 = arith.constant 1 : index
    %get3A_15 = arith.constant 0 : index
    %get3A_16 = arith.constant 0 : index
    %get3A_17 = vector.load %arg1[%get3A_14, %get3A_15, %get3A_16] : memref<2x10240x16xf32, #tpu.memory_space<vmem>>, vector<1x10240x16xf32>
    %get3A_18 = vector.shape_cast %get3A_17 : vector<1x10240x16xf32> to vector<10240x16xf32>
    %add3A_19 = arith.addf %get3A_13, %get3A_18 : vector<10240x16xf32>
    %get3A_20 = arith.constant 0 : index
    %get3A_21 = arith.constant 0 : index
    %get3A_22 = vector.load %arg6[%get3A_20, %get3A_21] : memref<16x64xf32, #tpu.memory_space<vmem>>, vector<16x64xf32>
    %dot_general3A = arith.constant dense<0.000000e+00> : vector<10240x64xf32>
    %dot_general3A_23 = tpu.matmul %add3A_19, %get3A_22, %dot_general3A {dimension_numbers = #tpu.dot_dimension_numbers<[1], [0], [0], [1], [0, 0, 1, 1], [], []>, transpose_lhs_hint = false} : vector<10240x16xf32>, vector<16x64xf32>, vector<10240x64xf32> -> vector<10240x64xf32>
    %add3A_24 = arith.constant 1.000000e-16 : f32
    %add3A_25 = vector.broadcast %add3A_24 : f32 to vector<10240x64xf32>
    %add3A_26 = arith.addf %dot_general3A_23, %add3A_25 : vector<10240x64xf32>
    %div3A = arith.divf %add3A, %add3A_26 : vector<10240x64xf32>
    %get3A_27 = arith.constant 0 : index
    %get3A_28 = arith.constant 0 : index
    %get3A_29 = vector.load %arg2[%get3A_27, %get3A_28] : memref<1x64xf32, #tpu.memory_space<vmem>>, vector<1x64xf32>
    %add3A_30 = vector.broadcast %get3A_29 : vector<1x64xf32> to vector<10240x64xf32>
    %add3A_31 = arith.addf %div3A, %add3A_30 : vector<10240x64xf32>
    %gt3A = arith.constant 0.000000e+00 : f32
    %gt3A_32 = vector.broadcast %gt3A : f32 to vector<10240x64xf32>
    %gt3A_33 = arith.cmpf ogt, %add3A_31, %gt3A_32 : vector<10240x64xf32>
    %exp3A = math.exp %add3A_31 : vector<10240x64xf32>
    %sub3A = arith.constant 1.000000e+00 : f32
    %sub3A_34 = vector.broadcast %sub3A : f32 to vector<10240x64xf32>
    %sub3A_35 = arith.subf %exp3A, %sub3A_34 : vector<10240x64xf32>
    %select_n3A = arith.select %gt3A_33, %add3A_31, %sub3A_35 : vector<10240x64xi1>, vector<10240x64xf32>
    %get3A_36 = arith.constant 0 : index
    %get3A_37 = arith.constant 0 : index
    %get3A_38 = vector.load %arg3[%get3A_36, %get3A_37] : memref<64x16xf32, #tpu.memory_space<vmem>>, vector<64x16xf32>
    %dot_general3A_39 = arith.constant dense<0.000000e+00> : vector<10240x16xf32>
    %dot_general3A_40 = tpu.matmul %select_n3A, %get3A_38, %dot_general3A_39 {dimension_numbers = #tpu.dot_dimension_numbers<[1], [0], [0], [1], [0, 0, 1, 1], [], []>, transpose_lhs_hint = false} : vector<10240x64xf32>, vector<64x16xf32>, vector<10240x16xf32> -> vector<10240x16xf32>
    %swap3A = arith.constant 0 : index
    %swap3A_41 = arith.constant 0 : index
    %swap3A_42 = vector.load %arg7[%swap3A, %swap3A_41] : memref<10240x16xf32, #tpu.memory_space<vmem>>, vector<10240x16xf32>
    tpu.vector_store %arg7[%swap3A, %swap3A_41], %dot_general3A_40 {strides = array<i32>} : memref<10240x16xf32, #tpu.memory_space<vmem>>, vector<10240x16xf32>,
    %get3A_43 = arith.constant 0 : index
    %get3A_44 = arith.constant 0 : index
    %get3A_45 = vector.load %arg4[%get3A_43, %get3A_44] : memref<16x16xf32, #tpu.memory_space<vmem>>, vector<16x16xf32>
    %dot_general3A_46 = arith.constant dense<0.000000e+00> : vector<10240x16xf32>
    %dot_general3A_47 = tpu.matmul %dot_general3A_40, %get3A_45, %dot_general3A_46 {dimension_numbers = #tpu.dot_dimension_numbers<[1], [0], [0], [1], [0, 0, 1, 1], [], []>, transpose_lhs_hint = false} : vector<10240x16xf32>, vector<16x16xf32>, vector<10240x16xf32> -> vector<10240x16xf32>
    %swap3A_48 = arith.constant 0 : index
    %swap3A_49 = arith.constant 0 : index
    %swap3A_50 = vector.load %arg8[%swap3A_48, %swap3A_49] : memref<10240x16xf32, #tpu.memory_space<vmem>>, vector<10240x16xf32>
    tpu.vector_store %arg8[%swap3A_48, %swap3A_49], %dot_general3A_47 {strides = array<i32>} : memref<10240x16xf32, #tpu.memory_space<vmem>>, vector<10240x16xf32>,
    %get3A_51 = arith.constant 0 : index
    %get3A_52 = arith.constant 0 : index
    %get3A_53 = vector.load %arg5[%get3A_51, %get3A_52] : memref<16x16xf32, #tpu.memory_space<vmem>>, vector<16x16xf32>
    %dot_general3A_54 = arith.constant dense<0.000000e+00> : vector<10240x16xf32>
    %dot_general3A_55 = tpu.matmul %dot_general3A_40, %get3A_53, %dot_general3A_54 {dimension_numbers = #tpu.dot_dimension_numbers<[1], [0], [0], [1], [0, 0, 1, 1], [], []>, transpose_lhs_hint = false} : vector<10240x16xf32>, vector<16x16xf32>, vector<10240x16xf32> -> vector<10240x16xf32>
    %swap3A_56 = arith.constant 0 : index
    %swap3A_57 = arith.constant 0 : index
    %swap3A_58 = vector.load %arg9[%swap3A_56, %swap3A_57] : memref<10240x16xf32, #tpu.memory_space<vmem>>, vector<10240x16xf32>
    tpu.vector_store %arg9[%swap3A_56, %swap3A_57], %dot_general3A_55 {strides = array<i32>} : memref<10240x16xf32, #tpu.memory_space<vmem>>, vector<10240x16xf32>,
    return
  }
}

module attributes {stable_mosaic.version = 14 : i64} {
  func.func @body(%arg0: memref<2x10240x16xf32, #tpu.memory_space<vmem>>, %arg1: memref<2x10240x16xf32, #tpu.memory_space<vmem>>, %arg2: memref<1x16xf32, #tpu.memory_space<vmem>>, %arg3: memref<10240x16xf32, #tpu.memory_space<vmem>>) attributes {dimension_semantics = [], scalar_prefetch = 0 : i64, scratch_operands = 0 : i64, tpu.core_type = #tpu.core_type<tc>} {
    %get3A = arith.constant 0 : index
    %get3A_0 = arith.constant 0 : index
    %get3A_1 = arith.constant 0 : index
    %get3A_2 = vector.load %arg0[%get3A, %get3A_0, %get3A_1] : memref<2x10240x16xf32, #tpu.memory_space<vmem>>, vector<1x10240x16xf32>
    %get3A_3 = vector.shape_cast %get3A_2 : vector<1x10240x16xf32> to vector<10240x16xf32>
    %get3A_4 = arith.constant 1 : index
    %get3A_5 = arith.constant 0 : index
    %get3A_6 = arith.constant 0 : index
    %get3A_7 = vector.load %arg0[%get3A_4, %get3A_5, %get3A_6] : memref<2x10240x16xf32, #tpu.memory_space<vmem>>, vector<1x10240x16xf32>
    %get3A_8 = vector.shape_cast %get3A_7 : vector<1x10240x16xf32> to vector<10240x16xf32>
    %add3A = arith.addf %get3A_3, %get3A_8 : vector<10240x16xf32>
    %get3A_9 = arith.constant 0 : index
    %get3A_10 = arith.constant 0 : index
    %get3A_11 = arith.constant 0 : index
    %get3A_12 = vector.load %arg1[%get3A_9, %get3A_10, %get3A_11] : memref<2x10240x16xf32, #tpu.memory_space<vmem>>, vector<1x10240x16xf32>
    %get3A_13 = vector.shape_cast %get3A_12 : vector<1x10240x16xf32> to vector<10240x16xf32>
    %get3A_14 = arith.constant 1 : index
    %get3A_15 = arith.constant 0 : index
    %get3A_16 = arith.constant 0 : index
    %get3A_17 = vector.load %arg1[%get3A_14, %get3A_15, %get3A_16] : memref<2x10240x16xf32, #tpu.memory_space<vmem>>, vector<1x10240x16xf32>
    %get3A_18 = vector.shape_cast %get3A_17 : vector<1x10240x16xf32> to vector<10240x16xf32>
    %add3A_19 = arith.addf %get3A_13, %get3A_18 : vector<10240x16xf32>
    %add3A_20 = arith.constant 1.000000e-16 : f32
    %add3A_21 = vector.broadcast %add3A_20 : f32 to vector<10240x16xf32>
    %add3A_22 = arith.addf %add3A_19, %add3A_21 : vector<10240x16xf32>
    %div3A = arith.divf %add3A, %add3A_22 : vector<10240x16xf32>
    %get3A_23 = arith.constant 0 : index
    %get3A_24 = arith.constant 0 : index
    %get3A_25 = vector.load %arg2[%get3A_23, %get3A_24] : memref<1x16xf32, #tpu.memory_space<vmem>>, vector<1x16xf32>
    %add3A_26 = vector.broadcast %get3A_25 : vector<1x16xf32> to vector<10240x16xf32>
    %add3A_27 = arith.addf %div3A, %add3A_26 : vector<10240x16xf32>
    %reduce_max3A = arith.constant dense<0xFF800000> : vector<10240xf32>
    %reduce_max3A_28 = vector.multi_reduction <maximumf>, %add3A_27, %reduce_max3A [1] : vector<10240x16xf32> to vector<10240xf32>
    %broadcast_in_dim3A = vector.shape_cast %reduce_max3A_28 : vector<10240xf32> to vector<10240x1xf32>
    %sub3A = vector.broadcast %broadcast_in_dim3A : vector<10240x1xf32> to vector<10240x16xf32>
    %sub3A_29 = arith.subf %add3A_27, %sub3A : vector<10240x16xf32>
    %exp3A = math.exp %sub3A_29 : vector<10240x16xf32>
    %reduce_sum3A = arith.constant dense<0.000000e+00> : vector<10240xf32>
    %reduce_sum3A_30 = vector.multi_reduction <add>, %exp3A, %reduce_sum3A [1] : vector<10240x16xf32> to vector<10240xf32>
    %broadcast_in_dim3A_31 = vector.shape_cast %reduce_sum3A_30 : vector<10240xf32> to vector<10240x1xf32>
    %log3A = math.log %broadcast_in_dim3A_31 : vector<10240x1xf32>
    %add3A_32 = arith.addf %broadcast_in_dim3A, %log3A : vector<10240x1xf32>
    %sub3A_33 = vector.broadcast %add3A_32 : vector<10240x1xf32> to vector<10240x16xf32>
    %sub3A_34 = arith.subf %add3A_27, %sub3A_33 : vector<10240x16xf32>
    %swap3A = arith.constant 0 : index
    %swap3A_35 = arith.constant 0 : index
    %swap3A_36 = vector.load %arg3[%swap3A, %swap3A_35] : memref<10240x16xf32, #tpu.memory_space<vmem>>, vector<10240x16xf32>
    tpu.vector_store %arg3[%swap3A, %swap3A_35], %sub3A_34 {strides = array<i32>} : memref<10240x16xf32, #tpu.memory_space<vmem>>, vector<10240x16xf32>,
    return
  }
}

</mosaic_0001>

<sc_bundles>
// kernel: kernel.10.cloned.1.call-start
scs
__scs_entry_jumppad:
0x0: {  	(pc) =	sbr.rel $0x88, $3  }
0x1: {  	(tag) =	ssettag $0x0;
	lr =	simm.s32 $0x1  }
0x2: {  	[smem:$0x3F97] =	sst lr;
	_ =	strace $0xD0000000  }
0x3: {  	_ = 	snop  }
0x4: {  	_ = 	snop  }
0x5: {  	_ = 	snop  }
0x6: {  	_ = 	snop  }
0x7: {  	_ = 	snop  }
__scs_overlays_trampoline_lowered:
0x8: {  	[smem:$0x3FA6] =	sst s0  }
0x9: {  	[smem:$0x3FA7] =	sst s1  }
0xa: {  	[smem:$0x3FA8] =	sst s2  }
0xb: {  	[smem:$0x3FA9] =	sst s3  }
0xc: {  	[smem:$0x3FAA] =	sst s4  }
0xd: {  	[smem:$0x3FAB] =	sst s5  }
0xe: {  	[smem:$0x3FAC] =	sst s6  }
0xf: {  	[smem:$0x3FAD] =	sst s7  }
0x10: {  	[smem:$0x3FAE] =	sst s8  }
0x11: {  	[smem:$0x3FAF] =	sst s9;
	s0 =	simm.s32 @!p0 $0x0  }
0x12: {  	s1 =	sld [smem:$0x3F95];
	s0 =	simm.s32 @p0 $0x1  }
0x13: {  	[smem:$0x3FB0] =	sst s0;
	s0 =	simm.s32 @!p1 $0x0  }
0x14: {  	s2 =	sld [smem:$0x3F94];
	s0 =	simm.s32 @p1 $0x1  }
0x15: {  	[smem:$0x3FB1] =	sst s0;
	s0 =	simm.s32 @!p2 $0x0  }
0x16: {  	s3 =	sld [smem:$0x3FDB];
	s0 =	simm.s32 @p2 $0x1  }
0x17: {  	s4 =	simm.s32 $0x1BF5;
	[smem:$0x3FB3] =	sst s0  }
0x18: {  	s0 =	sld [smem:$0x3F96];
	_ =	swait.ge [sflag:s4], $0x0  }
0x19: {  	s7 =	sld [smem:$0x3F97]  }
0x1a: {  	s8 =	sadd.s32 $0xFFFFE003, lr  }
0x1b: {  	s9 =	sadd.s32 $0xFFFFFEF7, lr;
	s5 =	simm.s32 $0xFFFFFFFF;
	p2 =	slt.u32 s8, $0xFFFFF086  }
0x1c: {  	p1 =	slt.u32 s9, $0xF7A;
	s5 =	simm.s32 @!p2 $0x0  }
0x1d: {  	s5 =	simm.s32 @p1 $0x1;
	p0 =	seq.s32 s7, s2  }
0x1e: {  	s7 =	smul.u32 @!p0 $0xF7A, s2;
	p2 =	seq.s32 @!p0 s5, $0x0  }
0x1f: {  	s9 =	smul.u32 $0xF7A, s1;
	s8 =	simm.s32 @!p0 $0x1BF5;
	p2 =	por !p2, p0  }
0x20: {  	[sflag:s8] =	ssyncset.s32 @!p0 $0xFFFFF086;
	s6 =	sadd.s32 @!p0 s3, s7;
	s7 =	simm.s32 @!p0 $0x108  }
0x21: {  	s3 =	sadd.s32 s3, s9;
	s6 =	sadd.s32 @!p0 $0x88, s6;
	s7 =	simm.s32 @p2 $0x1082  }
0x22: {  	[simem:s7], [sflag:s8] =	dma.local @!p0 [hbm:s6], $0xF7A  }
0x23: {  	s9 =	sor.u32 $0xD0000000, s2;
	s6 =	simm.s32 $0x108;
	_ =	swait.ge @!p0 [sflag:s8], $0x0  }
0x24: {  	s3 =	sadd.s32 $0x88, s3;
	s6 =	simm.s32 @!p1 $0x1082;
	[sflag:s4] =	ssyncset.s32 $0xFFFFF086  }
0x25: {  	[simem:s6], [sflag:s4] =	dma.local [hbm:s3], $0xF7A  }
0x26: {  	[smem:$0x3F97] =	sst s1;
	(tag) =	ssettag s2;
	_ =	strace s9  }
0x27: {  	s1 =	sld [smem:$0x3FA7]  }
0x28: {  	s2 =	sld [smem:$0x3FA8]  }
0x29: {  	s4 =	sld [smem:$0x3FAA]  }
0x2a: {  	p0 =	seq.s32 s5, $0x0;
	s5 =	sld [smem:$0x3FAB]  }
0x2b: {  	s6 =	sld [smem:$0x3FAC]  }
0x2c: {  	s7 =	sld [smem:$0x3FAD]  }
0x2d: {  	s3 =	simm.s32 $0x108;
	s8 =	sld [smem:$0x3FAE]  }
0x2e: {  	s3 =	simm.s32 @!p0 $0x1082;
	s9 =	sld [smem:$0x3FAF]  }
0x2f: {  	lr =	sadd.s32 s0, s3;
	s0 =	sld [smem:$0x3FA6]  }
0x30: {  	s3 =	sld [smem:$0x3FA9]  }
0x31: {  	[smem:$0x3FB2] =	sst s10  }
0x32: {  	s10 =	sld [smem:$0x3FB0];
	_ =	sdelay $0x3  }
0x33: {  	p0 =	seq.s32 s10, $0x1;
	s10 =	sld [smem:$0x3FB2];
	_ =	sdelay $0x3  }
0x34: {  	[smem:$0x3FB2] =	sst s10  }
0x35: {  	s10 =	sld [smem:$0x3FB1];
	_ =	sdelay $0x3  }
0x36: {  	p1 =	seq.s32 s10, $0x1;
	s10 =	sld [smem:$0x3FB2];
	_ =	sdelay $0x3  }
0x37: {  	[smem:$0x3FB2] =	sst s10  }
0x38: {  	s10 =	sld [smem:$0x3FB3]  }
0x39: {  	_ = 	snop;
	(pc) =	sbr.ind lr, $3  }
0x3a: {  	_ = 	snop  }
0x3b: {  	_ = 	snop  }
0x3c: {  	p2 =	seq.s32 s10, $0x1;
	s10 =	sld [smem:$0x3FB2]  }
0x3d: {  	_ =	shalt  }
0x3e: {  	_ =	shalt  }
0x3f: {  	_ =	shalt  }
0x40: {  	_ =	shalt  }
0x41: {  	_ =	shalt  }
0x42: {  	_ =	shalt  }
0x43: {  	_ =	shalt  }
0x44: {  	_ =	shalt  }
0x45: {  	_ =	shalt  }
0x46: {  	_ =	shalt  }
0x47: {  	_ =	shalt  }
0x48: {  	_ =	shalt  }
0x49: {  	_ =	shalt  }
0x4a: {  	_ =	shalt  }
0x4b: {  	_ =	shalt  }
0x4c: {  	_ =	shalt  }
0x4d: {  	_ =	shalt  }
0x4e: {  	_ =	shalt  }
0x4f: {  	_ =	shalt  }
0x50: {  	_ =	shalt  }
0x51: {  	_ =	shalt  }
0x52: {  	_ =	shalt  }
0x53: {  	_ =	shalt  }
0x54: {  	_ =	shalt  }
0x55: {  	_ =	shalt  }
0x56: {  	_ =	shalt  }
0x57: {  	_ =	shalt  }
0x58: {  	_ =	shalt  }
0x59: {  	_ =	shalt  }
0x5a: {  	_ =	shalt  }
0x5b: {  	_ =	shalt  }
0x5c: {  	_ =	shalt  }
0x5d: {  	_ =	shalt  }
0x5e: {  	_ =	shalt  }
0x5f: {  	_ =	shalt  }
0x60: {  	_ =	shalt  }
0x61: {  	_ =	shalt  }
0x62: {  	_ =	shalt  }
0x63: {  	_ =	shalt  }
0x64: {  	_ =	shalt  }
0x65: {  	_ =	shalt  }
0x66: {  	_ =	shalt  }
0x67: {  	_ =	shalt  }
0x68: {  	_ =	shalt  }
0x69: {  	_ =	shalt  }
0x6a: {  	_ =	shalt  }
0x6b: {  	_ =	shalt  }
0x6c: {  	_ =	shalt  }
0x6d: {  	_ =	shalt  }
0x6e: {  	_ =	shalt  }
0x6f: {  	_ =	shalt  }
0x70: {  	_ =	shalt  }
0x71: {  	_ =	shalt  }
0x72: {  	_ =	shalt  }
0x73: {  	_ =	shalt  }
0x74: {  	_ =	shalt  }
0x75: {  	_ =	shalt  }
0x76: {  	_ =	shalt  }
0x77: {  	_ =	shalt  }
0x78: {  	_ =	shalt  }
0x79: {  	_ =	shalt  }
0x7a: {  	_ =	shalt  }
0x7b: {  	_ =	shalt  }
0x7c: {  	_ =	shalt  }
0x7d: {  	_ =	shalt  }
0x7e: {  	_ =	shalt  }
0x7f: {  	_ =	shalt  }
0x80: {  	_ =	shalt  }
0x81: {  	_ =	shalt  }
0x82: {  	_ =	shalt  }
0x83: {  	_ =	shalt  }
0x84: {  	_ =	shalt  }
0x85: {  	_ =	shalt  }
0x86: {  	_ =	shalt  }
0x87: {  	_ =	shalt  }
.Lfunc_end0:
.L_simem_size_0:
called_computation.1_lowered:
.L_overlay_start_0:
0x88: {  	s2 =	sld [smem:$0x3FD9]  }
0x89: {  	s3 =	sld [smem:$0x3FFE];
	_ =	sdelay $0x1  }
0x8a: {  	s1 =	srdreg.scid  }
0x8b: {  	s0 =	sand.u32 $0x1, s1  }
0x8c: {  	s16 =	sshll.u32 s0, $0xA;
	s2 =	sadd.s32 s3, s2  }
0x8d: {  	s2 =	sadd.s32 s2, s16  }
0x8e: {  	[smem:$0x3FBE] =	sst s2  }
0x8f: {  	_ = 	snop  }
0x90: {  	(tm) =	ssettm $0x1  }
0x91: {  	s17 =	sld [smem:$0x3FFB];
	_ =	sdelay $0x3  }
0x92: {  	_ =	strace s17  }
0x93: {  	s2 =	sld [smem:$0x3FFC];
	_ =	sdelay $0x3  }
0x94: {  	_ =	strace s2  }
0x95: {  	s2 =	sld [smem:$0x3FFD];
	_ =	sdelay $0x3  }
0x96: {  	_ =	strace s2  }
0x97: {  	_ =	strace $0x8FFFFFFF  }
0x98: {  	s18 =	sld [smem:$0x3FDB];
	_ =	sdelay $0x1  }
0x99: {  	s19 =	simm.s32 $_scs_section_size  }
0x9a: {  	s4 =	simm.s32 $_size__tile_overlayer_lowered;
	s5 =	simm.s32 $_tile_overlayer_lowered  }
0x9b: {  	s22 =	simm.s32 $0x1BFF;
	s21 =	sshll.u32 s5, $0x1;
	s2 =	sadd.s32 s19, s18  }
0x9c: {  	s6 =	simm.s32 $0x0;
	s20 =	sshll.u32 s4, $0x1;
	s4 =	sadd.s32 s21, s2  }
0x9d: {  	[timem:s6], [sflag:s22] =	dma.local [hbm:s4], s20  }
0x9e: {  	_ =	swait.ge [sflag:s22], s20  }
0x9f: {  	s3 =	ssub.s32 $0x0, s20;
	[sflag:s22] =	ssyncset.done $0x0  }
0xa0: {  	[sflag:s22] =	ssyncadd.s32 s3;
	_ =	sdelay $0x1  }
0xa1: {  	s23 =	simm.s32 $0x1B8B  }
0xa2: {  	_ =	swait.ge [sflag:s23], $0x1  }
0xa3: {  	[sflag:s23] =	ssyncset.done $0x0  }
0xa4: {  	s25 =	simm.s32 $0x1B8E;
	s24 =	sld [smem:$0x3FFE];
	[sflag:s23] =	ssyncadd.s32 $0xFFFFFFFF  }
0xa5: {  	s26 =	simm.s32 $execute0_lowered;
	[smem:$0x3FD2] =	sst s25  }
0xa6: {  	s4 =	sshll.u32 s26, $0x1;
	_ =	strace $0x80000049;
	[dreg:$0x1] =	wrdreg $0xFFFFFFFF  }
0xa7: {  	s28 =	simm.s32 $_size_execute0_lowered;
	s2 =	sadd.s32 s2, s4;
	[dreg:$0x0] =	wrdreg $0x0  }
0xa8: {  	s4 =	sshll.u32 s28, $0x1;
	[dreg:$0x2] =	wrdreg s2  }
0xa9: {  	[dreg:$0x3] =	wrdreg s4  }
0xaa: {  	[dreg:$0x4] =	wrdreg $0xC0  }
0xab: {  	_ =	task [dreg:s6], $0x5FFFF  }
0xac: {  	[dreg:$0x1] =	wrdreg $0xFFFFFFFF  }
0xad: {  	[dreg:$0x0] =	wrdreg $0x60  }
0xae: {  	[dreg:$0x2] =	wrdreg s24  }
0xaf: {  	[dreg:$0x3] =	wrdreg $0x96000  }
0xb0: {  	[dreg:$0x4] =	wrdreg $0xBE000  }
0xb1: {  	[dreg:$0x5] =	wrdreg $0x9  }
0xb2: {  	_ =	task.clear_ibuf [dreg:s6], $0x6FFFF;
	_ =	strace $0x90000049  }
0xb3: {  	s29 =	simm.s32 $0x9;
	_ =	strace $0x8000004B  }
0xb4: {  	_ =	swait.ge [sflag:s29], $0x1  }
0xb5: {  	[sflag:s29] =	ssyncadd.s32 $0xFFFFFFFF  }
0xb6: {  	_ =	strace $0x9000004B  }
0xb7: {  	_ =	sfence  }
0xb8: {  	s30 =	sld [smem:$0x0];
	_ =	sdelay $0x2  }
0xb9: {  	s31 =	sshll.u32 s1, $0xD;
	s1 =	sshrl.u32 s1, $0x2  }
0xba: {  	s3 =	sand.u32 $0x4000, s31;
	s1 =	sadd.s32 s1, s30  }
0xbb: {  	s0 =	sor.u32 s3, s0;
	s1 =	sshll.u32 s1, $0x11  }
0xbc: {  	s0 =	sor.u32 s1, s0  }
0xbd: {  	s0 =	sadd.s32 $0x8F2B, s0  }
0xbe: {  	[sflag:s0] =	ssyncadd.remote.s32 $0x1  }
0xbf: {  	_ =	sfence.sel $0xFFFF  }
0xc0: {  	[dreg:$0x0] =	wrdreg $0xFFFFFFFF;
	(pc) =	sbr.abs _section_cstart, $3  }
0xc1: {  	[dreg:$0x1] =	wrdreg $0xFFFFFFFF  }
0xc2: {  	_ =	task.clear_ibuf [dreg:s6], $0x2FFFF;
	_ =	strace $0x9FFFFFFF  }
0xc3: {  	(tm) =	ssettm $0x7FFFFFFF  }
tec
execute0_lowered:
.L_overlay_start_1:
0x0: {  	(tag) =	ssettag $0x1  }
0x1: {  	s0 =	rddreg [dreg:$0x0]  }
0x2: {  	s1 =	rddreg [dreg:$0x1]  }
0x3: {  	s2 =	rddreg [dreg:$0x2];
	s3 =	simm.s32 $0x0;
	s23 =	srdreg.scid  }
0x4: {  	s10 =	stileid.u32;
	s29 =	simm.s32 $0x7600;
	s30 =	simm.s32 $0x4380  }
0x5: {  	s28 =	simm.s32 $0x4580;
	s31 =	simm.s32 $0x6E00;
	[smem:$0x7FF] =	sst s3  }
0x6: {  	s5 =	sadd.s32 $0xC600, s0;
	s4 =	sadd.s32 $0x2F600, s0;
	s3 =	sand.u32 $0x1, s23  }
0x7: {  	s8 =	smul.u32 $0x2800, s10;
	s24 =	sadd.s32 $0x25600, s0;
	_ =	strace $0x8000004A  }
0x8: {  	s6 =	ssub.s32 $0x2, s3;
	s7 =	sshll.u32 s3, $0x4;
	s3 =	smul.u32 $0x28000, s3  }
0x9: {  	s9 =	sshrl.u32 s6, $0x1;
	s7 =	sor.u32 s10, s7;
	s11 =	sadd.s32 $0x800, s8  }
0xa: {  	s12 =	sadd.s32 $0x1000, s8;
	s14 =	sadd.s32 $0x1800, s8;
	s20 =	sadd.s32 $0x2000, s8  }
0xb: {  	s10 =	sadd.s32 s8, s1;
	s6 =	ssub.s32 s6, s9;
	s25 =	smul.u32 $0x500, s7  }
0xc: {  	s13 =	sadd.s32 s3, s8;
	s15 =	sadd.s32 s3, s11;
	s17 =	sadd.s32 s3, s14  }
0xd: {  	s22 =	smul.u32 $0x50, s7;
	s9 =	sadd.s32 s12, s1;
	[dreg:$0x13] =	wrdreg s10  }
0xe: {  	s13 =	sshrl.u32 s13, $0x3;
	s7 =	smax.u32 s6, $0x1;
	[dreg:$0x17] =	wrdreg s9  }
0xf: {  	s15 =	sshrl.u32 s15, $0x3;
	s16 =	sadd.s32 s4, s13;
	[dreg:$0x12] =	wrdreg s7  }
0x10: {  	s6 =	simm.s32 $0x7E00;
	s13 =	sadd.s32 s24, s13;
	[dreg:$0x4] =	wrdreg s16  }
0x11: {  	s26 =	sadd.s32 s4, s15;
	s15 =	sadd.s32 s24, s15;
	[dreg:$0x5] =	wrdreg s13  }
0x12: {  	s23 =	sor.u32 $0x20, s25;
	s7 =	simm.s32 $0x1;
	[dreg:$0x6] =	wrdreg s26  }
0x13: {  	[dreg:$0x7] =	wrdreg s15;
	s15 =	sshrl.u32 s17, $0x3;
	s26 =	sadd.s32 s5, s23  }
0x14: {  	s16 =	sadd.s32 s3, s12;
	s19 =	sadd.s32 s4, s15;
	[dreg:$0x10] =	wrdreg s26  }
0x15: {  	s21 =	sadd.s32 s24, s15;
	s15 =	sadd.s32 s11, s1;
	[dreg:$0xa] =	wrdreg s19  }
0x16: {  	s26 =	sadd.s32 s11, s2;
	s11 =	sadd.s32 s12, s2;
	[dreg:$0xb] =	wrdreg s21  }
0x17: {  	s3 =	sadd.s32 s3, s20;
	s12 =	sadd.s32 s14, s1;
	[dreg:$0x18] =	wrdreg s11  }
0x18: {  	s17 =	sadd.s32 $0x16600, s0;
	s13 =	sshrl.u32 s16, $0x3;
	[dreg:$0x19] =	wrdreg s12  }
0x19: {  	s3 =	sshrl.u32 s3, $0x3;
	s16 =	sadd.s32 $0x2600, s0;
	[dreg:$0x15] =	wrdreg s15  }
0x1a: {  	s18 =	sadd.s32 s4, s13;
	s13 =	sadd.s32 s24, s13;
	[dreg:$0x16] =	wrdreg s26  }
0x1b: {  	s4 =	sadd.s32 s4, s3;
	s3 =	sadd.s32 s24, s3;
	[dreg:$0x8] =	wrdreg s18  }
0x1c: {  	s19 =	sadd.s32 $0x20600, s0;
	s24 =	sadd.s32 s5, s25;
	[dreg:$0x9] =	wrdreg s13  }
0x1d: {  	s25 =	sadd.s32 s16, s25;
	s21 =	sadd.s32 s14, s2;
	[dreg:$0xc] =	wrdreg s4  }
0x1e: {  	s12 =	simm.s32 $0x4300;
	s14 =	simm.s32 $0x80;
	[dreg:$0xd] =	wrdreg s3  }
0x1f: {  	s11 =	simm.s32 $0x280;
	s18 =	sadd.s32 $0x1B600, s0;
	[dreg:$0xe] =	wrdreg s24  }
0x20: {  	[dreg:$0xf] =	wrdreg s25;
	s3 =	sadd.s32 s16, s23;
	s24 =	sor.u32 $0x4, s22  }
0x21: {  	s25 =	sor.u32 $0x6, s22;
	s13 =	sadd.s32 s8, s2;
	[dreg:$0x1a] =	wrdreg s21  }
0x22: {  	s22 =	sadd.s32 s20, s1;
	s23 =	sadd.s32 s20, s2;
	[dreg:$0x11] =	wrdreg s3  }
0x23: {  	s8 =	simm.s32 $0x200;
	s21 =	simm.s32 $0x2;
	[dreg:$0x1b] =	wrdreg s22  }
0x24: {  	s4 =	simm.s32 $0x0;
	[dreg:$0x1c] =	wrdreg s23;
	s22 =	simm.s32 $0x7  }
0x25: {  	v0 =	vimm.f32 $0.0e+00;
	s3 =	simm.s32 $0x5;
	s23 =	simm.s32 $0x4500;
	[dreg:$0x14] =	wrdreg s13  }
.LBB2_1:
0x26: {  	[dreg:$0x1d] =	wrdreg s4;
	s0 =	simm.s32 $0x40;
	s4 =	simm.s32 $0x0  }
.LBB2_2:
0x27: {  	p0 =	sne.s32 s0, $0x1FC0;
	[tilespmem:s4+$0x8600] =	vst v0;
	s9 =	smov.u32 s0;
	s0 =	sadd.s32 $0x40, s0  }
.Ltmp0:
0x28: {  	[tilespmem:s4+$0x8E00] =	vst v0;
	(pc) =	sbr.rel @p0 .LBB2_2-.Ltmp0, $2  }
0x29: {  	_ =	sdelay $0x2  }
0x2a: {  	s4 =	sshra.s32 s9, $0x2  }
0x2b: {  	[tilespmem:s4+$0x8600] =	vst v0  }
0x2c: {  	[tilespmem:s4+$0x8E00] =	vst v0;
	s0 =	simm.s32 $0x0;
	s9 =	rddreg [dreg:$0xe]  }
0x2d: {  	[tilespmem:s0], [sflag:$0x3] =	stream.linear.gather [hbm4b:s9+s0], $0x100, $0x38;
	[tilespmem:$0xE600] =	vst v63  }
0x2e: {  	s20 =	rddreg [dreg:$0xf];
	s9 =	simm.s32 $0x100  }
0x2f: {  	[tilespmem:s9], [sflag:$0x3] =	stream.linear.gather [hbm4b:s20+s0], $0x100, $0x38;
	[tilespmem:$0xE600] =	vst v63  }
0x30: {  	s20 =	simm.s32 $0x3  }
0x31: {  	_ =	swait.ge [sflag:s20], $0x100  }
0x32: {  	[sflag:s20] =	ssyncset.done $0x0  }
0x33: {  	[sflag:s20] =	ssyncadd.s32 $0xFFFFFF00  }
0x34: {  	_ =	swait.ge [sflag:s20], $0x100  }
0x35: {  	[sflag:s20] =	ssyncset.done $0x0  }
0x36: {  	[sflag:s20] =	ssyncadd.s32 $0xFFFFFF00;
	s20 =	rddreg [dreg:$0x10]  }
0x37: {  	[tilespmem:s12], [sflag:$0x4] =	stream.linear.gather [hbm4b:s20+s0], $0x100, $0x38;
	[tilespmem:$0xE600] =	vst v63  }
0x38: {  	s4 =	rddreg [dreg:$0x11];
	s20 =	simm.s32 $0x4400  }
0x39: {  	[tilespmem:s20], [sflag:$0x4] =	stream.linear.gather [hbm4b:s4+s0], $0x100, $0x38;
	[tilespmem:$0xE600] =	vst v63  }
0x3a: {  	s20 =	simm.s32 $0x300  }
0x3b: {  	[tilespmem:s20], [sflag:$0x1] =	stream.indirect.gather [hbm4b:s18+s14], $0x10, s0, s14, $0xb8;
	[tilespmem:$0xE600] =	vst v63  }
0x3c: {  	s20 =	simm.s32 $0x1300  }
0x3d: {  	[tilespmem:s20], [sflag:$0x1] =	stream.indirect.gather [hbm4b:s19+s14], $0x10, s9, s14, $0xb8;
	[tilespmem:$0xE600] =	vst v63  }
0x3e: {  	s20 =	simm.s32 $0x3300  }
0x3f: {  	[tilespmem:s20], [sflag:$0x1] =	stream.indirect.gather [hbm4b:s17+s14], $0x10, s0, s14, $0xb8;
	[tilespmem:$0xE600] =	vst v63  }
0x40: {  	s9 =	simm.s32 $0xB00  }
0x41: {  	[tilespmem:s9], [sflag:$0x1] =	stream.indirect.gather [hbm4b:s18+s14], $0x10, s14, s14, $0xb8;
	[tilespmem:$0xE600] =	vst v63  }
0x42: {  	s4 =	simm.s32 $0x180;
	s9 =	simm.s32 $0x1B00  }
0x43: {  	[tilespmem:s9], [sflag:$0x1] =	stream.indirect.gather [hbm4b:s19+s14], $0x10, s4, s14, $0xb8;
	[tilespmem:$0xE600] =	vst v63  }
0x44: {  	s9 =	simm.s32 $0x3B00  }
0x45: {  	[tilespmem:s9], [sflag:$0x1] =	stream.indirect.gather [hbm4b:s17+s14], $0x10, s14, s14, $0xb8;
	[tilespmem:$0xE600] =	vst v63  }
0x46: {  	s9 =	simm.s32 $0x8600  }
0x47: {  	[spmem:s10] =	stream.linear.scatter [tilespmem:s9], [sflag:$0x7], $0x800, $0x38;
	[tilespmem:$0xE600] =	vst v63  }
0x48: {  	_ =	swait.ge [sflag:s22], $0x800  }
0x49: {  	[sflag:s22] =	ssyncset.done $0x0  }
0x4a: {  	s10 =	simm.s32 $0x8E00;
	[sflag:s22] =	ssyncadd.s32 $0xFFFFF800  }
0x4b: {  	[spmem:s13] =	stream.linear.scatter [tilespmem:s10], [sflag:$0x7], $0x800, $0x38;
	[tilespmem:$0xE600] =	vst v63  }
0x4c: {  	_ =	swait.ge [sflag:s22], $0x800  }
0x4d: {  	[sflag:s22] =	ssyncset.done $0x0  }
0x4e: {  	[sflag:s22] =	ssyncadd.s32 $0xFFFFF800  }
0x4f: {  	[spmem:s15] =	stream.linear.scatter [tilespmem:s9], [sflag:$0x7], $0x800, $0x38;
	[tilespmem:$0xE600] =	vst v63  }
0x50: {  	_ =	swait.ge [sflag:s22], $0x800  }
0x51: {  	[sflag:s22] =	ssyncset.done $0x0  }
0x52: {  	[sflag:s22] =	ssyncadd.s32 $0xFFFFF800  }
0x53: {  	[spmem:s26] =	stream.linear.scatter [tilespmem:s10], [sflag:$0x7], $0x800, $0x38;
	[tilespmem:$0xE600] =	vst v63  }
0x54: {  	_ =	swait.ge [sflag:s22], $0x800  }
0x55: {  	[sflag:s22] =	ssyncset.done $0x0  }
0x56: {  	s26 =	rddreg [dreg:$0x17];
	[sflag:s22] =	ssyncadd.s32 $0xFFFFF800  }
0x57: {  	[spmem:s26] =	stream.linear.scatter [tilespmem:s9], [sflag:$0x7], $0x800, $0x38;
	[tilespmem:$0xE600] =	vst v63  }
0x58: {  	_ =	swait.ge [sflag:s22], $0x800  }
0x59: {  	[sflag:s22] =	ssyncset.done $0x0  }
0x5a: {  	s13 =	rddreg [dreg:$0x18];
	[sflag:s22] =	ssyncadd.s32 $0xFFFFF800  }
0x5b: {  	[spmem:s13] =	stream.linear.scatter [tilespmem:s10], [sflag:$0x7], $0x800, $0x38;
	[tilespmem:$0xE600] =	vst v63  }
0x5c: {  	_ =	swait.ge [sflag:s22], $0x800  }
0x5d: {  	[sflag:s22] =	ssyncset.done $0x0  }
0x5e: {  	s15 =	rddreg [dreg:$0x19];
	[sflag:s22] =	ssyncadd.s32 $0xFFFFF800  }
0x5f: {  	[spmem:s15] =	stream.linear.scatter [tilespmem:s9], [sflag:$0x7], $0x800, $0x38;
	[tilespmem:$0xE600] =	vst v63  }
0x60: {  	_ =	swait.ge [sflag:s22], $0x800  }
0x61: {  	[sflag:s22] =	ssyncset.done $0x0  }
0x62: {  	s26 =	rddreg [dreg:$0x1a];
	[sflag:s22] =	ssyncadd.s32 $0xFFFFF800  }
0x63: {  	[spmem:s26] =	stream.linear.scatter [tilespmem:s10], [sflag:$0x7], $0x800, $0x38;
	[tilespmem:$0xE600] =	vst v63  }
0x64: {  	_ =	swait.ge [sflag:s22], $0x800  }
0x65: {  	[sflag:s22] =	ssyncset.done $0x0  }
0x66: {  	s13 =	rddreg [dreg:$0x1b];
	[sflag:s22] =	ssyncadd.s32 $0xFFFFF800  }
0x67: {  	[spmem:s13] =	stream.linear.scatter [tilespmem:s9], [sflag:$0x7], $0x800, $0x38;
	[tilespmem:$0xE600] =	vst v63  }
0x68: {  	_ =	swait.ge [sflag:s22], $0x800  }
0x69: {  	[sflag:s22] =	ssyncset.done $0x0  }
0x6a: {  	s15 =	rddreg [dreg:$0x1c];
	[sflag:s22] =	ssyncadd.s32 $0xFFFFF800  }
0x6b: {  	[spmem:s15] =	stream.linear.scatter [tilespmem:s10], [sflag:$0x7], $0x800, $0x38;
	[tilespmem:$0xE600] =	vst v63  }
0x6c: {  	_ =	swait.ge [sflag:s22], $0x800  }
0x6d: {  	[sflag:s22] =	ssyncset.done $0x0  }
0x6e: {  	s26 =	simm.s32 $0x4;
	[sflag:s22] =	ssyncadd.s32 $0xFFFFF800  }
0x6f: {  	_ =	swait.ge [sflag:s26], $0x100  }
0x70: {  	[sflag:s26] =	ssyncset.done $0x0  }
0x71: {  	[sflag:s26] =	ssyncadd.s32 $0xFFFFFF00  }
0x72: {  	_ =	swait.ge [sflag:s26], $0x100  }
0x73: {  	[sflag:s26] =	ssyncset.done $0x0  }
0x74: {  	[sflag:s26] =	ssyncadd.s32 $0xFFFFFF00  }
0x75: {  	[bflag:$0x0] =	sbarrier.arrive $0xFFFF  }
.LBB2_4:
0x76: {  	p0 =	seq.s32 s0, $0x0  }
0x77: {  	s4 =	simm.s32 @!p0 $0x6  }
0x78: {  	_ =	swait.ge @!p0 [sflag:s4], $0x800  }
0x79: {  	[sflag:s4] =	ssyncset.done @!p0 $0x0  }
0x7a: {  	[sflag:s4] =	ssyncadd.s32 @!p0 $0xFFFFF800  }
0x7b: {  	_ =	swait.ge @!p0 [sflag:s4], $0x800  }
0x7c: {  	[sflag:s4] =	ssyncset.done @!p0 $0x0  }
0x7d: {  	[sflag:s4] =	ssyncadd.s32 @!p0 $0xFFFFF800  }
0x7e: {  	_ =	swait.ge @!p0 [sflag:s4], $0x800  }
0x7f: {  	[sflag:s4] =	ssyncset.done @!p0 $0x0  }
0x80: {  	[sflag:s4] =	ssyncadd.s32 @!p0 $0xFFFFF800  }
0x81: {  	_ =	swait.ge @!p0 [sflag:s4], $0x800  }
0x82: {  	[sflag:s4] =	ssyncset.done @!p0 $0x0  }
0x83: {  	[sflag:s4] =	ssyncadd.s32 @!p0 $0xFFFFF800;
	s4 =	simm.s32 @!p0 $0x4  }
0x84: {  	_ =	swait.ge @!p0 [sflag:s4], $0x100  }
0x85: {  	[sflag:s4] =	ssyncset.done @!p0 $0x0  }
0x86: {  	[sflag:s4] =	ssyncadd.s32 @!p0 $0xFFFFFF00  }
0x87: {  	_ =	swait.ge @!p0 [sflag:s4], $0x100  }
0x88: {  	[sflag:s4] =	ssyncset.done @!p0 $0x0  }
0x89: {  	s9 =	simm.s32 $0x4600;
	[sflag:s4] =	ssyncadd.s32 @!p0 $0xFFFFFF00  }
0x8a: {  	[tilespmem:s9], [sflag:$0x2] =	stream.indirect.gather [hbm4b:s18+s14], $0x10, s12, s14, $0xb8;
	[tilespmem:$0xE600] =	vst v63  }
0x8b: {  	s10 =	simm.s32 $0x4400;
	s9 =	simm.s32 $0x5600  }
0x8c: {  	[tilespmem:s9], [sflag:$0x2] =	stream.indirect.gather [hbm4b:s19+s14], $0x10, s10, s14, $0xb8;
	[tilespmem:$0xE600] =	vst v63  }
0x8d: {  	_ = 	snop  }
0x8e: {  	[tilespmem:s29], [sflag:$0x2] =	stream.indirect.gather [hbm4b:s17+s14], $0x10, s12, s14, $0xb8;
	[tilespmem:$0xE600] =	vst v63  }
0x8f: {  	s13 =	simm.s32 $0x4E00  }
0x90: {  	[tilespmem:s13], [sflag:$0x2] =	stream.indirect.gather [hbm4b:s18+s14], $0x10, s30, s14, $0xb8;
	[tilespmem:$0xE600] =	vst v63  }
0x91: {  	s15 =	simm.s32 $0x4480;
	s26 =	simm.s32 $0x5E00  }
0x92: {  	[tilespmem:s26], [sflag:$0x2] =	stream.indirect.gather [hbm4b:s19+s14], $0x10, s15, s14, $0xb8;
	[tilespmem:$0xE600] =	vst v63  }
0x93: {  	_ = 	snop  }
0x94: {  	[tilespmem:s6], [sflag:$0x2] =	stream.indirect.gather [hbm4b:s17+s14], $0x10, s30, s14, $0xb8;
	[tilespmem:$0xE600] =	vst v63  }
0x95: {  	_ =	swait.ge [sflag:s7], $0x800  }
0x96: {  	[sflag:s7] =	ssyncset.done $0x0  }
0x97: {  	[sflag:s7] =	ssyncadd.s32 $0xFFFFF800  }
0x98: {  	_ =	swait.ge [sflag:s7], $0x800  }
0x99: {  	[sflag:s7] =	ssyncset.done $0x0  }
0x9a: {  	[sflag:s7] =	ssyncadd.s32 $0xFFFFF800  }
0x9b: {  	_ =	swait.ge [sflag:s7], $0x800  }
0x9c: {  	[sflag:s7] =	ssyncset.done $0x0  }
0x9d: {  	[sflag:s7] =	ssyncadd.s32 $0xFFFFF800  }
0x9e: {  	_ =	swait.ge [sflag:s7], $0x800  }
0x9f: {  	[sflag:s7] =	ssyncset.done $0x0  }
0xa0: {  	[sflag:s7] =	ssyncadd.s32 $0xFFFFF800  }
0xa1: {  	_ =	swait.ge [sflag:s7], $0x800  }
0xa2: {  	[sflag:s7] =	ssyncset.done $0x0  }
0xa3: {  	[sflag:s7] =	ssyncadd.s32 $0xFFFFF800  }
0xa4: {  	_ =	swait.ge [sflag:s7], $0x800  }
0xa5: {  	[sflag:s7] =	ssyncset.done $0x0  }
0xa6: {  	[sflag:s7] =	ssyncadd.s32 $0xFFFFF800  }
0xa7: {  	v1 =	vld [tilespmem:$0x100]  }
0xa8: {  	v2 =	vld [tilespmem:$0x110]  }
0xa9: {  	v3 =	vld [tilespmem:$0x120]  }
0xaa: {  	v4 =	vld [tilespmem:$0x130]  }
0xab: {  	v5 =	vld [tilespmem:$0x140]  }
0xac: {  	[tilespmem:$0x200] =	vst v1;
	v1 =	vld [tilespmem:$0x150]  }
0xad: {  	[tilespmem:$0x210] =	vst v2;
	v2 =	vld [tilespmem:$0x160]  }
0xae: {  	[tilespmem:$0x220] =	vst v3;
	v3 =	vld [tilespmem:$0x170]  }
0xaf: {  	[tilespmem:$0x230] =	vst v4;
	v4 =	vld [tilespmem:$0x180]  }
0xb0: {  	[tilespmem:$0x240] =	vst v5;
	v5 =	vld [tilespmem:$0x190]  }
0xb1: {  	[tilespmem:$0x250] =	vst v1;
	v1 =	vld [tilespmem:$0x1A0]  }
0xb2: {  	[tilespmem:$0x260] =	vst v2;
	v2 =	vld [tilespmem:$0x1B0]  }
0xb3: {  	[tilespmem:$0x270] =	vst v3;
	v3 =	vld [tilespmem:$0x1C0]  }
0xb4: {  	[tilespmem:$0x280] =	vst v4;
	v4 =	vld [tilespmem:$0x1D0]  }
0xb5: {  	[tilespmem:$0x290] =	vst v5;
	v5 =	vld [tilespmem:$0x1E0]  }
0xb6: {  	[tilespmem:$0x2A0] =	vst v1;
	v1 =	vld [tilespmem:$0x1F0]  }
0xb7: {  	s4 =	sshll.u32 s0, $0x2;
	p0 =	seq.s32 s0, $0x13;
	[tilespmem:$0x2B0] =	vst v2  }
0xb8: {  	s9 =	sadd.s32 @!p0 s4, s24;
	[tilespmem:$0x2C0] =	vst v3  }
0xb9: {  	s9 =	sshll.u32 @!p0 s9, $0x4;
	[tilespmem:$0x2D0] =	vst v4  }
0xba: {  	s9 =	sand.u32 @!p0 $0x1FFFFFC0, s9;
	[tilespmem:$0x2E0] =	vst v5  }
0xbb: {  	s10 =	sadd.s32 @!p0 s5, s9;
	s13 =	simm.s32 @!p0 $0x0;
	[tilespmem:$0x2F0] =	vst v1  }
0xbc: {  	[tilespmem:s13], [sflag:$0x3] =	stream.linear.gather @!p0 [hbm4b:s10+s13], $0x100, $0x38;
	[tilespmem:$0xE600] =	vst v63  }
0xbd: {  	s9 =	sadd.s32 @!p0 s16, s9;
	s15 =	simm.s32 $0x0;
	s10 =	simm.s32 @!p0 $0x100  }
0xbe: {  	[tilespmem:s10], [sflag:$0x3] =	stream.linear.gather @!p0 [hbm4b:s9+s13], $0x100, $0x38;
	[tilespmem:$0xE600] =	vst v63  }
0xbf: {  	v1 =	vld [tilespmem:s15+$0x300]  }
0xc0: {  	v2 =	vld [tilespmem:s15+$0x1300]  }
0xc1: {  	v3 =	vld [tilespmem:s15+$0x310]  }
0xc2: {  	v4 =	vld [tilespmem:s15+$0x1310];
	_ =	sdelay $0x2  }
0xc3: {  	v1 =	vadd.f32 v2, v1;
	_ =	sdelay $0x1  }
0xc4: {  	v2 =	vadd.f32 v4, v3;
	v3 =	vmul.f32 $2.000000030e-01, v1  }
0xc5: {  	s13 =	simm.s32 $0x20;
	vm0 =	vgt.f32 v1, $0.0e+00  }
0xc6: {  	v5 =	vld [tilespmem:s13+$0x1300];
	v4 =	vmul.f32 $2.000000030e-01, v2;
	v1 =	vsel vm0, v1, v3  }
0xc7: {  	v3 =	vld [tilespmem:s13+$0x300];
	vm0 =	vgt.f32 v2, $0.0e+00;
	v1 =	vmul.f32 $1.442695020e+00, v1  }
0xc8: {  	v2 =	vsel vm0, v2, v4;
	v4 =	vld [tilespmem:s13+$0x310]  }
0xc9: {  	(erf) = vpow2.f32 v1;
	v1 =	vld [tilespmem:s13+$0x1310]  }
0xca: {  	v2 =	vmul.f32 $1.442695020e+00, v2;
	_ =	sdelay $0x1  }
0xcb: {  	s9 =	simm.s32 $0x40;
	(erf) = vpow2.f32 v2  }
0xcc: {  	v6 =	vld [tilespmem:s9+$0x300];
	v2 =	vadd.f32 v5, v3  }
0xcd: {  	v7 =	vld [tilespmem:s9+$0x1300];
	v3 =	vadd.f32 v1, v4  }
0xce: {  	v8 =	vld [tilespmem:s9+$0x310];
	v9 =	vmul.f32 $2.000000030e-01, v2  }
0xcf: {  	v5 =	vld [tilespmem:s9+$0x1310];
	vm0 =	vgt.f32 v2, $0.0e+00;
	v11 =	vmul.f32 $2.000000030e-01, v3  }
0xd0: {  	v4 =	vld [tilespmem:s15+$0x3300];
	v9 =	vsel vm0, v2, v9;
	vm0 =	vgt.f32 v3, $0.0e+00  }
0xd1: {  	v10 =	vld [tilespmem:s15+$0x3310];
	v9 =	vmul.f32 $1.442695020e+00, v9;
	v3 =	vsel vm0, v3, v11  }
0xd2: {  	v11 =	vmul.f32 $1.442695020e+00, v3  }
0xd3: {  	s10 =	simm.s32 $0x60;
	v12 =	vpop (erf);
	(erf) = vpow2.f32 v9  }
0xd4: {  	v6 =	vadd.f32 v7, v6;
	v1 =	vld [tilespmem:s10+$0x300];
	v7 =	vpop (erf);
	(erf) = vpow2.f32 v11  }
0xd5: {  	v2 =	vld [tilespmem:s10+$0x1300];
	v5 =	vadd.f32 v5, v8;
	[tilespmem:s15+$0x2300] =	vst v12;
	v12 =	vmul.f32 v12, v4  }
0xd6: {  	v9 =	vmul.f32 $2.000000030e-01, v6;
	v3 =	vld [tilespmem:s10+$0x310];
	[tilespmem:s15+$0x2310] =	vst v7;
	v7 =	vmul.f32 v7, v10  }
0xd7: {  	s26 =	simm.s32 $0x200;
	vm0 =	vgt.f32 v6, $0.0e+00;
	v8 =	vmul.f32 $2.000000030e-01, v5;
	v4 =	vld [tilespmem:s10+$0x1310];
	[tilespmem:s15+$0x3300] =	vst v12  }
.LBB2_5:
0xd8: {  	p1 =	sne.s32 s26, $0x3F80;
	v6 =	vsel vm0, v6, v9;
	vm0 =	vgt.f32 v5, $0.0e+00;
	v9 =	vld [tilespmem:s13+$0x3300];
	[tilespmem:s15+$0x3310] =	vst v7;
	s15 =	smov.u32 s13;
	s13 =	smov.u32 s9  }
0xd9: {  	s9 =	smov.u32 s10;
	v6 =	vmul.f32 $1.442695020e+00, v6;
	v5 =	vsel vm0, v5, v8;
	v7 =	vld [tilespmem:s15+$0x3310]  }
0xda: {  	v5 =	vmul.f32 $1.442695020e+00, v5  }
.Ltmp1:
0xdb: {  	s10 =	sshra.s32 s26, $0x2;
	(erf) = vpow2.f32 v6;
	(pc) =	sbr.rel @p1 .LBB2_5-.Ltmp1, $4  }
0xdc: {  	v6 =	vadd.f32 v2, v1;
	v1 =	vld [tilespmem:s10+$0x300];
	(erf) = vpow2.f32 v5;
	v8 =	vpop (erf)  }
0xdd: {  	v5 =	vadd.f32 v4, v3;
	v2 =	vld [tilespmem:s10+$0x1300];
	[tilespmem:s15+$0x2300] =	vst v8;
	v10 =	vmul.f32 v8, v9;
	v4 =	vpop (erf)  }
0xde: {  	v9 =	vmul.f32 $2.000000030e-01, v6;
	v3 =	vld [tilespmem:s10+$0x310];
	[tilespmem:s15+$0x2310] =	vst v4;
	v7 =	vmul.f32 v4, v7  }
0xdf: {  	s26 =	sadd.s32 $0x80, s26;
	vm0 =	vgt.f32 v6, $0.0e+00;
	v8 =	vmul.f32 $2.000000030e-01, v5;
	v4 =	vld [tilespmem:s10+$0x1310];
	[tilespmem:s15+$0x3300] =	vst v10  }
0xe0: {  	v6 =	vsel vm0, v6, v9;
	vm0 =	vgt.f32 v5, $0.0e+00  }
0xe1: {  	v5 =	vsel vm0, v5, v8  }
0xe2: {  	v9 =	vld [tilespmem:s13+$0x3300];
	v5 =	vmul.f32 $1.442695020e+00, v5  }
0xe3: {  	[tilespmem:s15+$0x3310] =	vst v7;
	v6 =	vmul.f32 $1.442695020e+00, v6  }
0xe4: {  	v7 =	vld [tilespmem:s13+$0x3310]  }
0xe5: {  	(erf) = vpow2.f32 v6  }
0xe6: {  	v1 =	vadd.f32 v2, v1;
	(erf) = vpow2.f32 v5;
	v5 =	vpop (erf)  }
0xe7: {  	v3 =	vadd.f32 v4, v3;
	[tilespmem:s13+$0x2300] =	vst v5;
	v2 =	vmul.f32 v5, v9;
	v5 =	vpop (erf)  }
0xe8: {  	v4 =	vmul.f32 $2.000000030e-01, v1;
	[tilespmem:s13+$0x2310] =	vst v5  }
0xe9: {  	vm0 =	vgt.f32 v1, $0.0e+00;
	v5 =	vmul.f32 v5, v7;
	[tilespmem:s13+$0x3300] =	vst v2;
	v2 =	vmul.f32 $2.000000030e-01, v3  }
0xea: {  	v1 =	vsel vm0, v1, v4;
	vm0 =	vgt.f32 v3, $0.0e+00  }
0xeb: {  	v1 =	vmul.f32 $1.442695020e+00, v1;
	v6 =	vld [tilespmem:s9+$0x3300];
	[tilespmem:s13+$0x3310] =	vst v5;
	v2 =	vsel vm0, v3, v2  }
0xec: {  	v3 =	vld [tilespmem:s9+$0x3310];
	v2 =	vmul.f32 $1.442695020e+00, v2;
	_ =	sdelay $0x1  }
0xed: {  	(erf) = vpow2.f32 v1  }
0xee: {  	v1 =	vpop (erf);
	(erf) = vpow2.f32 v2  }
0xef: {  	[tilespmem:s9+$0x2300] =	vst v1;
	v1 =	vmul.f32 v1, v6;
	v2 =	vpop (erf)  }
0xf0: {  	[tilespmem:s9+$0x2310] =	vst v2;
	v2 =	vmul.f32 v2, v3  }
0xf1: {  	[tilespmem:s9+$0x3300] =	vst v1  }
0xf2: {  	v1 =	vld [tilespmem:s10+$0x3300];
	[tilespmem:s9+$0x3310] =	vst v2  }
0xf3: {  	v2 =	vld [tilespmem:s10+$0x3310];
	_ =	sdelay $0x2  }
0xf4: {  	v3 =	vpop (erf)  }
0xf5: {  	[tilespmem:s10+$0x2300] =	vst v3;
	v1 =	vmul.f32 v3, v1;
	v3 =	vpop (erf)  }
0xf6: {  	[tilespmem:s10+$0x2310] =	vst v3;
	v2 =	vmul.f32 v3, v2  }
0xf7: {  	[tilespmem:s10+$0x3300] =	vst v1  }
0xf8: {  	[tilespmem:s10+$0x3310] =	vst v2  }
0xf9: {  	[spmem:s1] =	stream.indirect.scatter.add.f32 [tilespmem:s20], [sflag:$0x5], $0x10, s8, s14, $0xb8;
	[tilespmem:$0xE600] =	vst v63  }
0xfa: {  	s13 =	simm.s32 $0x2300  }
0xfb: {  	[spmem:s2] =	stream.indirect.scatter.add.f32 [tilespmem:s13], [sflag:$0x5], $0x10, s8, s14, $0xb8;
	[tilespmem:$0xE600] =	vst v63  }
0xfc: {  	s15 =	simm.s32 $0x3B00  }
0xfd: {  	[spmem:s1] =	stream.indirect.scatter.add.f32 [tilespmem:s15], [sflag:$0x5], $0x10, s11, s14, $0xb8;
	[tilespmem:$0xE600] =	vst v63  }
0xfe: {  	s26 =	simm.s32 $0x2B00  }
0xff: {  	[spmem:s2] =	stream.indirect.scatter.add.f32 [tilespmem:s26], [sflag:$0x5], $0x10, s11, s14, $0xb8;
	[tilespmem:$0xE600] =	vst v63  }
0x100: {  	_ =	swait.ge [sflag:s3], $0x800  }
0x101: {  	[sflag:s3] =	ssyncset.done $0x0  }
0x102: {  	[sflag:s3] =	ssyncadd.s32 $0xFFFFF800  }
0x103: {  	_ =	swait.ge [sflag:s3], $0x800  }
0x104: {  	[sflag:s3] =	ssyncset.done $0x0  }
0x105: {  	[sflag:s3] =	ssyncadd.s32 $0xFFFFF800  }
0x106: {  	_ =	swait.ge [sflag:s3], $0x800  }
0x107: {  	[sflag:s3] =	ssyncset.done $0x0  }
0x108: {  	[sflag:s3] =	ssyncadd.s32 $0xFFFFF800  }
0x109: {  	_ =	swait.ge [sflag:s3], $0x800  }
0x10a: {  	[sflag:s3] =	ssyncset.done $0x0  }
0x10b: {  	s9 =	simm.s32 @!p0 $0x3;
	[sflag:s3] =	ssyncadd.s32 $0xFFFFF800  }
0x10c: {  	_ =	swait.ge @!p0 [sflag:s9], $0x100  }
0x10d: {  	[sflag:s9] =	ssyncset.done @!p0 $0x0  }
0x10e: {  	[sflag:s9] =	ssyncadd.s32 @!p0 $0xFFFFFF00  }
0x10f: {  	_ =	swait.ge @!p0 [sflag:s9], $0x100  }
0x110: {  	s10 =	simm.s32 @!p0 $0x80;
	[sflag:s9] =	ssyncset.done @!p0 $0x0  }
0x111: {  	s13 =	simm.s32 @!p0 $0x300;
	[sflag:s9] =	ssyncadd.s32 @!p0 $0xFFFFFF00;
	s9 =	simm.s32 @!p0 $0x0  }
0x112: {  	[tilespmem:s13], [sflag:$0x1] =	stream.indirect.gather @!p0 [hbm4b:s18+s10], $0x10, s9, s10, $0xb8;
	[tilespmem:$0xE600] =	vst v63  }
0x113: {  	s15 =	simm.s32 @!p0 $0x1300;
	s13 =	simm.s32 @!p0 $0x100  }
0x114: {  	[tilespmem:s15], [sflag:$0x1] =	stream.indirect.gather @!p0 [hbm4b:s19+s10], $0x10, s13, s10, $0xb8;
	[tilespmem:$0xE600] =	vst v63  }
0x115: {  	s13 =	simm.s32 @!p0 $0x3300  }
0x116: {  	[tilespmem:s13], [sflag:$0x1] =	stream.indirect.gather @!p0 [hbm4b:s17+s10], $0x10, s9, s10, $0xb8;
	[tilespmem:$0xE600] =	vst v63  }
0x117: {  	s13 =	simm.s32 @!p0 $0xB00  }
0x118: {  	[tilespmem:s13], [sflag:$0x1] =	stream.indirect.gather @!p0 [hbm4b:s18+s10], $0x10, s10, s10, $0xb8;
	[tilespmem:$0xE600] =	vst v63  }
0x119: {  	s15 =	simm.s32 @!p0 $0x1B00;
	s13 =	simm.s32 @!p0 $0x180  }
0x11a: {  	[tilespmem:s15], [sflag:$0x1] =	stream.indirect.gather @!p0 [hbm4b:s19+s10], $0x10, s13, s10, $0xb8;
	[tilespmem:$0xE600] =	vst v63  }
0x11b: {  	s13 =	simm.s32 @!p0 $0x3B00  }
0x11c: {  	[tilespmem:s13], [sflag:$0x1] =	stream.indirect.gather @!p0 [hbm4b:s17+s10], $0x10, s10, s10, $0xb8;
	[tilespmem:$0xE600] =	vst v63  }
0x11d: {  	_ =	swait.ge [sflag:s21], $0x800  }
0x11e: {  	[sflag:s21] =	ssyncset.done $0x0  }
0x11f: {  	[sflag:s21] =	ssyncadd.s32 $0xFFFFF800  }
0x120: {  	_ =	swait.ge [sflag:s21], $0x800  }
0x121: {  	[sflag:s21] =	ssyncset.done $0x0  }
0x122: {  	[sflag:s21] =	ssyncadd.s32 $0xFFFFF800  }
0x123: {  	_ =	swait.ge [sflag:s21], $0x800  }
0x124: {  	[sflag:s21] =	ssyncset.done $0x0  }
0x125: {  	[sflag:s21] =	ssyncadd.s32 $0xFFFFF800  }
0x126: {  	_ =	swait.ge [sflag:s21], $0x800  }
0x127: {  	[sflag:s21] =	ssyncset.done $0x0  }
0x128: {  	[sflag:s21] =	ssyncadd.s32 $0xFFFFF800  }
0x129: {  	_ =	swait.ge [sflag:s21], $0x800  }
0x12a: {  	[sflag:s21] =	ssyncset.done $0x0  }
0x12b: {  	[sflag:s21] =	ssyncadd.s32 $0xFFFFF800  }
0x12c: {  	_ =	swait.ge [sflag:s21], $0x800  }
0x12d: {  	[sflag:s21] =	ssyncset.done $0x0  }
0x12e: {  	[sflag:s21] =	ssyncadd.s32 $0xFFFFF800  }
0x12f: {  	v1 =	vld [tilespmem:$0x4400]  }
0x130: {  	v2 =	vld [tilespmem:$0x4410]  }
0x131: {  	v3 =	vld [tilespmem:$0x4420]  }
0x132: {  	v4 =	vld [tilespmem:$0x4430]  }
0x133: {  	v5 =	vld [tilespmem:$0x4440]  }
0x134: {  	[tilespmem:$0x4500] =	vst v1;
	v1 =	vld [tilespmem:$0x4450]  }
0x135: {  	[tilespmem:$0x4510] =	vst v2;
	v2 =	vld [tilespmem:$0x4460]  }
0x136: {  	[tilespmem:$0x4520] =	vst v3;
	v3 =	vld [tilespmem:$0x4470]  }
0x137: {  	[tilespmem:$0x4530] =	vst v4;
	v4 =	vld [tilespmem:$0x4480]  }
0x138: {  	[tilespmem:$0x4540] =	vst v5;
	v5 =	vld [tilespmem:$0x4490]  }
0x139: {  	[tilespmem:$0x4550] =	vst v1;
	v1 =	vld [tilespmem:$0x44A0]  }
0x13a: {  	[tilespmem:$0x4560] =	vst v2;
	v2 =	vld [tilespmem:$0x44B0]  }
0x13b: {  	[tilespmem:$0x4570] =	vst v3;
	v3 =	vld [tilespmem:$0x44C0]  }
0x13c: {  	[tilespmem:$0x4580] =	vst v4;
	v4 =	vld [tilespmem:$0x44D0]  }
0x13d: {  	[tilespmem:$0x4590] =	vst v5;
	v5 =	vld [tilespmem:$0x44E0]  }
0x13e: {  	[tilespmem:$0x45A0] =	vst v1;
	v1 =	vld [tilespmem:$0x44F0]  }
0x13f: {  	[tilespmem:$0x45B0] =	vst v2  }
0x140: {  	s4 =	sadd.s32 @!p0 s4, s25;
	[tilespmem:$0x45C0] =	vst v3  }
0x141: {  	s4 =	sshll.u32 @!p0 s4, $0x4;
	[tilespmem:$0x45D0] =	vst v4  }
0x142: {  	s4 =	sand.u32 @!p0 $0x1FFFFFE0, s4;
	[tilespmem:$0x45E0] =	vst v5  }
0x143: {  	s10 =	sadd.s32 @!p0 s5, s4;
	s13 =	simm.s32 @!p0 $0x4300;
	[tilespmem:$0x45F0] =	vst v1  }
0x144: {  	[tilespmem:s13], [sflag:$0x4] =	stream.linear.gather @!p0 [hbm4b:s10+s9], $0x100, $0x38;
	[tilespmem:$0xE600] =	vst v63  }
0x145: {  	s4 =	sadd.s32 @!p0 s16, s4;
	s10 =	simm.s32 @!p0 $0x4400;
	s13 =	simm.s32 $0x0  }
0x146: {  	[tilespmem:s10], [sflag:$0x4] =	stream.linear.gather @!p0 [hbm4b:s4+s9], $0x100, $0x38;
	[tilespmem:$0xE600] =	vst v63  }
0x147: {  	v1 =	vld [tilespmem:s13+$0x4600]  }
0x148: {  	v2 =	vld [tilespmem:s13+$0x5600]  }
0x149: {  	v3 =	vld [tilespmem:s13+$0x4610]  }
0x14a: {  	v4 =	vld [tilespmem:s13+$0x5610];
	_ =	sdelay $0x2  }
0x14b: {  	v1 =	vadd.f32 v2, v1;
	_ =	sdelay $0x1  }
0x14c: {  	v2 =	vadd.f32 v4, v3;
	v3 =	vmul.f32 $2.000000030e-01, v1  }
0x14d: {  	s4 =	simm.s32 $0x20;
	vm0 =	vgt.f32 v1, $0.0e+00  }
0x14e: {  	v5 =	vld [tilespmem:s4+$0x5600];
	v4 =	vmul.f32 $2.000000030e-01, v2;
	v1 =	vsel vm0, v1, v3  }
0x14f: {  	v3 =	vld [tilespmem:s4+$0x4600];
	vm0 =	vgt.f32 v2, $0.0e+00;
	v1 =	vmul.f32 $1.442695020e+00, v1  }
0x150: {  	v2 =	vsel vm0, v2, v4;
	v4 =	vld [tilespmem:s4+$0x4610]  }
0x151: {  	(erf) = vpow2.f32 v1;
	v1 =	vld [tilespmem:s4+$0x5610]  }
0x152: {  	v2 =	vmul.f32 $1.442695020e+00, v2;
	_ =	sdelay $0x1  }
0x153: {  	s9 =	simm.s32 $0x40;
	(erf) = vpow2.f32 v2  }
0x154: {  	v6 =	vld [tilespmem:s9+$0x4600];
	v2 =	vadd.f32 v5, v3  }
0x155: {  	v7 =	vld [tilespmem:s9+$0x5600];
	v3 =	vadd.f32 v1, v4  }
0x156: {  	v8 =	vld [tilespmem:s9+$0x4610];
	v9 =	vmul.f32 $2.000000030e-01, v2  }
0x157: {  	v5 =	vld [tilespmem:s9+$0x5610];
	vm0 =	vgt.f32 v2, $0.0e+00;
	v11 =	vmul.f32 $2.000000030e-01, v3  }
0x158: {  	v4 =	vld [tilespmem:s13+$0x7600];
	v9 =	vsel vm0, v2, v9;
	vm0 =	vgt.f32 v3, $0.0e+00  }
0x159: {  	v10 =	vld [tilespmem:s13+$0x7610];
	v9 =	vmul.f32 $1.442695020e+00, v9;
	v3 =	vsel vm0, v3, v11  }
0x15a: {  	v11 =	vmul.f32 $1.442695020e+00, v3  }
0x15b: {  	s10 =	simm.s32 $0x60;
	v12 =	vpop (erf);
	(erf) = vpow2.f32 v9  }
0x15c: {  	v6 =	vadd.f32 v7, v6;
	v1 =	vld [tilespmem:s10+$0x4600];
	v7 =	vpop (erf);
	(erf) = vpow2.f32 v11  }
0x15d: {  	v2 =	vld [tilespmem:s10+$0x5600];
	v5 =	vadd.f32 v5, v8;
	[tilespmem:s13+$0x6600] =	vst v12;
	v12 =	vmul.f32 v12, v4  }
0x15e: {  	v9 =	vmul.f32 $2.000000030e-01, v6;
	v3 =	vld [tilespmem:s10+$0x4610];
	[tilespmem:s13+$0x6610] =	vst v7;
	v7 =	vmul.f32 v7, v10  }
0x15f: {  	s15 =	simm.s32 $0x200;
	vm0 =	vgt.f32 v6, $0.0e+00;
	v8 =	vmul.f32 $2.000000030e-01, v5;
	v4 =	vld [tilespmem:s10+$0x5610];
	[tilespmem:s13+$0x7600] =	vst v12  }
.LBB2_7:
0x160: {  	p0 =	sne.s32 s15, $0x3F80;
	v6 =	vsel vm0, v6, v9;
	vm0 =	vgt.f32 v5, $0.0e+00;
	v9 =	vld [tilespmem:s4+$0x7600];
	[tilespmem:s13+$0x7610] =	vst v7;
	s13 =	smov.u32 s4;
	s4 =	smov.u32 s9  }
0x161: {  	s9 =	smov.u32 s10;
	v6 =	vmul.f32 $1.442695020e+00, v6;
	v5 =	vsel vm0, v5, v8;
	v7 =	vld [tilespmem:s13+$0x7610]  }
0x162: {  	v5 =	vmul.f32 $1.442695020e+00, v5  }
.Ltmp2:
0x163: {  	s10 =	sshra.s32 s15, $0x2;
	(erf) = vpow2.f32 v6;
	(pc) =	sbr.rel @p0 .LBB2_7-.Ltmp2, $4  }
0x164: {  	v6 =	vadd.f32 v2, v1;
	v1 =	vld [tilespmem:s10+$0x4600];
	(erf) = vpow2.f32 v5;
	v8 =	vpop (erf)  }
0x165: {  	v5 =	vadd.f32 v4, v3;
	v2 =	vld [tilespmem:s10+$0x5600];
	[tilespmem:s13+$0x6600] =	vst v8;
	v10 =	vmul.f32 v8, v9;
	v4 =	vpop (erf)  }
0x166: {  	v9 =	vmul.f32 $2.000000030e-01, v6;
	v3 =	vld [tilespmem:s10+$0x4610];
	[tilespmem:s13+$0x6610] =	vst v4;
	v7 =	vmul.f32 v4, v7  }
0x167: {  	s15 =	sadd.s32 $0x80, s15;
	vm0 =	vgt.f32 v6, $0.0e+00;
	v8 =	vmul.f32 $2.000000030e-01, v5;
	v4 =	vld [tilespmem:s10+$0x5610];
	[tilespmem:s13+$0x7600] =	vst v10  }
0x168: {  	v59 =	vld [tilespmem:s4+$0x7600]  }
0x169: {  	v6 =	vsel vm0, v6, v9;
	vm13 =	vgt.f32 v5, $0.0e+00;
	[tilespmem:s13+$0x7610] =	vst v7  }
0x16a: {  	v6 =	vmul.f32 $1.442695020e+00, v6;
	v5 =	vsel vm13, v5, v8;
	v7 =	vld [tilespmem:s4+$0x7610]  }
0x16b: {  	v5 =	vmul.f32 $1.442695020e+00, v5  }
0x16c: {  	v1 =	vadd.f32 v2, v1;
	(erf) = vpow2.f32 v6;
	v60 =	vpop (erf)  }
0x16d: {  	(erf) = vpow2.f32 v5;
	v3 =	vadd.f32 v4, v3;
	v2 =	vmul.f32 v60, v59  }
0x16e: {  	v62 =	vmul.f32 $2.000000030e-01, v1;
	[tilespmem:s4+$0x6600] =	vst v60;
	v61 =	vpop (erf)  }
0x16f: {  	vm14 =	vgt.f32 v1, $0.0e+00;
	v5 =	vmul.f32 v61, v7;
	[tilespmem:s4+$0x7600] =	vst v2;
	v2 =	vmul.f32 $2.000000030e-01, v3  }
0x170: {  	[tilespmem:s4+$0x6610] =	vst v61;
	v1 =	vsel vm14, v1, v62;
	vm15 =	vgt.f32 v3, $0.0e+00  }
0x171: {  	v1 =	vmul.f32 $1.442695020e+00, v1;
	v63 =	vld [tilespmem:s9+$0x7600];
	[tilespmem:s4+$0x7610] =	vst v5;
	v2 =	vsel vm15, v3, v2  }
0x172: {  	v3 =	vld [tilespmem:s9+$0x7610];
	v2 =	vmul.f32 $1.442695020e+00, v2;
	_ =	sdelay $0x1  }
0x173: {  	(erf) = vpow2.f32 v1  }
0x174: {  	v1 =	vpop (erf);
	(erf) = vpow2.f32 v2  }
0x175: {  	[tilespmem:s9+$0x6600] =	vst v1;
	v1 =	vmul.f32 v1, v63;
	v2 =	vpop (erf)  }
0x176: {  	[tilespmem:s9+$0x6610] =	vst v2;
	v2 =	vmul.f32 v2, v3  }
0x177: {  	[tilespmem:s9+$0x7600] =	vst v1  }
0x178: {  	v1 =	vld [tilespmem:s10+$0x7600];
	[tilespmem:s9+$0x7610] =	vst v2  }
0x179: {  	v2 =	vld [tilespmem:s10+$0x7610];
	_ =	sdelay $0x2  }
0x17a: {  	v3 =	vpop (erf)  }
0x17b: {  	[tilespmem:s10+$0x6600] =	vst v3;
	v1 =	vmul.f32 v3, v1;
	v3 =	vpop (erf)  }
0x17c: {  	[tilespmem:s10+$0x6610] =	vst v3;
	v2 =	vmul.f32 v3, v2  }
0x17d: {  	[tilespmem:s10+$0x7600] =	vst v1  }
0x17e: {  	s0 =	sadd.s32 $0x1, s0;
	[tilespmem:s10+$0x7610] =	vst v2  }
0x17f: {  	[spmem:s1] =	stream.indirect.scatter.add.f32 [tilespmem:s29], [sflag:$0x6], $0x10, s23, s14, $0xb8;
	[tilespmem:$0xE600] =	vst v63  }
0x180: {  	s26 =	simm.s32 $0x6600;
	p0 =	sne.s32 s0, $0x14  }
0x181: {  	[spmem:s2] =	stream.indirect.scatter.add.f32 [tilespmem:s26], [sflag:$0x6], $0x10, s23, s14, $0xb8;
	[tilespmem:$0xE600] =	vst v63  }
.Ltmp3:
0x182: {  	_ = 	snop;
	(pc) =	sbr.rel @p0 .LBB2_4-.Ltmp3, $4  }
0x183: {  	_ = 	snop  }
0x184: {  	[spmem:s1] =	stream.indirect.scatter.add.f32 [tilespmem:s6], [sflag:$0x6], $0x10, s28, s14, $0xb8;
	[tilespmem:$0xE600] =	vst v63  }
0x185: {  	_ = 	snop  }
0x186: {  	[spmem:s2] =	stream.indirect.scatter.add.f32 [tilespmem:s31], [sflag:$0x6], $0x10, s28, s14, $0xb8;
	[tilespmem:$0xE600] =	vst v63  }
0x187: {  	s0 =	simm.s32 $0x6  }
0x188: {  	_ =	swait.ge [sflag:s0], $0x800  }
0x189: {  	[sflag:s0] =	ssyncset.done $0x0  }
0x18a: {  	[sflag:s0] =	ssyncadd.s32 $0xFFFFF800  }
0x18b: {  	_ =	swait.ge [sflag:s0], $0x800  }
0x18c: {  	[sflag:s0] =	ssyncset.done $0x0  }
0x18d: {  	[sflag:s0] =	ssyncadd.s32 $0xFFFFF800  }
0x18e: {  	_ =	swait.ge [sflag:s0], $0x800  }
0x18f: {  	[sflag:s0] =	ssyncset.done $0x0  }
0x190: {  	[sflag:s0] =	ssyncadd.s32 $0xFFFFF800  }
0x191: {  	_ =	swait.ge [sflag:s0], $0x800  }
0x192: {  	[sflag:s0] =	ssyncset.done $0x0  }
0x193: {  	[sflag:s0] =	ssyncadd.s32 $0xFFFFF800  }
0x194: {  	[bflag:$0x0] =	sbarrier.arrive $0xFFFF  }
0x195: {  	s9 =	simm.s32 $0x8600;
	s10 =	rddreg [dreg:$0x13]  }
0x196: {  	[tilespmem:s9], [sflag:$0x7] =	stream.linear.gather [spmem:s10], $0x800, $0x38;
	[tilespmem:$0xE600] =	vst v63  }
0x197: {  	_ =	swait.ge [sflag:s22], $0x800  }
0x198: {  	[sflag:s22] =	ssyncset.done $0x0  }
0x199: {  	s0 =	simm.s32 $0x0;
	s4 =	rddreg [dreg:$0x4];
	[sflag:s22] =	ssyncadd.s32 $0xFFFFF800  }
0x19a: {  	[hbm4b:s4+s0] =	stream.linear.scatter [tilespmem:s9], [sflag:$0x7], $0x800, $0x38;
	[tilespmem:$0xE600] =	vst v63  }
0x19b: {  	_ =	swait.ge [sflag:s22], $0x800  }
0x19c: {  	[sflag:s22] =	ssyncset.done $0x0  }
0x19d: {  	s20 =	simm.s32 $0x8E00;
	s13 =	rddreg [dreg:$0x14];
	[sflag:s22] =	ssyncadd.s32 $0xFFFFF800  }
0x19e: {  	[tilespmem:s20], [sflag:$0x7] =	stream.linear.gather [spmem:s13], $0x800, $0x38;
	[tilespmem:$0xE600] =	vst v63  }
0x19f: {  	_ =	swait.ge [sflag:s22], $0x800  }
0x1a0: {  	[sflag:s22] =	ssyncset.done $0x0  }
0x1a1: {  	s15 =	rddreg [dreg:$0x5];
	[sflag:s22] =	ssyncadd.s32 $0xFFFFF800  }
0x1a2: {  	[hbm4b:s15+s0] =	stream.linear.scatter [tilespmem:s20], [sflag:$0x7], $0x800, $0x38;
	[tilespmem:$0xE600] =	vst v63  }
0x1a3: {  	_ =	swait.ge [sflag:s22], $0x800  }
0x1a4: {  	[sflag:s22] =	ssyncset.done $0x0  }
0x1a5: {  	s15 =	rddreg [dreg:$0x15];
	[sflag:s22] =	ssyncadd.s32 $0xFFFFF800  }
0x1a6: {  	[tilespmem:s9], [sflag:$0x7] =	stream.linear.gather [spmem:s15], $0x800, $0x38;
	[tilespmem:$0xE600] =	vst v63  }
0x1a7: {  	_ =	swait.ge [sflag:s22], $0x800  }
0x1a8: {  	[sflag:s22] =	ssyncset.done $0x0  }
0x1a9: {  	s26 =	rddreg [dreg:$0x6];
	[sflag:s22] =	ssyncadd.s32 $0xFFFFF800  }
0x1aa: {  	[hbm4b:s26+s0] =	stream.linear.scatter [tilespmem:s9], [sflag:$0x7], $0x800, $0x38;
	[tilespmem:$0xE600] =	vst v63  }
0x1ab: {  	_ =	swait.ge [sflag:s22], $0x800  }
0x1ac: {  	[sflag:s22] =	ssyncset.done $0x0  }
0x1ad: {  	s26 =	rddreg [dreg:$0x16];
	[sflag:s22] =	ssyncadd.s32 $0xFFFFF800  }
0x1ae: {  	[tilespmem:s20], [sflag:$0x7] =	stream.linear.gather [spmem:s26], $0x800, $0x38;
	[tilespmem:$0xE600] =	vst v63  }
0x1af: {  	_ =	swait.ge [sflag:s22], $0x800  }
0x1b0: {  	[sflag:s22] =	ssyncset.done $0x0  }
0x1b1: {  	s4 =	rddreg [dreg:$0x7];
	[sflag:s22] =	ssyncadd.s32 $0xFFFFF800  }
0x1b2: {  	[hbm4b:s4+s0] =	stream.linear.scatter [tilespmem:s20], [sflag:$0x7], $0x800, $0x38;
	[tilespmem:$0xE600] =	vst v63  }
0x1b3: {  	_ =	swait.ge [sflag:s22], $0x800  }
0x1b4: {  	[sflag:s22] =	ssyncset.done $0x0  }
0x1b5: {  	s4 =	rddreg [dreg:$0x17];
	[sflag:s22] =	ssyncadd.s32 $0xFFFFF800  }
0x1b6: {  	[tilespmem:s9], [sflag:$0x7] =	stream.linear.gather [spmem:s4], $0x800, $0x38;
	[tilespmem:$0xE600] =	vst v63  }
0x1b7: {  	_ =	swait.ge [sflag:s22], $0x800  }
0x1b8: {  	[sflag:s22] =	ssyncset.done $0x0  }
0x1b9: {  	s4 =	rddreg [dreg:$0x8];
	[sflag:s22] =	ssyncadd.s32 $0xFFFFF800  }
0x1ba: {  	[hbm4b:s4+s0] =	stream.linear.scatter [tilespmem:s9], [sflag:$0x7], $0x800, $0x38;
	[tilespmem:$0xE600] =	vst v63  }
0x1bb: {  	_ =	swait.ge [sflag:s22], $0x800  }
0x1bc: {  	[sflag:s22] =	ssyncset.done $0x0  }
0x1bd: {  	s4 =	rddreg [dreg:$0x18];
	[sflag:s22] =	ssyncadd.s32 $0xFFFFF800  }
0x1be: {  	[tilespmem:s20], [sflag:$0x7] =	stream.linear.gather [spmem:s4], $0x800, $0x38;
	[tilespmem:$0xE600] =	vst v63  }
0x1bf: {  	_ =	swait.ge [sflag:s22], $0x800  }
0x1c0: {  	[sflag:s22] =	ssyncset.done $0x0  }
0x1c1: {  	s4 =	rddreg [dreg:$0x9];
	[sflag:s22] =	ssyncadd.s32 $0xFFFFF800  }
0x1c2: {  	[hbm4b:s4+s0] =	stream.linear.scatter [tilespmem:s20], [sflag:$0x7], $0x800, $0x38;
	[tilespmem:$0xE600] =	vst v63  }
0x1c3: {  	_ =	swait.ge [sflag:s22], $0x800  }
0x1c4: {  	[sflag:s22] =	ssyncset.done $0x0  }
0x1c5: {  	s4 =	rddreg [dreg:$0x19];
	[sflag:s22] =	ssyncadd.s32 $0xFFFFF800  }
0x1c6: {  	[tilespmem:s9], [sflag:$0x7] =	stream.linear.gather [spmem:s4], $0x800, $0x38;
	[tilespmem:$0xE600] =	vst v63  }
0x1c7: {  	_ =	swait.ge [sflag:s22], $0x800  }
0x1c8: {  	[sflag:s22] =	ssyncset.done $0x0  }
0x1c9: {  	s4 =	rddreg [dreg:$0xa];
	[sflag:s22] =	ssyncadd.s32 $0xFFFFF800  }
0x1ca: {  	[hbm4b:s4+s0] =	stream.linear.scatter [tilespmem:s9], [sflag:$0x7], $0x800, $0x38;
	[tilespmem:$0xE600] =	vst v63  }
0x1cb: {  	_ =	swait.ge [sflag:s22], $0x800  }
0x1cc: {  	[sflag:s22] =	ssyncset.done $0x0  }
0x1cd: {  	s4 =	rddreg [dreg:$0x1a];
	[sflag:s22] =	ssyncadd.s32 $0xFFFFF800  }
0x1ce: {  	[tilespmem:s20], [sflag:$0x7] =	stream.linear.gather [spmem:s4], $0x800, $0x38;
	[tilespmem:$0xE600] =	vst v63  }
0x1cf: {  	_ =	swait.ge [sflag:s22], $0x800  }
0x1d0: {  	[sflag:s22] =	ssyncset.done $0x0  }
0x1d1: {  	s4 =	rddreg [dreg:$0xb];
	[sflag:s22] =	ssyncadd.s32 $0xFFFFF800  }
0x1d2: {  	[hbm4b:s4+s0] =	stream.linear.scatter [tilespmem:s20], [sflag:$0x7], $0x800, $0x38;
	[tilespmem:$0xE600] =	vst v63  }
0x1d3: {  	_ =	swait.ge [sflag:s22], $0x800  }
0x1d4: {  	[sflag:s22] =	ssyncset.done $0x0  }
0x1d5: {  	s4 =	rddreg [dreg:$0x1b];
	[sflag:s22] =	ssyncadd.s32 $0xFFFFF800  }
0x1d6: {  	[tilespmem:s9], [sflag:$0x7] =	stream.linear.gather [spmem:s4], $0x800, $0x38;
	[tilespmem:$0xE600] =	vst v63  }
0x1d7: {  	_ =	swait.ge [sflag:s22], $0x800  }
0x1d8: {  	[sflag:s22] =	ssyncset.done $0x0  }
0x1d9: {  	s4 =	rddreg [dreg:$0xc];
	[sflag:s22] =	ssyncadd.s32 $0xFFFFF800  }
0x1da: {  	[hbm4b:s4+s0] =	stream.linear.scatter [tilespmem:s9], [sflag:$0x7], $0x800, $0x38;
	[tilespmem:$0xE600] =	vst v63  }
0x1db: {  	_ =	swait.ge [sflag:s22], $0x800  }
0x1dc: {  	[sflag:s22] =	ssyncset.done $0x0  }
0x1dd: {  	s9 =	rddreg [dreg:$0x1c];
	[sflag:s22] =	ssyncadd.s32 $0xFFFFF800  }
0x1de: {  	[tilespmem:s20], [sflag:$0x7] =	stream.linear.gather [spmem:s9], $0x800, $0x38;
	[tilespmem:$0xE600] =	vst v63  }
0x1df: {  	_ =	swait.ge [sflag:s22], $0x800  }
0x1e0: {  	[sflag:s22] =	ssyncset.done $0x0  }
0x1e1: {  	s9 =	rddreg [dreg:$0xd];
	[sflag:s22] =	ssyncadd.s32 $0xFFFFF800  }
0x1e2: {  	[hbm4b:s9+s0] =	stream.linear.scatter [tilespmem:s20], [sflag:$0x7], $0x800, $0x38;
	[tilespmem:$0xE600] =	vst v63  }
0x1e3: {  	_ =	swait.ge [sflag:s22], $0x800  }
0x1e4: {  	s9 =	rddreg [dreg:$0x1d]  }
0x1e5: {  	s20 =	rddreg [dreg:$0x12];
	s4 =	sadd.s32 $0x1, s9  }
0x1e6: {  	p0 =	sne.s32 s4, s20  }
.Ltmp4:
0x1e7: {  	_ = 	snop;
	(pc) =	sbr.rel @p0 .LBB2_1-.Ltmp4, $3  }
0x1e8: {  	_ =	sdelay $0x1  }
0x1e9: {  	[sflag:s22] =	ssyncset.done $0x0  }
0x1ea: {  	[sflag:s22] =	ssyncadd.s32 $0xFFFFF800  }
0x1eb: {  	_ =	sfence.sel $0x180000  }
0x1ec: {  	[bflag:$0x0] =	sbarrier.arrive $0xFFFF  }
0x1ed: {  	_ =	strace $0x9000004A  }
0x1ee: {  	s0 =	stileid.u32;
	[bflag:$0x2] =	sbarrier.arrive $0xFFFF  }
0x1ef: {  	p0 =	sne.s32 s0, $0x0;
	s0 =	rddreg [dreg:$0x3]  }
0x1f0: {  	s0 =	sadd.s32 @!p0 $0x100000, s0  }
0x1f1: {  	[sflag:s0] =	ssyncadd.tile.s32 @!p0 $0x1;
	_ =	shalt  }
.Lfunc_end2:
_tile_overlayer_lowered:
.L_overlay_start_2:
0x1f2: {  	(tag) =	ssettag $0x2  }
0x1f3: {  	s0 =	rddreg [dreg:$0x0];
	s2 =	stileid.u32  }
0x1f4: {  	s1 =	rddreg [dreg:$0x1];
	p0 =	sne.s32 s2, $0x0  }
0x1f5: {  	s3 =	rddreg [dreg:$0x2];
	[bflag:$0x3] =	sbarrier.arrive $0xFFFF;
	s2 =	simm.s32 @!p0 $0x1C07  }
0x1f6: {  	[timem:s3], [sflag:s2] =	dma.local @!p0 [hbm:s0], s1  }
0x1f7: {  	s0 =	simm.s32 @!p0 $0x7  }
0x1f8: {  	_ =	swait.ge @!p0 [sflag:s0], s1  }
0x1f9: {  	s1 =	ssub.s32 @!p0 $0x0, s1;
	[sflag:s0] =	ssyncset.done @!p0 $0x0  }
0x1fa: {  	[sflag:s0] =	ssyncadd.s32 @!p0 s1  }
0x1fb: {  	[bflag:$0x3] =	sbarrier.arrive $0xFFFF  }
0x1fc: {  	_ =	shalt  }

// kernel: kernel.7.cloned.1.call-start
scs
__scs_entry_jumppad:
0x0: {  	(pc) =	sbr.rel $0x88, $3  }
0x1: {  	(tag) =	ssettag $0x0;
	lr =	simm.s32 $0x1  }
0x2: {  	[smem:$0x3F97] =	sst lr;
	_ =	strace $0xD0000000  }
0x3: {  	_ = 	snop  }
0x4: {  	_ = 	snop  }
0x5: {  	_ = 	snop  }
0x6: {  	_ = 	snop  }
0x7: {  	_ = 	snop  }
__scs_overlays_trampoline_lowered:
0x8: {  	[smem:$0x3FA6] =	sst s0  }
0x9: {  	[smem:$0x3FA7] =	sst s1  }
0xa: {  	[smem:$0x3FA8] =	sst s2  }
0xb: {  	[smem:$0x3FA9] =	sst s3  }
0xc: {  	[smem:$0x3FAA] =	sst s4  }
0xd: {  	[smem:$0x3FAB] =	sst s5  }
0xe: {  	[smem:$0x3FAC] =	sst s6  }
0xf: {  	[smem:$0x3FAD] =	sst s7  }
0x10: {  	[smem:$0x3FAE] =	sst s8  }
0x11: {  	[smem:$0x3FAF] =	sst s9;
	s0 =	simm.s32 @!p0 $0x0  }
0x12: {  	s1 =	sld [smem:$0x3F95];
	s0 =	simm.s32 @p0 $0x1  }
0x13: {  	[smem:$0x3FB0] =	sst s0;
	s0 =	simm.s32 @!p1 $0x0  }
0x14: {  	s2 =	sld [smem:$0x3F94];
	s0 =	simm.s32 @p1 $0x1  }
0x15: {  	[smem:$0x3FB1] =	sst s0;
	s0 =	simm.s32 @!p2 $0x0  }
0x16: {  	s3 =	sld [smem:$0x3FDB];
	s0 =	simm.s32 @p2 $0x1  }
0x17: {  	s4 =	simm.s32 $0x1BF5;
	[smem:$0x3FB3] =	sst s0  }
0x18: {  	s0 =	sld [smem:$0x3F96];
	_ =	swait.ge [sflag:s4], $0x0  }
0x19: {  	s7 =	sld [smem:$0x3F97]  }
0x1a: {  	s8 =	sadd.s32 $0xFFFFE003, lr  }
0x1b: {  	s9 =	sadd.s32 $0xFFFFFEF7, lr;
	s5 =	simm.s32 $0xFFFFFFFF;
	p2 =	slt.u32 s8, $0xFFFFF086  }
0x1c: {  	p1 =	slt.u32 s9, $0xF7A;
	s5 =	simm.s32 @!p2 $0x0  }
0x1d: {  	s5 =	simm.s32 @p1 $0x1;
	p0 =	seq.s32 s7, s2  }
0x1e: {  	s7 =	smul.u32 @!p0 $0xF7A, s2;
	p2 =	seq.s32 @!p0 s5, $0x0  }
0x1f: {  	s9 =	smul.u32 $0xF7A, s1;
	s8 =	simm.s32 @!p0 $0x1BF5;
	p2 =	por !p2, p0  }
0x20: {  	[sflag:s8] =	ssyncset.s32 @!p0 $0xFFFFF086;
	s6 =	sadd.s32 @!p0 s3, s7;
	s7 =	simm.s32 @!p0 $0x108  }
0x21: {  	s3 =	sadd.s32 s3, s9;
	s6 =	sadd.s32 @!p0 $0x88, s6;
	s7 =	simm.s32 @p2 $0x1082  }
0x22: {  	[simem:s7], [sflag:s8] =	dma.local @!p0 [hbm:s6], $0xF7A  }
0x23: {  	s9 =	sor.u32 $0xD0000000, s2;
	s6 =	simm.s32 $0x108;
	_ =	swait.ge @!p0 [sflag:s8], $0x0  }
0x24: {  	s3 =	sadd.s32 $0x88, s3;
	s6 =	simm.s32 @!p1 $0x1082;
	[sflag:s4] =	ssyncset.s32 $0xFFFFF086  }
0x25: {  	[simem:s6], [sflag:s4] =	dma.local [hbm:s3], $0xF7A  }
0x26: {  	[smem:$0x3F97] =	sst s1;
	(tag) =	ssettag s2;
	_ =	strace s9  }
0x27: {  	s1 =	sld [smem:$0x3FA7]  }
0x28: {  	s2 =	sld [smem:$0x3FA8]  }
0x29: {  	s4 =	sld [smem:$0x3FAA]  }
0x2a: {  	p0 =	seq.s32 s5, $0x0;
	s5 =	sld [smem:$0x3FAB]  }
0x2b: {  	s6 =	sld [smem:$0x3FAC]  }
0x2c: {  	s7 =	sld [smem:$0x3FAD]  }
0x2d: {  	s3 =	simm.s32 $0x108;
	s8 =	sld [smem:$0x3FAE]  }
0x2e: {  	s3 =	simm.s32 @!p0 $0x1082;
	s9 =	sld [smem:$0x3FAF]  }
0x2f: {  	lr =	sadd.s32 s0, s3;
	s0 =	sld [smem:$0x3FA6]  }
0x30: {  	s3 =	sld [smem:$0x3FA9]  }
0x31: {  	[smem:$0x3FB2] =	sst s10  }
0x32: {  	s10 =	sld [smem:$0x3FB0];
	_ =	sdelay $0x3  }
0x33: {  	p0 =	seq.s32 s10, $0x1;
	s10 =	sld [smem:$0x3FB2];
	_ =	sdelay $0x3  }
0x34: {  	[smem:$0x3FB2] =	sst s10  }
0x35: {  	s10 =	sld [smem:$0x3FB1];
	_ =	sdelay $0x3  }
0x36: {  	p1 =	seq.s32 s10, $0x1;
	s10 =	sld [smem:$0x3FB2];
	_ =	sdelay $0x3  }
0x37: {  	[smem:$0x3FB2] =	sst s10  }
0x38: {  	s10 =	sld [smem:$0x3FB3]  }
0x39: {  	_ = 	snop;
	(pc) =	sbr.ind lr, $3  }
0x3a: {  	_ = 	snop  }
0x3b: {  	_ = 	snop  }
0x3c: {  	p2 =	seq.s32 s10, $0x1;
	s10 =	sld [smem:$0x3FB2]  }
0x3d: {  	_ =	shalt  }
0x3e: {  	_ =	shalt  }
0x3f: {  	_ =	shalt  }
0x40: {  	_ =	shalt  }
0x41: {  	_ =	shalt  }
0x42: {  	_ =	shalt  }
0x43: {  	_ =	shalt  }
0x44: {  	_ =	shalt  }
0x45: {  	_ =	shalt  }
0x46: {  	_ =	shalt  }
0x47: {  	_ =	shalt  }
0x48: {  	_ =	shalt  }
0x49: {  	_ =	shalt  }
0x4a: {  	_ =	shalt  }
0x4b: {  	_ =	shalt  }
0x4c: {  	_ =	shalt  }
0x4d: {  	_ =	shalt  }
0x4e: {  	_ =	shalt  }
0x4f: {  	_ =	shalt  }
0x50: {  	_ =	shalt  }
0x51: {  	_ =	shalt  }
0x52: {  	_ =	shalt  }
0x53: {  	_ =	shalt  }
0x54: {  	_ =	shalt  }
0x55: {  	_ =	shalt  }
0x56: {  	_ =	shalt  }
0x57: {  	_ =	shalt  }
0x58: {  	_ =	shalt  }
0x59: {  	_ =	shalt  }
0x5a: {  	_ =	shalt  }
0x5b: {  	_ =	shalt  }
0x5c: {  	_ =	shalt  }
0x5d: {  	_ =	shalt  }
0x5e: {  	_ =	shalt  }
0x5f: {  	_ =	shalt  }
0x60: {  	_ =	shalt  }
0x61: {  	_ =	shalt  }
0x62: {  	_ =	shalt  }
0x63: {  	_ =	shalt  }
0x64: {  	_ =	shalt  }
0x65: {  	_ =	shalt  }
0x66: {  	_ =	shalt  }
0x67: {  	_ =	shalt  }
0x68: {  	_ =	shalt  }
0x69: {  	_ =	shalt  }
0x6a: {  	_ =	shalt  }
0x6b: {  	_ =	shalt  }
0x6c: {  	_ =	shalt  }
0x6d: {  	_ =	shalt  }
0x6e: {  	_ =	shalt  }
0x6f: {  	_ =	shalt  }
0x70: {  	_ =	shalt  }
0x71: {  	_ =	shalt  }
0x72: {  	_ =	shalt  }
0x73: {  	_ =	shalt  }
0x74: {  	_ =	shalt  }
0x75: {  	_ =	shalt  }
0x76: {  	_ =	shalt  }
0x77: {  	_ =	shalt  }
0x78: {  	_ =	shalt  }
0x79: {  	_ =	shalt  }
0x7a: {  	_ =	shalt  }
0x7b: {  	_ =	shalt  }
0x7c: {  	_ =	shalt  }
0x7d: {  	_ =	shalt  }
0x7e: {  	_ =	shalt  }
0x7f: {  	_ =	shalt  }
0x80: {  	_ =	shalt  }
0x81: {  	_ =	shalt  }
0x82: {  	_ =	shalt  }
0x83: {  	_ =	shalt  }
0x84: {  	_ =	shalt  }
0x85: {  	_ =	shalt  }
0x86: {  	_ =	shalt  }
0x87: {  	_ =	shalt  }
.Lfunc_end0:
.L_simem_size_0:
called_computation_lowered:
.L_overlay_start_0:
0x88: {  	s2 =	sld [smem:$0x3FD9]  }
0x89: {  	s3 =	sld [smem:$0x3FFE];
	_ =	sdelay $0x1  }
0x8a: {  	s1 =	srdreg.scid  }
0x8b: {  	s0 =	sand.u32 $0x1, s1  }
0x8c: {  	s16 =	sshll.u32 s0, $0xA;
	s2 =	sadd.s32 s3, s2  }
0x8d: {  	s2 =	sadd.s32 s2, s16  }
0x8e: {  	[smem:$0x3FBE] =	sst s2  }
0x8f: {  	_ = 	snop  }
0x90: {  	(tm) =	ssettm $0x1  }
0x91: {  	s17 =	sld [smem:$0x3FFB];
	_ =	sdelay $0x3  }
0x92: {  	_ =	strace s17  }
0x93: {  	s2 =	sld [smem:$0x3FFC];
	_ =	sdelay $0x3  }
0x94: {  	_ =	strace s2  }
0x95: {  	s2 =	sld [smem:$0x3FFD];
	_ =	sdelay $0x3  }
0x96: {  	_ =	strace s2  }
0x97: {  	_ =	strace $0x8FFFFFFF  }
0x98: {  	s18 =	sld [smem:$0x3FDB];
	_ =	sdelay $0x1  }
0x99: {  	s19 =	simm.s32 $_scs_section_size  }
0x9a: {  	s4 =	simm.s32 $_size__tile_overlayer_lowered;
	s5 =	simm.s32 $_tile_overlayer_lowered  }
0x9b: {  	s22 =	simm.s32 $0x1BFF;
	s21 =	sshll.u32 s5, $0x1;
	s2 =	sadd.s32 s19, s18  }
0x9c: {  	s6 =	simm.s32 $0x0;
	s20 =	sshll.u32 s4, $0x1;
	s4 =	sadd.s32 s21, s2  }
0x9d: {  	[timem:s6], [sflag:s22] =	dma.local [hbm:s4], s20  }
0x9e: {  	_ =	swait.ge [sflag:s22], s20  }
0x9f: {  	s3 =	ssub.s32 $0x0, s20;
	[sflag:s22] =	ssyncset.done $0x0  }
0xa0: {  	[sflag:s22] =	ssyncadd.s32 s3;
	_ =	sdelay $0x1  }
0xa1: {  	s23 =	simm.s32 $0x1B8B  }
0xa2: {  	_ =	swait.ge [sflag:s23], $0x1  }
0xa3: {  	[sflag:s23] =	ssyncset.done $0x0  }
0xa4: {  	s25 =	simm.s32 $0x1B8E;
	s24 =	sld [smem:$0x3FFE];
	[sflag:s23] =	ssyncadd.s32 $0xFFFFFFFF  }
0xa5: {  	s26 =	simm.s32 $execute0_lowered;
	[smem:$0x3FD2] =	sst s25  }
0xa6: {  	s4 =	sshll.u32 s26, $0x1;
	_ =	strace $0x80000046;
	[dreg:$0x1] =	wrdreg $0xFFFFFFFF  }
0xa7: {  	s28 =	simm.s32 $_size_execute0_lowered;
	s2 =	sadd.s32 s2, s4;
	[dreg:$0x0] =	wrdreg $0x0  }
0xa8: {  	s4 =	sshll.u32 s28, $0x1;
	[dreg:$0x2] =	wrdreg s2  }
0xa9: {  	[dreg:$0x3] =	wrdreg s4  }
0xaa: {  	[dreg:$0x4] =	wrdreg $0xC0  }
0xab: {  	_ =	task [dreg:s6], $0x5FFFF  }
0xac: {  	[dreg:$0x1] =	wrdreg $0xFFFFFFFF  }
0xad: {  	[dreg:$0x0] =	wrdreg $0x60  }
0xae: {  	[dreg:$0x2] =	wrdreg s24  }
0xaf: {  	[dreg:$0x3] =	wrdreg $0x10E000  }
0xb0: {  	[dreg:$0x4] =	wrdreg $0x1AE000  }
0xb1: {  	[dreg:$0x5] =	wrdreg $0x9  }
0xb2: {  	_ =	task.clear_ibuf [dreg:s6], $0x6FFFF;
	_ =	strace $0x90000046  }
0xb3: {  	s29 =	simm.s32 $0x9;
	_ =	strace $0x80000048  }
0xb4: {  	_ =	swait.ge [sflag:s29], $0x1  }
0xb5: {  	[sflag:s29] =	ssyncadd.s32 $0xFFFFFFFF  }
0xb6: {  	_ =	strace $0x90000048  }
0xb7: {  	_ =	sfence  }
0xb8: {  	s30 =	sld [smem:$0x0];
	_ =	sdelay $0x2  }
0xb9: {  	s31 =	sshll.u32 s1, $0xD;
	s1 =	sshrl.u32 s1, $0x2  }
0xba: {  	s3 =	sand.u32 $0x4000, s31;
	s1 =	sadd.s32 s1, s30  }
0xbb: {  	s0 =	sor.u32 s3, s0;
	s1 =	sshll.u32 s1, $0x11  }
0xbc: {  	s0 =	sor.u32 s1, s0  }
0xbd: {  	s0 =	sadd.s32 $0x8F2B, s0  }
0xbe: {  	[sflag:s0] =	ssyncadd.remote.s32 $0x1  }
0xbf: {  	_ =	sfence.sel $0xFFFF  }
0xc0: {  	[dreg:$0x0] =	wrdreg $0xFFFFFFFF;
	(pc) =	sbr.abs _section_cstart, $3  }
0xc1: {  	[dreg:$0x1] =	wrdreg $0xFFFFFFFF  }
0xc2: {  	_ =	task.clear_ibuf [dreg:s6], $0x2FFFF;
	_ =	strace $0x9FFFFFFF  }
0xc3: {  	(tm) =	ssettm $0x7FFFFFFF  }
tec
execute0_lowered:
.L_overlay_start_1:
0x0: {  	(tag) =	ssettag $0x1  }
0x1: {  	s2 =	rddreg [dreg:$0x0]  }
0x2: {  	s1 =	rddreg [dreg:$0x1];
	s22 =	stileid.u32  }
0x3: {  	s3 =	simm.s32 $0x0;
	s0 =	srdreg.scid;
	s7 =	smul.u32 $0x280, s22  }
0x4: {  	s31 =	simm.s32 $0xC600;
	s0 =	sand.u32 $0x1, s0;
	s9 =	smul.u32 $0xA000, s22  }
0x5: {  	s30 =	simm.s32 $0x2;
	[smem:$0x7FF] =	sst s3;
	s12 =	smul.u32 $0xA0000, s0  }
0x6: {  	s10 =	sadd.s32 $0x34600, s2;
	s11 =	sadd.s32 $0x5C600, s2;
	s13 =	smul.u32 $0x28000, s0  }
0x7: {  	s23 =	ssub.s32 $0x2, s0;
	s14 =	sshll.u32 s0, $0x4;
	s0 =	smul.u32 $0x2800, s22  }
0x8: {  	s4 =	sshrl.u32 s23, $0x1;
	s8 =	sadd.s32 $0x80, s7;
	s15 =	sadd.s32 $0x100, s7  }
0x9: {  	s16 =	sadd.s32 $0x180, s7;
	s18 =	sadd.s32 $0x200, s7;
	s3 =	ssub.s32 s23, s4  }
0xa: {  	s5 =	sshll.u32 s8, $0x6;
	s6 =	sshll.u32 s15, $0x6;
	s4 =	sshll.u32 s16, $0x6  }
0xb: {  	s17 =	sadd.s32 s12, s9;
	s19 =	sadd.s32 s13, s0;
	s7 =	sshll.u32 s18, $0x6  }
0xc: {  	s8 =	sshll.u32 s8, $0x4;
	s17 =	sshrl.u32 s17, $0x3;
	s24 =	sshrl.u32 s19, $0x3  }
0xd: {  	s25 =	sadd.s32 s12, s5;
	s26 =	sadd.s32 s13, s8;
	s20 =	sadd.s32 s12, s6  }
0xe: {  	s21 =	sadd.s32 s12, s4;
	s12 =	sadd.s32 s12, s7;
	s3 =	smax.u32 s3, $0x1  }
0xf: {  	s28 =	sadd.s32 s4, s1;
	s17 =	sadd.s32 s10, s17;
	s29 =	sshrl.u32 s26, $0x3  }
0x10: {  	s20 =	sshrl.u32 s20, $0x3;
	s23 =	sshrl.u32 s21, $0x3;
	s12 =	sshrl.u32 s12, $0x3  }
0x11: {  	s21 =	sshll.u32 s16, $0x4;
	[dreg:$0x4] =	wrdreg s17;
	s17 =	sadd.s32 s11, s24  }
0x12: {  	s16 =	sadd.s32 $0x2600, s2;
	s19 =	sadd.s32 s10, s20;
	[dreg:$0x5] =	wrdreg s17  }
0x13: {  	s20 =	sshll.u32 s15, $0x4;
	s15 =	sadd.s32 s10, s23;
	[dreg:$0x7] =	wrdreg s19  }
0x14: {  	s17 =	sshrl.u32 s25, $0x3;
	[dreg:$0x8] =	wrdreg s15;
	s25 =	sadd.s32 s11, s29  }
0x15: {  	s26 =	sadd.s32 s13, s21;
	s24 =	sadd.s32 s13, s20;
	[dreg:$0xa] =	wrdreg s25  }
0x16: {  	s17 =	sadd.s32 s10, s17;
	s10 =	sadd.s32 s10, s12;
	s12 =	rddreg [dreg:$0x2]  }
0x17: {  	s29 =	sshrl.u32 s26, $0x3;
	[dreg:$0x9] =	wrdreg s10;
	s10 =	sshrl.u32 s24, $0x3  }
0x18: {  	s19 =	sadd.s32 $0x2F600, s2;
	[dreg:$0x6] =	wrdreg s17;
	s10 =	sadd.s32 s11, s10  }
0x19: {  	s15 =	sadd.s32 s11, s29;
	[dreg:$0xb] =	wrdreg s10;
	s10 =	sshll.u32 s18, $0x4  }
0x1a: {  	s29 =	smul.u32 $0x28000, s22;
	[dreg:$0xc] =	wrdreg s15;
	s13 =	sadd.s32 s13, s10  }
0x1b: {  	s15 =	sadd.s32 $0xC600, s2;
	s17 =	sadd.s32 $0x16600, s2;
	s13 =	sshrl.u32 s13, $0x3  }
0x1c: {  	s0 =	sadd.s32 s0, s12;
	s18 =	sadd.s32 $0x2A600, s2;
	s11 =	sadd.s32 s11, s13  }
0x1d: {  	s13 =	sor.u32 s22, s14;
	s22 =	sadd.s32 s9, s1;
	[dreg:$0xd] =	wrdreg s11  }
0x1e: {  	s14 =	smul.u32 $0x500, s13;
	_ =	strace $0x80000047;
	[dreg:$0x12] =	wrdreg s22  }
0x1f: {  	s9 =	sshrl.u32 s9, $0x2;
	s23 =	smul.u32 $0x50, s13;
	[dreg:$0x13] =	wrdreg s3  }
0x20: {  	[dreg:$0x1e] =	wrdreg s0;
	s22 =	sadd.s32 s20, s12;
	s0 =	simm.s32 $0x1  }
0x21: {  	s20 =	simm.s32 $0x7500;
	[dreg:$0x1a] =	wrdreg s28;
	s24 =	sadd.s32 s15, s14  }
0x22: {  	s25 =	sor.u32 $0x20, s14;
	s13 =	sadd.s32 s16, s14;
	[smem:$0x7FB] =	sst s22  }
0x23: {  	s14 =	sshrl.u32 s29, $0x2;
	s29 =	sshrl.u32 s6, $0x2;
	[dreg:$0xe] =	wrdreg s24  }
0x24: {  	s22 =	simm.s32 $0x7300;
	[dreg:$0xf] =	wrdreg s13;
	s26 =	sadd.s32 s15, s25  }
0x25: {  	s11 =	sadd.s32 s16, s25;
	s24 =	sor.u32 $0x4, s23;
	[dreg:$0x10] =	wrdreg s26  }
0x26: {  	s25 =	sor.u32 $0x6, s23;
	s2 =	sadd.s32 s14, s1;
	[dreg:$0x11] =	wrdreg s11  }
0x27: {  	s23 =	sadd.s32 s9, s12;
	s14 =	sadd.s32 s5, s1;
	[dreg:$0x14] =	wrdreg s2  }
0x28: {  	s3 =	sadd.s32 s29, s12;
	s9 =	sadd.s32 s7, s1;
	[dreg:$0x15] =	wrdreg s23  }
0x29: {  	s13 =	sadd.s32 s8, s12;
	s29 =	sadd.s32 s10, s12;
	[dreg:$0x19] =	wrdreg s3  }
0x2a: {  	s8 =	simm.s32 $0xA600;
	s10 =	simm.s32 $0x9E00;
	[dreg:$0x1c] =	wrdreg s9  }
0x2b: {  	s26 =	sshrl.u32 s5, $0x2;
	s23 =	sadd.s32 s6, s1;
	[dreg:$0x1f] =	wrdreg s13  }
0x2c: {  	s5 =	sshrl.u32 s4, $0x2;
	s6 =	sshrl.u32 s7, $0x2;
	[smem:$0x7FD] =	sst s29  }
0x2d: {  	s9 =	simm.s32 $0x7380;
	s4 =	simm.s32 $0x200;
	[dreg:$0x16] =	wrdreg s14  }
0x2e: {  	s7 =	simm.s32 $0x7580;
	s2 =	sadd.s32 s26, s12;
	[dreg:$0x18] =	wrdreg s23  }
0x2f: {  	s11 =	sadd.s32 s6, s12;
	s26 =	sadd.s32 s21, s12;
	[dreg:$0x17] =	wrdreg s2  }
0x30: {  	v1 =	vlaneseq.u32;
	s21 =	simm.s32 $0x280;
	s2 =	sadd.s32 s5, s12;
	[dreg:$0x1d] =	wrdreg s11  }
0x31: {  	v0 =	vimm.f32 $0.0e+00;
	v1 =	vshrl.u32 v1, $0x3;
	[smem:$0x7FC] =	sst s26;
	s26 =	simm.s32 $0x80;
	s11 =	simm.s32 $0x7  }
0x32: {  	v2 =	vor.u32 $0x2, v1;
	v3 =	vor.u32 $0x4, v1;
	v4 =	vor.u32 $0x6, v1;
	s5 =	simm.s32 $0x0;
	[dreg:$0x1b] =	wrdreg s2;
	s2 =	simm.s32 $0x5  }
.LBB2_1:
0x33: {  	s3 =	simm.s32 $0xE620  }
0x34: {  	[tilespmem:s3+$0x0] =	vst v0  }
0x35: {  	[tilespmem:s3+$0xFFFFFFE0] =	vst v0  }
0x36: {  	[tilespmem:s3+$0x10] =	vst v0  }
0x37: {  	[smem:$0x7FA] =	sst s5;
	s6 =	simm.s32 $0x40;
	s13 =	simm.s32 $0x0;
	[tilespmem:s3+$0xFFFFFFF0] =	vst v0  }
.LBB2_2:
0x38: {  	p0 =	sne.s32 s6, $0x1FC0  }
0x39: {  	[tilespmem:s13+$0x10600] =	vst v0;
	s3 =	sadd.s32 $0x40, s3;
	s13 =	smov.u32 s6;
	s6 =	sadd.s32 $0x40, s6  }
.Ltmp0:
0x3a: {  	[tilespmem:s3+$0x0] =	vst v0;
	(pc) =	sbr.rel @p0 .LBB2_2-.Ltmp0, $4  }
0x3b: {  	_ = 	snop  }
0x3c: {  	[tilespmem:s3+$0xFFFFFFE0] =	vst v0  }
0x3d: {  	[tilespmem:s3+$0x10] =	vst v0  }
0x3e: {  	s13 =	sshra.s32 s13, $0x2;
	[tilespmem:s3+$0xFFFFFFF0] =	vst v0  }
0x3f: {  	[tilespmem:s13+$0x10600] =	vst v0;
	s13 =	simm.s32 $0x0;
	s3 =	rddreg [dreg:$0xe]  }
0x40: {  	[tilespmem:s13], [sflag:$0x3] =	stream.linear.gather [hbm4b:s3+s13], $0x100, $0x38;
	[tilespmem:$0x1D600] =	vst v63  }
0x41: {  	s5 =	rddreg [dreg:$0xf];
	s6 =	simm.s32 $0x100  }
0x42: {  	[tilespmem:s6], [sflag:$0x3] =	stream.linear.gather [hbm4b:s5+s13], $0x100, $0x38;
	[tilespmem:$0x1D600] =	vst v63  }
0x43: {  	s5 =	simm.s32 $0x3  }
0x44: {  	_ =	swait.ge [sflag:s5], $0x100  }
0x45: {  	[sflag:s5] =	ssyncset.done $0x0  }
0x46: {  	[sflag:s5] =	ssyncadd.s32 $0xFFFFFF00  }
0x47: {  	_ =	swait.ge [sflag:s5], $0x100  }
0x48: {  	[sflag:s5] =	ssyncset.done $0x0  }
0x49: {  	[sflag:s5] =	ssyncadd.s32 $0xFFFFFF00;
	s5 =	rddreg [dreg:$0x10]  }
0x4a: {  	[tilespmem:s22], [sflag:$0x4] =	stream.linear.gather [hbm4b:s5+s13], $0x100, $0x38;
	[tilespmem:$0x1D600] =	vst v63  }
0x4b: {  	s3 =	rddreg [dreg:$0x11];
	s5 =	simm.s32 $0x7400  }
0x4c: {  	[tilespmem:s5], [sflag:$0x4] =	stream.linear.gather [hbm4b:s3+s13], $0x100, $0x38;
	[tilespmem:$0x1D600] =	vst v63  }
0x4d: {  	s5 =	simm.s32 $0x300  }
0x4e: {  	[tilespmem:s5], [sflag:$0x1] =	stream.indirect.gather [hbm4b:s18+s26], $0x10, s13, s26, $0xb8;
	[tilespmem:$0x1D600] =	vst v63  }
0x4f: {  	s5 =	simm.s32 $0x1300  }
0x50: {  	[tilespmem:s5], [sflag:$0x1] =	stream.indirect.gather [hbm4b:s19+s26], $0x10, s6, s26, $0xb8;
	[tilespmem:$0x1D600] =	vst v63  }
0x51: {  	s5 =	simm.s32 $0x3300  }
0x52: {  	[tilespmem:s5], [sflag:$0x1] =	stream.indirect.gather [hbm4b:s17+s26], $0x40, s13, s26, $0xb8;
	[tilespmem:$0x1D600] =	vst v63  }
0x53: {  	s6 =	simm.s32 $0xB00  }
0x54: {  	[tilespmem:s6], [sflag:$0x1] =	stream.indirect.gather [hbm4b:s18+s26], $0x10, s26, s26, $0xb8;
	[tilespmem:$0x1D600] =	vst v63  }
0x55: {  	s3 =	simm.s32 $0x180;
	s6 =	simm.s32 $0x1B00  }
0x56: {  	[tilespmem:s6], [sflag:$0x1] =	stream.indirect.gather [hbm4b:s19+s26], $0x10, s3, s26, $0xb8;
	[tilespmem:$0x1D600] =	vst v63  }
0x57: {  	s6 =	simm.s32 $0x5300  }
0x58: {  	[tilespmem:s6], [sflag:$0x1] =	stream.indirect.gather [hbm4b:s17+s26], $0x40, s26, s26, $0xb8;
	[tilespmem:$0x1D600] =	vst v63  }
0x59: {  	s3 =	rddreg [dreg:$0x14];
	s6 =	simm.s32 $0xE600  }
0x5a: {  	[spmem:s3] =	stream.linear.scatter [tilespmem:s6], [sflag:$0x7], $0x2000, $0x38;
	[tilespmem:$0x1D600] =	vst v63  }
0x5b: {  	_ =	swait.ge [sflag:s11], $0x2000  }
0x5c: {  	[sflag:s11] =	ssyncset.done $0x0  }
0x5d: {  	s29 =	simm.s32 $0x10600;
	s3 =	rddreg [dreg:$0x15];
	[sflag:s11] =	ssyncadd.s32 $0xFFFFE000  }
0x5e: {  	[spmem:s3] =	stream.linear.scatter [tilespmem:s29], [sflag:$0x7], $0x800, $0x38;
	[tilespmem:$0x1D600] =	vst v63  }
0x5f: {  	_ =	swait.ge [sflag:s11], $0x800  }
0x60: {  	[sflag:s11] =	ssyncset.done $0x0  }
0x61: {  	[sflag:s11] =	ssyncadd.s32 $0xFFFFF800  }
0x62: {  	[spmem:s14] =	stream.linear.scatter [tilespmem:s6], [sflag:$0x7], $0x2000, $0x38;
	[tilespmem:$0x1D600] =	vst v63  }
0x63: {  	_ =	swait.ge [sflag:s11], $0x2000  }
0x64: {  	[sflag:s11] =	ssyncset.done $0x0  }
0x65: {  	s14 =	rddreg [dreg:$0x17];
	[sflag:s11] =	ssyncadd.s32 $0xFFFFE000  }
0x66: {  	[spmem:s14] =	stream.linear.scatter [tilespmem:s29], [sflag:$0x7], $0x800, $0x38;
	[tilespmem:$0x1D600] =	vst v63  }
0x67: {  	_ =	swait.ge [sflag:s11], $0x800  }
0x68: {  	[sflag:s11] =	ssyncset.done $0x0  }
0x69: {  	[sflag:s11] =	ssyncadd.s32 $0xFFFFF800  }
0x6a: {  	[spmem:s23] =	stream.linear.scatter [tilespmem:s6], [sflag:$0x7], $0x2000, $0x38;
	[tilespmem:$0x1D600] =	vst v63  }
0x6b: {  	_ =	swait.ge [sflag:s11], $0x2000  }
0x6c: {  	[sflag:s11] =	ssyncset.done $0x0  }
0x6d: {  	s23 =	rddreg [dreg:$0x19];
	[sflag:s11] =	ssyncadd.s32 $0xFFFFE000  }
0x6e: {  	[spmem:s23] =	stream.linear.scatter [tilespmem:s29], [sflag:$0x7], $0x800, $0x38;
	[tilespmem:$0x1D600] =	vst v63  }
0x6f: {  	_ =	swait.ge [sflag:s11], $0x800  }
0x70: {  	[sflag:s11] =	ssyncset.done $0x0  }
0x71: {  	[sflag:s11] =	ssyncadd.s32 $0xFFFFF800  }
0x72: {  	[spmem:s28] =	stream.linear.scatter [tilespmem:s6], [sflag:$0x7], $0x2000, $0x38;
	[tilespmem:$0x1D600] =	vst v63  }
0x73: {  	_ =	swait.ge [sflag:s11], $0x2000  }
0x74: {  	[sflag:s11] =	ssyncset.done $0x0  }
0x75: {  	s28 =	rddreg [dreg:$0x1b];
	[sflag:s11] =	ssyncadd.s32 $0xFFFFE000  }
0x76: {  	[spmem:s28] =	stream.linear.scatter [tilespmem:s29], [sflag:$0x7], $0x800, $0x38;
	[tilespmem:$0x1D600] =	vst v63  }
0x77: {  	_ =	swait.ge [sflag:s11], $0x800  }
0x78: {  	[sflag:s11] =	ssyncset.done $0x0  }
0x79: {  	s14 =	rddreg [dreg:$0x1c];
	[sflag:s11] =	ssyncadd.s32 $0xFFFFF800  }
0x7a: {  	[spmem:s14] =	stream.linear.scatter [tilespmem:s6], [sflag:$0x7], $0x2000, $0x38;
	[tilespmem:$0x1D600] =	vst v63  }
0x7b: {  	_ =	swait.ge [sflag:s11], $0x2000  }
0x7c: {  	[sflag:s11] =	ssyncset.done $0x0  }
0x7d: {  	s23 =	rddreg [dreg:$0x1d];
	[sflag:s11] =	ssyncadd.s32 $0xFFFFE000  }
0x7e: {  	[spmem:s23] =	stream.linear.scatter [tilespmem:s29], [sflag:$0x7], $0x800, $0x38;
	[tilespmem:$0x1D600] =	vst v63  }
0x7f: {  	_ =	swait.ge [sflag:s11], $0x800  }
0x80: {  	[sflag:s11] =	ssyncset.done $0x0  }
0x81: {  	s28 =	simm.s32 $0x4;
	[sflag:s11] =	ssyncadd.s32 $0xFFFFF800  }
0x82: {  	_ =	swait.ge [sflag:s28], $0x100  }
0x83: {  	[sflag:s28] =	ssyncset.done $0x0  }
0x84: {  	[sflag:s28] =	ssyncadd.s32 $0xFFFFFF00  }
0x85: {  	_ =	swait.ge [sflag:s28], $0x100  }
0x86: {  	[sflag:s28] =	ssyncset.done $0x0  }
0x87: {  	[sflag:s28] =	ssyncadd.s32 $0xFFFFFF00  }
0x88: {  	s29 =	simm.s32 $0x7600;
	[bflag:$0x0] =	sbarrier.arrive $0xFFFF  }
.LBB2_4:
0x89: {  	p0 =	seq.s32 s13, $0x0  }
0x8a: {  	s3 =	simm.s32 @!p0 $0x6  }
0x8b: {  	_ =	swait.ge @!p0 [sflag:s3], $0x2000  }
0x8c: {  	[sflag:s3] =	ssyncset.done @!p0 $0x0  }
0x8d: {  	[sflag:s3] =	ssyncadd.s32 @!p0 $0xFFFFE000  }
0x8e: {  	_ =	swait.ge @!p0 [sflag:s3], $0x800  }
0x8f: {  	[sflag:s3] =	ssyncset.done @!p0 $0x0  }
0x90: {  	[sflag:s3] =	ssyncadd.s32 @!p0 $0xFFFFF800  }
0x91: {  	_ =	swait.ge @!p0 [sflag:s3], $0x2000  }
0x92: {  	[sflag:s3] =	ssyncset.done @!p0 $0x0  }
0x93: {  	[sflag:s3] =	ssyncadd.s32 @!p0 $0xFFFFE000  }
0x94: {  	_ =	swait.ge @!p0 [sflag:s3], $0x800  }
0x95: {  	[sflag:s3] =	ssyncset.done @!p0 $0x0  }
0x96: {  	[sflag:s3] =	ssyncadd.s32 @!p0 $0xFFFFF800;
	s3 =	simm.s32 @!p0 $0x4  }
0x97: {  	_ =	swait.ge @!p0 [sflag:s3], $0x100  }
0x98: {  	[sflag:s3] =	ssyncset.done @!p0 $0x0  }
0x99: {  	[sflag:s3] =	ssyncadd.s32 @!p0 $0xFFFFFF00  }
0x9a: {  	_ =	swait.ge @!p0 [sflag:s3], $0x100  }
0x9b: {  	[sflag:s3] =	ssyncset.done @!p0 $0x0  }
0x9c: {  	[sflag:s3] =	ssyncadd.s32 @!p0 $0xFFFFFF00  }
0x9d: {  	[tilespmem:s29], [sflag:$0x2] =	stream.indirect.gather [hbm4b:s18+s26], $0x10, s22, s26, $0xb8;
	[tilespmem:$0x1D600] =	vst v63  }
0x9e: {  	s28 =	simm.s32 $0x7400;
	s6 =	simm.s32 $0x8600  }
0x9f: {  	[tilespmem:s6], [sflag:$0x2] =	stream.indirect.gather [hbm4b:s19+s26], $0x10, s28, s26, $0xb8;
	[tilespmem:$0x1D600] =	vst v63  }
0xa0: {  	_ = 	snop  }
0xa1: {  	[tilespmem:s8], [sflag:$0x2] =	stream.indirect.gather [hbm4b:s17+s26], $0x40, s22, s26, $0xb8;
	[tilespmem:$0x1D600] =	vst v63  }
0xa2: {  	s6 =	simm.s32 $0x7E00  }
0xa3: {  	[tilespmem:s6], [sflag:$0x2] =	stream.indirect.gather [hbm4b:s18+s26], $0x10, s9, s26, $0xb8;
	[tilespmem:$0x1D600] =	vst v63  }
0xa4: {  	s14 =	simm.s32 $0x7480;
	s23 =	simm.s32 $0x8E00  }
0xa5: {  	[tilespmem:s23], [sflag:$0x2] =	stream.indirect.gather [hbm4b:s19+s26], $0x10, s14, s26, $0xb8;
	[tilespmem:$0x1D600] =	vst v63  }
0xa6: {  	_ = 	snop  }
0xa7: {  	[tilespmem:s31], [sflag:$0x2] =	stream.indirect.gather [hbm4b:s17+s26], $0x40, s9, s26, $0xb8;
	[tilespmem:$0x1D600] =	vst v63  }
0xa8: {  	_ =	swait.ge [sflag:s0], $0x800  }
0xa9: {  	[sflag:s0] =	ssyncset.done $0x0  }
0xaa: {  	[sflag:s0] =	ssyncadd.s32 $0xFFFFF800  }
0xab: {  	_ =	swait.ge [sflag:s0], $0x800  }
0xac: {  	[sflag:s0] =	ssyncset.done $0x0  }
0xad: {  	[sflag:s0] =	ssyncadd.s32 $0xFFFFF800  }
0xae: {  	_ =	swait.ge [sflag:s0], $0x2000  }
0xaf: {  	[sflag:s0] =	ssyncset.done $0x0  }
0xb0: {  	[sflag:s0] =	ssyncadd.s32 $0xFFFFE000  }
0xb1: {  	_ =	swait.ge [sflag:s0], $0x800  }
0xb2: {  	[sflag:s0] =	ssyncset.done $0x0  }
0xb3: {  	[sflag:s0] =	ssyncadd.s32 $0xFFFFF800  }
0xb4: {  	_ =	swait.ge [sflag:s0], $0x800  }
0xb5: {  	[sflag:s0] =	ssyncset.done $0x0  }
0xb6: {  	[sflag:s0] =	ssyncadd.s32 $0xFFFFF800  }
0xb7: {  	_ =	swait.ge [sflag:s0], $0x2000  }
0xb8: {  	[sflag:s0] =	ssyncset.done $0x0  }
0xb9: {  	[sflag:s0] =	ssyncadd.s32 $0xFFFFE000  }
0xba: {  	v5 =	vld [tilespmem:$0x100]  }
0xbb: {  	v6 =	vld [tilespmem:$0x110]  }
0xbc: {  	v7 =	vld [tilespmem:$0x120]  }
0xbd: {  	v8 =	vld [tilespmem:$0x130]  }
0xbe: {  	v9 =	vld [tilespmem:$0x140]  }
0xbf: {  	[tilespmem:$0x200] =	vst v5;
	v5 =	vld [tilespmem:$0x150]  }
0xc0: {  	v62 =	vld [tilespmem:$0x190];
	[tilespmem:$0x210] =	vst v6  }
0xc1: {  	v6 =	vld [tilespmem:$0x160];
	[tilespmem:$0x220] =	vst v7  }
0xc2: {  	v7 =	vld [tilespmem:$0x170];
	[tilespmem:$0x230] =	vst v8  }
0xc3: {  	v8 =	vld [tilespmem:$0x180];
	[tilespmem:$0x240] =	vst v9  }
0xc4: {  	[tilespmem:$0x250] =	vst v5;
	v5 =	vld [tilespmem:$0x1A0]  }
0xc5: {  	v63 =	vld [tilespmem:$0x1E0];
	[tilespmem:$0x290] =	vst v62  }
0xc6: {  	[tilespmem:$0x260] =	vst v6;
	v6 =	vld [tilespmem:$0x1B0]  }
0xc7: {  	[tilespmem:$0x270] =	vst v7;
	v7 =	vld [tilespmem:$0x1C0]  }
0xc8: {  	[tilespmem:$0x280] =	vst v8;
	v8 =	vld [tilespmem:$0x1D0]  }
0xc9: {  	[tilespmem:$0x2A0] =	vst v5;
	v5 =	vld [tilespmem:$0x1F0]  }
0xca: {  	p0 =	seq.s32 s13, $0x13;
	s14 =	sshll.u32 s13, $0x2;
	[tilespmem:$0x2E0] =	vst v63  }
0xcb: {  	s3 =	sadd.s32 @!p0 s14, s24;
	[tilespmem:$0x2B0] =	vst v6  }
0xcc: {  	s3 =	sshll.u32 @!p0 s3, $0x4;
	[tilespmem:$0x2C0] =	vst v7  }
0xcd: {  	s3 =	sand.u32 @!p0 $0x1FFFFFC0, s3;
	[tilespmem:$0x2D0] =	vst v8  }
0xce: {  	s23 =	simm.s32 @!p0 $0x0;
	s6 =	sadd.s32 @!p0 s15, s3;
	[tilespmem:$0x2F0] =	vst v5  }
0xcf: {  	[tilespmem:s23], [sflag:$0x3] =	stream.linear.gather @!p0 [hbm4b:s6+s23], $0x100, $0x38;
	[tilespmem:$0x1D600] =	vst v63  }
0xd0: {  	s28 =	simm.s32 $0x0;
	s3 =	sadd.s32 @!p0 s16, s3;
	s6 =	simm.s32 @!p0 $0x100  }
0xd1: {  	[tilespmem:s6], [sflag:$0x3] =	stream.linear.gather @!p0 [hbm4b:s3+s23], $0x100, $0x38;
	[tilespmem:$0x1D600] =	vst v63  }
0xd2: {  	v5 =	vld [tilespmem:s28+$0x300]  }
0xd3: {  	v6 =	vld [tilespmem:s28+$0x1300];
	_ =	sdelay $0x4  }
0xd4: {  	v5 =	vadd.f32 v6, v5;
	_ =	sdelay $0x1  }
0xd5: {  	v6 =	vmul.f32 $2.000000030e-01, v5  }
0xd6: {  	vm0 =	vgt.f32 v5, $0.0e+00  }
0xd7: {  	v5 =	vsel vm0, v5, v6  }
0xd8: {  	v5 =	vmul.f32 $1.442695020e+00, v5;
	_ =	sdelay $0x1  }
0xd9: {  	(erf) = vpow2.f32 v5;
	_ =	sdelay $0x8  }
0xda: {  	v5 =	vpop (erf)  }
0xdb: {  	s6 =	simm.s32 $0x3340;
	[tilespmem:s28+$0x2300] =	vst v5  }
0xdc: {  	v6 =	vld [tilespmem:s6+$0xFFFFFFF0]  }
0xdd: {  	v7 =	vld [tilespmem:s6+$0xFFFFFFE0]  }
0xde: {  	v8 =	vld [tilespmem:s6+$0xFFFFFFC0]  }
0xdf: {  	v10 =	vperm.xlane v5, v4;
	v9 =	vld [tilespmem:s6+$0xFFFFFFD0]  }
0xe0: {  	v11 =	vperm.xlane v5, v3  }
0xe1: {  	v12 =	vperm.xlane v5, v1;
	v6 =	vmul.f32 v6, v10  }
0xe2: {  	v5 =	vperm.xlane v5, v2;
	v7 =	vmul.f32 v7, v11  }
0xe3: {  	v8 =	vmul.f32 v8, v12;
	[tilespmem:s6+$0xFFFFFFF0] =	vst v6  }
0xe4: {  	v5 =	vmul.f32 v9, v5;
	[tilespmem:s6+$0xFFFFFFE0] =	vst v7  }
0xe5: {  	[tilespmem:s6+$0xFFFFFFC0] =	vst v8  }
0xe6: {  	[tilespmem:s6+$0xFFFFFFD0] =	vst v5  }
0xe7: {  	v5 =	vld [tilespmem:s28+$0x310]  }
0xe8: {  	v6 =	vld [tilespmem:s28+$0x1310];
	_ =	sdelay $0x4  }
0xe9: {  	v5 =	vadd.f32 v6, v5;
	_ =	sdelay $0x1  }
0xea: {  	v6 =	vmul.f32 $2.000000030e-01, v5  }
0xeb: {  	vm15 =	vgt.f32 v5, $0.0e+00  }
0xec: {  	v5 =	vsel vm15, v5, v6  }
0xed: {  	v5 =	vmul.f32 $1.442695020e+00, v5;
	_ =	sdelay $0x1  }
0xee: {  	(erf) = vpow2.f32 v5;
	_ =	sdelay $0x8  }
0xef: {  	v5 =	vpop (erf)  }
0xf0: {  	[tilespmem:s28+$0x2310] =	vst v5  }
0xf1: {  	s23 =	simm.s32 $0x80;
	s3 =	simm.s32 $0x3340;
	v6 =	vld [tilespmem:s6+$0x0]  }
.LBB2_5:
0xf2: {  	p1 =	sne.s32 s23, $0x3F80  }
0xf3: {  	v7 =	vld [tilespmem:s6+$0x10];
	s3 =	sadd.s32 $0x80, s3;
	s28 =	smov.u32 s23;
	s23 =	sadd.s32 $0x80, s23  }
0xf4: {  	v8 =	vld [tilespmem:s6+$0x20]  }
0xf5: {  	v9 =	vperm.xlane v5, v1;
	v10 =	vld [tilespmem:s6+$0x30]  }
0xf6: {  	v11 =	vperm.xlane v5, v2  }
0xf7: {  	v6 =	vmul.f32 v6, v9;
	v9 =	vperm.xlane v5, v3  }
0xf8: {  	v5 =	vperm.xlane v5, v4;
	v7 =	vmul.f32 v7, v11  }
0xf9: {  	[tilespmem:s6+$0x0] =	vst v6;
	v6 =	vmul.f32 v8, v9  }
0xfa: {  	[tilespmem:s6+$0x10] =	vst v7;
	v5 =	vmul.f32 v10, v5  }
0xfb: {  	s28 =	sshra.s32 s28, $0x2;
	[tilespmem:s6+$0x20] =	vst v6  }
0xfc: {  	[tilespmem:s6+$0x30] =	vst v5;
	s6 =	smov.u32 s3  }
0xfd: {  	v5 =	vld [tilespmem:s28+$0x300]  }
0xfe: {  	v6 =	vld [tilespmem:s28+$0x1300];
	_ =	sdelay $0x4  }
0xff: {  	v5 =	vadd.f32 v6, v5;
	_ =	sdelay $0x1  }
0x100: {  	v6 =	vmul.f32 $2.000000030e-01, v5  }
0x101: {  	vm0 =	vgt.f32 v5, $0.0e+00  }
0x102: {  	v5 =	vsel vm0, v5, v6  }
0x103: {  	v5 =	vmul.f32 $1.442695020e+00, v5;
	_ =	sdelay $0x1  }
0x104: {  	(erf) = vpow2.f32 v5;
	_ =	sdelay $0x8  }
0x105: {  	v5 =	vpop (erf)  }
0x106: {  	[tilespmem:s28+$0x2300] =	vst v5  }
0x107: {  	v6 =	vld [tilespmem:s3+$0xFFFFFFF0]  }
0x108: {  	v7 =	vld [tilespmem:s3+$0xFFFFFFE0]  }
0x109: {  	v8 =	vld [tilespmem:s3+$0xFFFFFFC0]  }
0x10a: {  	v10 =	vperm.xlane v5, v4;
	v9 =	vld [tilespmem:s3+$0xFFFFFFD0]  }
0x10b: {  	v11 =	vperm.xlane v5, v3  }
0x10c: {  	v12 =	vperm.xlane v5, v1;
	v6 =	vmul.f32 v6, v10  }
0x10d: {  	v5 =	vperm.xlane v5, v2;
	v7 =	vmul.f32 v7, v11  }
0x10e: {  	v8 =	vmul.f32 v8, v12;
	[tilespmem:s3+$0xFFFFFFF0] =	vst v6  }
0x10f: {  	v5 =	vmul.f32 v9, v5;
	[tilespmem:s3+$0xFFFFFFE0] =	vst v7  }
0x110: {  	[tilespmem:s3+$0xFFFFFFC0] =	vst v8  }
0x111: {  	[tilespmem:s3+$0xFFFFFFD0] =	vst v5  }
0x112: {  	v5 =	vld [tilespmem:s28+$0x310]  }
0x113: {  	v6 =	vld [tilespmem:s28+$0x1310];
	_ =	sdelay $0x4  }
0x114: {  	v5 =	vadd.f32 v6, v5;
	_ =	sdelay $0x1  }
0x115: {  	v6 =	vmul.f32 $2.000000030e-01, v5  }
0x116: {  	vm0 =	vgt.f32 v5, $0.0e+00  }
0x117: {  	v5 =	vsel vm0, v5, v6  }
0x118: {  	v5 =	vmul.f32 $1.442695020e+00, v5;
	_ =	sdelay $0x1  }
0x119: {  	(erf) = vpow2.f32 v5;
	_ =	sdelay $0x6  }
.Ltmp1:
0x11a: {  	(pc) =	sbr.rel @p1 .LBB2_5-.Ltmp1, $4  }
0x11b: {  	_ = 	snop  }
0x11c: {  	v5 =	vpop (erf)  }
0x11d: {  	[tilespmem:s28+$0x2310] =	vst v5  }
0x11e: {  	v6 =	vld [tilespmem:s3+$0x0]  }
0x11f: {  	v7 =	vld [tilespmem:s6+$0x10]  }
0x120: {  	v10 =	vld [tilespmem:s6+$0x30]  }
0x121: {  	v8 =	vld [tilespmem:s6+$0x20];
	v9 =	vperm.xlane v5, v1  }
0x122: {  	v11 =	vperm.xlane v5, v2;
	v58 =	vperm.xlane v5, v3  }
0x123: {  	v5 =	vperm.xlane v5, v4;
	v6 =	vmul.f32 v6, v9  }
0x124: {  	v7 =	vmul.f32 v7, v11  }
0x125: {  	v5 =	vmul.f32 v10, v5;
	[tilespmem:s6+$0x0] =	vst v6  }
0x126: {  	v6 =	vmul.f32 v8, v58;
	[tilespmem:s6+$0x10] =	vst v7  }
0x127: {  	[tilespmem:s6+$0x30] =	vst v5  }
0x128: {  	[tilespmem:s6+$0x20] =	vst v6  }
0x129: {  	[spmem:s1] =	stream.indirect.scatter.add.f32 [tilespmem:s5], [sflag:$0x5], $0x40, s4, s26, $0xb8;
	[tilespmem:$0x1D600] =	vst v63  }
0x12a: {  	s3 =	simm.s32 $0x2300  }
0x12b: {  	[spmem:s12] =	stream.indirect.scatter.add.f32 [tilespmem:s3], [sflag:$0x5], $0x10, s4, s26, $0xb8;
	[tilespmem:$0x1D600] =	vst v63  }
0x12c: {  	s6 =	simm.s32 $0x5300  }
0x12d: {  	[spmem:s1] =	stream.indirect.scatter.add.f32 [tilespmem:s6], [sflag:$0x5], $0x40, s21, s26, $0xb8;
	[tilespmem:$0x1D600] =	vst v63  }
0x12e: {  	s23 =	simm.s32 $0x2B00  }
0x12f: {  	[spmem:s12] =	stream.indirect.scatter.add.f32 [tilespmem:s23], [sflag:$0x5], $0x10, s21, s26, $0xb8;
	[tilespmem:$0x1D600] =	vst v63  }
0x130: {  	_ =	swait.ge [sflag:s2], $0x2000  }
0x131: {  	[sflag:s2] =	ssyncset.done $0x0  }
0x132: {  	[sflag:s2] =	ssyncadd.s32 $0xFFFFE000  }
0x133: {  	_ =	swait.ge [sflag:s2], $0x800  }
0x134: {  	[sflag:s2] =	ssyncset.done $0x0  }
0x135: {  	[sflag:s2] =	ssyncadd.s32 $0xFFFFF800  }
0x136: {  	_ =	swait.ge [sflag:s2], $0x2000  }
0x137: {  	[sflag:s2] =	ssyncset.done $0x0  }
0x138: {  	[sflag:s2] =	ssyncadd.s32 $0xFFFFE000  }
0x139: {  	_ =	swait.ge [sflag:s2], $0x800  }
0x13a: {  	[sflag:s2] =	ssyncset.done $0x0  }
0x13b: {  	s3 =	simm.s32 @!p0 $0x3;
	[sflag:s2] =	ssyncadd.s32 $0xFFFFF800  }
0x13c: {  	_ =	swait.ge @!p0 [sflag:s3], $0x100  }
0x13d: {  	[sflag:s3] =	ssyncset.done @!p0 $0x0  }
0x13e: {  	[sflag:s3] =	ssyncadd.s32 @!p0 $0xFFFFFF00  }
0x13f: {  	_ =	swait.ge @!p0 [sflag:s3], $0x100  }
0x140: {  	s6 =	simm.s32 @!p0 $0x80;
	[sflag:s3] =	ssyncset.done @!p0 $0x0  }
0x141: {  	s23 =	simm.s32 @!p0 $0x300;
	[sflag:s3] =	ssyncadd.s32 @!p0 $0xFFFFFF00;
	s3 =	simm.s32 @!p0 $0x0  }
0x142: {  	[tilespmem:s23], [sflag:$0x1] =	stream.indirect.gather @!p0 [hbm4b:s18+s6], $0x10, s3, s6, $0xb8;
	[tilespmem:$0x1D600] =	vst v63  }
0x143: {  	s28 =	simm.s32 @!p0 $0x1300;
	s23 =	simm.s32 @!p0 $0x100  }
0x144: {  	[tilespmem:s28], [sflag:$0x1] =	stream.indirect.gather @!p0 [hbm4b:s19+s6], $0x10, s23, s6, $0xb8;
	[tilespmem:$0x1D600] =	vst v63  }
0x145: {  	s23 =	simm.s32 @!p0 $0x3300  }
0x146: {  	[tilespmem:s23], [sflag:$0x1] =	stream.indirect.gather @!p0 [hbm4b:s17+s6], $0x40, s3, s6, $0xb8;
	[tilespmem:$0x1D600] =	vst v63  }
0x147: {  	s23 =	simm.s32 @!p0 $0xB00  }
0x148: {  	[tilespmem:s23], [sflag:$0x1] =	stream.indirect.gather @!p0 [hbm4b:s18+s6], $0x10, s6, s6, $0xb8;
	[tilespmem:$0x1D600] =	vst v63  }
0x149: {  	s28 =	simm.s32 @!p0 $0x1B00;
	s23 =	simm.s32 @!p0 $0x180  }
0x14a: {  	[tilespmem:s28], [sflag:$0x1] =	stream.indirect.gather @!p0 [hbm4b:s19+s6], $0x10, s23, s6, $0xb8;
	[tilespmem:$0x1D600] =	vst v63  }
0x14b: {  	s23 =	simm.s32 @!p0 $0x5300  }
0x14c: {  	[tilespmem:s23], [sflag:$0x1] =	stream.indirect.gather @!p0 [hbm4b:s17+s6], $0x40, s6, s6, $0xb8;
	[tilespmem:$0x1D600] =	vst v63  }
0x14d: {  	_ =	swait.ge [sflag:s30], $0x800  }
0x14e: {  	[sflag:s30] =	ssyncset.done $0x0  }
0x14f: {  	[sflag:s30] =	ssyncadd.s32 $0xFFFFF800  }
0x150: {  	_ =	swait.ge [sflag:s30], $0x800  }
0x151: {  	[sflag:s30] =	ssyncset.done $0x0  }
0x152: {  	[sflag:s30] =	ssyncadd.s32 $0xFFFFF800  }
0x153: {  	_ =	swait.ge [sflag:s30], $0x2000  }
0x154: {  	[sflag:s30] =	ssyncset.done $0x0  }
0x155: {  	[sflag:s30] =	ssyncadd.s32 $0xFFFFE000  }
0x156: {  	_ =	swait.ge [sflag:s30], $0x800  }
0x157: {  	[sflag:s30] =	ssyncset.done $0x0  }
0x158: {  	[sflag:s30] =	ssyncadd.s32 $0xFFFFF800  }
0x159: {  	_ =	swait.ge [sflag:s30], $0x800  }
0x15a: {  	[sflag:s30] =	ssyncset.done $0x0  }
0x15b: {  	[sflag:s30] =	ssyncadd.s32 $0xFFFFF800  }
0x15c: {  	_ =	swait.ge [sflag:s30], $0x2000  }
0x15d: {  	[sflag:s30] =	ssyncset.done $0x0  }
0x15e: {  	[sflag:s30] =	ssyncadd.s32 $0xFFFFE000  }
0x15f: {  	v5 =	vld [tilespmem:$0x7400]  }
0x160: {  	v6 =	vld [tilespmem:$0x7410]  }
0x161: {  	v7 =	vld [tilespmem:$0x7420]  }
0x162: {  	v8 =	vld [tilespmem:$0x7430]  }
0x163: {  	v59 =	vld [tilespmem:$0x7440]  }
0x164: {  	[tilespmem:$0x7500] =	vst v5;
	v5 =	vld [tilespmem:$0x7450]  }
0x165: {  	v60 =	vld [tilespmem:$0x7490];
	[tilespmem:$0x7510] =	vst v6  }
0x166: {  	v6 =	vld [tilespmem:$0x7460];
	[tilespmem:$0x7520] =	vst v7  }
0x167: {  	v7 =	vld [tilespmem:$0x7470];
	[tilespmem:$0x7530] =	vst v8  }
0x168: {  	v8 =	vld [tilespmem:$0x7480];
	[tilespmem:$0x7540] =	vst v59  }
0x169: {  	[tilespmem:$0x7550] =	vst v5;
	v5 =	vld [tilespmem:$0x74A0]  }
0x16a: {  	v61 =	vld [tilespmem:$0x74E0];
	[tilespmem:$0x7590] =	vst v60  }
0x16b: {  	[tilespmem:$0x7560] =	vst v6;
	v6 =	vld [tilespmem:$0x74B0]  }
0x16c: {  	[tilespmem:$0x7570] =	vst v7;
	v7 =	vld [tilespmem:$0x74C0]  }
0x16d: {  	[tilespmem:$0x7580] =	vst v8;
	v8 =	vld [tilespmem:$0x74D0]  }
0x16e: {  	[tilespmem:$0x75A0] =	vst v5;
	v5 =	vld [tilespmem:$0x74F0]  }
0x16f: {  	[tilespmem:$0x75E0] =	vst v61  }
0x170: {  	s6 =	sadd.s32 @!p0 s14, s25;
	[tilespmem:$0x75B0] =	vst v6  }
0x171: {  	s6 =	sshll.u32 @!p0 s6, $0x4;
	[tilespmem:$0x75C0] =	vst v7  }
0x172: {  	s6 =	sand.u32 @!p0 $0x1FFFFFE0, s6;
	[tilespmem:$0x75D0] =	vst v8  }
0x173: {  	s23 =	simm.s32 @!p0 $0x7300;
	s14 =	sadd.s32 @!p0 s15, s6;
	[tilespmem:$0x75F0] =	vst v5  }
0x174: {  	[tilespmem:s23], [sflag:$0x4] =	stream.linear.gather @!p0 [hbm4b:s14+s3], $0x100, $0x38;
	[tilespmem:$0x1D600] =	vst v63  }
0x175: {  	s28 =	simm.s32 $0x0;
	s6 =	sadd.s32 @!p0 s16, s6;
	s14 =	simm.s32 @!p0 $0x7400  }
0x176: {  	[tilespmem:s14], [sflag:$0x4] =	stream.linear.gather @!p0 [hbm4b:s6+s3], $0x100, $0x38;
	[tilespmem:$0x1D600] =	vst v63  }
0x177: {  	v5 =	vld [tilespmem:s28+$0x7600]  }
0x178: {  	v6 =	vld [tilespmem:s28+$0x8600];
	_ =	sdelay $0x4  }
0x179: {  	v5 =	vadd.f32 v6, v5;
	_ =	sdelay $0x1  }
0x17a: {  	v6 =	vmul.f32 $2.000000030e-01, v5  }
0x17b: {  	vm0 =	vgt.f32 v5, $0.0e+00  }
0x17c: {  	v5 =	vsel vm0, v5, v6  }
0x17d: {  	v5 =	vmul.f32 $1.442695020e+00, v5;
	_ =	sdelay $0x1  }
0x17e: {  	(erf) = vpow2.f32 v5;
	_ =	sdelay $0x8  }
0x17f: {  	v5 =	vpop (erf)  }
0x180: {  	s6 =	simm.s32 $0xA640;
	[tilespmem:s28+$0x9600] =	vst v5  }
0x181: {  	v6 =	vld [tilespmem:s6+$0xFFFFFFF0]  }
0x182: {  	v7 =	vld [tilespmem:s6+$0xFFFFFFE0]  }
0x183: {  	v8 =	vld [tilespmem:s6+$0xFFFFFFC0]  }
0x184: {  	v62 =	vperm.xlane v5, v4;
	v9 =	vld [tilespmem:s6+$0xFFFFFFD0]  }
0x185: {  	v63 =	vperm.xlane v5, v3  }
0x186: {  	v12 =	vperm.xlane v5, v1;
	v6 =	vmul.f32 v6, v62  }
0x187: {  	v5 =	vperm.xlane v5, v2;
	v7 =	vmul.f32 v7, v63  }
0x188: {  	v8 =	vmul.f32 v8, v12;
	[tilespmem:s6+$0xFFFFFFF0] =	vst v6  }
0x189: {  	v5 =	vmul.f32 v9, v5;
	[tilespmem:s6+$0xFFFFFFE0] =	vst v7  }
0x18a: {  	[tilespmem:s6+$0xFFFFFFC0] =	vst v8  }
0x18b: {  	[tilespmem:s6+$0xFFFFFFD0] =	vst v5  }
0x18c: {  	v5 =	vld [tilespmem:s28+$0x7610]  }
0x18d: {  	v6 =	vld [tilespmem:s28+$0x8610];
	_ =	sdelay $0x4  }
0x18e: {  	v5 =	vadd.f32 v6, v5;
	_ =	sdelay $0x1  }
0x18f: {  	v6 =	vmul.f32 $2.000000030e-01, v5  }
0x190: {  	vm15 =	vgt.f32 v5, $0.0e+00  }
0x191: {  	v5 =	vsel vm15, v5, v6  }
0x192: {  	v5 =	vmul.f32 $1.442695020e+00, v5;
	_ =	sdelay $0x1  }
0x193: {  	(erf) = vpow2.f32 v5;
	_ =	sdelay $0x8  }
0x194: {  	v5 =	vpop (erf)  }
0x195: {  	[tilespmem:s28+$0x9610] =	vst v5  }
0x196: {  	s14 =	simm.s32 $0x80;
	s3 =	simm.s32 $0xA640;
	v6 =	vld [tilespmem:s6+$0x0]  }
.LBB2_7:
0x197: {  	p0 =	sne.s32 s14, $0x3F80  }
0x198: {  	v7 =	vld [tilespmem:s6+$0x10];
	s3 =	sadd.s32 $0x80, s3;
	s23 =	smov.u32 s14;
	s14 =	sadd.s32 $0x80, s14  }
0x199: {  	v8 =	vld [tilespmem:s6+$0x20]  }
0x19a: {  	v9 =	vperm.xlane v5, v1;
	v10 =	vld [tilespmem:s6+$0x30]  }
0x19b: {  	v11 =	vperm.xlane v5, v2  }
0x19c: {  	v6 =	vmul.f32 v6, v9;
	v9 =	vperm.xlane v5, v3  }
0x19d: {  	v5 =	vperm.xlane v5, v4;
	v7 =	vmul.f32 v7, v11  }
0x19e: {  	[tilespmem:s6+$0x0] =	vst v6;
	v6 =	vmul.f32 v8, v9  }
0x19f: {  	[tilespmem:s6+$0x10] =	vst v7;
	v5 =	vmul.f32 v10, v5  }
0x1a0: {  	s23 =	sshra.s32 s23, $0x2;
	[tilespmem:s6+$0x20] =	vst v6  }
0x1a1: {  	[tilespmem:s6+$0x30] =	vst v5;
	s6 =	smov.u32 s3  }
0x1a2: {  	v5 =	vld [tilespmem:s23+$0x7600]  }
0x1a3: {  	v6 =	vld [tilespmem:s23+$0x8600];
	_ =	sdelay $0x4  }
0x1a4: {  	v5 =	vadd.f32 v6, v5;
	_ =	sdelay $0x1  }
0x1a5: {  	v6 =	vmul.f32 $2.000000030e-01, v5  }
0x1a6: {  	vm0 =	vgt.f32 v5, $0.0e+00  }
0x1a7: {  	v5 =	vsel vm0, v5, v6  }
0x1a8: {  	v5 =	vmul.f32 $1.442695020e+00, v5;
	_ =	sdelay $0x1  }
0x1a9: {  	(erf) = vpow2.f32 v5;
	_ =	sdelay $0x8  }
0x1aa: {  	v5 =	vpop (erf)  }
0x1ab: {  	[tilespmem:s23+$0x9600] =	vst v5  }
0x1ac: {  	v6 =	vld [tilespmem:s3+$0xFFFFFFF0]  }
0x1ad: {  	v7 =	vld [tilespmem:s3+$0xFFFFFFE0]  }
0x1ae: {  	v8 =	vld [tilespmem:s3+$0xFFFFFFC0]  }
0x1af: {  	v10 =	vperm.xlane v5, v4;
	v9 =	vld [tilespmem:s3+$0xFFFFFFD0]  }
0x1b0: {  	v11 =	vperm.xlane v5, v3  }
0x1b1: {  	v12 =	vperm.xlane v5, v1;
	v6 =	vmul.f32 v6, v10  }
0x1b2: {  	v5 =	vperm.xlane v5, v2;
	v7 =	vmul.f32 v7, v11  }
0x1b3: {  	v8 =	vmul.f32 v8, v12;
	[tilespmem:s3+$0xFFFFFFF0] =	vst v6  }
0x1b4: {  	v5 =	vmul.f32 v9, v5;
	[tilespmem:s3+$0xFFFFFFE0] =	vst v7  }
0x1b5: {  	[tilespmem:s3+$0xFFFFFFC0] =	vst v8  }
0x1b6: {  	[tilespmem:s3+$0xFFFFFFD0] =	vst v5  }
0x1b7: {  	v5 =	vld [tilespmem:s23+$0x7610]  }
0x1b8: {  	v6 =	vld [tilespmem:s23+$0x8610];
	_ =	sdelay $0x4  }
0x1b9: {  	v5 =	vadd.f32 v6, v5;
	_ =	sdelay $0x1  }
0x1ba: {  	v6 =	vmul.f32 $2.000000030e-01, v5  }
0x1bb: {  	vm0 =	vgt.f32 v5, $0.0e+00  }
0x1bc: {  	v5 =	vsel vm0, v5, v6  }
0x1bd: {  	v5 =	vmul.f32 $1.442695020e+00, v5;
	_ =	sdelay $0x1  }
0x1be: {  	(erf) = vpow2.f32 v5;
	_ =	sdelay $0x6  }
.Ltmp2:
0x1bf: {  	(pc) =	sbr.rel @p0 .LBB2_7-.Ltmp2, $4  }
0x1c0: {  	_ = 	snop  }
0x1c1: {  	v5 =	vpop (erf)  }
0x1c2: {  	[tilespmem:s23+$0x9610] =	vst v5  }
0x1c3: {  	v6 =	vld [tilespmem:s3+$0x0]  }
0x1c4: {  	v7 =	vld [tilespmem:s6+$0x10]  }
0x1c5: {  	v10 =	vld [tilespmem:s6+$0x30]  }
0x1c6: {  	v8 =	vld [tilespmem:s6+$0x20];
	v9 =	vperm.xlane v5, v1  }
0x1c7: {  	v11 =	vperm.xlane v5, v2;
	v63 =	vperm.xlane v5, v3  }
0x1c8: {  	v5 =	vperm.xlane v5, v4;
	v6 =	vmul.f32 v6, v9  }
0x1c9: {  	v7 =	vmul.f32 v7, v11  }
0x1ca: {  	v5 =	vmul.f32 v10, v5;
	[tilespmem:s6+$0x0] =	vst v6  }
0x1cb: {  	v6 =	vmul.f32 v8, v63;
	[tilespmem:s6+$0x10] =	vst v7  }
0x1cc: {  	[tilespmem:s6+$0x30] =	vst v5  }
0x1cd: {  	s13 =	sadd.s32 $0x1, s13;
	[tilespmem:s6+$0x20] =	vst v6  }
0x1ce: {  	[spmem:s1] =	stream.indirect.scatter.add.f32 [tilespmem:s8], [sflag:$0x6], $0x40, s20, s26, $0xb8;
	[tilespmem:$0x1D600] =	vst v63  }
0x1cf: {  	s3 =	simm.s32 $0x9600;
	p0 =	sne.s32 s13, $0x14  }
0x1d0: {  	[spmem:s12] =	stream.indirect.scatter.add.f32 [tilespmem:s3], [sflag:$0x6], $0x10, s20, s26, $0xb8;
	[tilespmem:$0x1D600] =	vst v63  }
.Ltmp3:
0x1d1: {  	_ = 	snop;
	(pc) =	sbr.rel @p0 .LBB2_4-.Ltmp3, $4  }
0x1d2: {  	_ = 	snop  }
0x1d3: {  	[spmem:s1] =	stream.indirect.scatter.add.f32 [tilespmem:s31], [sflag:$0x6], $0x40, s7, s26, $0xb8;
	[tilespmem:$0x1D600] =	vst v63  }
0x1d4: {  	_ = 	snop  }
0x1d5: {  	[spmem:s12] =	stream.indirect.scatter.add.f32 [tilespmem:s10], [sflag:$0x6], $0x10, s7, s26, $0xb8;
	[tilespmem:$0x1D600] =	vst v63  }
0x1d6: {  	s3 =	simm.s32 $0x6  }
0x1d7: {  	_ =	swait.ge [sflag:s3], $0x2000  }
0x1d8: {  	[sflag:s3] =	ssyncset.done $0x0  }
0x1d9: {  	[sflag:s3] =	ssyncadd.s32 $0xFFFFE000  }
0x1da: {  	_ =	swait.ge [sflag:s3], $0x800  }
0x1db: {  	[sflag:s3] =	ssyncset.done $0x0  }
0x1dc: {  	[sflag:s3] =	ssyncadd.s32 $0xFFFFF800  }
0x1dd: {  	_ =	swait.ge [sflag:s3], $0x2000  }
0x1de: {  	[sflag:s3] =	ssyncset.done $0x0  }
0x1df: {  	[sflag:s3] =	ssyncadd.s32 $0xFFFFE000  }
0x1e0: {  	_ =	swait.ge [sflag:s3], $0x800  }
0x1e1: {  	[sflag:s3] =	ssyncset.done $0x0  }
0x1e2: {  	[sflag:s3] =	ssyncadd.s32 $0xFFFFF800  }
0x1e3: {  	[bflag:$0x0] =	sbarrier.arrive $0xFFFF  }
0x1e4: {  	s5 =	simm.s32 $0xE600;
	s23 =	rddreg [dreg:$0x12]  }
0x1e5: {  	[tilespmem:s5], [sflag:$0x7] =	stream.linear.gather [spmem:s23], $0x2000, $0x38;
	[tilespmem:$0x1D600] =	vst v63  }
0x1e6: {  	_ =	swait.ge [sflag:s11], $0x2000  }
0x1e7: {  	[sflag:s11] =	ssyncset.done $0x0  }
0x1e8: {  	s3 =	simm.s32 $0x0;
	s6 =	rddreg [dreg:$0x4];
	[sflag:s11] =	ssyncadd.s32 $0xFFFFE000  }
0x1e9: {  	[hbm4b:s6+s3] =	stream.linear.scatter [tilespmem:s5], [sflag:$0x7], $0x2000, $0x38;
	[tilespmem:$0x1D600] =	vst v63  }
0x1ea: {  	_ =	swait.ge [sflag:s11], $0x2000  }
0x1eb: {  	[sflag:s11] =	ssyncset.done $0x0  }
0x1ec: {  	s13 =	simm.s32 $0x10600;
	s29 =	rddreg [dreg:$0x1e];
	[sflag:s11] =	ssyncadd.s32 $0xFFFFE000  }
0x1ed: {  	[tilespmem:s13], [sflag:$0x7] =	stream.linear.gather [spmem:s29], $0x800, $0x38;
	[tilespmem:$0x1D600] =	vst v63  }
0x1ee: {  	_ =	swait.ge [sflag:s11], $0x800  }
0x1ef: {  	[sflag:s11] =	ssyncset.done $0x0  }
0x1f0: {  	s14 =	rddreg [dreg:$0x5];
	[sflag:s11] =	ssyncadd.s32 $0xFFFFF800  }
0x1f1: {  	[hbm4b:s14+s3] =	stream.linear.scatter [tilespmem:s13], [sflag:$0x7], $0x800, $0x38;
	[tilespmem:$0x1D600] =	vst v63  }
0x1f2: {  	_ =	swait.ge [sflag:s11], $0x800  }
0x1f3: {  	[sflag:s11] =	ssyncset.done $0x0  }
0x1f4: {  	s14 =	rddreg [dreg:$0x16];
	[sflag:s11] =	ssyncadd.s32 $0xFFFFF800  }
0x1f5: {  	[tilespmem:s5], [sflag:$0x7] =	stream.linear.gather [spmem:s14], $0x2000, $0x38;
	[tilespmem:$0x1D600] =	vst v63  }
0x1f6: {  	_ =	swait.ge [sflag:s11], $0x2000  }
0x1f7: {  	[sflag:s11] =	ssyncset.done $0x0  }
0x1f8: {  	s23 =	rddreg [dreg:$0x6];
	[sflag:s11] =	ssyncadd.s32 $0xFFFFE000  }
0x1f9: {  	[hbm4b:s23+s3] =	stream.linear.scatter [tilespmem:s5], [sflag:$0x7], $0x2000, $0x38;
	[tilespmem:$0x1D600] =	vst v63  }
0x1fa: {  	_ =	swait.ge [sflag:s11], $0x2000  }
0x1fb: {  	[sflag:s11] =	ssyncset.done $0x0  }
0x1fc: {  	s29 =	rddreg [dreg:$0x1f];
	[sflag:s11] =	ssyncadd.s32 $0xFFFFE000  }
0x1fd: {  	[tilespmem:s13], [sflag:$0x7] =	stream.linear.gather [spmem:s29], $0x800, $0x38;
	[tilespmem:$0x1D600] =	vst v63  }
0x1fe: {  	_ =	swait.ge [sflag:s11], $0x800  }
0x1ff: {  	[sflag:s11] =	ssyncset.done $0x0  }
0x200: {  	s23 =	rddreg [dreg:$0xa];
	[sflag:s11] =	ssyncadd.s32 $0xFFFFF800  }
0x201: {  	[hbm4b:s23+s3] =	stream.linear.scatter [tilespmem:s13], [sflag:$0x7], $0x800, $0x38;
	[tilespmem:$0x1D600] =	vst v63  }
0x202: {  	_ =	swait.ge [sflag:s11], $0x800  }
0x203: {  	[sflag:s11] =	ssyncset.done $0x0  }
0x204: {  	s23 =	rddreg [dreg:$0x18];
	[sflag:s11] =	ssyncadd.s32 $0xFFFFF800  }
0x205: {  	[tilespmem:s5], [sflag:$0x7] =	stream.linear.gather [spmem:s23], $0x2000, $0x38;
	[tilespmem:$0x1D600] =	vst v63  }
0x206: {  	_ =	swait.ge [sflag:s11], $0x2000  }
0x207: {  	[sflag:s11] =	ssyncset.done $0x0  }
0x208: {  	s29 =	rddreg [dreg:$0x7];
	[sflag:s11] =	ssyncadd.s32 $0xFFFFE000  }
0x209: {  	[hbm4b:s29+s3] =	stream.linear.scatter [tilespmem:s5], [sflag:$0x7], $0x2000, $0x38;
	[tilespmem:$0x1D600] =	vst v63  }
0x20a: {  	_ =	swait.ge [sflag:s11], $0x2000  }
0x20b: {  	s29 =	sld [smem:$0x7FB]  }
0x20c: {  	[sflag:s11] =	ssyncset.done $0x0  }
0x20d: {  	[sflag:s11] =	ssyncadd.s32 $0xFFFFE000  }
0x20e: {  	[tilespmem:s13], [sflag:$0x7] =	stream.linear.gather [spmem:s29], $0x800, $0x38;
	[tilespmem:$0x1D600] =	vst v63  }
0x20f: {  	_ =	swait.ge [sflag:s11], $0x800  }
0x210: {  	[sflag:s11] =	ssyncset.done $0x0  }
0x211: {  	s29 =	rddreg [dreg:$0xb];
	[sflag:s11] =	ssyncadd.s32 $0xFFFFF800  }
0x212: {  	[hbm4b:s29+s3] =	stream.linear.scatter [tilespmem:s13], [sflag:$0x7], $0x800, $0x38;
	[tilespmem:$0x1D600] =	vst v63  }
0x213: {  	_ =	swait.ge [sflag:s11], $0x800  }
0x214: {  	[sflag:s11] =	ssyncset.done $0x0  }
0x215: {  	s28 =	rddreg [dreg:$0x1a];
	[sflag:s11] =	ssyncadd.s32 $0xFFFFF800  }
0x216: {  	[tilespmem:s5], [sflag:$0x7] =	stream.linear.gather [spmem:s28], $0x2000, $0x38;
	[tilespmem:$0x1D600] =	vst v63  }
0x217: {  	_ =	swait.ge [sflag:s11], $0x2000  }
0x218: {  	[sflag:s11] =	ssyncset.done $0x0  }
0x219: {  	s29 =	rddreg [dreg:$0x8];
	[sflag:s11] =	ssyncadd.s32 $0xFFFFE000  }
0x21a: {  	[hbm4b:s29+s3] =	stream.linear.scatter [tilespmem:s5], [sflag:$0x7], $0x2000, $0x38;
	[tilespmem:$0x1D600] =	vst v63  }
0x21b: {  	_ =	swait.ge [sflag:s11], $0x2000  }
0x21c: {  	s29 =	sld [smem:$0x7FC]  }
0x21d: {  	[sflag:s11] =	ssyncset.done $0x0  }
0x21e: {  	[sflag:s11] =	ssyncadd.s32 $0xFFFFE000  }
0x21f: {  	[tilespmem:s13], [sflag:$0x7] =	stream.linear.gather [spmem:s29], $0x800, $0x38;
	[tilespmem:$0x1D600] =	vst v63  }
0x220: {  	_ =	swait.ge [sflag:s11], $0x800  }
0x221: {  	[sflag:s11] =	ssyncset.done $0x0  }
0x222: {  	s29 =	rddreg [dreg:$0xc];
	[sflag:s11] =	ssyncadd.s32 $0xFFFFF800  }
0x223: {  	[hbm4b:s29+s3] =	stream.linear.scatter [tilespmem:s13], [sflag:$0x7], $0x800, $0x38;
	[tilespmem:$0x1D600] =	vst v63  }
0x224: {  	_ =	swait.ge [sflag:s11], $0x800  }
0x225: {  	[sflag:s11] =	ssyncset.done $0x0  }
0x226: {  	s29 =	rddreg [dreg:$0x1c];
	[sflag:s11] =	ssyncadd.s32 $0xFFFFF800  }
0x227: {  	[tilespmem:s5], [sflag:$0x7] =	stream.linear.gather [spmem:s29], $0x2000, $0x38;
	[tilespmem:$0x1D600] =	vst v63  }
0x228: {  	_ =	swait.ge [sflag:s11], $0x2000  }
0x229: {  	[sflag:s11] =	ssyncset.done $0x0  }
0x22a: {  	s29 =	rddreg [dreg:$0x9];
	[sflag:s11] =	ssyncadd.s32 $0xFFFFE000  }
0x22b: {  	[hbm4b:s29+s3] =	stream.linear.scatter [tilespmem:s5], [sflag:$0x7], $0x2000, $0x38;
	[tilespmem:$0x1D600] =	vst v63  }
0x22c: {  	_ =	swait.ge [sflag:s11], $0x2000  }
0x22d: {  	s29 =	sld [smem:$0x7FD]  }
0x22e: {  	[sflag:s11] =	ssyncset.done $0x0  }
0x22f: {  	[sflag:s11] =	ssyncadd.s32 $0xFFFFE000  }
0x230: {  	[tilespmem:s13], [sflag:$0x7] =	stream.linear.gather [spmem:s29], $0x800, $0x38;
	[tilespmem:$0x1D600] =	vst v63  }
0x231: {  	_ =	swait.ge [sflag:s11], $0x800  }
0x232: {  	[sflag:s11] =	ssyncset.done $0x0  }
0x233: {  	s5 =	rddreg [dreg:$0xd];
	[sflag:s11] =	ssyncadd.s32 $0xFFFFF800  }
0x234: {  	[hbm4b:s5+s3] =	stream.linear.scatter [tilespmem:s13], [sflag:$0x7], $0x800, $0x38;
	[tilespmem:$0x1D600] =	vst v63  }
0x235: {  	_ =	swait.ge [sflag:s11], $0x800  }
0x236: {  	s13 =	sld [smem:$0x7FA];
	_ =	sdelay $0x2  }
0x237: {  	s29 =	rddreg [dreg:$0x13];
	s5 =	sadd.s32 $0x1, s13  }
0x238: {  	p0 =	sne.s32 s5, s29  }
.Ltmp4:
0x239: {  	_ = 	snop;
	(pc) =	sbr.rel @p0 .LBB2_1-.Ltmp4, $3  }
0x23a: {  	_ =	sdelay $0x1  }
0x23b: {  	[sflag:s11] =	ssyncset.done $0x0  }
0x23c: {  	[sflag:s11] =	ssyncadd.s32 $0xFFFFF800  }
0x23d: {  	_ =	sfence.sel $0x180000  }
0x23e: {  	[bflag:$0x0] =	sbarrier.arrive $0xFFFF  }
0x23f: {  	_ =	strace $0x90000047  }
0x240: {  	s0 =	stileid.u32;
	[bflag:$0x2] =	sbarrier.arrive $0xFFFF  }
0x241: {  	p0 =	sne.s32 s0, $0x0;
	s0 =	rddreg [dreg:$0x3]  }
0x242: {  	s0 =	sadd.s32 @!p0 $0x100000, s0  }
0x243: {  	[sflag:s0] =	ssyncadd.tile.s32 @!p0 $0x1;
	_ =	shalt  }
.Lfunc_end2:
_tile_overlayer_lowered:
.L_overlay_start_2:
0x244: {  	(tag) =	ssettag $0x2  }
0x245: {  	s0 =	rddreg [dreg:$0x0];
	s2 =	stileid.u32  }
0x246: {  	s1 =	rddreg [dreg:$0x1];
	p0 =	sne.s32 s2, $0x0  }
0x247: {  	s3 =	rddreg [dreg:$0x2];
	[bflag:$0x3] =	sbarrier.arrive $0xFFFF;
	s2 =	simm.s32 @!p0 $0x1C07  }
0x248: {  	[timem:s3], [sflag:s2] =	dma.local @!p0 [hbm:s0], s1  }
0x249: {  	s0 =	simm.s32 @!p0 $0x7  }
0x24a: {  	_ =	swait.ge @!p0 [sflag:s0], s1  }
0x24b: {  	s1 =	ssub.s32 @!p0 $0x0, s1;
	[sflag:s0] =	ssyncset.done @!p0 $0x0  }
0x24c: {  	[sflag:s0] =	ssyncadd.s32 @!p0 s1  }
0x24d: {  	[bflag:$0x3] =	sbarrier.arrive $0xFFFF  }
0x24e: {  	_ =	shalt  }

</sc_bundles>
